<compile_context>
chip_gen: v7x
topology: tpu7x:2x2x1
jax: 0.10.2.dev20260603
libtpu: 0.0.44.dev20260713+nightly
codegen_flags: <defaults>
</compile_context>

<pallas_src>
import functools

import jax
import jax.numpy as jnp
from jax import lax
from jax.experimental import pallas as pl
from jax.experimental.pallas import tpu as pltpu
from jax.experimental.pallas import tpu_sc as plsc

N = 10000
E = 320000
D_FEAT = 128
DH = 64
NS = 16
NC = 2
E_PER_TILE = E // NS
CHUNK = 128
NITER = 160
E_PAD = NITER * CHUNK
PAD = E_PAD - E_PER_TILE
STRIPE = N // NS
NRING = 3
LROWS = 640
HB = LROWS // NS



def _make_sc_lap(with_deg):
    mesh = plsc.VectorSubcoreMesh(core_axis_name="c", subcore_axis_name="s")
    out_type = [jax.ShapeDtypeStruct((NC, NS, STRIPE, DH), jnp.bfloat16)]
    if with_deg:
        out_type.append(jax.ShapeDtypeStruct((NS, HB, 16), jnp.float32))

    scratch = [
        pltpu.VMEM((NITER, CHUNK), jnp.int32),
        pltpu.VMEM((NITER, CHUNK), jnp.int32),
        pltpu.VMEM((NRING, CHUNK, DH), jnp.bfloat16),
        pltpu.VMEM_SHARED((N + 16, DH), jnp.bfloat16),
        pltpu.VMEM_SHARED((N, DH), jnp.bfloat16),
        [pltpu.SemaphoreType.DMA] * NRING,
        [pltpu.SemaphoreType.DMA] * NRING,
    ]
    if with_deg:
        scratch += [
            pltpu.VMEM((LROWS, 16), jnp.float32),
            pltpu.VMEM((5, CHUNK), jnp.int32),
            pltpu.VMEM_SHARED((LROWS, 16), jnp.float32),
        ]

    @functools.partial(pl.kernel, out_type=out_type, mesh=mesh,
                       compiler_params=pltpu.CompilerParams(
                           use_tc_tiling_on_sc=False,
                           needs_layout_passes=False),
                       scratch_types=scratch)
    def lap(table, src_r, dst_r, *refs):
        if with_deg:
            (out, deg_out, sidx, didx, bfr, agg, tsp, semg, sems,
             ldeg, idv, degsp) = refs
        else:
            out, sidx, didx, bfr, agg, tsp, semg, sems = refs
        c = lax.axis_index("c")
        s = lax.axis_index("s")

        pltpu.sync_copy(src_r.at[s], sidx)
        pltpu.sync_copy(dst_r.at[s], didx)
        pltpu.sync_copy(table.at[pl.ds(c * N + s * STRIPE, STRIPE)],
                        tsp.at[pl.ds(s * STRIPE, STRIPE)])

        zv = jnp.zeros((16,), jnp.float32)
        zvb = jnp.zeros((32,), jnp.bfloat16)

        def zrow(i, carry):
            for j in range(DH // 32):
                bfr[0, i, pl.ds(j * 32, 32)] = zvb
            return carry

        lax.fori_loop(0, CHUNK, zrow, 0)
        for k in range(STRIPE // CHUNK):
            pltpu.sync_copy(bfr.at[0],
                            agg.at[pl.ds(s * STRIPE + k * CHUNK, CHUNK)])
        rem = STRIPE % CHUNK
        pltpu.sync_copy(
            bfr.at[0, pl.ds(0, rem)],
            agg.at[pl.ds(s * STRIPE + (STRIPE // CHUNK) * CHUNK, rem)])

        @pl.when(s == 0)
        def _():
            pltpu.sync_copy(bfr.at[0, pl.ds(0, 16)], agg.at[pl.ds(N, 16)])

        if with_deg:
            def zhrow(i, carry):
                ldeg[i, pl.ds(0, 16)] = zv
                return carry

            lax.fori_loop(0, LROWS, zhrow, 0)
            pltpu.sync_copy(ldeg.at[pl.ds(0, HB)],
                            degsp.at[pl.ds(s * HB, HB)])
            iota = lax.iota(jnp.int32, 16)
            for k in range(5):
                for j in range(CHUNK // 16):
                    idv[k, pl.ds(16 * j, 16)] = iota + (CHUNK * k + 16 * j)

        plsc.subcore_barrier()

        def g_start(b, i):
            pltpu.async_copy(tsp.at[sidx.at[i]], bfr.at[b], semg[b])

        def g_wait(b, i):
            pltpu.make_async_copy(tsp.at[sidx.at[i]], bfr.at[b],
                                  semg[b]).wait()

        def s_start(b, i):
            pltpu.async_copy(bfr.at[b], agg.at[didx.at[i]], sems[b],
                             add=True)

        def s_wait(b, i):
            pltpu.make_async_copy(bfr.at[b], agg.at[didx.at[i]],
                                  sems[b]).wait()

        onesv = jnp.ones((16,), jnp.float32)

        def hist(i):
            if with_deg:
                for j in range(CHUNK // 16):
                    nv = didx[i, pl.ds(16 * j, 16)]
                    row = lax.shift_right_logical(nv, 4)
                    col = jnp.bitwise_and(nv, 15)
                    plsc.addupdate_scatter(ldeg, [row, col], onesv)

        def step(i, b, do_swait=True, do_gstart=True):
            hist(i)
            if do_swait:
                s_wait((b + 2) % NRING, i - 1)
            g_wait(b, i)
            s_start(b, i)
            if do_gstart:
                g_start((b + 2) % NRING, i + 2)

        g_start(0, 0)
        g_start(1, 1)
        step(0, 0, do_swait=False)

        def body(j, carry):
            for k in range(NRING):
                i = 1 + NRING * j + k
                step(i, (1 + k) % NRING)
            return carry

        lax.fori_loop(0, (NITER - 4) // NRING, body, 0)

        step(NITER - 3, (NITER - 3) % NRING)
        step(NITER - 2, (NITER - 2) % NRING, do_gstart=False)
        step(NITER - 1, (NITER - 1) % NRING, do_gstart=False)
        s_wait((NITER - 1) % NRING, NITER - 1)

        if with_deg:
            plsc.subcore_barrier()
            for k in range(5):
                pltpu.sync_copy(ldeg.at[pl.ds(CHUNK * k, CHUNK)],
                                degsp.at[idv.at[k]], add=True)
            plsc.subcore_barrier()

            @pl.when(c == 0)
            def _():
                pltpu.sync_copy(degsp.at[pl.ds(s * HB, HB)], deg_out.at[s])

        plsc.subcore_barrier()
        pltpu.sync_copy(agg.at[pl.ds(s * STRIPE, STRIPE)], out.at[c, s])

    return lap


_sc_lap_deg = _make_sc_lap(True)
_sc_lap = _make_sc_lap(False)


def _tc_matmul(x, W):
    B = 1000

    def body(x_ref, w_ref, m2_ref, tb_ref):
        xv = x_ref[...]
        m2v = jnp.dot(xv, w_ref[...], preferred_element_type=jnp.float32)
        m2_ref[...] = m2v
        tbv = m2v.astype(jnp.bfloat16)
        tb_ref[0] = tbv[:, :DH]
        tb_ref[1] = tbv[:, DH:]

    return pl.pallas_call(
        body,
        grid=(N // B,),
        in_specs=[
            pl.BlockSpec((B, D_FEAT), lambda i: (i, 0)),
            pl.BlockSpec((D_FEAT, D_FEAT), lambda i: (0, 0)),
        ],
        out_specs=[
            pl.BlockSpec((B, D_FEAT), lambda i: (i, 0)),
            pl.BlockSpec((NC, B, DH), lambda i: (0, i, 0)),
        ],
        out_shape=[
            jax.ShapeDtypeStruct((N, D_FEAT), jnp.float32),
            jax.ShapeDtypeStruct((NC, N, DH), jnp.bfloat16),
        ],
    )(x, W)


def _tc_mid(m2, agg1, deg):
    B = 1000

    def body(m2_ref, a_ref, deg_ref, m1_ref, t2_ref, dv_ref):
        m2v = m2_ref[...]
        aggcat = jnp.concatenate([a_ref[0], a_ref[1]],
                                 axis=1).astype(jnp.float32)
        degv = deg_ref[...]
        m1 = degv * m2v - aggcat
        dinv = jnp.where(degv > 0.0, 1.0 / jnp.sqrt(jnp.maximum(degv, 1.0)),
                         0.0)
        hs = m1 * dinv
        hsp = hs.astype(jnp.bfloat16)
        m1_ref[...] = m1
        t2_ref[0] = hsp[:, :DH]
        t2_ref[1] = hsp[:, DH:]
        dv_ref[...] = dinv

    return pl.pallas_call(
        body,
        grid=(N // B,),
        in_specs=[
            pl.BlockSpec((B, D_FEAT), lambda i: (i, 0)),
            pl.BlockSpec((NC, B, DH), lambda i: (0, i, 0)),
            pl.BlockSpec((B, 1), lambda i: (i, 0)),
        ],
        out_specs=[
            pl.BlockSpec((B, D_FEAT), lambda i: (i, 0)),
            pl.BlockSpec((NC, B, DH), lambda i: (0, i, 0)),
            pl.BlockSpec((B, 1), lambda i: (i, 0)),
        ],
        out_shape=[
            jax.ShapeDtypeStruct((N, D_FEAT), jnp.float32),
            jax.ShapeDtypeStruct((NC, N, DH), jnp.bfloat16),
            jax.ShapeDtypeStruct((N, 1), jnp.float32),
        ],
    )(m2, agg1, deg)


def _tc_final(m2, m1, dv, agg2):
    B = 1000

    def body(m2_ref, m1_ref, dv_ref, a_ref, o_ref):
        aggcat = jnp.concatenate([a_ref[0], a_ref[1]],
                                 axis=1).astype(jnp.float32)
        o_ref[...] = jnp.maximum(
            m2_ref[...] + 3.0 * m1_ref[...] - 2.0 * dv_ref[...] * aggcat, 0.0)

    return pl.pallas_call(
        body,
        grid=(N // B,),
        in_specs=[
            pl.BlockSpec((B, D_FEAT), lambda i: (i, 0)),
            pl.BlockSpec((B, D_FEAT), lambda i: (i, 0)),
            pl.BlockSpec((B, 1), lambda i: (i, 0)),
            pl.BlockSpec((NC, B, DH), lambda i: (0, i, 0)),
        ],
        out_specs=pl.BlockSpec((B, D_FEAT), lambda i: (i, 0)),
        out_shape=jax.ShapeDtypeStruct((N, D_FEAT), jnp.float32),
    )(m2, m1, dv, agg2)


def kernel(x, edge_index, W):
    src = edge_index[0].astype(jnp.int32)
    dst = edge_index[1].astype(jnp.int32)

    src_u = jnp.concatenate(
        [src.reshape(NS, E_PER_TILE),
         jnp.zeros((NS, PAD), jnp.int32)],
        axis=1).reshape(NS, NITER, CHUNK)
    dst_p = jnp.concatenate(
        [dst.reshape(NS, E_PER_TILE),
         jnp.full((NS, PAD), N, jnp.int32)],
        axis=1).reshape(NS, NITER, CHUNK)

    m2, tb1 = _tc_matmul(x, W)

    agg1, deg_t = _sc_lap_deg(tb1.reshape(NC * N, DH), src_u, dst_p)
    agg1 = agg1.reshape(NC, N, DH)
    deg = deg_t.reshape(NS * HB * 16)[:N].reshape(N, 1)

    m1, t2, dv = _tc_mid(m2, agg1, deg)

    agg2, = _sc_lap(t2.reshape(NC * N, DH), src_u, dst_p)
    agg2 = agg2.reshape(NC, N, DH)

    return _tc_final(m2, m1, dv, agg2)

# --- scband reference (transcript-rebuilt; emitter-appended) ---
"""Pipeline reference for scband-chebyshev-conv-80161269612935 (READ-ONLY COPY).

The authoritative reference and input builder live on the scoring server;
editing this copy changes nothing except your own understanding.
"""

import jax, jax.numpy as jnp
import numpy as np

N = 10000
E = 320000
D_IN = 128
D_OUT = 128
DEPTH = 3


def setup_inputs(seed: int = 0) -> dict:
    key = jax.random.key(seed)
    k1, k2, k3 = jax.random.split(key, 3)
    x = jax.random.normal(k1, (N, D_IN), dtype=jnp.float32)
    edge_index = jax.random.randint(k2, (2, E), 0, N)
    W = jax.random.normal(k3, (D_IN, D_OUT), dtype=jnp.float32) * (1.0 / np.sqrt(D_IN))
    return {"x": x, "edge_index": edge_index, "W": W}


def _degree(dst):
    return jnp.zeros((N,), dtype=jnp.float32).at[dst].add(1.0)


def _lap_unnorm(h, src, dst, deg):
    # L h = D h - A h  (unnormalized Laplacian action, default call)
    agg = jnp.zeros((N, h.shape[1]), dtype=h.dtype).at[dst].add(h[src])
    return deg[:, None] * h - agg


def _lap_norm(h, src, dst, dinv_sqrt):
    # L h = h - D^{-1/2} A D^{-1/2} h  (normalized Laplacian action)
    hs = h * dinv_sqrt[:, None]
    agg = jnp.zeros((N, h.shape[1]), dtype=h.dtype).at[dst].add(hs[src])
    return h - dinv_sqrt[:, None] * agg


def reference(x, edge_index, W):
    src = edge_index[0]
    dst = edge_index[1]
    deg = _degree(dst)
    dinv_sqrt = jnp.where(deg > 0, 1.0 / jnp.sqrt(jnp.maximum(deg, 1.0)), 0.0)

    m2 = x @ W                       # self.linear(graph.node_tensor), bias=False
    m1 = _lap_unnorm(m2, src, dst, deg)   # graph.laplacian_action(m2_nodes)
    out = m1 + m2
    for _ in range(2, DEPTH):
        # Torch code aliases m2_nodes = m1_nodes (same tensor) and then does an
        # in-place add, so effectively m1 <- m1 + (2*L(m1) - m1) = 2*L(m1).
        m1 = 2.0 * _lap_norm(m1, src, dst, dinv_sqrt)
        out = out + m1
    return jax.nn.relu(out)

if __name__ == "__main__":
    import jax
    _d = setup_inputs()
    print(jax.jit(kernel)(*tuple(_d.values())))

</pallas_src>

<mosaic_0001>
#map = affine_map<(d0, d1) -> (0, 0)>
#map1 = affine_map<(d0, d1) -> (0, 0, 0)>
#map2 = affine_map<(d0, d1) -> (0, 0, 0, 0)>
module attributes {stable_mosaic.version = 14 : i64} {
  func.func @lap(%arg0: i32, %arg1: i32, %arg2: memref<20000x64xbf16, #tpu.memory_space<hbm>>, %arg3: memref<16x160x128xi32, #tpu.memory_space<hbm>>, %arg4: memref<16x160x128xi32, #tpu.memory_space<hbm>>, %arg5: memref<2x16x625x64xbf16, #tpu.memory_space<hbm>>, %arg6: memref<16x40x16xf32, #tpu.memory_space<hbm>>, %arg7: memref<160x128xi32, #tpu.memory_space<vmem>>, %arg8: memref<160x128xi32, #tpu.memory_space<vmem>>, %arg9: memref<3x128x64xbf16, #tpu.memory_space<vmem>>, %arg10: memref<10016x64xbf16, #tpu.memory_space<vmem_shared>>, %arg11: memref<10000x64xbf16, #tpu.memory_space<vmem_shared>>, %arg12: memref<!tpu.dma_semaphore, #tpu.memory_space<semaphore_mem>>, %arg13: memref<!tpu.dma_semaphore, #tpu.memory_space<semaphore_mem>>, %arg14: memref<!tpu.dma_semaphore, #tpu.memory_space<semaphore_mem>>, %arg15: memref<!tpu.dma_semaphore, #tpu.memory_space<semaphore_mem>>, %arg16: memref<!tpu.dma_semaphore, #tpu.memory_space<semaphore_mem>>, %arg17: memref<!tpu.dma_semaphore, #tpu.memory_space<semaphore_mem>>, %arg18: memref<640x16xf32, #tpu.memory_space<vmem>>, %arg19: memref<5x128xi32, #tpu.memory_space<vmem>>, %arg20: memref<640x16xf32, #tpu.memory_space<vmem_shared>>) attributes {dimension_semantics = [#tpu.dimension_semantics<core_parallel>, #tpu.dimension_semantics<subcore_parallel>], iteration_bounds = array<i64: 2, 16>, scalar_prefetch = 0 : i64, scratch_operands = 14 : i64, tpu.core_type = #tpu.core_type<sc_vector_subcore>, window_params = [{transform_indices = #map}, {transform_indices = #map1}, {transform_indices = #map1}, {transform_indices = #map2}, {transform_indices = #map1}]} {
    "tpu.region"() ({
      %run_scoped3A_856 = tpu.sem_alloc : memref<!tpu.dma_semaphore, #tpu.memory_space<semaphore_mem>>
      %dma_start3A_857 = arith.constant 0 : i32
      %dma_start3A_858 = arith.constant 0 : i32
      %dma_start3A_859 = tpu.memref_slice %arg3[%arg1, %dma_start3A_857, %dma_start3A_858] : memref<16x160x128xi32, #tpu.memory_space<hbm>> -> memref<1x160x128xi32, #tpu.memory_space<hbm>>
      %dma_start3A_860 = tpu.memref_squeeze %dma_start3A_859 : memref<1x160x128xi32, #tpu.memory_space<hbm>> -> memref<160x128xi32, #tpu.memory_space<hbm>>
      %dma_start3A_861 = arith.constant 0 : i32
      %dma_start3A_862 = arith.constant 0 : i32
      %dma_start3A_863 = tpu.memref_slice %arg3[%arg1, %dma_start3A_861, %dma_start3A_862] : memref<16x160x128xi32, #tpu.memory_space<hbm>> -> memref<1x160x128xi32, #tpu.memory_space<hbm>>
      %dma_start3A_864 = tpu.memref_squeeze %dma_start3A_863 : memref<1x160x128xi32, #tpu.memory_space<hbm>> -> memref<160x128xi32, #tpu.memory_space<hbm>>
      tpu.enqueue_dma source(%dma_start3A_864 : memref<160x128xi32, #tpu.memory_space<hbm>>) target(%arg7 : memref<160x128xi32, #tpu.memory_space<vmem>>) target_semaphore(%run_scoped3A_856 : memref<!tpu.dma_semaphore, #tpu.memory_space<semaphore_mem>>)
      %dma_wait3A_865 = arith.constant 0 : i32
      %dma_wait3A_866 = arith.constant 0 : i32
      %dma_wait3A_867 = tpu.memref_slice %arg3[%arg1, %dma_wait3A_865, %dma_wait3A_866] : memref<16x160x128xi32, #tpu.memory_space<hbm>> -> memref<1x160x128xi32, #tpu.memory_space<hbm>>
      %dma_wait3A_868 = tpu.memref_squeeze %dma_wait3A_867 : memref<1x160x128xi32, #tpu.memory_space<hbm>> -> memref<160x128xi32, #tpu.memory_space<hbm>>
      %dma_wait3A_869 = arith.constant 0 : i32
      %dma_wait3A_870 = arith.constant 0 : i32
      %dma_wait3A_871 = tpu.memref_slice %arg3[%arg1, %dma_wait3A_869, %dma_wait3A_870] : memref<16x160x128xi32, #tpu.memory_space<hbm>> -> memref<1x160x128xi32, #tpu.memory_space<hbm>>
      %dma_wait3A_872 = tpu.memref_squeeze %dma_wait3A_871 : memref<1x160x128xi32, #tpu.memory_space<hbm>> -> memref<160x128xi32, #tpu.memory_space<hbm>>
      tpu.wait_dma2 semaphore(%run_scoped3A_856 : memref<!tpu.dma_semaphore, #tpu.memory_space<semaphore_mem>>) src(%dma_wait3A_872 : memref<160x128xi32, #tpu.memory_space<hbm>>) dst(%arg7 : memref<160x128xi32, #tpu.memory_space<vmem>>)
      tpu.yield
    }) : () -> ()
    "tpu.region"() ({
      %run_scoped3A_856 = tpu.sem_alloc : memref<!tpu.dma_semaphore, #tpu.memory_space<semaphore_mem>>
      %dma_start3A_857 = arith.constant 0 : i32
      %dma_start3A_858 = arith.constant 0 : i32
      %dma_start3A_859 = tpu.memref_slice %arg4[%arg1, %dma_start3A_857, %dma_start3A_858] : memref<16x160x128xi32, #tpu.memory_space<hbm>> -> memref<1x160x128xi32, #tpu.memory_space<hbm>>
      %dma_start3A_860 = tpu.memref_squeeze %dma_start3A_859 : memref<1x160x128xi32, #tpu.memory_space<hbm>> -> memref<160x128xi32, #tpu.memory_space<hbm>>
      %dma_start3A_861 = arith.constant 0 : i32
      %dma_start3A_862 = arith.constant 0 : i32
      %dma_start3A_863 = tpu.memref_slice %arg4[%arg1, %dma_start3A_861, %dma_start3A_862] : memref<16x160x128xi32, #tpu.memory_space<hbm>> -> memref<1x160x128xi32, #tpu.memory_space<hbm>>
      %dma_start3A_864 = tpu.memref_squeeze %dma_start3A_863 : memref<1x160x128xi32, #tpu.memory_space<hbm>> -> memref<160x128xi32, #tpu.memory_space<hbm>>
      tpu.enqueue_dma source(%dma_start3A_864 : memref<160x128xi32, #tpu.memory_space<hbm>>) target(%arg8 : memref<160x128xi32, #tpu.memory_space<vmem>>) target_semaphore(%run_scoped3A_856 : memref<!tpu.dma_semaphore, #tpu.memory_space<semaphore_mem>>)
      %dma_wait3A_865 = arith.constant 0 : i32
      %dma_wait3A_866 = arith.constant 0 : i32
      %dma_wait3A_867 = tpu.memref_slice %arg4[%arg1, %dma_wait3A_865, %dma_wait3A_866] : memref<16x160x128xi32, #tpu.memory_space<hbm>> -> memref<1x160x128xi32, #tpu.memory_space<hbm>>
      %dma_wait3A_868 = tpu.memref_squeeze %dma_wait3A_867 : memref<1x160x128xi32, #tpu.memory_space<hbm>> -> memref<160x128xi32, #tpu.memory_space<hbm>>
      %dma_wait3A_869 = arith.constant 0 : i32
      %dma_wait3A_870 = arith.constant 0 : i32
      %dma_wait3A_871 = tpu.memref_slice %arg4[%arg1, %dma_wait3A_869, %dma_wait3A_870] : memref<16x160x128xi32, #tpu.memory_space<hbm>> -> memref<1x160x128xi32, #tpu.memory_space<hbm>>
      %dma_wait3A_872 = tpu.memref_squeeze %dma_wait3A_871 : memref<1x160x128xi32, #tpu.memory_space<hbm>> -> memref<160x128xi32, #tpu.memory_space<hbm>>
      tpu.wait_dma2 semaphore(%run_scoped3A_856 : memref<!tpu.dma_semaphore, #tpu.memory_space<semaphore_mem>>) src(%dma_wait3A_872 : memref<160x128xi32, #tpu.memory_space<hbm>>) dst(%arg8 : memref<160x128xi32, #tpu.memory_space<vmem>>)
      tpu.yield
    }) : () -> ()
    %mul3A = arith.constant 10000 : i32
    %mul3A_0 = arith.muli %arg0, %mul3A : i32
    %mul3A_1 = arith.constant 625 : i32
    %mul3A_2 = arith.muli %arg1, %mul3A_1 : i32
    %add3A = arith.addi %mul3A_0, %mul3A_2 : i32
    %mul3A_3 = arith.constant 625 : i32
    %mul3A_4 = arith.muli %arg1, %mul3A_3 : i32
    "tpu.region"() ({
      %run_scoped3A_856 = tpu.sem_alloc : memref<!tpu.dma_semaphore, #tpu.memory_space<semaphore_mem>>
      %dma_start3A_857 = arith.constant 0 : i32
      %dma_start3A_858 = tpu.memref_slice %arg11[%mul3A_4, %dma_start3A_857] : memref<10000x64xbf16, #tpu.memory_space<vmem_shared>> -> memref<625x64xbf16, #tpu.memory_space<vmem_shared>>
      %dma_start3A_859 = arith.constant 0 : i32
      %dma_start3A_860 = tpu.memref_slice %arg2[%add3A, %dma_start3A_859] : memref<20000x64xbf16, #tpu.memory_space<hbm>> -> memref<625x64xbf16, #tpu.memory_space<hbm>>
      tpu.enqueue_dma source(%dma_start3A_860 : memref<625x64xbf16, #tpu.memory_space<hbm>>) target(%dma_start3A_858 : memref<625x64xbf16, #tpu.memory_space<vmem_shared>>) target_semaphore(%run_scoped3A_856 : memref<!tpu.dma_semaphore, #tpu.memory_space<semaphore_mem>>)
      %dma_wait3A_861 = arith.constant 0 : i32
      %dma_wait3A_862 = tpu.memref_slice %arg11[%mul3A_4, %dma_wait3A_861] : memref<10000x64xbf16, #tpu.memory_space<vmem_shared>> -> memref<625x64xbf16, #tpu.memory_space<vmem_shared>>
      %dma_wait3A_863 = arith.constant 0 : i32
      %dma_wait3A_864 = tpu.memref_slice %arg2[%add3A, %dma_wait3A_863] : memref<20000x64xbf16, #tpu.memory_space<hbm>> -> memref<625x64xbf16, #tpu.memory_space<hbm>>
      tpu.wait_dma2 semaphore(%run_scoped3A_856 : memref<!tpu.dma_semaphore, #tpu.memory_space<semaphore_mem>>) src(%dma_wait3A_864 : memref<625x64xbf16, #tpu.memory_space<hbm>>) dst(%dma_wait3A_862 : memref<625x64xbf16, #tpu.memory_space<vmem_shared>>)
      tpu.yield
    }) : () -> ()
    %broadcast_in_dim3A = arith.constant 0.000000e+00 : f32
    %broadcast_in_dim3A_5 = vector.broadcast %broadcast_in_dim3A : f32 to vector<16xf32>
    %broadcast_in_dim3A_6 = arith.constant 0.000000e+00 : bf16
    %broadcast_in_dim3A_7 = vector.broadcast %broadcast_in_dim3A_6 : bf16 to vector<32xbf16>
    %scan3A = arith.constant 0 : i32
    %scan3A_8 = arith.constant 0 : i32
    %scan3A_9 = arith.constant 128 : i32
    %scan3A_10 = arith.addi %scan3A_8, %scan3A_9 : i32
    %scan3A_11 = arith.constant 1 : i32
    scf.for %scan3A_856 = %scan3A_8 to %scan3A_10 step %scan3A_11  : i32 {
      %swap3A_857 = arith.constant 0 : i32
      %swap3A_858 = arith.index_cast %swap3A_857 : i32 to index
      %swap3A_859 = arith.index_cast %scan3A_856 : i32 to index
      %swap3A_860 = arith.constant 0 : index
      %swap3A_861 = tpu.vector_load %arg9[%swap3A_858, %swap3A_859, %swap3A_860] {strides = array<i32>} : memref<3x128x64xbf16, #tpu.memory_space<vmem>>, vector<32xbf16>,
      tpu.vector_store %arg9[%swap3A_858, %swap3A_859, %swap3A_860], %broadcast_in_dim3A_7 {strides = array<i32>} : memref<3x128x64xbf16, #tpu.memory_space<vmem>>, vector<32xbf16>,
      %swap3A_862 = arith.constant 0 : i32
      %swap3A_863 = arith.index_cast %swap3A_862 : i32 to index
      %swap3A_864 = arith.index_cast %scan3A_856 : i32 to index
      %swap3A_865 = arith.constant 32 : index
      %swap3A_866 = tpu.vector_load %arg9[%swap3A_863, %swap3A_864, %swap3A_865] {strides = array<i32>} : memref<3x128x64xbf16, #tpu.memory_space<vmem>>, vector<32xbf16>,
      tpu.vector_store %arg9[%swap3A_863, %swap3A_864, %swap3A_865], %broadcast_in_dim3A_7 {strides = array<i32>} : memref<3x128x64xbf16, #tpu.memory_space<vmem>>, vector<32xbf16>,
    }
    %scan3A_12 = arith.constant 128 : i32
    %mul3A_13 = arith.constant 625 : i32
    %mul3A_14 = arith.muli %arg1, %mul3A_13 : i32
    %add3A_15 = arith.constant 0 : i32
    %add3A_16 = arith.addi %mul3A_14, %add3A_15 : i32
    %run_scoped3A = arith.constant 0 : i32
    "tpu.region"() ({
      %run_scoped3A_856 = tpu.sem_alloc : memref<!tpu.dma_semaphore, #tpu.memory_space<semaphore_mem>>
      %dma_start3A_857 = arith.constant 0 : i32
      %dma_start3A_858 = arith.constant 0 : i32
      %dma_start3A_859 = tpu.memref_slice %arg9[%run_scoped3A, %dma_start3A_857, %dma_start3A_858] : memref<3x128x64xbf16, #tpu.memory_space<vmem>> -> memref<1x128x64xbf16, #tpu.memory_space<vmem>>
      %dma_start3A_860 = tpu.memref_squeeze %dma_start3A_859 : memref<1x128x64xbf16, #tpu.memory_space<vmem>> -> memref<128x64xbf16, #tpu.memory_space<vmem>>
      %dma_start3A_861 = arith.constant 0 : i32
      %dma_start3A_862 = tpu.memref_slice %arg10[%add3A_16, %dma_start3A_861] : memref<10016x64xbf16, #tpu.memory_space<vmem_shared>> -> memref<128x64xbf16, #tpu.memory_space<vmem_shared>>
      %dma_start3A_863 = arith.constant 0 : i32
      %dma_start3A_864 = tpu.memref_slice %arg10[%add3A_16, %dma_start3A_863] : memref<10016x64xbf16, #tpu.memory_space<vmem_shared>> -> memref<128x64xbf16, #tpu.memory_space<vmem_shared>>
      %dma_start3A_865 = arith.constant 0 : i32
      %dma_start3A_866 = arith.constant 0 : i32
      %dma_start3A_867 = tpu.memref_slice %arg9[%run_scoped3A, %dma_start3A_865, %dma_start3A_866] : memref<3x128x64xbf16, #tpu.memory_space<vmem>> -> memref<1x128x64xbf16, #tpu.memory_space<vmem>>
      %dma_start3A_868 = tpu.memref_squeeze %dma_start3A_867 : memref<1x128x64xbf16, #tpu.memory_space<vmem>> -> memref<128x64xbf16, #tpu.memory_space<vmem>>
      tpu.enqueue_dma source(%dma_start3A_868 : memref<128x64xbf16, #tpu.memory_space<vmem>>) target(%dma_start3A_864 : memref<128x64xbf16, #tpu.memory_space<vmem_shared>>) target_semaphore(%run_scoped3A_856 : memref<!tpu.dma_semaphore, #tpu.memory_space<semaphore_mem>>)
      %dma_wait3A_869 = arith.constant 0 : i32
      %dma_wait3A_870 = arith.constant 0 : i32
      %dma_wait3A_871 = tpu.memref_slice %arg9[%run_scoped3A, %dma_wait3A_869, %dma_wait3A_870] : memref<3x128x64xbf16, #tpu.memory_space<vmem>> -> memref<1x128x64xbf16, #tpu.memory_space<vmem>>
      %dma_wait3A_872 = tpu.memref_squeeze %dma_wait3A_871 : memref<1x128x64xbf16, #tpu.memory_space<vmem>> -> memref<128x64xbf16, #tpu.memory_space<vmem>>
      %dma_wait3A_873 = arith.constant 0 : i32
      %dma_wait3A_874 = tpu.memref_slice %arg10[%add3A_16, %dma_wait3A_873] : memref<10016x64xbf16, #tpu.memory_space<vmem_shared>> -> memref<128x64xbf16, #tpu.memory_space<vmem_shared>>
      %dma_wait3A_875 = arith.constant 0 : i32
      %dma_wait3A_876 = tpu.memref_slice %arg10[%add3A_16, %dma_wait3A_875] : memref<10016x64xbf16, #tpu.memory_space<vmem_shared>> -> memref<128x64xbf16, #tpu.memory_space<vmem_shared>>
      %dma_wait3A_877 = arith.constant 0 : i32
      %dma_wait3A_878 = arith.constant 0 : i32
      %dma_wait3A_879 = tpu.memref_slice %arg9[%run_scoped3A, %dma_wait3A_877, %dma_wait3A_878] : memref<3x128x64xbf16, #tpu.memory_space<vmem>> -> memref<1x128x64xbf16, #tpu.memory_space<vmem>>
      %dma_wait3A_880 = tpu.memref_squeeze %dma_wait3A_879 : memref<1x128x64xbf16, #tpu.memory_space<vmem>> -> memref<128x64xbf16, #tpu.memory_space<vmem>>
      tpu.wait_dma2 semaphore(%run_scoped3A_856 : memref<!tpu.dma_semaphore, #tpu.memory_space<semaphore_mem>>) src(%dma_wait3A_880 : memref<128x64xbf16, #tpu.memory_space<vmem>>) dst(%dma_wait3A_876 : memref<128x64xbf16, #tpu.memory_space<vmem_shared>>)
      tpu.yield
    }) : () -> ()
    %mul3A_17 = arith.constant 625 : i32
    %mul3A_18 = arith.muli %arg1, %mul3A_17 : i32
    %add3A_19 = arith.constant 128 : i32
    %add3A_20 = arith.addi %mul3A_18, %add3A_19 : i32
    %run_scoped3A_21 = arith.constant 0 : i32
    "tpu.region"() ({
      %run_scoped3A_856 = tpu.sem_alloc : memref<!tpu.dma_semaphore, #tpu.memory_space<semaphore_mem>>
      %dma_start3A_857 = arith.constant 0 : i32
      %dma_start3A_858 = arith.constant 0 : i32
      %dma_start3A_859 = tpu.memref_slice %arg9[%run_scoped3A_21, %dma_start3A_857, %dma_start3A_858] : memref<3x128x64xbf16, #tpu.memory_space<vmem>> -> memref<1x128x64xbf16, #tpu.memory_space<vmem>>
      %dma_start3A_860 = tpu.memref_squeeze %dma_start3A_859 : memref<1x128x64xbf16, #tpu.memory_space<vmem>> -> memref<128x64xbf16, #tpu.memory_space<vmem>>
      %dma_start3A_861 = arith.constant 0 : i32
      %dma_start3A_862 = tpu.memref_slice %arg10[%add3A_20, %dma_start3A_861] : memref<10016x64xbf16, #tpu.memory_space<vmem_shared>> -> memref<128x64xbf16, #tpu.memory_space<vmem_shared>>
      %dma_start3A_863 = arith.constant 0 : i32
      %dma_start3A_864 = tpu.memref_slice %arg10[%add3A_20, %dma_start3A_863] : memref<10016x64xbf16, #tpu.memory_space<vmem_shared>> -> memref<128x64xbf16, #tpu.memory_space<vmem_shared>>
      %dma_start3A_865 = arith.constant 0 : i32
      %dma_start3A_866 = arith.constant 0 : i32
      %dma_start3A_867 = tpu.memref_slice %arg9[%run_scoped3A_21, %dma_start3A_865, %dma_start3A_866] : memref<3x128x64xbf16, #tpu.memory_space<vmem>> -> memref<1x128x64xbf16, #tpu.memory_space<vmem>>
      %dma_start3A_868 = tpu.memref_squeeze %dma_start3A_867 : memref<1x128x64xbf16, #tpu.memory_space<vmem>> -> memref<128x64xbf16, #tpu.memory_space<vmem>>
      tpu.enqueue_dma source(%dma_start3A_868 : memref<128x64xbf16, #tpu.memory_space<vmem>>) target(%dma_start3A_864 : memref<128x64xbf16, #tpu.memory_space<vmem_shared>>) target_semaphore(%run_scoped3A_856 : memref<!tpu.dma_semaphore, #tpu.memory_space<semaphore_mem>>)
      %dma_wait3A_869 = arith.constant 0 : i32
      %dma_wait3A_870 = arith.constant 0 : i32
      %dma_wait3A_871 = tpu.memref_slice %arg9[%run_scoped3A_21, %dma_wait3A_869, %dma_wait3A_870] : memref<3x128x64xbf16, #tpu.memory_space<vmem>> -> memref<1x128x64xbf16, #tpu.memory_space<vmem>>
      %dma_wait3A_872 = tpu.memref_squeeze %dma_wait3A_871 : memref<1x128x64xbf16, #tpu.memory_space<vmem>> -> memref<128x64xbf16, #tpu.memory_space<vmem>>
      %dma_wait3A_873 = arith.constant 0 : i32
      %dma_wait3A_874 = tpu.memref_slice %arg10[%add3A_20, %dma_wait3A_873] : memref<10016x64xbf16, #tpu.memory_space<vmem_shared>> -> memref<128x64xbf16, #tpu.memory_space<vmem_shared>>
      %dma_wait3A_875 = arith.constant 0 : i32
      %dma_wait3A_876 = tpu.memref_slice %arg10[%add3A_20, %dma_wait3A_875] : memref<10016x64xbf16, #tpu.memory_space<vmem_shared>> -> memref<128x64xbf16, #tpu.memory_space<vmem_shared>>
      %dma_wait3A_877 = arith.constant 0 : i32
      %dma_wait3A_878 = arith.constant 0 : i32
      %dma_wait3A_879 = tpu.memref_slice %arg9[%run_scoped3A_21, %dma_wait3A_877, %dma_wait3A_878] : memref<3x128x64xbf16, #tpu.memory_space<vmem>> -> memref<1x128x64xbf16, #tpu.memory_space<vmem>>
      %dma_wait3A_880 = tpu.memref_squeeze %dma_wait3A_879 : memref<1x128x64xbf16, #tpu.memory_space<vmem>> -> memref<128x64xbf16, #tpu.memory_space<vmem>>
      tpu.wait_dma2 semaphore(%run_scoped3A_856 : memref<!tpu.dma_semaphore, #tpu.memory_space<semaphore_mem>>) src(%dma_wait3A_880 : memref<128x64xbf16, #tpu.memory_space<vmem>>) dst(%dma_wait3A_876 : memref<128x64xbf16, #tpu.memory_space<vmem_shared>>)
      tpu.yield
    }) : () -> ()
    %mul3A_22 = arith.constant 625 : i32
    %mul3A_23 = arith.muli %arg1, %mul3A_22 : i32
    %add3A_24 = arith.constant 256 : i32
    %add3A_25 = arith.addi %mul3A_23, %add3A_24 : i32
    %run_scoped3A_26 = arith.constant 0 : i32
    "tpu.region"() ({
      %run_scoped3A_856 = tpu.sem_alloc : memref<!tpu.dma_semaphore, #tpu.memory_space<semaphore_mem>>
      %dma_start3A_857 = arith.constant 0 : i32
      %dma_start3A_858 = arith.constant 0 : i32
      %dma_start3A_859 = tpu.memref_slice %arg9[%run_scoped3A_26, %dma_start3A_857, %dma_start3A_858] : memref<3x128x64xbf16, #tpu.memory_space<vmem>> -> memref<1x128x64xbf16, #tpu.memory_space<vmem>>
      %dma_start3A_860 = tpu.memref_squeeze %dma_start3A_859 : memref<1x128x64xbf16, #tpu.memory_space<vmem>> -> memref<128x64xbf16, #tpu.memory_space<vmem>>
      %dma_start3A_861 = arith.constant 0 : i32
      %dma_start3A_862 = tpu.memref_slice %arg10[%add3A_25, %dma_start3A_861] : memref<10016x64xbf16, #tpu.memory_space<vmem_shared>> -> memref<128x64xbf16, #tpu.memory_space<vmem_shared>>
      %dma_start3A_863 = arith.constant 0 : i32
      %dma_start3A_864 = tpu.memref_slice %arg10[%add3A_25, %dma_start3A_863] : memref<10016x64xbf16, #tpu.memory_space<vmem_shared>> -> memref<128x64xbf16, #tpu.memory_space<vmem_shared>>
      %dma_start3A_865 = arith.constant 0 : i32
      %dma_start3A_866 = arith.constant 0 : i32
      %dma_start3A_867 = tpu.memref_slice %arg9[%run_scoped3A_26, %dma_start3A_865, %dma_start3A_866] : memref<3x128x64xbf16, #tpu.memory_space<vmem>> -> memref<1x128x64xbf16, #tpu.memory_space<vmem>>
      %dma_start3A_868 = tpu.memref_squeeze %dma_start3A_867 : memref<1x128x64xbf16, #tpu.memory_space<vmem>> -> memref<128x64xbf16, #tpu.memory_space<vmem>>
      tpu.enqueue_dma source(%dma_start3A_868 : memref<128x64xbf16, #tpu.memory_space<vmem>>) target(%dma_start3A_864 : memref<128x64xbf16, #tpu.memory_space<vmem_shared>>) target_semaphore(%run_scoped3A_856 : memref<!tpu.dma_semaphore, #tpu.memory_space<semaphore_mem>>)
      %dma_wait3A_869 = arith.constant 0 : i32
      %dma_wait3A_870 = arith.constant 0 : i32
      %dma_wait3A_871 = tpu.memref_slice %arg9[%run_scoped3A_26, %dma_wait3A_869, %dma_wait3A_870] : memref<3x128x64xbf16, #tpu.memory_space<vmem>> -> memref<1x128x64xbf16, #tpu.memory_space<vmem>>
      %dma_wait3A_872 = tpu.memref_squeeze %dma_wait3A_871 : memref<1x128x64xbf16, #tpu.memory_space<vmem>> -> memref<128x64xbf16, #tpu.memory_space<vmem>>
      %dma_wait3A_873 = arith.constant 0 : i32
      %dma_wait3A_874 = tpu.memref_slice %arg10[%add3A_25, %dma_wait3A_873] : memref<10016x64xbf16, #tpu.memory_space<vmem_shared>> -> memref<128x64xbf16, #tpu.memory_space<vmem_shared>>
      %dma_wait3A_875 = arith.constant 0 : i32
      %dma_wait3A_876 = tpu.memref_slice %arg10[%add3A_25, %dma_wait3A_875] : memref<10016x64xbf16, #tpu.memory_space<vmem_shared>> -> memref<128x64xbf16, #tpu.memory_space<vmem_shared>>
      %dma_wait3A_877 = arith.constant 0 : i32
      %dma_wait3A_878 = arith.constant 0 : i32
      %dma_wait3A_879 = tpu.memref_slice %arg9[%run_scoped3A_26, %dma_wait3A_877, %dma_wait3A_878] : memref<3x128x64xbf16, #tpu.memory_space<vmem>> -> memref<1x128x64xbf16, #tpu.memory_space<vmem>>
      %dma_wait3A_880 = tpu.memref_squeeze %dma_wait3A_879 : memref<1x128x64xbf16, #tpu.memory_space<vmem>> -> memref<128x64xbf16, #tpu.memory_space<vmem>>
      tpu.wait_dma2 semaphore(%run_scoped3A_856 : memref<!tpu.dma_semaphore, #tpu.memory_space<semaphore_mem>>) src(%dma_wait3A_880 : memref<128x64xbf16, #tpu.memory_space<vmem>>) dst(%dma_wait3A_876 : memref<128x64xbf16, #tpu.memory_space<vmem_shared>>)
      tpu.yield
    }) : () -> ()
    %mul3A_27 = arith.constant 625 : i32
    %mul3A_28 = arith.muli %arg1, %mul3A_27 : i32
    %add3A_29 = arith.constant 384 : i32
    %add3A_30 = arith.addi %mul3A_28, %add3A_29 : i32
    %run_scoped3A_31 = arith.constant 0 : i32
    "tpu.region"() ({
      %run_scoped3A_856 = tpu.sem_alloc : memref<!tpu.dma_semaphore, #tpu.memory_space<semaphore_mem>>
      %dma_start3A_857 = arith.constant 0 : i32
      %dma_start3A_858 = arith.constant 0 : i32
      %dma_start3A_859 = tpu.memref_slice %arg9[%run_scoped3A_31, %dma_start3A_857, %dma_start3A_858] : memref<3x128x64xbf16, #tpu.memory_space<vmem>> -> memref<1x128x64xbf16, #tpu.memory_space<vmem>>
      %dma_start3A_860 = tpu.memref_squeeze %dma_start3A_859 : memref<1x128x64xbf16, #tpu.memory_space<vmem>> -> memref<128x64xbf16, #tpu.memory_space<vmem>>
      %dma_start3A_861 = arith.constant 0 : i32
      %dma_start3A_862 = tpu.memref_slice %arg10[%add3A_30, %dma_start3A_861] : memref<10016x64xbf16, #tpu.memory_space<vmem_shared>> -> memref<128x64xbf16, #tpu.memory_space<vmem_shared>>
      %dma_start3A_863 = arith.constant 0 : i32
      %dma_start3A_864 = tpu.memref_slice %arg10[%add3A_30, %dma_start3A_863] : memref<10016x64xbf16, #tpu.memory_space<vmem_shared>> -> memref<128x64xbf16, #tpu.memory_space<vmem_shared>>
      %dma_start3A_865 = arith.constant 0 : i32
      %dma_start3A_866 = arith.constant 0 : i32
      %dma_start3A_867 = tpu.memref_slice %arg9[%run_scoped3A_31, %dma_start3A_865, %dma_start3A_866] : memref<3x128x64xbf16, #tpu.memory_space<vmem>> -> memref<1x128x64xbf16, #tpu.memory_space<vmem>>
      %dma_start3A_868 = tpu.memref_squeeze %dma_start3A_867 : memref<1x128x64xbf16, #tpu.memory_space<vmem>> -> memref<128x64xbf16, #tpu.memory_space<vmem>>
      tpu.enqueue_dma source(%dma_start3A_868 : memref<128x64xbf16, #tpu.memory_space<vmem>>) target(%dma_start3A_864 : memref<128x64xbf16, #tpu.memory_space<vmem_shared>>) target_semaphore(%run_scoped3A_856 : memref<!tpu.dma_semaphore, #tpu.memory_space<semaphore_mem>>)
      %dma_wait3A_869 = arith.constant 0 : i32
      %dma_wait3A_870 = arith.constant 0 : i32
      %dma_wait3A_871 = tpu.memref_slice %arg9[%run_scoped3A_31, %dma_wait3A_869, %dma_wait3A_870] : memref<3x128x64xbf16, #tpu.memory_space<vmem>> -> memref<1x128x64xbf16, #tpu.memory_space<vmem>>
      %dma_wait3A_872 = tpu.memref_squeeze %dma_wait3A_871 : memref<1x128x64xbf16, #tpu.memory_space<vmem>> -> memref<128x64xbf16, #tpu.memory_space<vmem>>
      %dma_wait3A_873 = arith.constant 0 : i32
      %dma_wait3A_874 = tpu.memref_slice %arg10[%add3A_30, %dma_wait3A_873] : memref<10016x64xbf16, #tpu.memory_space<vmem_shared>> -> memref<128x64xbf16, #tpu.memory_space<vmem_shared>>
      %dma_wait3A_875 = arith.constant 0 : i32
      %dma_wait3A_876 = tpu.memref_slice %arg10[%add3A_30, %dma_wait3A_875] : memref<10016x64xbf16, #tpu.memory_space<vmem_shared>> -> memref<128x64xbf16, #tpu.memory_space<vmem_shared>>
      %dma_wait3A_877 = arith.constant 0 : i32
      %dma_wait3A_878 = arith.constant 0 : i32
      %dma_wait3A_879 = tpu.memref_slice %arg9[%run_scoped3A_31, %dma_wait3A_877, %dma_wait3A_878] : memref<3x128x64xbf16, #tpu.memory_space<vmem>> -> memref<1x128x64xbf16, #tpu.memory_space<vmem>>
      %dma_wait3A_880 = tpu.memref_squeeze %dma_wait3A_879 : memref<1x128x64xbf16, #tpu.memory_space<vmem>> -> memref<128x64xbf16, #tpu.memory_space<vmem>>
      tpu.wait_dma2 semaphore(%run_scoped3A_856 : memref<!tpu.dma_semaphore, #tpu.memory_space<semaphore_mem>>) src(%dma_wait3A_880 : memref<128x64xbf16, #tpu.memory_space<vmem>>) dst(%dma_wait3A_876 : memref<128x64xbf16, #tpu.memory_space<vmem_shared>>)
      tpu.yield
    }) : () -> ()
    %mul3A_32 = arith.constant 625 : i32
    %mul3A_33 = arith.muli %arg1, %mul3A_32 : i32
    %add3A_34 = arith.constant 512 : i32
    %add3A_35 = arith.addi %mul3A_33, %add3A_34 : i32
    %run_scoped3A_36 = arith.constant 0 : i32
    "tpu.region"() ({
      %run_scoped3A_856 = tpu.sem_alloc : memref<!tpu.dma_semaphore, #tpu.memory_space<semaphore_mem>>
      %dma_start3A_857 = arith.constant 0 : i32
      %dma_start3A_858 = arith.constant 0 : i32
      %dma_start3A_859 = tpu.memref_slice %arg9[%run_scoped3A_36, %dma_start3A_857, %dma_start3A_858] : memref<3x128x64xbf16, #tpu.memory_space<vmem>> -> memref<1x113x64xbf16, #tpu.memory_space<vmem>>
      %dma_start3A_860 = tpu.memref_squeeze %dma_start3A_859 : memref<1x113x64xbf16, #tpu.memory_space<vmem>> -> memref<113x64xbf16, #tpu.memory_space<vmem>>
      %dma_start3A_861 = arith.constant 0 : i32
      %dma_start3A_862 = tpu.memref_slice %arg10[%add3A_35, %dma_start3A_861] : memref<10016x64xbf16, #tpu.memory_space<vmem_shared>> -> memref<113x64xbf16, #tpu.memory_space<vmem_shared>>
      %dma_start3A_863 = arith.constant 0 : i32
      %dma_start3A_864 = tpu.memref_slice %arg10[%add3A_35, %dma_start3A_863] : memref<10016x64xbf16, #tpu.memory_space<vmem_shared>> -> memref<113x64xbf16, #tpu.memory_space<vmem_shared>>
      %dma_start3A_865 = arith.constant 0 : i32
      %dma_start3A_866 = arith.constant 0 : i32
      %dma_start3A_867 = tpu.memref_slice %arg9[%run_scoped3A_36, %dma_start3A_865, %dma_start3A_866] : memref<3x128x64xbf16, #tpu.memory_space<vmem>> -> memref<1x113x64xbf16, #tpu.memory_space<vmem>>
      %dma_start3A_868 = tpu.memref_squeeze %dma_start3A_867 : memref<1x113x64xbf16, #tpu.memory_space<vmem>> -> memref<113x64xbf16, #tpu.memory_space<vmem>>
      tpu.enqueue_dma source(%dma_start3A_868 : memref<113x64xbf16, #tpu.memory_space<vmem>>) target(%dma_start3A_864 : memref<113x64xbf16, #tpu.memory_space<vmem_shared>>) target_semaphore(%run_scoped3A_856 : memref<!tpu.dma_semaphore, #tpu.memory_space<semaphore_mem>>)
      %dma_wait3A_869 = arith.constant 0 : i32
      %dma_wait3A_870 = arith.constant 0 : i32
      %dma_wait3A_871 = tpu.memref_slice %arg9[%run_scoped3A_36, %dma_wait3A_869, %dma_wait3A_870] : memref<3x128x64xbf16, #tpu.memory_space<vmem>> -> memref<1x113x64xbf16, #tpu.memory_space<vmem>>
      %dma_wait3A_872 = tpu.memref_squeeze %dma_wait3A_871 : memref<1x113x64xbf16, #tpu.memory_space<vmem>> -> memref<113x64xbf16, #tpu.memory_space<vmem>>
      %dma_wait3A_873 = arith.constant 0 : i32
      %dma_wait3A_874 = tpu.memref_slice %arg10[%add3A_35, %dma_wait3A_873] : memref<10016x64xbf16, #tpu.memory_space<vmem_shared>> -> memref<113x64xbf16, #tpu.memory_space<vmem_shared>>
      %dma_wait3A_875 = arith.constant 0 : i32
      %dma_wait3A_876 = tpu.memref_slice %arg10[%add3A_35, %dma_wait3A_875] : memref<10016x64xbf16, #tpu.memory_space<vmem_shared>> -> memref<113x64xbf16, #tpu.memory_space<vmem_shared>>
      %dma_wait3A_877 = arith.constant 0 : i32
      %dma_wait3A_878 = arith.constant 0 : i32
      %dma_wait3A_879 = tpu.memref_slice %arg9[%run_scoped3A_36, %dma_wait3A_877, %dma_wait3A_878] : memref<3x128x64xbf16, #tpu.memory_space<vmem>> -> memref<1x113x64xbf16, #tpu.memory_space<vmem>>
      %dma_wait3A_880 = tpu.memref_squeeze %dma_wait3A_879 : memref<1x113x64xbf16, #tpu.memory_space<vmem>> -> memref<113x64xbf16, #tpu.memory_space<vmem>>
      tpu.wait_dma2 semaphore(%run_scoped3A_856 : memref<!tpu.dma_semaphore, #tpu.memory_space<semaphore_mem>>) src(%dma_wait3A_880 : memref<113x64xbf16, #tpu.memory_space<vmem>>) dst(%dma_wait3A_876 : memref<113x64xbf16, #tpu.memory_space<vmem_shared>>)
      tpu.yield
    }) : () -> ()
    %eq3A = arith.constant 0 : i32
    %eq3A_37 = arith.cmpi eq, %arg1, %eq3A : i32
    %convert_element_type3A = arith.extui %eq3A_37 : i1 to i32
    %cond3A = arith.constant 0 : i32
    %cond3A_38 = arith.cmpi ne, %convert_element_type3A, %cond3A : i32
    scf.if %cond3A_38 {
      %run_scoped3A_856 = arith.constant 0 : i32
      "tpu.region"() ({
        %run_scoped3A_857 = tpu.sem_alloc : memref<!tpu.dma_semaphore, #tpu.memory_space<semaphore_mem>>
        %dma_start3A_858 = arith.constant 0 : i32
        %dma_start3A_859 = arith.constant 0 : i32
        %dma_start3A_860 = tpu.memref_slice %arg9[%run_scoped3A_856, %dma_start3A_858, %dma_start3A_859] : memref<3x128x64xbf16, #tpu.memory_space<vmem>> -> memref<1x16x64xbf16, #tpu.memory_space<vmem>>
        %dma_start3A_861 = tpu.memref_squeeze %dma_start3A_860 : memref<1x16x64xbf16, #tpu.memory_space<vmem>> -> memref<16x64xbf16, #tpu.memory_space<vmem>>
        %dma_start3A_862 = arith.constant 10000 : i32
        %dma_start3A_863 = arith.constant 0 : i32
        %dma_start3A_864 = tpu.memref_slice %arg10[%dma_start3A_862, %dma_start3A_863] : memref<10016x64xbf16, #tpu.memory_space<vmem_shared>> -> memref<16x64xbf16, #tpu.memory_space<vmem_shared>>
        %dma_start3A_865 = arith.constant 10000 : i32
        %dma_start3A_866 = arith.constant 0 : i32
        %dma_start3A_867 = tpu.memref_slice %arg10[%dma_start3A_865, %dma_start3A_866] : memref<10016x64xbf16, #tpu.memory_space<vmem_shared>> -> memref<16x64xbf16, #tpu.memory_space<vmem_shared>>
        %dma_start3A_868 = arith.constant 0 : i32
        %dma_start3A_869 = arith.constant 0 : i32
        %dma_start3A_870 = tpu.memref_slice %arg9[%run_scoped3A_856, %dma_start3A_868, %dma_start3A_869] : memref<3x128x64xbf16, #tpu.memory_space<vmem>> -> memref<1x16x64xbf16, #tpu.memory_space<vmem>>
        %dma_start3A_871 = tpu.memref_squeeze %dma_start3A_870 : memref<1x16x64xbf16, #tpu.memory_space<vmem>> -> memref<16x64xbf16, #tpu.memory_space<vmem>>
        tpu.enqueue_dma source(%dma_start3A_871 : memref<16x64xbf16, #tpu.memory_space<vmem>>) target(%dma_start3A_867 : memref<16x64xbf16, #tpu.memory_space<vmem_shared>>) target_semaphore(%run_scoped3A_857 : memref<!tpu.dma_semaphore, #tpu.memory_space<semaphore_mem>>)
        %dma_wait3A_872 = arith.constant 0 : i32
        %dma_wait3A_873 = arith.constant 0 : i32
        %dma_wait3A_874 = tpu.memref_slice %arg9[%run_scoped3A_856, %dma_wait3A_872, %dma_wait3A_873] : memref<3x128x64xbf16, #tpu.memory_space<vmem>> -> memref<1x16x64xbf16, #tpu.memory_space<vmem>>
        %dma_wait3A_875 = tpu.memref_squeeze %dma_wait3A_874 : memref<1x16x64xbf16, #tpu.memory_space<vmem>> -> memref<16x64xbf16, #tpu.memory_space<vmem>>
        %dma_wait3A_876 = arith.constant 10000 : i32
        %dma_wait3A_877 = arith.constant 0 : i32
        %dma_wait3A_878 = tpu.memref_slice %arg10[%dma_wait3A_876, %dma_wait3A_877] : memref<10016x64xbf16, #tpu.memory_space<vmem_shared>> -> memref<16x64xbf16, #tpu.memory_space<vmem_shared>>
        %dma_wait3A_879 = arith.constant 10000 : i32
        %dma_wait3A_880 = arith.constant 0 : i32
        %dma_wait3A_881 = tpu.memref_slice %arg10[%dma_wait3A_879, %dma_wait3A_880] : memref<10016x64xbf16, #tpu.memory_space<vmem_shared>> -> memref<16x64xbf16, #tpu.memory_space<vmem_shared>>
        %dma_wait3A_882 = arith.constant 0 : i32
        %dma_wait3A_883 = arith.constant 0 : i32
        %dma_wait3A_884 = tpu.memref_slice %arg9[%run_scoped3A_856, %dma_wait3A_882, %dma_wait3A_883] : memref<3x128x64xbf16, #tpu.memory_space<vmem>> -> memref<1x16x64xbf16, #tpu.memory_space<vmem>>
        %dma_wait3A_885 = tpu.memref_squeeze %dma_wait3A_884 : memref<1x16x64xbf16, #tpu.memory_space<vmem>> -> memref<16x64xbf16, #tpu.memory_space<vmem>>
        tpu.wait_dma2 semaphore(%run_scoped3A_857 : memref<!tpu.dma_semaphore, #tpu.memory_space<semaphore_mem>>) src(%dma_wait3A_885 : memref<16x64xbf16, #tpu.memory_space<vmem>>) dst(%dma_wait3A_881 : memref<16x64xbf16, #tpu.memory_space<vmem_shared>>)
        tpu.yield
      }) : () -> ()
    } else {
    }
    %scan3A_39 = arith.constant 0 : i32
    %scan3A_40 = arith.constant 0 : i32
    %scan3A_41 = arith.constant 640 : i32
    %scan3A_42 = arith.addi %scan3A_40, %scan3A_41 : i32
    %scan3A_43 = arith.constant 1 : i32
    scf.for %scan3A_856 = %scan3A_40 to %scan3A_42 step %scan3A_43  : i32 {
      %swap3A_857 = arith.index_cast %scan3A_856 : i32 to index
      %swap3A_858 = arith.constant 0 : index
      %swap3A_859 = tpu.vector_load %arg18[%swap3A_857, %swap3A_858] {strides = array<i32>} : memref<640x16xf32, #tpu.memory_space<vmem>>, vector<16xf32>,
      tpu.vector_store %arg18[%swap3A_857, %swap3A_858], %broadcast_in_dim3A_5 {strides = array<i32>} : memref<640x16xf32, #tpu.memory_space<vmem>>, vector<16xf32>,
    }
    %scan3A_44 = arith.constant 640 : i32
    %mul3A_45 = arith.constant 40 : i32
    %mul3A_46 = arith.muli %arg1, %mul3A_45 : i32
    "tpu.region"() ({
      %run_scoped3A_856 = tpu.sem_alloc : memref<!tpu.dma_semaphore, #tpu.memory_space<semaphore_mem>>
      %dma_start3A_857 = arith.constant 0 : i32
      %dma_start3A_858 = arith.constant 0 : i32
      %dma_start3A_859 = tpu.memref_slice %arg18[%dma_start3A_857, %dma_start3A_858] : memref<640x16xf32, #tpu.memory_space<vmem>> -> memref<40x16xf32, #tpu.memory_space<vmem>>
      %dma_start3A_860 = arith.constant 0 : i32
      %dma_start3A_861 = tpu.memref_slice %arg20[%mul3A_46, %dma_start3A_860] : memref<640x16xf32, #tpu.memory_space<vmem_shared>> -> memref<40x16xf32, #tpu.memory_space<vmem_shared>>
      %dma_start3A_862 = arith.constant 0 : i32
      %dma_start3A_863 = tpu.memref_slice %arg20[%mul3A_46, %dma_start3A_862] : memref<640x16xf32, #tpu.memory_space<vmem_shared>> -> memref<40x16xf32, #tpu.memory_space<vmem_shared>>
      %dma_start3A_864 = arith.constant 0 : i32
      %dma_start3A_865 = arith.constant 0 : i32
      %dma_start3A_866 = tpu.memref_slice %arg18[%dma_start3A_864, %dma_start3A_865] : memref<640x16xf32, #tpu.memory_space<vmem>> -> memref<40x16xf32, #tpu.memory_space<vmem>>
      tpu.enqueue_dma source(%dma_start3A_866 : memref<40x16xf32, #tpu.memory_space<vmem>>) target(%dma_start3A_863 : memref<40x16xf32, #tpu.memory_space<vmem_shared>>) target_semaphore(%run_scoped3A_856 : memref<!tpu.dma_semaphore, #tpu.memory_space<semaphore_mem>>)
      %dma_wait3A_867 = arith.constant 0 : i32
      %dma_wait3A_868 = arith.constant 0 : i32
      %dma_wait3A_869 = tpu.memref_slice %arg18[%dma_wait3A_867, %dma_wait3A_868] : memref<640x16xf32, #tpu.memory_space<vmem>> -> memref<40x16xf32, #tpu.memory_space<vmem>>
      %dma_wait3A_870 = arith.constant 0 : i32
      %dma_wait3A_871 = tpu.memref_slice %arg20[%mul3A_46, %dma_wait3A_870] : memref<640x16xf32, #tpu.memory_space<vmem_shared>> -> memref<40x16xf32, #tpu.memory_space<vmem_shared>>
      %dma_wait3A_872 = arith.constant 0 : i32
      %dma_wait3A_873 = tpu.memref_slice %arg20[%mul3A_46, %dma_wait3A_872] : memref<640x16xf32, #tpu.memory_space<vmem_shared>> -> memref<40x16xf32, #tpu.memory_space<vmem_shared>>
      %dma_wait3A_874 = arith.constant 0 : i32
      %dma_wait3A_875 = arith.constant 0 : i32
      %dma_wait3A_876 = tpu.memref_slice %arg18[%dma_wait3A_874, %dma_wait3A_875] : memref<640x16xf32, #tpu.memory_space<vmem>> -> memref<40x16xf32, #tpu.memory_space<vmem>>
      tpu.wait_dma2 semaphore(%run_scoped3A_856 : memref<!tpu.dma_semaphore, #tpu.memory_space<semaphore_mem>>) src(%dma_wait3A_876 : memref<40x16xf32, #tpu.memory_space<vmem>>) dst(%dma_wait3A_873 : memref<40x16xf32, #tpu.memory_space<vmem_shared>>)
      tpu.yield
    }) : () -> ()
    %iota3A = tpu.iota {dimensions = array<i32: 0>} : vector<16xi32>
    %add3A_47 = arith.constant 0 : i32
    %add3A_48 = vector.broadcast %add3A_47 : i32 to vector<16xi32>
    %add3A_49 = arith.addi %iota3A, %add3A_48 : vector<16xi32>
    %swap3A = arith.constant 0 : i32
    %swap3A_50 = arith.index_cast %swap3A : i32 to index
    %swap3A_51 = arith.constant 0 : index
    %swap3A_52 = tpu.vector_load %arg19[%swap3A_50, %swap3A_51] {strides = array<i32>} : memref<5x128xi32, #tpu.memory_space<vmem>>, vector<16xi32>,
    tpu.vector_store %arg19[%swap3A_50, %swap3A_51], %add3A_49 {strides = array<i32>} : memref<5x128xi32, #tpu.memory_space<vmem>>, vector<16xi32>,
    %add3A_53 = arith.constant 16 : i32
    %add3A_54 = vector.broadcast %add3A_53 : i32 to vector<16xi32>
    %add3A_55 = arith.addi %iota3A, %add3A_54 : vector<16xi32>
    %swap3A_56 = arith.constant 0 : i32
    %swap3A_57 = arith.index_cast %swap3A_56 : i32 to index
    %swap3A_58 = arith.constant 16 : index
    %swap3A_59 = tpu.vector_load %arg19[%swap3A_57, %swap3A_58] {strides = array<i32>} : memref<5x128xi32, #tpu.memory_space<vmem>>, vector<16xi32>,
    tpu.vector_store %arg19[%swap3A_57, %swap3A_58], %add3A_55 {strides = array<i32>} : memref<5x128xi32, #tpu.memory_space<vmem>>, vector<16xi32>,
    %add3A_60 = arith.constant 32 : i32
    %add3A_61 = vector.broadcast %add3A_60 : i32 to vector<16xi32>
    %add3A_62 = arith.addi %iota3A, %add3A_61 : vector<16xi32>
    %swap3A_63 = arith.constant 0 : i32
    %swap3A_64 = arith.index_cast %swap3A_63 : i32 to index
    %swap3A_65 = arith.constant 32 : index
    %swap3A_66 = tpu.vector_load %arg19[%swap3A_64, %swap3A_65] {strides = array<i32>} : memref<5x128xi32, #tpu.memory_space<vmem>>, vector<16xi32>,
    tpu.vector_store %arg19[%swap3A_64, %swap3A_65], %add3A_62 {strides = array<i32>} : memref<5x128xi32, #tpu.memory_space<vmem>>, vector<16xi32>,
    %add3A_67 = arith.constant 48 : i32
    %add3A_68 = vector.broadcast %add3A_67 : i32 to vector<16xi32>
    %add3A_69 = arith.addi %iota3A, %add3A_68 : vector<16xi32>
    %swap3A_70 = arith.constant 0 : i32
    %swap3A_71 = arith.index_cast %swap3A_70 : i32 to index
    %swap3A_72 = arith.constant 48 : index
    %swap3A_73 = tpu.vector_load %arg19[%swap3A_71, %swap3A_72] {strides = array<i32>} : memref<5x128xi32, #tpu.memory_space<vmem>>, vector<16xi32>,
    tpu.vector_store %arg19[%swap3A_71, %swap3A_72], %add3A_69 {strides = array<i32>} : memref<5x128xi32, #tpu.memory_space<vmem>>, vector<16xi32>,
    %add3A_74 = arith.constant 64 : i32
    %add3A_75 = vector.broadcast %add3A_74 : i32 to vector<16xi32>
    %add3A_76 = arith.addi %iota3A, %add3A_75 : vector<16xi32>
    %swap3A_77 = arith.constant 0 : i32
    %swap3A_78 = arith.index_cast %swap3A_77 : i32 to index
    %swap3A_79 = arith.constant 64 : index
    %swap3A_80 = tpu.vector_load %arg19[%swap3A_78, %swap3A_79] {strides = array<i32>} : memref<5x128xi32, #tpu.memory_space<vmem>>, vector<16xi32>,
    tpu.vector_store %arg19[%swap3A_78, %swap3A_79], %add3A_76 {strides = array<i32>} : memref<5x128xi32, #tpu.memory_space<vmem>>, vector<16xi32>,
    %add3A_81 = arith.constant 80 : i32
    %add3A_82 = vector.broadcast %add3A_81 : i32 to vector<16xi32>
    %add3A_83 = arith.addi %iota3A, %add3A_82 : vector<16xi32>
    %swap3A_84 = arith.constant 0 : i32
    %swap3A_85 = arith.index_cast %swap3A_84 : i32 to index
    %swap3A_86 = arith.constant 80 : index
    %swap3A_87 = tpu.vector_load %arg19[%swap3A_85, %swap3A_86] {strides = array<i32>} : memref<5x128xi32, #tpu.memory_space<vmem>>, vector<16xi32>,
    tpu.vector_store %arg19[%swap3A_85, %swap3A_86], %add3A_83 {strides = array<i32>} : memref<5x128xi32, #tpu.memory_space<vmem>>, vector<16xi32>,
    %add3A_88 = arith.constant 96 : i32
    %add3A_89 = vector.broadcast %add3A_88 : i32 to vector<16xi32>
    %add3A_90 = arith.addi %iota3A, %add3A_89 : vector<16xi32>
    %swap3A_91 = arith.constant 0 : i32
    %swap3A_92 = arith.index_cast %swap3A_91 : i32 to index
    %swap3A_93 = arith.constant 96 : index
    %swap3A_94 = tpu.vector_load %arg19[%swap3A_92, %swap3A_93] {strides = array<i32>} : memref<5x128xi32, #tpu.memory_space<vmem>>, vector<16xi32>,
    tpu.vector_store %arg19[%swap3A_92, %swap3A_93], %add3A_90 {strides = array<i32>} : memref<5x128xi32, #tpu.memory_space<vmem>>, vector<16xi32>,
    %add3A_95 = arith.constant 112 : i32
    %add3A_96 = vector.broadcast %add3A_95 : i32 to vector<16xi32>
    %add3A_97 = arith.addi %iota3A, %add3A_96 : vector<16xi32>
    %swap3A_98 = arith.constant 0 : i32
    %swap3A_99 = arith.index_cast %swap3A_98 : i32 to index
    %swap3A_100 = arith.constant 112 : index
    %swap3A_101 = tpu.vector_load %arg19[%swap3A_99, %swap3A_100] {strides = array<i32>} : memref<5x128xi32, #tpu.memory_space<vmem>>, vector<16xi32>,
    tpu.vector_store %arg19[%swap3A_99, %swap3A_100], %add3A_97 {strides = array<i32>} : memref<5x128xi32, #tpu.memory_space<vmem>>, vector<16xi32>,
    %add3A_102 = arith.constant 128 : i32
    %add3A_103 = vector.broadcast %add3A_102 : i32 to vector<16xi32>
    %add3A_104 = arith.addi %iota3A, %add3A_103 : vector<16xi32>
    %swap3A_105 = arith.constant 1 : i32
    %swap3A_106 = arith.index_cast %swap3A_105 : i32 to index
    %swap3A_107 = arith.constant 0 : index
    %swap3A_108 = tpu.vector_load %arg19[%swap3A_106, %swap3A_107] {strides = array<i32>} : memref<5x128xi32, #tpu.memory_space<vmem>>, vector<16xi32>,
    tpu.vector_store %arg19[%swap3A_106, %swap3A_107], %add3A_104 {strides = array<i32>} : memref<5x128xi32, #tpu.memory_space<vmem>>, vector<16xi32>,
    %add3A_109 = arith.constant 144 : i32
    %add3A_110 = vector.broadcast %add3A_109 : i32 to vector<16xi32>
    %add3A_111 = arith.addi %iota3A, %add3A_110 : vector<16xi32>
    %swap3A_112 = arith.constant 1 : i32
    %swap3A_113 = arith.index_cast %swap3A_112 : i32 to index
    %swap3A_114 = arith.constant 16 : index
    %swap3A_115 = tpu.vector_load %arg19[%swap3A_113, %swap3A_114] {strides = array<i32>} : memref<5x128xi32, #tpu.memory_space<vmem>>, vector<16xi32>,
    tpu.vector_store %arg19[%swap3A_113, %swap3A_114], %add3A_111 {strides = array<i32>} : memref<5x128xi32, #tpu.memory_space<vmem>>, vector<16xi32>,
    %add3A_116 = arith.constant 160 : i32
    %add3A_117 = vector.broadcast %add3A_116 : i32 to vector<16xi32>
    %add3A_118 = arith.addi %iota3A, %add3A_117 : vector<16xi32>
    %swap3A_119 = arith.constant 1 : i32
    %swap3A_120 = arith.index_cast %swap3A_119 : i32 to index
    %swap3A_121 = arith.constant 32 : index
    %swap3A_122 = tpu.vector_load %arg19[%swap3A_120, %swap3A_121] {strides = array<i32>} : memref<5x128xi32, #tpu.memory_space<vmem>>, vector<16xi32>,
    tpu.vector_store %arg19[%swap3A_120, %swap3A_121], %add3A_118 {strides = array<i32>} : memref<5x128xi32, #tpu.memory_space<vmem>>, vector<16xi32>,
    %add3A_123 = arith.constant 176 : i32
    %add3A_124 = vector.broadcast %add3A_123 : i32 to vector<16xi32>
    %add3A_125 = arith.addi %iota3A, %add3A_124 : vector<16xi32>
    %swap3A_126 = arith.constant 1 : i32
    %swap3A_127 = arith.index_cast %swap3A_126 : i32 to index
    %swap3A_128 = arith.constant 48 : index
    %swap3A_129 = tpu.vector_load %arg19[%swap3A_127, %swap3A_128] {strides = array<i32>} : memref<5x128xi32, #tpu.memory_space<vmem>>, vector<16xi32>,
    tpu.vector_store %arg19[%swap3A_127, %swap3A_128], %add3A_125 {strides = array<i32>} : memref<5x128xi32, #tpu.memory_space<vmem>>, vector<16xi32>,
    %add3A_130 = arith.constant 192 : i32
    %add3A_131 = vector.broadcast %add3A_130 : i32 to vector<16xi32>
    %add3A_132 = arith.addi %iota3A, %add3A_131 : vector<16xi32>
    %swap3A_133 = arith.constant 1 : i32
    %swap3A_134 = arith.index_cast %swap3A_133 : i32 to index
    %swap3A_135 = arith.constant 64 : index
    %swap3A_136 = tpu.vector_load %arg19[%swap3A_134, %swap3A_135] {strides = array<i32>} : memref<5x128xi32, #tpu.memory_space<vmem>>, vector<16xi32>,
    tpu.vector_store %arg19[%swap3A_134, %swap3A_135], %add3A_132 {strides = array<i32>} : memref<5x128xi32, #tpu.memory_space<vmem>>, vector<16xi32>,
    %add3A_137 = arith.constant 208 : i32
    %add3A_138 = vector.broadcast %add3A_137 : i32 to vector<16xi32>
    %add3A_139 = arith.addi %iota3A, %add3A_138 : vector<16xi32>
    %swap3A_140 = arith.constant 1 : i32
    %swap3A_141 = arith.index_cast %swap3A_140 : i32 to index
    %swap3A_142 = arith.constant 80 : index
    %swap3A_143 = tpu.vector_load %arg19[%swap3A_141, %swap3A_142] {strides = array<i32>} : memref<5x128xi32, #tpu.memory_space<vmem>>, vector<16xi32>,
    tpu.vector_store %arg19[%swap3A_141, %swap3A_142], %add3A_139 {strides = array<i32>} : memref<5x128xi32, #tpu.memory_space<vmem>>, vector<16xi32>,
    %add3A_144 = arith.constant 224 : i32
    %add3A_145 = vector.broadcast %add3A_144 : i32 to vector<16xi32>
    %add3A_146 = arith.addi %iota3A, %add3A_145 : vector<16xi32>
    %swap3A_147 = arith.constant 1 : i32
    %swap3A_148 = arith.index_cast %swap3A_147 : i32 to index
    %swap3A_149 = arith.constant 96 : index
    %swap3A_150 = tpu.vector_load %arg19[%swap3A_148, %swap3A_149] {strides = array<i32>} : memref<5x128xi32, #tpu.memory_space<vmem>>, vector<16xi32>,
    tpu.vector_store %arg19[%swap3A_148, %swap3A_149], %add3A_146 {strides = array<i32>} : memref<5x128xi32, #tpu.memory_space<vmem>>, vector<16xi32>,
    %add3A_151 = arith.constant 240 : i32
    %add3A_152 = vector.broadcast %add3A_151 : i32 to vector<16xi32>
    %add3A_153 = arith.addi %iota3A, %add3A_152 : vector<16xi32>
    %swap3A_154 = arith.constant 1 : i32
    %swap3A_155 = arith.index_cast %swap3A_154 : i32 to index
    %swap3A_156 = arith.constant 112 : index
    %swap3A_157 = tpu.vector_load %arg19[%swap3A_155, %swap3A_156] {strides = array<i32>} : memref<5x128xi32, #tpu.memory_space<vmem>>, vector<16xi32>,
    tpu.vector_store %arg19[%swap3A_155, %swap3A_156], %add3A_153 {strides = array<i32>} : memref<5x128xi32, #tpu.memory_space<vmem>>, vector<16xi32>,
    %add3A_158 = arith.constant 256 : i32
    %add3A_159 = vector.broadcast %add3A_158 : i32 to vector<16xi32>
    %add3A_160 = arith.addi %iota3A, %add3A_159 : vector<16xi32>
    %swap3A_161 = arith.constant 2 : i32
    %swap3A_162 = arith.index_cast %swap3A_161 : i32 to index
    %swap3A_163 = arith.constant 0 : index
    %swap3A_164 = tpu.vector_load %arg19[%swap3A_162, %swap3A_163] {strides = array<i32>} : memref<5x128xi32, #tpu.memory_space<vmem>>, vector<16xi32>,
    tpu.vector_store %arg19[%swap3A_162, %swap3A_163], %add3A_160 {strides = array<i32>} : memref<5x128xi32, #tpu.memory_space<vmem>>, vector<16xi32>,
    %add3A_165 = arith.constant 272 : i32
    %add3A_166 = vector.broadcast %add3A_165 : i32 to vector<16xi32>
    %add3A_167 = arith.addi %iota3A, %add3A_166 : vector<16xi32>
    %swap3A_168 = arith.constant 2 : i32
    %swap3A_169 = arith.index_cast %swap3A_168 : i32 to index
    %swap3A_170 = arith.constant 16 : index
    %swap3A_171 = tpu.vector_load %arg19[%swap3A_169, %swap3A_170] {strides = array<i32>} : memref<5x128xi32, #tpu.memory_space<vmem>>, vector<16xi32>,
    tpu.vector_store %arg19[%swap3A_169, %swap3A_170], %add3A_167 {strides = array<i32>} : memref<5x128xi32, #tpu.memory_space<vmem>>, vector<16xi32>,
    %add3A_172 = arith.constant 288 : i32
    %add3A_173 = vector.broadcast %add3A_172 : i32 to vector<16xi32>
    %add3A_174 = arith.addi %iota3A, %add3A_173 : vector<16xi32>
    %swap3A_175 = arith.constant 2 : i32
    %swap3A_176 = arith.index_cast %swap3A_175 : i32 to index
    %swap3A_177 = arith.constant 32 : index
    %swap3A_178 = tpu.vector_load %arg19[%swap3A_176, %swap3A_177] {strides = array<i32>} : memref<5x128xi32, #tpu.memory_space<vmem>>, vector<16xi32>,
    tpu.vector_store %arg19[%swap3A_176, %swap3A_177], %add3A_174 {strides = array<i32>} : memref<5x128xi32, #tpu.memory_space<vmem>>, vector<16xi32>,
    %add3A_179 = arith.constant 304 : i32
    %add3A_180 = vector.broadcast %add3A_179 : i32 to vector<16xi32>
    %add3A_181 = arith.addi %iota3A, %add3A_180 : vector<16xi32>
    %swap3A_182 = arith.constant 2 : i32
    %swap3A_183 = arith.index_cast %swap3A_182 : i32 to index
    %swap3A_184 = arith.constant 48 : index
    %swap3A_185 = tpu.vector_load %arg19[%swap3A_183, %swap3A_184] {strides = array<i32>} : memref<5x128xi32, #tpu.memory_space<vmem>>, vector<16xi32>,
    tpu.vector_store %arg19[%swap3A_183, %swap3A_184], %add3A_181 {strides = array<i32>} : memref<5x128xi32, #tpu.memory_space<vmem>>, vector<16xi32>,
    %add3A_186 = arith.constant 320 : i32
    %add3A_187 = vector.broadcast %add3A_186 : i32 to vector<16xi32>
    %add3A_188 = arith.addi %iota3A, %add3A_187 : vector<16xi32>
    %swap3A_189 = arith.constant 2 : i32
    %swap3A_190 = arith.index_cast %swap3A_189 : i32 to index
    %swap3A_191 = arith.constant 64 : index
    %swap3A_192 = tpu.vector_load %arg19[%swap3A_190, %swap3A_191] {strides = array<i32>} : memref<5x128xi32, #tpu.memory_space<vmem>>, vector<16xi32>,
    tpu.vector_store %arg19[%swap3A_190, %swap3A_191], %add3A_188 {strides = array<i32>} : memref<5x128xi32, #tpu.memory_space<vmem>>, vector<16xi32>,
    %add3A_193 = arith.constant 336 : i32
    %add3A_194 = vector.broadcast %add3A_193 : i32 to vector<16xi32>
    %add3A_195 = arith.addi %iota3A, %add3A_194 : vector<16xi32>
    %swap3A_196 = arith.constant 2 : i32
    %swap3A_197 = arith.index_cast %swap3A_196 : i32 to index
    %swap3A_198 = arith.constant 80 : index
    %swap3A_199 = tpu.vector_load %arg19[%swap3A_197, %swap3A_198] {strides = array<i32>} : memref<5x128xi32, #tpu.memory_space<vmem>>, vector<16xi32>,
    tpu.vector_store %arg19[%swap3A_197, %swap3A_198], %add3A_195 {strides = array<i32>} : memref<5x128xi32, #tpu.memory_space<vmem>>, vector<16xi32>,
    %add3A_200 = arith.constant 352 : i32
    %add3A_201 = vector.broadcast %add3A_200 : i32 to vector<16xi32>
    %add3A_202 = arith.addi %iota3A, %add3A_201 : vector<16xi32>
    %swap3A_203 = arith.constant 2 : i32
    %swap3A_204 = arith.index_cast %swap3A_203 : i32 to index
    %swap3A_205 = arith.constant 96 : index
    %swap3A_206 = tpu.vector_load %arg19[%swap3A_204, %swap3A_205] {strides = array<i32>} : memref<5x128xi32, #tpu.memory_space<vmem>>, vector<16xi32>,
    tpu.vector_store %arg19[%swap3A_204, %swap3A_205], %add3A_202 {strides = array<i32>} : memref<5x128xi32, #tpu.memory_space<vmem>>, vector<16xi32>,
    %add3A_207 = arith.constant 368 : i32
    %add3A_208 = vector.broadcast %add3A_207 : i32 to vector<16xi32>
    %add3A_209 = arith.addi %iota3A, %add3A_208 : vector<16xi32>
    %swap3A_210 = arith.constant 2 : i32
    %swap3A_211 = arith.index_cast %swap3A_210 : i32 to index
    %swap3A_212 = arith.constant 112 : index
    %swap3A_213 = tpu.vector_load %arg19[%swap3A_211, %swap3A_212] {strides = array<i32>} : memref<5x128xi32, #tpu.memory_space<vmem>>, vector<16xi32>,
    tpu.vector_store %arg19[%swap3A_211, %swap3A_212], %add3A_209 {strides = array<i32>} : memref<5x128xi32, #tpu.memory_space<vmem>>, vector<16xi32>,
    %add3A_214 = arith.constant 384 : i32
    %add3A_215 = vector.broadcast %add3A_214 : i32 to vector<16xi32>
    %add3A_216 = arith.addi %iota3A, %add3A_215 : vector<16xi32>
    %swap3A_217 = arith.constant 3 : i32
    %swap3A_218 = arith.index_cast %swap3A_217 : i32 to index
    %swap3A_219 = arith.constant 0 : index
    %swap3A_220 = tpu.vector_load %arg19[%swap3A_218, %swap3A_219] {strides = array<i32>} : memref<5x128xi32, #tpu.memory_space<vmem>>, vector<16xi32>,
    tpu.vector_store %arg19[%swap3A_218, %swap3A_219], %add3A_216 {strides = array<i32>} : memref<5x128xi32, #tpu.memory_space<vmem>>, vector<16xi32>,
    %add3A_221 = arith.constant 400 : i32
    %add3A_222 = vector.broadcast %add3A_221 : i32 to vector<16xi32>
    %add3A_223 = arith.addi %iota3A, %add3A_222 : vector<16xi32>
    %swap3A_224 = arith.constant 3 : i32
    %swap3A_225 = arith.index_cast %swap3A_224 : i32 to index
    %swap3A_226 = arith.constant 16 : index
    %swap3A_227 = tpu.vector_load %arg19[%swap3A_225, %swap3A_226] {strides = array<i32>} : memref<5x128xi32, #tpu.memory_space<vmem>>, vector<16xi32>,
    tpu.vector_store %arg19[%swap3A_225, %swap3A_226], %add3A_223 {strides = array<i32>} : memref<5x128xi32, #tpu.memory_space<vmem>>, vector<16xi32>,
    %add3A_228 = arith.constant 416 : i32
    %add3A_229 = vector.broadcast %add3A_228 : i32 to vector<16xi32>
    %add3A_230 = arith.addi %iota3A, %add3A_229 : vector<16xi32>
    %swap3A_231 = arith.constant 3 : i32
    %swap3A_232 = arith.index_cast %swap3A_231 : i32 to index
    %swap3A_233 = arith.constant 32 : index
    %swap3A_234 = tpu.vector_load %arg19[%swap3A_232, %swap3A_233] {strides = array<i32>} : memref<5x128xi32, #tpu.memory_space<vmem>>, vector<16xi32>,
    tpu.vector_store %arg19[%swap3A_232, %swap3A_233], %add3A_230 {strides = array<i32>} : memref<5x128xi32, #tpu.memory_space<vmem>>, vector<16xi32>,
    %add3A_235 = arith.constant 432 : i32
    %add3A_236 = vector.broadcast %add3A_235 : i32 to vector<16xi32>
    %add3A_237 = arith.addi %iota3A, %add3A_236 : vector<16xi32>
    %swap3A_238 = arith.constant 3 : i32
    %swap3A_239 = arith.index_cast %swap3A_238 : i32 to index
    %swap3A_240 = arith.constant 48 : index
    %swap3A_241 = tpu.vector_load %arg19[%swap3A_239, %swap3A_240] {strides = array<i32>} : memref<5x128xi32, #tpu.memory_space<vmem>>, vector<16xi32>,
    tpu.vector_store %arg19[%swap3A_239, %swap3A_240], %add3A_237 {strides = array<i32>} : memref<5x128xi32, #tpu.memory_space<vmem>>, vector<16xi32>,
    %add3A_242 = arith.constant 448 : i32
    %add3A_243 = vector.broadcast %add3A_242 : i32 to vector<16xi32>
    %add3A_244 = arith.addi %iota3A, %add3A_243 : vector<16xi32>
    %swap3A_245 = arith.constant 3 : i32
    %swap3A_246 = arith.index_cast %swap3A_245 : i32 to index
    %swap3A_247 = arith.constant 64 : index
    %swap3A_248 = tpu.vector_load %arg19[%swap3A_246, %swap3A_247] {strides = array<i32>} : memref<5x128xi32, #tpu.memory_space<vmem>>, vector<16xi32>,
    tpu.vector_store %arg19[%swap3A_246, %swap3A_247], %add3A_244 {strides = array<i32>} : memref<5x128xi32, #tpu.memory_space<vmem>>, vector<16xi32>,
    %add3A_249 = arith.constant 464 : i32
    %add3A_250 = vector.broadcast %add3A_249 : i32 to vector<16xi32>
    %add3A_251 = arith.addi %iota3A, %add3A_250 : vector<16xi32>
    %swap3A_252 = arith.constant 3 : i32
    %swap3A_253 = arith.index_cast %swap3A_252 : i32 to index
    %swap3A_254 = arith.constant 80 : index
    %swap3A_255 = tpu.vector_load %arg19[%swap3A_253, %swap3A_254] {strides = array<i32>} : memref<5x128xi32, #tpu.memory_space<vmem>>, vector<16xi32>,
    tpu.vector_store %arg19[%swap3A_253, %swap3A_254], %add3A_251 {strides = array<i32>} : memref<5x128xi32, #tpu.memory_space<vmem>>, vector<16xi32>,
    %add3A_256 = arith.constant 480 : i32
    %add3A_257 = vector.broadcast %add3A_256 : i32 to vector<16xi32>
    %add3A_258 = arith.addi %iota3A, %add3A_257 : vector<16xi32>
    %swap3A_259 = arith.constant 3 : i32
    %swap3A_260 = arith.index_cast %swap3A_259 : i32 to index
    %swap3A_261 = arith.constant 96 : index
    %swap3A_262 = tpu.vector_load %arg19[%swap3A_260, %swap3A_261] {strides = array<i32>} : memref<5x128xi32, #tpu.memory_space<vmem>>, vector<16xi32>,
    tpu.vector_store %arg19[%swap3A_260, %swap3A_261], %add3A_258 {strides = array<i32>} : memref<5x128xi32, #tpu.memory_space<vmem>>, vector<16xi32>,
    %add3A_263 = arith.constant 496 : i32
    %add3A_264 = vector.broadcast %add3A_263 : i32 to vector<16xi32>
    %add3A_265 = arith.addi %iota3A, %add3A_264 : vector<16xi32>
    %swap3A_266 = arith.constant 3 : i32
    %swap3A_267 = arith.index_cast %swap3A_266 : i32 to index
    %swap3A_268 = arith.constant 112 : index
    %swap3A_269 = tpu.vector_load %arg19[%swap3A_267, %swap3A_268] {strides = array<i32>} : memref<5x128xi32, #tpu.memory_space<vmem>>, vector<16xi32>,
    tpu.vector_store %arg19[%swap3A_267, %swap3A_268], %add3A_265 {strides = array<i32>} : memref<5x128xi32, #tpu.memory_space<vmem>>, vector<16xi32>,
    %add3A_270 = arith.constant 512 : i32
    %add3A_271 = vector.broadcast %add3A_270 : i32 to vector<16xi32>
    %add3A_272 = arith.addi %iota3A, %add3A_271 : vector<16xi32>
    %swap3A_273 = arith.constant 4 : i32
    %swap3A_274 = arith.index_cast %swap3A_273 : i32 to index
    %swap3A_275 = arith.constant 0 : index
    %swap3A_276 = tpu.vector_load %arg19[%swap3A_274, %swap3A_275] {strides = array<i32>} : memref<5x128xi32, #tpu.memory_space<vmem>>, vector<16xi32>,
    tpu.vector_store %arg19[%swap3A_274, %swap3A_275], %add3A_272 {strides = array<i32>} : memref<5x128xi32, #tpu.memory_space<vmem>>, vector<16xi32>,
    %add3A_277 = arith.constant 528 : i32
    %add3A_278 = vector.broadcast %add3A_277 : i32 to vector<16xi32>
    %add3A_279 = arith.addi %iota3A, %add3A_278 : vector<16xi32>
    %swap3A_280 = arith.constant 4 : i32
    %swap3A_281 = arith.index_cast %swap3A_280 : i32 to index
    %swap3A_282 = arith.constant 16 : index
    %swap3A_283 = tpu.vector_load %arg19[%swap3A_281, %swap3A_282] {strides = array<i32>} : memref<5x128xi32, #tpu.memory_space<vmem>>, vector<16xi32>,
    tpu.vector_store %arg19[%swap3A_281, %swap3A_282], %add3A_279 {strides = array<i32>} : memref<5x128xi32, #tpu.memory_space<vmem>>, vector<16xi32>,
    %add3A_284 = arith.constant 544 : i32
    %add3A_285 = vector.broadcast %add3A_284 : i32 to vector<16xi32>
    %add3A_286 = arith.addi %iota3A, %add3A_285 : vector<16xi32>
    %swap3A_287 = arith.constant 4 : i32
    %swap3A_288 = arith.index_cast %swap3A_287 : i32 to index
    %swap3A_289 = arith.constant 32 : index
    %swap3A_290 = tpu.vector_load %arg19[%swap3A_288, %swap3A_289] {strides = array<i32>} : memref<5x128xi32, #tpu.memory_space<vmem>>, vector<16xi32>,
    tpu.vector_store %arg19[%swap3A_288, %swap3A_289], %add3A_286 {strides = array<i32>} : memref<5x128xi32, #tpu.memory_space<vmem>>, vector<16xi32>,
    %add3A_291 = arith.constant 560 : i32
    %add3A_292 = vector.broadcast %add3A_291 : i32 to vector<16xi32>
    %add3A_293 = arith.addi %iota3A, %add3A_292 : vector<16xi32>
    %swap3A_294 = arith.constant 4 : i32
    %swap3A_295 = arith.index_cast %swap3A_294 : i32 to index
    %swap3A_296 = arith.constant 48 : index
    %swap3A_297 = tpu.vector_load %arg19[%swap3A_295, %swap3A_296] {strides = array<i32>} : memref<5x128xi32, #tpu.memory_space<vmem>>, vector<16xi32>,
    tpu.vector_store %arg19[%swap3A_295, %swap3A_296], %add3A_293 {strides = array<i32>} : memref<5x128xi32, #tpu.memory_space<vmem>>, vector<16xi32>,
    %add3A_298 = arith.constant 576 : i32
    %add3A_299 = vector.broadcast %add3A_298 : i32 to vector<16xi32>
    %add3A_300 = arith.addi %iota3A, %add3A_299 : vector<16xi32>
    %swap3A_301 = arith.constant 4 : i32
    %swap3A_302 = arith.index_cast %swap3A_301 : i32 to index
    %swap3A_303 = arith.constant 64 : index
    %swap3A_304 = tpu.vector_load %arg19[%swap3A_302, %swap3A_303] {strides = array<i32>} : memref<5x128xi32, #tpu.memory_space<vmem>>, vector<16xi32>,
    tpu.vector_store %arg19[%swap3A_302, %swap3A_303], %add3A_300 {strides = array<i32>} : memref<5x128xi32, #tpu.memory_space<vmem>>, vector<16xi32>,
    %add3A_305 = arith.constant 592 : i32
    %add3A_306 = vector.broadcast %add3A_305 : i32 to vector<16xi32>
    %add3A_307 = arith.addi %iota3A, %add3A_306 : vector<16xi32>
    %swap3A_308 = arith.constant 4 : i32
    %swap3A_309 = arith.index_cast %swap3A_308 : i32 to index
    %swap3A_310 = arith.constant 80 : index
    %swap3A_311 = tpu.vector_load %arg19[%swap3A_309, %swap3A_310] {strides = array<i32>} : memref<5x128xi32, #tpu.memory_space<vmem>>, vector<16xi32>,
    tpu.vector_store %arg19[%swap3A_309, %swap3A_310], %add3A_307 {strides = array<i32>} : memref<5x128xi32, #tpu.memory_space<vmem>>, vector<16xi32>,
    %add3A_312 = arith.constant 608 : i32
    %add3A_313 = vector.broadcast %add3A_312 : i32 to vector<16xi32>
    %add3A_314 = arith.addi %iota3A, %add3A_313 : vector<16xi32>
    %swap3A_315 = arith.constant 4 : i32
    %swap3A_316 = arith.index_cast %swap3A_315 : i32 to index
    %swap3A_317 = arith.constant 96 : index
    %swap3A_318 = tpu.vector_load %arg19[%swap3A_316, %swap3A_317] {strides = array<i32>} : memref<5x128xi32, #tpu.memory_space<vmem>>, vector<16xi32>,
    tpu.vector_store %arg19[%swap3A_316, %swap3A_317], %add3A_314 {strides = array<i32>} : memref<5x128xi32, #tpu.memory_space<vmem>>, vector<16xi32>,
    %add3A_319 = arith.constant 624 : i32
    %add3A_320 = vector.broadcast %add3A_319 : i32 to vector<16xi32>
    %add3A_321 = arith.addi %iota3A, %add3A_320 : vector<16xi32>
    %swap3A_322 = arith.constant 4 : i32
    %swap3A_323 = arith.index_cast %swap3A_322 : i32 to index
    %swap3A_324 = arith.constant 112 : index
    %swap3A_325 = tpu.vector_load %arg19[%swap3A_323, %swap3A_324] {strides = array<i32>} : memref<5x128xi32, #tpu.memory_space<vmem>>, vector<16xi32>,
    tpu.vector_store %arg19[%swap3A_323, %swap3A_324], %add3A_321 {strides = array<i32>} : memref<5x128xi32, #tpu.memory_space<vmem>>, vector<16xi32>,
    %barrier3A = arith.constant 0 : index
    tpu.barrier barrier_id(%barrier3A)
    %broadcast_in_dim3A_326 = arith.constant 1.000000e+00 : f32
    %broadcast_in_dim3A_327 = vector.broadcast %broadcast_in_dim3A_326 : f32 to vector<16xf32>
    %dma_start3A = arith.constant 0 : i32
    %dma_start3A_328 = arith.constant 0 : i32
    %dma_start3A_329 = arith.constant 0 : i32
    %dma_start3A_330 = arith.constant 0 : i32
    %dma_start3A_331 = tpu.memref_slice %arg9[%dma_start3A_328, %dma_start3A_329, %dma_start3A_330] : memref<3x128x64xbf16, #tpu.memory_space<vmem>> -> memref<1x128x64xbf16, #tpu.memory_space<vmem>>
    %dma_start3A_332 = tpu.memref_squeeze %dma_start3A_331 : memref<1x128x64xbf16, #tpu.memory_space<vmem>> -> memref<128x64xbf16, #tpu.memory_space<vmem>>
    %dma_start3A_333 = arith.constant 0 : i32
    %dma_start3A_334 = tpu.memref_slice %arg7[%dma_start3A, %dma_start3A_333] : memref<160x128xi32, #tpu.memory_space<vmem>> -> memref<1x128xi32, #tpu.memory_space<vmem>>
    %dma_start3A_335 = tpu.memref_squeeze %dma_start3A_334 : memref<1x128xi32, #tpu.memory_space<vmem>> -> memref<128xi32, #tpu.memory_space<vmem>>
    %dma_start3A_336 = arith.constant 0 : i32
    %dma_start3A_337 = arith.constant 0 : i32
    %dma_start3A_338 = tpu.memref_slice %arg11[%dma_start3A_336, %dma_start3A_337] : memref<10000x64xbf16, #tpu.memory_space<vmem_shared>> -> memref<10000x64xbf16, #tpu.memory_space<vmem_shared>>
    tpu.enqueue_indirect_dma source(%dma_start3A_338 : memref<10000x64xbf16, #tpu.memory_space<vmem_shared>>) target(%dma_start3A_332 : memref<128x64xbf16, #tpu.memory_space<vmem>>) offsets(%dma_start3A_335 : memref<128xi32, #tpu.memory_space<vmem>>) semaphore(%arg12 : memref<!tpu.dma_semaphore, #tpu.memory_space<semaphore_mem>>)
    %dma_start3A_339 = arith.constant 1 : i32
    %dma_start3A_340 = arith.constant 1 : i32
    %dma_start3A_341 = arith.constant 0 : i32
    %dma_start3A_342 = arith.constant 0 : i32
    %dma_start3A_343 = tpu.memref_slice %arg9[%dma_start3A_340, %dma_start3A_341, %dma_start3A_342] : memref<3x128x64xbf16, #tpu.memory_space<vmem>> -> memref<1x128x64xbf16, #tpu.memory_space<vmem>>
    %dma_start3A_344 = tpu.memref_squeeze %dma_start3A_343 : memref<1x128x64xbf16, #tpu.memory_space<vmem>> -> memref<128x64xbf16, #tpu.memory_space<vmem>>
    %dma_start3A_345 = arith.constant 0 : i32
    %dma_start3A_346 = tpu.memref_slice %arg7[%dma_start3A_339, %dma_start3A_345] : memref<160x128xi32, #tpu.memory_space<vmem>> -> memref<1x128xi32, #tpu.memory_space<vmem>>
    %dma_start3A_347 = tpu.memref_squeeze %dma_start3A_346 : memref<1x128xi32, #tpu.memory_space<vmem>> -> memref<128xi32, #tpu.memory_space<vmem>>
    %dma_start3A_348 = arith.constant 0 : i32
    %dma_start3A_349 = arith.constant 0 : i32
    %dma_start3A_350 = tpu.memref_slice %arg11[%dma_start3A_348, %dma_start3A_349] : memref<10000x64xbf16, #tpu.memory_space<vmem_shared>> -> memref<10000x64xbf16, #tpu.memory_space<vmem_shared>>
    tpu.enqueue_indirect_dma source(%dma_start3A_350 : memref<10000x64xbf16, #tpu.memory_space<vmem_shared>>) target(%dma_start3A_344 : memref<128x64xbf16, #tpu.memory_space<vmem>>) offsets(%dma_start3A_347 : memref<128xi32, #tpu.memory_space<vmem>>) semaphore(%arg13 : memref<!tpu.dma_semaphore, #tpu.memory_space<semaphore_mem>>)
    %get3A = arith.constant 0 : i32
    %get3A_351 = arith.index_cast %get3A : i32 to index
    %get3A_352 = arith.constant 0 : index
    %get3A_353 = tpu.vector_load %arg8[%get3A_351, %get3A_352] {strides = array<i32>} : memref<160x128xi32, #tpu.memory_space<vmem>>, vector<16xi32>,
    %shift_right_logical3A = arith.constant 4 : i32
    %shift_right_logical3A_354 = vector.broadcast %shift_right_logical3A : i32 to vector<16xi32>
    %shift_right_logical3A_355 = arith.shrui %get3A_353, %shift_right_logical3A_354 : vector<16xi32>
    %and3A = arith.constant 15 : i32
    %and3A_356 = vector.broadcast %and3A : i32 to vector<16xi32>
    %and3A_357 = arith.andi %get3A_353, %and3A_356 : vector<16xi32>
    tpu.vector_store_idx %arg18[%shift_right_logical3A_355, %and3A_357], %broadcast_in_dim3A_327 {add = true} : memref<640x16xf32, #tpu.memory_space<vmem>>[vector<16xi32>, vector<16xi32>], vector<16xf32>,
    %get3A_358 = arith.constant 0 : i32
    %get3A_359 = arith.index_cast %get3A_358 : i32 to index
    %get3A_360 = arith.constant 16 : index
    %get3A_361 = tpu.vector_load %arg8[%get3A_359, %get3A_360] {strides = array<i32>} : memref<160x128xi32, #tpu.memory_space<vmem>>, vector<16xi32>,
    %shift_right_logical3A_362 = arith.constant 4 : i32
    %shift_right_logical3A_363 = vector.broadcast %shift_right_logical3A_362 : i32 to vector<16xi32>
    %shift_right_logical3A_364 = arith.shrui %get3A_361, %shift_right_logical3A_363 : vector<16xi32>
    %and3A_365 = arith.constant 15 : i32
    %and3A_366 = vector.broadcast %and3A_365 : i32 to vector<16xi32>
    %and3A_367 = arith.andi %get3A_361, %and3A_366 : vector<16xi32>
    tpu.vector_store_idx %arg18[%shift_right_logical3A_364, %and3A_367], %broadcast_in_dim3A_327 {add = true} : memref<640x16xf32, #tpu.memory_space<vmem>>[vector<16xi32>, vector<16xi32>], vector<16xf32>,
    %get3A_368 = arith.constant 0 : i32
    %get3A_369 = arith.index_cast %get3A_368 : i32 to index
    %get3A_370 = arith.constant 32 : index
    %get3A_371 = tpu.vector_load %arg8[%get3A_369, %get3A_370] {strides = array<i32>} : memref<160x128xi32, #tpu.memory_space<vmem>>, vector<16xi32>,
    %shift_right_logical3A_372 = arith.constant 4 : i32
    %shift_right_logical3A_373 = vector.broadcast %shift_right_logical3A_372 : i32 to vector<16xi32>
    %shift_right_logical3A_374 = arith.shrui %get3A_371, %shift_right_logical3A_373 : vector<16xi32>
    %and3A_375 = arith.constant 15 : i32
    %and3A_376 = vector.broadcast %and3A_375 : i32 to vector<16xi32>
    %and3A_377 = arith.andi %get3A_371, %and3A_376 : vector<16xi32>
    tpu.vector_store_idx %arg18[%shift_right_logical3A_374, %and3A_377], %broadcast_in_dim3A_327 {add = true} : memref<640x16xf32, #tpu.memory_space<vmem>>[vector<16xi32>, vector<16xi32>], vector<16xf32>,
    %get3A_378 = arith.constant 0 : i32
    %get3A_379 = arith.index_cast %get3A_378 : i32 to index
    %get3A_380 = arith.constant 48 : index
    %get3A_381 = tpu.vector_load %arg8[%get3A_379, %get3A_380] {strides = array<i32>} : memref<160x128xi32, #tpu.memory_space<vmem>>, vector<16xi32>,
    %shift_right_logical3A_382 = arith.constant 4 : i32
    %shift_right_logical3A_383 = vector.broadcast %shift_right_logical3A_382 : i32 to vector<16xi32>
    %shift_right_logical3A_384 = arith.shrui %get3A_381, %shift_right_logical3A_383 : vector<16xi32>
    %and3A_385 = arith.constant 15 : i32
    %and3A_386 = vector.broadcast %and3A_385 : i32 to vector<16xi32>
    %and3A_387 = arith.andi %get3A_381, %and3A_386 : vector<16xi32>
    tpu.vector_store_idx %arg18[%shift_right_logical3A_384, %and3A_387], %broadcast_in_dim3A_327 {add = true} : memref<640x16xf32, #tpu.memory_space<vmem>>[vector<16xi32>, vector<16xi32>], vector<16xf32>,
    %get3A_388 = arith.constant 0 : i32
    %get3A_389 = arith.index_cast %get3A_388 : i32 to index
    %get3A_390 = arith.constant 64 : index
    %get3A_391 = tpu.vector_load %arg8[%get3A_389, %get3A_390] {strides = array<i32>} : memref<160x128xi32, #tpu.memory_space<vmem>>, vector<16xi32>,
    %shift_right_logical3A_392 = arith.constant 4 : i32
    %shift_right_logical3A_393 = vector.broadcast %shift_right_logical3A_392 : i32 to vector<16xi32>
    %shift_right_logical3A_394 = arith.shrui %get3A_391, %shift_right_logical3A_393 : vector<16xi32>
    %and3A_395 = arith.constant 15 : i32
    %and3A_396 = vector.broadcast %and3A_395 : i32 to vector<16xi32>
    %and3A_397 = arith.andi %get3A_391, %and3A_396 : vector<16xi32>
    tpu.vector_store_idx %arg18[%shift_right_logical3A_394, %and3A_397], %broadcast_in_dim3A_327 {add = true} : memref<640x16xf32, #tpu.memory_space<vmem>>[vector<16xi32>, vector<16xi32>], vector<16xf32>,
    %get3A_398 = arith.constant 0 : i32
    %get3A_399 = arith.index_cast %get3A_398 : i32 to index
    %get3A_400 = arith.constant 80 : index
    %get3A_401 = tpu.vector_load %arg8[%get3A_399, %get3A_400] {strides = array<i32>} : memref<160x128xi32, #tpu.memory_space<vmem>>, vector<16xi32>,
    %shift_right_logical3A_402 = arith.constant 4 : i32
    %shift_right_logical3A_403 = vector.broadcast %shift_right_logical3A_402 : i32 to vector<16xi32>
    %shift_right_logical3A_404 = arith.shrui %get3A_401, %shift_right_logical3A_403 : vector<16xi32>
    %and3A_405 = arith.constant 15 : i32
    %and3A_406 = vector.broadcast %and3A_405 : i32 to vector<16xi32>
    %and3A_407 = arith.andi %get3A_401, %and3A_406 : vector<16xi32>
    tpu.vector_store_idx %arg18[%shift_right_logical3A_404, %and3A_407], %broadcast_in_dim3A_327 {add = true} : memref<640x16xf32, #tpu.memory_space<vmem>>[vector<16xi32>, vector<16xi32>], vector<16xf32>,
    %get3A_408 = arith.constant 0 : i32
    %get3A_409 = arith.index_cast %get3A_408 : i32 to index
    %get3A_410 = arith.constant 96 : index
    %get3A_411 = tpu.vector_load %arg8[%get3A_409, %get3A_410] {strides = array<i32>} : memref<160x128xi32, #tpu.memory_space<vmem>>, vector<16xi32>,
    %shift_right_logical3A_412 = arith.constant 4 : i32
    %shift_right_logical3A_413 = vector.broadcast %shift_right_logical3A_412 : i32 to vector<16xi32>
    %shift_right_logical3A_414 = arith.shrui %get3A_411, %shift_right_logical3A_413 : vector<16xi32>
    %and3A_415 = arith.constant 15 : i32
    %and3A_416 = vector.broadcast %and3A_415 : i32 to vector<16xi32>
    %and3A_417 = arith.andi %get3A_411, %and3A_416 : vector<16xi32>
    tpu.vector_store_idx %arg18[%shift_right_logical3A_414, %and3A_417], %broadcast_in_dim3A_327 {add = true} : memref<640x16xf32, #tpu.memory_space<vmem>>[vector<16xi32>, vector<16xi32>], vector<16xf32>,
    %get3A_418 = arith.constant 0 : i32
    %get3A_419 = arith.index_cast %get3A_418 : i32 to index
    %get3A_420 = arith.constant 112 : index
    %get3A_421 = tpu.vector_load %arg8[%get3A_419, %get3A_420] {strides = array<i32>} : memref<160x128xi32, #tpu.memory_space<vmem>>, vector<16xi32>,
    %shift_right_logical3A_422 = arith.constant 4 : i32
    %shift_right_logical3A_423 = vector.broadcast %shift_right_logical3A_422 : i32 to vector<16xi32>
    %shift_right_logical3A_424 = arith.shrui %get3A_421, %shift_right_logical3A_423 : vector<16xi32>
    %and3A_425 = arith.constant 15 : i32
    %and3A_426 = vector.broadcast %and3A_425 : i32 to vector<16xi32>
    %and3A_427 = arith.andi %get3A_421, %and3A_426 : vector<16xi32>
    tpu.vector_store_idx %arg18[%shift_right_logical3A_424, %and3A_427], %broadcast_in_dim3A_327 {add = true} : memref<640x16xf32, #tpu.memory_space<vmem>>[vector<16xi32>, vector<16xi32>], vector<16xf32>,
    %dma_wait3A = arith.constant 0 : i32
    %dma_wait3A_428 = arith.constant 0 : i32
    %dma_wait3A_429 = arith.constant 0 : i32
    %dma_wait3A_430 = arith.constant 0 : i32
    %dma_wait3A_431 = tpu.memref_slice %arg9[%dma_wait3A_428, %dma_wait3A_429, %dma_wait3A_430] : memref<3x128x64xbf16, #tpu.memory_space<vmem>> -> memref<1x128x64xbf16, #tpu.memory_space<vmem>>
    %dma_wait3A_432 = tpu.memref_squeeze %dma_wait3A_431 : memref<1x128x64xbf16, #tpu.memory_space<vmem>> -> memref<128x64xbf16, #tpu.memory_space<vmem>>
    %dma_wait3A_433 = arith.constant 0 : i32
    %dma_wait3A_434 = tpu.memref_slice %arg7[%dma_wait3A, %dma_wait3A_433] : memref<160x128xi32, #tpu.memory_space<vmem>> -> memref<1x128xi32, #tpu.memory_space<vmem>>
    %dma_wait3A_435 = tpu.memref_squeeze %dma_wait3A_434 : memref<1x128xi32, #tpu.memory_space<vmem>> -> memref<128xi32, #tpu.memory_space<vmem>>
    %dma_wait3A_436 = arith.constant 0 : i32
    %dma_wait3A_437 = arith.constant 0 : i32
    %dma_wait3A_438 = tpu.memref_slice %arg11[%dma_wait3A_436, %dma_wait3A_437] : memref<10000x64xbf16, #tpu.memory_space<vmem_shared>> -> memref<10000x64xbf16, #tpu.memory_space<vmem_shared>>
    tpu.wait_indirect_dma semaphore(%arg12 : memref<!tpu.dma_semaphore, #tpu.memory_space<semaphore_mem>>) src(%dma_wait3A_438 : memref<10000x64xbf16, #tpu.memory_space<vmem_shared>>) dst(%dma_wait3A_432 : memref<128x64xbf16, #tpu.memory_space<vmem>>)
    %dma_start3A_439 = arith.constant 0 : i32
    %dma_start3A_440 = arith.constant 0 : i32
    %dma_start3A_441 = arith.constant 0 : i32
    %dma_start3A_442 = arith.constant 0 : i32
    %dma_start3A_443 = tpu.memref_slice %arg9[%dma_start3A_439, %dma_start3A_441, %dma_start3A_442] : memref<3x128x64xbf16, #tpu.memory_space<vmem>> -> memref<1x128x64xbf16, #tpu.memory_space<vmem>>
    %dma_start3A_444 = tpu.memref_squeeze %dma_start3A_443 : memref<1x128x64xbf16, #tpu.memory_space<vmem>> -> memref<128x64xbf16, #tpu.memory_space<vmem>>
    %dma_start3A_445 = arith.constant 0 : i32
    %dma_start3A_446 = tpu.memref_slice %arg8[%dma_start3A_440, %dma_start3A_445] : memref<160x128xi32, #tpu.memory_space<vmem>> -> memref<1x128xi32, #tpu.memory_space<vmem>>
    %dma_start3A_447 = tpu.memref_squeeze %dma_start3A_446 : memref<1x128xi32, #tpu.memory_space<vmem>> -> memref<128xi32, #tpu.memory_space<vmem>>
    %dma_start3A_448 = arith.constant 0 : i32
    %dma_start3A_449 = arith.constant 0 : i32
    %dma_start3A_450 = tpu.memref_slice %arg10[%dma_start3A_448, %dma_start3A_449] : memref<10016x64xbf16, #tpu.memory_space<vmem_shared>> -> memref<10016x64xbf16, #tpu.memory_space<vmem_shared>>
    tpu.enqueue_indirect_dma source(%dma_start3A_444 : memref<128x64xbf16, #tpu.memory_space<vmem>>) target(%dma_start3A_450 : memref<10016x64xbf16, #tpu.memory_space<vmem_shared>>) offsets(%dma_start3A_447 : memref<128xi32, #tpu.memory_space<vmem>>) semaphore(%arg15 : memref<!tpu.dma_semaphore, #tpu.memory_space<semaphore_mem>>) {add = true}
    %dma_start3A_451 = arith.constant 2 : i32
    %dma_start3A_452 = arith.constant 2 : i32
    %dma_start3A_453 = arith.constant 0 : i32
    %dma_start3A_454 = arith.constant 0 : i32
    %dma_start3A_455 = tpu.memref_slice %arg9[%dma_start3A_452, %dma_start3A_453, %dma_start3A_454] : memref<3x128x64xbf16, #tpu.memory_space<vmem>> -> memref<1x128x64xbf16, #tpu.memory_space<vmem>>
    %dma_start3A_456 = tpu.memref_squeeze %dma_start3A_455 : memref<1x128x64xbf16, #tpu.memory_space<vmem>> -> memref<128x64xbf16, #tpu.memory_space<vmem>>
    %dma_start3A_457 = arith.constant 0 : i32
    %dma_start3A_458 = tpu.memref_slice %arg7[%dma_start3A_451, %dma_start3A_457] : memref<160x128xi32, #tpu.memory_space<vmem>> -> memref<1x128xi32, #tpu.memory_space<vmem>>
    %dma_start3A_459 = tpu.memref_squeeze %dma_start3A_458 : memref<1x128xi32, #tpu.memory_space<vmem>> -> memref<128xi32, #tpu.memory_space<vmem>>
    %dma_start3A_460 = arith.constant 0 : i32
    %dma_start3A_461 = arith.constant 0 : i32
    %dma_start3A_462 = tpu.memref_slice %arg11[%dma_start3A_460, %dma_start3A_461] : memref<10000x64xbf16, #tpu.memory_space<vmem_shared>> -> memref<10000x64xbf16, #tpu.memory_space<vmem_shared>>
    tpu.enqueue_indirect_dma source(%dma_start3A_462 : memref<10000x64xbf16, #tpu.memory_space<vmem_shared>>) target(%dma_start3A_456 : memref<128x64xbf16, #tpu.memory_space<vmem>>) offsets(%dma_start3A_459 : memref<128xi32, #tpu.memory_space<vmem>>) semaphore(%arg14 : memref<!tpu.dma_semaphore, #tpu.memory_space<semaphore_mem>>)
    %scan3A_463 = arith.constant 0 : i32
    %scan3A_464 = arith.constant 0 : i32
    %scan3A_465 = arith.constant 52 : i32
    %scan3A_466 = arith.addi %scan3A_464, %scan3A_465 : i32
    %scan3A_467 = arith.constant 1 : i32
    scf.for %scan3A_856 = %scan3A_464 to %scan3A_466 step %scan3A_467  : i32 {
      %mul3A_857 = arith.constant 3 : i32
      %mul3A_858 = arith.muli %mul3A_857, %scan3A_856 : i32
      %add3A_859 = arith.constant 1 : i32
      %add3A_860 = arith.addi %add3A_859, %mul3A_858 : i32
      %add3A_861 = arith.constant 0 : i32
      %add3A_862 = arith.addi %add3A_860, %add3A_861 : i32
      %get3A_863 = arith.index_cast %add3A_862 : i32 to index
      %get3A_864 = arith.constant 0 : index
      %get3A_865 = tpu.vector_load %arg8[%get3A_863, %get3A_864] {strides = array<i32>} : memref<160x128xi32, #tpu.memory_space<vmem>>, vector<16xi32>,
      %shift_right_logical3A_866 = arith.constant 4 : i32
      %shift_right_logical3A_867 = vector.broadcast %shift_right_logical3A_866 : i32 to vector<16xi32>
      %shift_right_logical3A_868 = arith.shrui %get3A_865, %shift_right_logical3A_867 : vector<16xi32>
      %and3A_869 = arith.constant 15 : i32
      %and3A_870 = vector.broadcast %and3A_869 : i32 to vector<16xi32>
      %and3A_871 = arith.andi %get3A_865, %and3A_870 : vector<16xi32>
      tpu.vector_store_idx %arg18[%shift_right_logical3A_868, %and3A_871], %broadcast_in_dim3A_327 {add = true} : memref<640x16xf32, #tpu.memory_space<vmem>>[vector<16xi32>, vector<16xi32>], vector<16xf32>,
      %get3A_872 = arith.index_cast %add3A_862 : i32 to index
      %get3A_873 = arith.constant 16 : index
      %get3A_874 = tpu.vector_load %arg8[%get3A_872, %get3A_873] {strides = array<i32>} : memref<160x128xi32, #tpu.memory_space<vmem>>, vector<16xi32>,
      %shift_right_logical3A_875 = arith.constant 4 : i32
      %shift_right_logical3A_876 = vector.broadcast %shift_right_logical3A_875 : i32 to vector<16xi32>
      %shift_right_logical3A_877 = arith.shrui %get3A_874, %shift_right_logical3A_876 : vector<16xi32>
      %and3A_878 = arith.constant 15 : i32
      %and3A_879 = vector.broadcast %and3A_878 : i32 to vector<16xi32>
      %and3A_880 = arith.andi %get3A_874, %and3A_879 : vector<16xi32>
      tpu.vector_store_idx %arg18[%shift_right_logical3A_877, %and3A_880], %broadcast_in_dim3A_327 {add = true} : memref<640x16xf32, #tpu.memory_space<vmem>>[vector<16xi32>, vector<16xi32>], vector<16xf32>,
      %get3A_881 = arith.index_cast %add3A_862 : i32 to index
      %get3A_882 = arith.constant 32 : index
      %get3A_883 = tpu.vector_load %arg8[%get3A_881, %get3A_882] {strides = array<i32>} : memref<160x128xi32, #tpu.memory_space<vmem>>, vector<16xi32>,
      %shift_right_logical3A_884 = arith.constant 4 : i32
      %shift_right_logical3A_885 = vector.broadcast %shift_right_logical3A_884 : i32 to vector<16xi32>
      %shift_right_logical3A_886 = arith.shrui %get3A_883, %shift_right_logical3A_885 : vector<16xi32>
      %and3A_887 = arith.constant 15 : i32
      %and3A_888 = vector.broadcast %and3A_887 : i32 to vector<16xi32>
      %and3A_889 = arith.andi %get3A_883, %and3A_888 : vector<16xi32>
      tpu.vector_store_idx %arg18[%shift_right_logical3A_886, %and3A_889], %broadcast_in_dim3A_327 {add = true} : memref<640x16xf32, #tpu.memory_space<vmem>>[vector<16xi32>, vector<16xi32>], vector<16xf32>,
      %get3A_890 = arith.index_cast %add3A_862 : i32 to index
      %get3A_891 = arith.constant 48 : index
      %get3A_892 = tpu.vector_load %arg8[%get3A_890, %get3A_891] {strides = array<i32>} : memref<160x128xi32, #tpu.memory_space<vmem>>, vector<16xi32>,
      %shift_right_logical3A_893 = arith.constant 4 : i32
      %shift_right_logical3A_894 = vector.broadcast %shift_right_logical3A_893 : i32 to vector<16xi32>
      %shift_right_logical3A_895 = arith.shrui %get3A_892, %shift_right_logical3A_894 : vector<16xi32>
      %and3A_896 = arith.constant 15 : i32
      %and3A_897 = vector.broadcast %and3A_896 : i32 to vector<16xi32>
      %and3A_898 = arith.andi %get3A_892, %and3A_897 : vector<16xi32>
      tpu.vector_store_idx %arg18[%shift_right_logical3A_895, %and3A_898], %broadcast_in_dim3A_327 {add = true} : memref<640x16xf32, #tpu.memory_space<vmem>>[vector<16xi32>, vector<16xi32>], vector<16xf32>,
      %get3A_899 = arith.index_cast %add3A_862 : i32 to index
      %get3A_900 = arith.constant 64 : index
      %get3A_901 = tpu.vector_load %arg8[%get3A_899, %get3A_900] {strides = array<i32>} : memref<160x128xi32, #tpu.memory_space<vmem>>, vector<16xi32>,
      %shift_right_logical3A_902 = arith.constant 4 : i32
      %shift_right_logical3A_903 = vector.broadcast %shift_right_logical3A_902 : i32 to vector<16xi32>
      %shift_right_logical3A_904 = arith.shrui %get3A_901, %shift_right_logical3A_903 : vector<16xi32>
      %and3A_905 = arith.constant 15 : i32
      %and3A_906 = vector.broadcast %and3A_905 : i32 to vector<16xi32>
      %and3A_907 = arith.andi %get3A_901, %and3A_906 : vector<16xi32>
      tpu.vector_store_idx %arg18[%shift_right_logical3A_904, %and3A_907], %broadcast_in_dim3A_327 {add = true} : memref<640x16xf32, #tpu.memory_space<vmem>>[vector<16xi32>, vector<16xi32>], vector<16xf32>,
      %get3A_908 = arith.index_cast %add3A_862 : i32 to index
      %get3A_909 = arith.constant 80 : index
      %get3A_910 = tpu.vector_load %arg8[%get3A_908, %get3A_909] {strides = array<i32>} : memref<160x128xi32, #tpu.memory_space<vmem>>, vector<16xi32>,
      %shift_right_logical3A_911 = arith.constant 4 : i32
      %shift_right_logical3A_912 = vector.broadcast %shift_right_logical3A_911 : i32 to vector<16xi32>
      %shift_right_logical3A_913 = arith.shrui %get3A_910, %shift_right_logical3A_912 : vector<16xi32>
      %and3A_914 = arith.constant 15 : i32
      %and3A_915 = vector.broadcast %and3A_914 : i32 to vector<16xi32>
      %and3A_916 = arith.andi %get3A_910, %and3A_915 : vector<16xi32>
      tpu.vector_store_idx %arg18[%shift_right_logical3A_913, %and3A_916], %broadcast_in_dim3A_327 {add = true} : memref<640x16xf32, #tpu.memory_space<vmem>>[vector<16xi32>, vector<16xi32>], vector<16xf32>,
      %get3A_917 = arith.index_cast %add3A_862 : i32 to index
      %get3A_918 = arith.constant 96 : index
      %get3A_919 = tpu.vector_load %arg8[%get3A_917, %get3A_918] {strides = array<i32>} : memref<160x128xi32, #tpu.memory_space<vmem>>, vector<16xi32>,
      %shift_right_logical3A_920 = arith.constant 4 : i32
      %shift_right_logical3A_921 = vector.broadcast %shift_right_logical3A_920 : i32 to vector<16xi32>
      %shift_right_logical3A_922 = arith.shrui %get3A_919, %shift_right_logical3A_921 : vector<16xi32>
      %and3A_923 = arith.constant 15 : i32
      %and3A_924 = vector.broadcast %and3A_923 : i32 to vector<16xi32>
      %and3A_925 = arith.andi %get3A_919, %and3A_924 : vector<16xi32>
      tpu.vector_store_idx %arg18[%shift_right_logical3A_922, %and3A_925], %broadcast_in_dim3A_327 {add = true} : memref<640x16xf32, #tpu.memory_space<vmem>>[vector<16xi32>, vector<16xi32>], vector<16xf32>,
      %get3A_926 = arith.index_cast %add3A_862 : i32 to index
      %get3A_927 = arith.constant 112 : index
      %get3A_928 = tpu.vector_load %arg8[%get3A_926, %get3A_927] {strides = array<i32>} : memref<160x128xi32, #tpu.memory_space<vmem>>, vector<16xi32>,
      %shift_right_logical3A_929 = arith.constant 4 : i32
      %shift_right_logical3A_930 = vector.broadcast %shift_right_logical3A_929 : i32 to vector<16xi32>
      %shift_right_logical3A_931 = arith.shrui %get3A_928, %shift_right_logical3A_930 : vector<16xi32>
      %and3A_932 = arith.constant 15 : i32
      %and3A_933 = vector.broadcast %and3A_932 : i32 to vector<16xi32>
      %and3A_934 = arith.andi %get3A_928, %and3A_933 : vector<16xi32>
      tpu.vector_store_idx %arg18[%shift_right_logical3A_931, %and3A_934], %broadcast_in_dim3A_327 {add = true} : memref<640x16xf32, #tpu.memory_space<vmem>>[vector<16xi32>, vector<16xi32>], vector<16xf32>,
      %sub3A = arith.constant 1 : i32
      %sub3A_935 = arith.subi %add3A_862, %sub3A : i32
      %dma_wait3A_936 = arith.constant 0 : i32
      %dma_wait3A_937 = arith.constant 0 : i32
      %dma_wait3A_938 = arith.constant 0 : i32
      %dma_wait3A_939 = tpu.memref_slice %arg9[%dma_wait3A_936, %dma_wait3A_937, %dma_wait3A_938] : memref<3x128x64xbf16, #tpu.memory_space<vmem>> -> memref<1x128x64xbf16, #tpu.memory_space<vmem>>
      %dma_wait3A_940 = tpu.memref_squeeze %dma_wait3A_939 : memref<1x128x64xbf16, #tpu.memory_space<vmem>> -> memref<128x64xbf16, #tpu.memory_space<vmem>>
      %dma_wait3A_941 = arith.constant 0 : i32
      %dma_wait3A_942 = tpu.memref_slice %arg8[%sub3A_935, %dma_wait3A_941] : memref<160x128xi32, #tpu.memory_space<vmem>> -> memref<1x128xi32, #tpu.memory_space<vmem>>
      %dma_wait3A_943 = tpu.memref_squeeze %dma_wait3A_942 : memref<1x128xi32, #tpu.memory_space<vmem>> -> memref<128xi32, #tpu.memory_space<vmem>>
      %dma_wait3A_944 = arith.constant 0 : i32
      %dma_wait3A_945 = arith.constant 0 : i32
      %dma_wait3A_946 = tpu.memref_slice %arg10[%dma_wait3A_944, %dma_wait3A_945] : memref<10016x64xbf16, #tpu.memory_space<vmem_shared>> -> memref<10016x64xbf16, #tpu.memory_space<vmem_shared>>
      tpu.wait_indirect_dma semaphore(%arg15 : memref<!tpu.dma_semaphore, #tpu.memory_space<semaphore_mem>>) src(%dma_wait3A_940 : memref<128x64xbf16, #tpu.memory_space<vmem>>) dst(%dma_wait3A_946 : memref<10016x64xbf16, #tpu.memory_space<vmem_shared>>)
      %dma_wait3A_947 = arith.constant 1 : i32
      %dma_wait3A_948 = arith.constant 0 : i32
      %dma_wait3A_949 = arith.constant 0 : i32
      %dma_wait3A_950 = tpu.memref_slice %arg9[%dma_wait3A_947, %dma_wait3A_948, %dma_wait3A_949] : memref<3x128x64xbf16, #tpu.memory_space<vmem>> -> memref<1x128x64xbf16, #tpu.memory_space<vmem>>
      %dma_wait3A_951 = tpu.memref_squeeze %dma_wait3A_950 : memref<1x128x64xbf16, #tpu.memory_space<vmem>> -> memref<128x64xbf16, #tpu.memory_space<vmem>>
      %dma_wait3A_952 = arith.constant 0 : i32
      %dma_wait3A_953 = tpu.memref_slice %arg7[%add3A_862, %dma_wait3A_952] : memref<160x128xi32, #tpu.memory_space<vmem>> -> memref<1x128xi32, #tpu.memory_space<vmem>>
      %dma_wait3A_954 = tpu.memref_squeeze %dma_wait3A_953 : memref<1x128xi32, #tpu.memory_space<vmem>> -> memref<128xi32, #tpu.memory_space<vmem>>
      %dma_wait3A_955 = arith.constant 0 : i32
      %dma_wait3A_956 = arith.constant 0 : i32
      %dma_wait3A_957 = tpu.memref_slice %arg11[%dma_wait3A_955, %dma_wait3A_956] : memref<10000x64xbf16, #tpu.memory_space<vmem_shared>> -> memref<10000x64xbf16, #tpu.memory_space<vmem_shared>>
      tpu.wait_indirect_dma semaphore(%arg13 : memref<!tpu.dma_semaphore, #tpu.memory_space<semaphore_mem>>) src(%dma_wait3A_957 : memref<10000x64xbf16, #tpu.memory_space<vmem_shared>>) dst(%dma_wait3A_951 : memref<128x64xbf16, #tpu.memory_space<vmem>>)
      %dma_start3A_958 = arith.constant 1 : i32
      %dma_start3A_959 = arith.constant 0 : i32
      %dma_start3A_960 = arith.constant 0 : i32
      %dma_start3A_961 = tpu.memref_slice %arg9[%dma_start3A_958, %dma_start3A_959, %dma_start3A_960] : memref<3x128x64xbf16, #tpu.memory_space<vmem>> -> memref<1x128x64xbf16, #tpu.memory_space<vmem>>
      %dma_start3A_962 = tpu.memref_squeeze %dma_start3A_961 : memref<1x128x64xbf16, #tpu.memory_space<vmem>> -> memref<128x64xbf16, #tpu.memory_space<vmem>>
      %dma_start3A_963 = arith.constant 0 : i32
      %dma_start3A_964 = tpu.memref_slice %arg8[%add3A_862, %dma_start3A_963] : memref<160x128xi32, #tpu.memory_space<vmem>> -> memref<1x128xi32, #tpu.memory_space<vmem>>
      %dma_start3A_965 = tpu.memref_squeeze %dma_start3A_964 : memref<1x128xi32, #tpu.memory_space<vmem>> -> memref<128xi32, #tpu.memory_space<vmem>>
      %dma_start3A_966 = arith.constant 0 : i32
      %dma_start3A_967 = arith.constant 0 : i32
      %dma_start3A_968 = tpu.memref_slice %arg10[%dma_start3A_966, %dma_start3A_967] : memref<10016x64xbf16, #tpu.memory_space<vmem_shared>> -> memref<10016x64xbf16, #tpu.memory_space<vmem_shared>>
      tpu.enqueue_indirect_dma source(%dma_start3A_962 : memref<128x64xbf16, #tpu.memory_space<vmem>>) target(%dma_start3A_968 : memref<10016x64xbf16, #tpu.memory_space<vmem_shared>>) offsets(%dma_start3A_965 : memref<128xi32, #tpu.memory_space<vmem>>) semaphore(%arg16 : memref<!tpu.dma_semaphore, #tpu.memory_space<semaphore_mem>>) {add = true}
      %add3A_969 = arith.constant 2 : i32
      %add3A_970 = arith.addi %add3A_862, %add3A_969 : i32
      %dma_start3A_971 = arith.constant 0 : i32
      %dma_start3A_972 = arith.constant 0 : i32
      %dma_start3A_973 = arith.constant 0 : i32
      %dma_start3A_974 = tpu.memref_slice %arg9[%dma_start3A_971, %dma_start3A_972, %dma_start3A_973] : memref<3x128x64xbf16, #tpu.memory_space<vmem>> -> memref<1x128x64xbf16, #tpu.memory_space<vmem>>
      %dma_start3A_975 = tpu.memref_squeeze %dma_start3A_974 : memref<1x128x64xbf16, #tpu.memory_space<vmem>> -> memref<128x64xbf16, #tpu.memory_space<vmem>>
      %dma_start3A_976 = arith.constant 0 : i32
      %dma_start3A_977 = tpu.memref_slice %arg7[%add3A_970, %dma_start3A_976] : memref<160x128xi32, #tpu.memory_space<vmem>> -> memref<1x128xi32, #tpu.memory_space<vmem>>
      %dma_start3A_978 = tpu.memref_squeeze %dma_start3A_977 : memref<1x128xi32, #tpu.memory_space<vmem>> -> memref<128xi32, #tpu.memory_space<vmem>>
      %dma_start3A_979 = arith.constant 0 : i32
      %dma_start3A_980 = arith.constant 0 : i32
      %dma_start3A_981 = tpu.memref_slice %arg11[%dma_start3A_979, %dma_start3A_980] : memref<10000x64xbf16, #tpu.memory_space<vmem_shared>> -> memref<10000x64xbf16, #tpu.memory_space<vmem_shared>>
      tpu.enqueue_indirect_dma source(%dma_start3A_981 : memref<10000x64xbf16, #tpu.memory_space<vmem_shared>>) target(%dma_start3A_975 : memref<128x64xbf16, #tpu.memory_space<vmem>>) offsets(%dma_start3A_978 : memref<128xi32, #tpu.memory_space<vmem>>) semaphore(%arg12 : memref<!tpu.dma_semaphore, #tpu.memory_space<semaphore_mem>>)
      %mul3A_982 = arith.constant 3 : i32
      %mul3A_983 = arith.muli %mul3A_982, %scan3A_856 : i32
      %add3A_984 = arith.constant 1 : i32
      %add3A_985 = arith.addi %add3A_984, %mul3A_983 : i32
      %add3A_986 = arith.constant 1 : i32
      %add3A_987 = arith.addi %add3A_985, %add3A_986 : i32
      %get3A_988 = arith.index_cast %add3A_987 : i32 to index
      %get3A_989 = arith.constant 0 : index
      %get3A_990 = tpu.vector_load %arg8[%get3A_988, %get3A_989] {strides = array<i32>} : memref<160x128xi32, #tpu.memory_space<vmem>>, vector<16xi32>,
      %shift_right_logical3A_991 = arith.constant 4 : i32
      %shift_right_logical3A_992 = vector.broadcast %shift_right_logical3A_991 : i32 to vector<16xi32>
      %shift_right_logical3A_993 = arith.shrui %get3A_990, %shift_right_logical3A_992 : vector<16xi32>
      %and3A_994 = arith.constant 15 : i32
      %and3A_995 = vector.broadcast %and3A_994 : i32 to vector<16xi32>
      %and3A_996 = arith.andi %get3A_990, %and3A_995 : vector<16xi32>
      tpu.vector_store_idx %arg18[%shift_right_logical3A_993, %and3A_996], %broadcast_in_dim3A_327 {add = true} : memref<640x16xf32, #tpu.memory_space<vmem>>[vector<16xi32>, vector<16xi32>], vector<16xf32>,
      %get3A_997 = arith.index_cast %add3A_987 : i32 to index
      %get3A_998 = arith.constant 16 : index
      %get3A_999 = tpu.vector_load %arg8[%get3A_997, %get3A_998] {strides = array<i32>} : memref<160x128xi32, #tpu.memory_space<vmem>>, vector<16xi32>,
      %shift_right_logical3A_1000 = arith.constant 4 : i32
      %shift_right_logical3A_1001 = vector.broadcast %shift_right_logical3A_1000 : i32 to vector<16xi32>
      %shift_right_logical3A_1002 = arith.shrui %get3A_999, %shift_right_logical3A_1001 : vector<16xi32>
      %and3A_1003 = arith.constant 15 : i32
      %and3A_1004 = vector.broadcast %and3A_1003 : i32 to vector<16xi32>
      %and3A_1005 = arith.andi %get3A_999, %and3A_1004 : vector<16xi32>
      tpu.vector_store_idx %arg18[%shift_right_logical3A_1002, %and3A_1005], %broadcast_in_dim3A_327 {add = true} : memref<640x16xf32, #tpu.memory_space<vmem>>[vector<16xi32>, vector<16xi32>], vector<16xf32>,
      %get3A_1006 = arith.index_cast %add3A_987 : i32 to index
      %get3A_1007 = arith.constant 32 : index
      %get3A_1008 = tpu.vector_load %arg8[%get3A_1006, %get3A_1007] {strides = array<i32>} : memref<160x128xi32, #tpu.memory_space<vmem>>, vector<16xi32>,
      %shift_right_logical3A_1009 = arith.constant 4 : i32
      %shift_right_logical3A_1010 = vector.broadcast %shift_right_logical3A_1009 : i32 to vector<16xi32>
      %shift_right_logical3A_1011 = arith.shrui %get3A_1008, %shift_right_logical3A_1010 : vector<16xi32>
      %and3A_1012 = arith.constant 15 : i32
      %and3A_1013 = vector.broadcast %and3A_1012 : i32 to vector<16xi32>
      %and3A_1014 = arith.andi %get3A_1008, %and3A_1013 : vector<16xi32>
      tpu.vector_store_idx %arg18[%shift_right_logical3A_1011, %and3A_1014], %broadcast_in_dim3A_327 {add = true} : memref<640x16xf32, #tpu.memory_space<vmem>>[vector<16xi32>, vector<16xi32>], vector<16xf32>,
      %get3A_1015 = arith.index_cast %add3A_987 : i32 to index
      %get3A_1016 = arith.constant 48 : index
      %get3A_1017 = tpu.vector_load %arg8[%get3A_1015, %get3A_1016] {strides = array<i32>} : memref<160x128xi32, #tpu.memory_space<vmem>>, vector<16xi32>,
      %shift_right_logical3A_1018 = arith.constant 4 : i32
      %shift_right_logical3A_1019 = vector.broadcast %shift_right_logical3A_1018 : i32 to vector<16xi32>
      %shift_right_logical3A_1020 = arith.shrui %get3A_1017, %shift_right_logical3A_1019 : vector<16xi32>
      %and3A_1021 = arith.constant 15 : i32
      %and3A_1022 = vector.broadcast %and3A_1021 : i32 to vector<16xi32>
      %and3A_1023 = arith.andi %get3A_1017, %and3A_1022 : vector<16xi32>
      tpu.vector_store_idx %arg18[%shift_right_logical3A_1020, %and3A_1023], %broadcast_in_dim3A_327 {add = true} : memref<640x16xf32, #tpu.memory_space<vmem>>[vector<16xi32>, vector<16xi32>], vector<16xf32>,
      %get3A_1024 = arith.index_cast %add3A_987 : i32 to index
      %get3A_1025 = arith.constant 64 : index
      %get3A_1026 = tpu.vector_load %arg8[%get3A_1024, %get3A_1025] {strides = array<i32>} : memref<160x128xi32, #tpu.memory_space<vmem>>, vector<16xi32>,
      %shift_right_logical3A_1027 = arith.constant 4 : i32
      %shift_right_logical3A_1028 = vector.broadcast %shift_right_logical3A_1027 : i32 to vector<16xi32>
      %shift_right_logical3A_1029 = arith.shrui %get3A_1026, %shift_right_logical3A_1028 : vector<16xi32>
      %and3A_1030 = arith.constant 15 : i32
      %and3A_1031 = vector.broadcast %and3A_1030 : i32 to vector<16xi32>
      %and3A_1032 = arith.andi %get3A_1026, %and3A_1031 : vector<16xi32>
      tpu.vector_store_idx %arg18[%shift_right_logical3A_1029, %and3A_1032], %broadcast_in_dim3A_327 {add = true} : memref<640x16xf32, #tpu.memory_space<vmem>>[vector<16xi32>, vector<16xi32>], vector<16xf32>,
      %get3A_1033 = arith.index_cast %add3A_987 : i32 to index
      %get3A_1034 = arith.constant 80 : index
      %get3A_1035 = tpu.vector_load %arg8[%get3A_1033, %get3A_1034] {strides = array<i32>} : memref<160x128xi32, #tpu.memory_space<vmem>>, vector<16xi32>,
      %shift_right_logical3A_1036 = arith.constant 4 : i32
      %shift_right_logical3A_1037 = vector.broadcast %shift_right_logical3A_1036 : i32 to vector<16xi32>
      %shift_right_logical3A_1038 = arith.shrui %get3A_1035, %shift_right_logical3A_1037 : vector<16xi32>
      %and3A_1039 = arith.constant 15 : i32
      %and3A_1040 = vector.broadcast %and3A_1039 : i32 to vector<16xi32>
      %and3A_1041 = arith.andi %get3A_1035, %and3A_1040 : vector<16xi32>
      tpu.vector_store_idx %arg18[%shift_right_logical3A_1038, %and3A_1041], %broadcast_in_dim3A_327 {add = true} : memref<640x16xf32, #tpu.memory_space<vmem>>[vector<16xi32>, vector<16xi32>], vector<16xf32>,
      %get3A_1042 = arith.index_cast %add3A_987 : i32 to index
      %get3A_1043 = arith.constant 96 : index
      %get3A_1044 = tpu.vector_load %arg8[%get3A_1042, %get3A_1043] {strides = array<i32>} : memref<160x128xi32, #tpu.memory_space<vmem>>, vector<16xi32>,
      %shift_right_logical3A_1045 = arith.constant 4 : i32
      %shift_right_logical3A_1046 = vector.broadcast %shift_right_logical3A_1045 : i32 to vector<16xi32>
      %shift_right_logical3A_1047 = arith.shrui %get3A_1044, %shift_right_logical3A_1046 : vector<16xi32>
      %and3A_1048 = arith.constant 15 : i32
      %and3A_1049 = vector.broadcast %and3A_1048 : i32 to vector<16xi32>
      %and3A_1050 = arith.andi %get3A_1044, %and3A_1049 : vector<16xi32>
      tpu.vector_store_idx %arg18[%shift_right_logical3A_1047, %and3A_1050], %broadcast_in_dim3A_327 {add = true} : memref<640x16xf32, #tpu.memory_space<vmem>>[vector<16xi32>, vector<16xi32>], vector<16xf32>,
      %get3A_1051 = arith.index_cast %add3A_987 : i32 to index
      %get3A_1052 = arith.constant 112 : index
      %get3A_1053 = tpu.vector_load %arg8[%get3A_1051, %get3A_1052] {strides = array<i32>} : memref<160x128xi32, #tpu.memory_space<vmem>>, vector<16xi32>,
      %shift_right_logical3A_1054 = arith.constant 4 : i32
      %shift_right_logical3A_1055 = vector.broadcast %shift_right_logical3A_1054 : i32 to vector<16xi32>
      %shift_right_logical3A_1056 = arith.shrui %get3A_1053, %shift_right_logical3A_1055 : vector<16xi32>
      %and3A_1057 = arith.constant 15 : i32
      %and3A_1058 = vector.broadcast %and3A_1057 : i32 to vector<16xi32>
      %and3A_1059 = arith.andi %get3A_1053, %and3A_1058 : vector<16xi32>
      tpu.vector_store_idx %arg18[%shift_right_logical3A_1056, %and3A_1059], %broadcast_in_dim3A_327 {add = true} : memref<640x16xf32, #tpu.memory_space<vmem>>[vector<16xi32>, vector<16xi32>], vector<16xf32>,
      %sub3A_1060 = arith.constant 1 : i32
      %sub3A_1061 = arith.subi %add3A_987, %sub3A_1060 : i32
      %dma_wait3A_1062 = arith.constant 1 : i32
      %dma_wait3A_1063 = arith.constant 0 : i32
      %dma_wait3A_1064 = arith.constant 0 : i32
      %dma_wait3A_1065 = tpu.memref_slice %arg9[%dma_wait3A_1062, %dma_wait3A_1063, %dma_wait3A_1064] : memref<3x128x64xbf16, #tpu.memory_space<vmem>> -> memref<1x128x64xbf16, #tpu.memory_space<vmem>>
      %dma_wait3A_1066 = tpu.memref_squeeze %dma_wait3A_1065 : memref<1x128x64xbf16, #tpu.memory_space<vmem>> -> memref<128x64xbf16, #tpu.memory_space<vmem>>
      %dma_wait3A_1067 = arith.constant 0 : i32
      %dma_wait3A_1068 = tpu.memref_slice %arg8[%sub3A_1061, %dma_wait3A_1067] : memref<160x128xi32, #tpu.memory_space<vmem>> -> memref<1x128xi32, #tpu.memory_space<vmem>>
      %dma_wait3A_1069 = tpu.memref_squeeze %dma_wait3A_1068 : memref<1x128xi32, #tpu.memory_space<vmem>> -> memref<128xi32, #tpu.memory_space<vmem>>
      %dma_wait3A_1070 = arith.constant 0 : i32
      %dma_wait3A_1071 = arith.constant 0 : i32
      %dma_wait3A_1072 = tpu.memref_slice %arg10[%dma_wait3A_1070, %dma_wait3A_1071] : memref<10016x64xbf16, #tpu.memory_space<vmem_shared>> -> memref<10016x64xbf16, #tpu.memory_space<vmem_shared>>
      tpu.wait_indirect_dma semaphore(%arg16 : memref<!tpu.dma_semaphore, #tpu.memory_space<semaphore_mem>>) src(%dma_wait3A_1066 : memref<128x64xbf16, #tpu.memory_space<vmem>>) dst(%dma_wait3A_1072 : memref<10016x64xbf16, #tpu.memory_space<vmem_shared>>)
      %dma_wait3A_1073 = arith.constant 2 : i32
      %dma_wait3A_1074 = arith.constant 0 : i32
      %dma_wait3A_1075 = arith.constant 0 : i32
      %dma_wait3A_1076 = tpu.memref_slice %arg9[%dma_wait3A_1073, %dma_wait3A_1074, %dma_wait3A_1075] : memref<3x128x64xbf16, #tpu.memory_space<vmem>> -> memref<1x128x64xbf16, #tpu.memory_space<vmem>>
      %dma_wait3A_1077 = tpu.memref_squeeze %dma_wait3A_1076 : memref<1x128x64xbf16, #tpu.memory_space<vmem>> -> memref<128x64xbf16, #tpu.memory_space<vmem>>
      %dma_wait3A_1078 = arith.constant 0 : i32
      %dma_wait3A_1079 = tpu.memref_slice %arg7[%add3A_987, %dma_wait3A_1078] : memref<160x128xi32, #tpu.memory_space<vmem>> -> memref<1x128xi32, #tpu.memory_space<vmem>>
      %dma_wait3A_1080 = tpu.memref_squeeze %dma_wait3A_1079 : memref<1x128xi32, #tpu.memory_space<vmem>> -> memref<128xi32, #tpu.memory_space<vmem>>
      %dma_wait3A_1081 = arith.constant 0 : i32
      %dma_wait3A_1082 = arith.constant 0 : i32
      %dma_wait3A_1083 = tpu.memref_slice %arg11[%dma_wait3A_1081, %dma_wait3A_1082] : memref<10000x64xbf16, #tpu.memory_space<vmem_shared>> -> memref<10000x64xbf16, #tpu.memory_space<vmem_shared>>
      tpu.wait_indirect_dma semaphore(%arg14 : memref<!tpu.dma_semaphore, #tpu.memory_space<semaphore_mem>>) src(%dma_wait3A_1083 : memref<10000x64xbf16, #tpu.memory_space<vmem_shared>>) dst(%dma_wait3A_1077 : memref<128x64xbf16, #tpu.memory_space<vmem>>)
      %dma_start3A_1084 = arith.constant 2 : i32
      %dma_start3A_1085 = arith.constant 0 : i32
      %dma_start3A_1086 = arith.constant 0 : i32
      %dma_start3A_1087 = tpu.memref_slice %arg9[%dma_start3A_1084, %dma_start3A_1085, %dma_start3A_1086] : memref<3x128x64xbf16, #tpu.memory_space<vmem>> -> memref<1x128x64xbf16, #tpu.memory_space<vmem>>
      %dma_start3A_1088 = tpu.memref_squeeze %dma_start3A_1087 : memref<1x128x64xbf16, #tpu.memory_space<vmem>> -> memref<128x64xbf16, #tpu.memory_space<vmem>>
      %dma_start3A_1089 = arith.constant 0 : i32
      %dma_start3A_1090 = tpu.memref_slice %arg8[%add3A_987, %dma_start3A_1089] : memref<160x128xi32, #tpu.memory_space<vmem>> -> memref<1x128xi32, #tpu.memory_space<vmem>>
      %dma_start3A_1091 = tpu.memref_squeeze %dma_start3A_1090 : memref<1x128xi32, #tpu.memory_space<vmem>> -> memref<128xi32, #tpu.memory_space<vmem>>
      %dma_start3A_1092 = arith.constant 0 : i32
      %dma_start3A_1093 = arith.constant 0 : i32
      %dma_start3A_1094 = tpu.memref_slice %arg10[%dma_start3A_1092, %dma_start3A_1093] : memref<10016x64xbf16, #tpu.memory_space<vmem_shared>> -> memref<10016x64xbf16, #tpu.memory_space<vmem_shared>>
      tpu.enqueue_indirect_dma source(%dma_start3A_1088 : memref<128x64xbf16, #tpu.memory_space<vmem>>) target(%dma_start3A_1094 : memref<10016x64xbf16, #tpu.memory_space<vmem_shared>>) offsets(%dma_start3A_1091 : memref<128xi32, #tpu.memory_space<vmem>>) semaphore(%arg17 : memref<!tpu.dma_semaphore, #tpu.memory_space<semaphore_mem>>) {add = true}
      %add3A_1095 = arith.constant 2 : i32
      %add3A_1096 = arith.addi %add3A_987, %add3A_1095 : i32
      %dma_start3A_1097 = arith.constant 1 : i32
      %dma_start3A_1098 = arith.constant 0 : i32
      %dma_start3A_1099 = arith.constant 0 : i32
      %dma_start3A_1100 = tpu.memref_slice %arg9[%dma_start3A_1097, %dma_start3A_1098, %dma_start3A_1099] : memref<3x128x64xbf16, #tpu.memory_space<vmem>> -> memref<1x128x64xbf16, #tpu.memory_space<vmem>>
      %dma_start3A_1101 = tpu.memref_squeeze %dma_start3A_1100 : memref<1x128x64xbf16, #tpu.memory_space<vmem>> -> memref<128x64xbf16, #tpu.memory_space<vmem>>
      %dma_start3A_1102 = arith.constant 0 : i32
      %dma_start3A_1103 = tpu.memref_slice %arg7[%add3A_1096, %dma_start3A_1102] : memref<160x128xi32, #tpu.memory_space<vmem>> -> memref<1x128xi32, #tpu.memory_space<vmem>>
      %dma_start3A_1104 = tpu.memref_squeeze %dma_start3A_1103 : memref<1x128xi32, #tpu.memory_space<vmem>> -> memref<128xi32, #tpu.memory_space<vmem>>
      %dma_start3A_1105 = arith.constant 0 : i32
      %dma_start3A_1106 = arith.constant 0 : i32
      %dma_start3A_1107 = tpu.memref_slice %arg11[%dma_start3A_1105, %dma_start3A_1106] : memref<10000x64xbf16, #tpu.memory_space<vmem_shared>> -> memref<10000x64xbf16, #tpu.memory_space<vmem_shared>>
      tpu.enqueue_indirect_dma source(%dma_start3A_1107 : memref<10000x64xbf16, #tpu.memory_space<vmem_shared>>) target(%dma_start3A_1101 : memref<128x64xbf16, #tpu.memory_space<vmem>>) offsets(%dma_start3A_1104 : memref<128xi32, #tpu.memory_space<vmem>>) semaphore(%arg13 : memref<!tpu.dma_semaphore, #tpu.memory_space<semaphore_mem>>)
      %mul3A_1108 = arith.constant 3 : i32
      %mul3A_1109 = arith.muli %mul3A_1108, %scan3A_856 : i32
      %add3A_1110 = arith.constant 1 : i32
      %add3A_1111 = arith.addi %add3A_1110, %mul3A_1109 : i32
      %add3A_1112 = arith.constant 2 : i32
      %add3A_1113 = arith.addi %add3A_1111, %add3A_1112 : i32
      %get3A_1114 = arith.index_cast %add3A_1113 : i32 to index
      %get3A_1115 = arith.constant 0 : index
      %get3A_1116 = tpu.vector_load %arg8[%get3A_1114, %get3A_1115] {strides = array<i32>} : memref<160x128xi32, #tpu.memory_space<vmem>>, vector<16xi32>,
      %shift_right_logical3A_1117 = arith.constant 4 : i32
      %shift_right_logical3A_1118 = vector.broadcast %shift_right_logical3A_1117 : i32 to vector<16xi32>
      %shift_right_logical3A_1119 = arith.shrui %get3A_1116, %shift_right_logical3A_1118 : vector<16xi32>
      %and3A_1120 = arith.constant 15 : i32
      %and3A_1121 = vector.broadcast %and3A_1120 : i32 to vector<16xi32>
      %and3A_1122 = arith.andi %get3A_1116, %and3A_1121 : vector<16xi32>
      tpu.vector_store_idx %arg18[%shift_right_logical3A_1119, %and3A_1122], %broadcast_in_dim3A_327 {add = true} : memref<640x16xf32, #tpu.memory_space<vmem>>[vector<16xi32>, vector<16xi32>], vector<16xf32>,
      %get3A_1123 = arith.index_cast %add3A_1113 : i32 to index
      %get3A_1124 = arith.constant 16 : index
      %get3A_1125 = tpu.vector_load %arg8[%get3A_1123, %get3A_1124] {strides = array<i32>} : memref<160x128xi32, #tpu.memory_space<vmem>>, vector<16xi32>,
      %shift_right_logical3A_1126 = arith.constant 4 : i32
      %shift_right_logical3A_1127 = vector.broadcast %shift_right_logical3A_1126 : i32 to vector<16xi32>
      %shift_right_logical3A_1128 = arith.shrui %get3A_1125, %shift_right_logical3A_1127 : vector<16xi32>
      %and3A_1129 = arith.constant 15 : i32
      %and3A_1130 = vector.broadcast %and3A_1129 : i32 to vector<16xi32>
      %and3A_1131 = arith.andi %get3A_1125, %and3A_1130 : vector<16xi32>
      tpu.vector_store_idx %arg18[%shift_right_logical3A_1128, %and3A_1131], %broadcast_in_dim3A_327 {add = true} : memref<640x16xf32, #tpu.memory_space<vmem>>[vector<16xi32>, vector<16xi32>], vector<16xf32>,
      %get3A_1132 = arith.index_cast %add3A_1113 : i32 to index
      %get3A_1133 = arith.constant 32 : index
      %get3A_1134 = tpu.vector_load %arg8[%get3A_1132, %get3A_1133] {strides = array<i32>} : memref<160x128xi32, #tpu.memory_space<vmem>>, vector<16xi32>,
      %shift_right_logical3A_1135 = arith.constant 4 : i32
      %shift_right_logical3A_1136 = vector.broadcast %shift_right_logical3A_1135 : i32 to vector<16xi32>
      %shift_right_logical3A_1137 = arith.shrui %get3A_1134, %shift_right_logical3A_1136 : vector<16xi32>
      %and3A_1138 = arith.constant 15 : i32
      %and3A_1139 = vector.broadcast %and3A_1138 : i32 to vector<16xi32>
      %and3A_1140 = arith.andi %get3A_1134, %and3A_1139 : vector<16xi32>
      tpu.vector_store_idx %arg18[%shift_right_logical3A_1137, %and3A_1140], %broadcast_in_dim3A_327 {add = true} : memref<640x16xf32, #tpu.memory_space<vmem>>[vector<16xi32>, vector<16xi32>], vector<16xf32>,
      %get3A_1141 = arith.index_cast %add3A_1113 : i32 to index
      %get3A_1142 = arith.constant 48 : index
      %get3A_1143 = tpu.vector_load %arg8[%get3A_1141, %get3A_1142] {strides = array<i32>} : memref<160x128xi32, #tpu.memory_space<vmem>>, vector<16xi32>,
      %shift_right_logical3A_1144 = arith.constant 4 : i32
      %shift_right_logical3A_1145 = vector.broadcast %shift_right_logical3A_1144 : i32 to vector<16xi32>
      %shift_right_logical3A_1146 = arith.shrui %get3A_1143, %shift_right_logical3A_1145 : vector<16xi32>
      %and3A_1147 = arith.constant 15 : i32
      %and3A_1148 = vector.broadcast %and3A_1147 : i32 to vector<16xi32>
      %and3A_1149 = arith.andi %get3A_1143, %and3A_1148 : vector<16xi32>
      tpu.vector_store_idx %arg18[%shift_right_logical3A_1146, %and3A_1149], %broadcast_in_dim3A_327 {add = true} : memref<640x16xf32, #tpu.memory_space<vmem>>[vector<16xi32>, vector<16xi32>], vector<16xf32>,
      %get3A_1150 = arith.index_cast %add3A_1113 : i32 to index
      %get3A_1151 = arith.constant 64 : index
      %get3A_1152 = tpu.vector_load %arg8[%get3A_1150, %get3A_1151] {strides = array<i32>} : memref<160x128xi32, #tpu.memory_space<vmem>>, vector<16xi32>,
      %shift_right_logical3A_1153 = arith.constant 4 : i32
      %shift_right_logical3A_1154 = vector.broadcast %shift_right_logical3A_1153 : i32 to vector<16xi32>
      %shift_right_logical3A_1155 = arith.shrui %get3A_1152, %shift_right_logical3A_1154 : vector<16xi32>
      %and3A_1156 = arith.constant 15 : i32
      %and3A_1157 = vector.broadcast %and3A_1156 : i32 to vector<16xi32>
      %and3A_1158 = arith.andi %get3A_1152, %and3A_1157 : vector<16xi32>
      tpu.vector_store_idx %arg18[%shift_right_logical3A_1155, %and3A_1158], %broadcast_in_dim3A_327 {add = true} : memref<640x16xf32, #tpu.memory_space<vmem>>[vector<16xi32>, vector<16xi32>], vector<16xf32>,
      %get3A_1159 = arith.index_cast %add3A_1113 : i32 to index
      %get3A_1160 = arith.constant 80 : index
      %get3A_1161 = tpu.vector_load %arg8[%get3A_1159, %get3A_1160] {strides = array<i32>} : memref<160x128xi32, #tpu.memory_space<vmem>>, vector<16xi32>,
      %shift_right_logical3A_1162 = arith.constant 4 : i32
      %shift_right_logical3A_1163 = vector.broadcast %shift_right_logical3A_1162 : i32 to vector<16xi32>
      %shift_right_logical3A_1164 = arith.shrui %get3A_1161, %shift_right_logical3A_1163 : vector<16xi32>
      %and3A_1165 = arith.constant 15 : i32
      %and3A_1166 = vector.broadcast %and3A_1165 : i32 to vector<16xi32>
      %and3A_1167 = arith.andi %get3A_1161, %and3A_1166 : vector<16xi32>
      tpu.vector_store_idx %arg18[%shift_right_logical3A_1164, %and3A_1167], %broadcast_in_dim3A_327 {add = true} : memref<640x16xf32, #tpu.memory_space<vmem>>[vector<16xi32>, vector<16xi32>], vector<16xf32>,
      %get3A_1168 = arith.index_cast %add3A_1113 : i32 to index
      %get3A_1169 = arith.constant 96 : index
      %get3A_1170 = tpu.vector_load %arg8[%get3A_1168, %get3A_1169] {strides = array<i32>} : memref<160x128xi32, #tpu.memory_space<vmem>>, vector<16xi32>,
      %shift_right_logical3A_1171 = arith.constant 4 : i32
      %shift_right_logical3A_1172 = vector.broadcast %shift_right_logical3A_1171 : i32 to vector<16xi32>
      %shift_right_logical3A_1173 = arith.shrui %get3A_1170, %shift_right_logical3A_1172 : vector<16xi32>
      %and3A_1174 = arith.constant 15 : i32
      %and3A_1175 = vector.broadcast %and3A_1174 : i32 to vector<16xi32>
      %and3A_1176 = arith.andi %get3A_1170, %and3A_1175 : vector<16xi32>
      tpu.vector_store_idx %arg18[%shift_right_logical3A_1173, %and3A_1176], %broadcast_in_dim3A_327 {add = true} : memref<640x16xf32, #tpu.memory_space<vmem>>[vector<16xi32>, vector<16xi32>], vector<16xf32>,
      %get3A_1177 = arith.index_cast %add3A_1113 : i32 to index
      %get3A_1178 = arith.constant 112 : index
      %get3A_1179 = tpu.vector_load %arg8[%get3A_1177, %get3A_1178] {strides = array<i32>} : memref<160x128xi32, #tpu.memory_space<vmem>>, vector<16xi32>,
      %shift_right_logical3A_1180 = arith.constant 4 : i32
      %shift_right_logical3A_1181 = vector.broadcast %shift_right_logical3A_1180 : i32 to vector<16xi32>
      %shift_right_logical3A_1182 = arith.shrui %get3A_1179, %shift_right_logical3A_1181 : vector<16xi32>
      %and3A_1183 = arith.constant 15 : i32
      %and3A_1184 = vector.broadcast %and3A_1183 : i32 to vector<16xi32>
      %and3A_1185 = arith.andi %get3A_1179, %and3A_1184 : vector<16xi32>
      tpu.vector_store_idx %arg18[%shift_right_logical3A_1182, %and3A_1185], %broadcast_in_dim3A_327 {add = true} : memref<640x16xf32, #tpu.memory_space<vmem>>[vector<16xi32>, vector<16xi32>], vector<16xf32>,
      %sub3A_1186 = arith.constant 1 : i32
      %sub3A_1187 = arith.subi %add3A_1113, %sub3A_1186 : i32
      %dma_wait3A_1188 = arith.constant 2 : i32
      %dma_wait3A_1189 = arith.constant 0 : i32
      %dma_wait3A_1190 = arith.constant 0 : i32
      %dma_wait3A_1191 = tpu.memref_slice %arg9[%dma_wait3A_1188, %dma_wait3A_1189, %dma_wait3A_1190] : memref<3x128x64xbf16, #tpu.memory_space<vmem>> -> memref<1x128x64xbf16, #tpu.memory_space<vmem>>
      %dma_wait3A_1192 = tpu.memref_squeeze %dma_wait3A_1191 : memref<1x128x64xbf16, #tpu.memory_space<vmem>> -> memref<128x64xbf16, #tpu.memory_space<vmem>>
      %dma_wait3A_1193 = arith.constant 0 : i32
      %dma_wait3A_1194 = tpu.memref_slice %arg8[%sub3A_1187, %dma_wait3A_1193] : memref<160x128xi32, #tpu.memory_space<vmem>> -> memref<1x128xi32, #tpu.memory_space<vmem>>
      %dma_wait3A_1195 = tpu.memref_squeeze %dma_wait3A_1194 : memref<1x128xi32, #tpu.memory_space<vmem>> -> memref<128xi32, #tpu.memory_space<vmem>>
      %dma_wait3A_1196 = arith.constant 0 : i32
      %dma_wait3A_1197 = arith.constant 0 : i32
      %dma_wait3A_1198 = tpu.memref_slice %arg10[%dma_wait3A_1196, %dma_wait3A_1197] : memref<10016x64xbf16, #tpu.memory_space<vmem_shared>> -> memref<10016x64xbf16, #tpu.memory_space<vmem_shared>>
      tpu.wait_indirect_dma semaphore(%arg17 : memref<!tpu.dma_semaphore, #tpu.memory_space<semaphore_mem>>) src(%dma_wait3A_1192 : memref<128x64xbf16, #tpu.memory_space<vmem>>) dst(%dma_wait3A_1198 : memref<10016x64xbf16, #tpu.memory_space<vmem_shared>>)
      %dma_wait3A_1199 = arith.constant 0 : i32
      %dma_wait3A_1200 = arith.constant 0 : i32
      %dma_wait3A_1201 = arith.constant 0 : i32
      %dma_wait3A_1202 = tpu.memref_slice %arg9[%dma_wait3A_1199, %dma_wait3A_1200, %dma_wait3A_1201] : memref<3x128x64xbf16, #tpu.memory_space<vmem>> -> memref<1x128x64xbf16, #tpu.memory_space<vmem>>
      %dma_wait3A_1203 = tpu.memref_squeeze %dma_wait3A_1202 : memref<1x128x64xbf16, #tpu.memory_space<vmem>> -> memref<128x64xbf16, #tpu.memory_space<vmem>>
      %dma_wait3A_1204 = arith.constant 0 : i32
      %dma_wait3A_1205 = tpu.memref_slice %arg7[%add3A_1113, %dma_wait3A_1204] : memref<160x128xi32, #tpu.memory_space<vmem>> -> memref<1x128xi32, #tpu.memory_space<vmem>>
      %dma_wait3A_1206 = tpu.memref_squeeze %dma_wait3A_1205 : memref<1x128xi32, #tpu.memory_space<vmem>> -> memref<128xi32, #tpu.memory_space<vmem>>
      %dma_wait3A_1207 = arith.constant 0 : i32
      %dma_wait3A_1208 = arith.constant 0 : i32
      %dma_wait3A_1209 = tpu.memref_slice %arg11[%dma_wait3A_1207, %dma_wait3A_1208] : memref<10000x64xbf16, #tpu.memory_space<vmem_shared>> -> memref<10000x64xbf16, #tpu.memory_space<vmem_shared>>
      tpu.wait_indirect_dma semaphore(%arg12 : memref<!tpu.dma_semaphore, #tpu.memory_space<semaphore_mem>>) src(%dma_wait3A_1209 : memref<10000x64xbf16, #tpu.memory_space<vmem_shared>>) dst(%dma_wait3A_1203 : memref<128x64xbf16, #tpu.memory_space<vmem>>)
      %dma_start3A_1210 = arith.constant 0 : i32
      %dma_start3A_1211 = arith.constant 0 : i32
      %dma_start3A_1212 = arith.constant 0 : i32
      %dma_start3A_1213 = tpu.memref_slice %arg9[%dma_start3A_1210, %dma_start3A_1211, %dma_start3A_1212] : memref<3x128x64xbf16, #tpu.memory_space<vmem>> -> memref<1x128x64xbf16, #tpu.memory_space<vmem>>
      %dma_start3A_1214 = tpu.memref_squeeze %dma_start3A_1213 : memref<1x128x64xbf16, #tpu.memory_space<vmem>> -> memref<128x64xbf16, #tpu.memory_space<vmem>>
      %dma_start3A_1215 = arith.constant 0 : i32
      %dma_start3A_1216 = tpu.memref_slice %arg8[%add3A_1113, %dma_start3A_1215] : memref<160x128xi32, #tpu.memory_space<vmem>> -> memref<1x128xi32, #tpu.memory_space<vmem>>
      %dma_start3A_1217 = tpu.memref_squeeze %dma_start3A_1216 : memref<1x128xi32, #tpu.memory_space<vmem>> -> memref<128xi32, #tpu.memory_space<vmem>>
      %dma_start3A_1218 = arith.constant 0 : i32
      %dma_start3A_1219 = arith.constant 0 : i32
      %dma_start3A_1220 = tpu.memref_slice %arg10[%dma_start3A_1218, %dma_start3A_1219] : memref<10016x64xbf16, #tpu.memory_space<vmem_shared>> -> memref<10016x64xbf16, #tpu.memory_space<vmem_shared>>
      tpu.enqueue_indirect_dma source(%dma_start3A_1214 : memref<128x64xbf16, #tpu.memory_space<vmem>>) target(%dma_start3A_1220 : memref<10016x64xbf16, #tpu.memory_space<vmem_shared>>) offsets(%dma_start3A_1217 : memref<128xi32, #tpu.memory_space<vmem>>) semaphore(%arg15 : memref<!tpu.dma_semaphore, #tpu.memory_space<semaphore_mem>>) {add = true}
      %add3A_1221 = arith.constant 2 : i32
      %add3A_1222 = arith.addi %add3A_1113, %add3A_1221 : i32
      %dma_start3A_1223 = arith.constant 2 : i32
      %dma_start3A_1224 = arith.constant 0 : i32
      %dma_start3A_1225 = arith.constant 0 : i32
      %dma_start3A_1226 = tpu.memref_slice %arg9[%dma_start3A_1223, %dma_start3A_1224, %dma_start3A_1225] : memref<3x128x64xbf16, #tpu.memory_space<vmem>> -> memref<1x128x64xbf16, #tpu.memory_space<vmem>>
      %dma_start3A_1227 = tpu.memref_squeeze %dma_start3A_1226 : memref<1x128x64xbf16, #tpu.memory_space<vmem>> -> memref<128x64xbf16, #tpu.memory_space<vmem>>
      %dma_start3A_1228 = arith.constant 0 : i32
      %dma_start3A_1229 = tpu.memref_slice %arg7[%add3A_1222, %dma_start3A_1228] : memref<160x128xi32, #tpu.memory_space<vmem>> -> memref<1x128xi32, #tpu.memory_space<vmem>>
      %dma_start3A_1230 = tpu.memref_squeeze %dma_start3A_1229 : memref<1x128xi32, #tpu.memory_space<vmem>> -> memref<128xi32, #tpu.memory_space<vmem>>
      %dma_start3A_1231 = arith.constant 0 : i32
      %dma_start3A_1232 = arith.constant 0 : i32
      %dma_start3A_1233 = tpu.memref_slice %arg11[%dma_start3A_1231, %dma_start3A_1232] : memref<10000x64xbf16, #tpu.memory_space<vmem_shared>> -> memref<10000x64xbf16, #tpu.memory_space<vmem_shared>>
      tpu.enqueue_indirect_dma source(%dma_start3A_1233 : memref<10000x64xbf16, #tpu.memory_space<vmem_shared>>) target(%dma_start3A_1227 : memref<128x64xbf16, #tpu.memory_space<vmem>>) offsets(%dma_start3A_1230 : memref<128xi32, #tpu.memory_space<vmem>>) semaphore(%arg14 : memref<!tpu.dma_semaphore, #tpu.memory_space<semaphore_mem>>)
    }
    %scan3A_468 = arith.constant 52 : i32
    %get3A_469 = arith.constant 157 : i32
    %get3A_470 = arith.index_cast %get3A_469 : i32 to index
    %get3A_471 = arith.constant 0 : index
    %get3A_472 = tpu.vector_load %arg8[%get3A_470, %get3A_471] {strides = array<i32>} : memref<160x128xi32, #tpu.memory_space<vmem>>, vector<16xi32>,
    %shift_right_logical3A_473 = arith.constant 4 : i32
    %shift_right_logical3A_474 = vector.broadcast %shift_right_logical3A_473 : i32 to vector<16xi32>
    %shift_right_logical3A_475 = arith.shrui %get3A_472, %shift_right_logical3A_474 : vector<16xi32>
    %and3A_476 = arith.constant 15 : i32
    %and3A_477 = vector.broadcast %and3A_476 : i32 to vector<16xi32>
    %and3A_478 = arith.andi %get3A_472, %and3A_477 : vector<16xi32>
    tpu.vector_store_idx %arg18[%shift_right_logical3A_475, %and3A_478], %broadcast_in_dim3A_327 {add = true} : memref<640x16xf32, #tpu.memory_space<vmem>>[vector<16xi32>, vector<16xi32>], vector<16xf32>,
    %get3A_479 = arith.constant 157 : i32
    %get3A_480 = arith.index_cast %get3A_479 : i32 to index
    %get3A_481 = arith.constant 16 : index
    %get3A_482 = tpu.vector_load %arg8[%get3A_480, %get3A_481] {strides = array<i32>} : memref<160x128xi32, #tpu.memory_space<vmem>>, vector<16xi32>,
    %shift_right_logical3A_483 = arith.constant 4 : i32
    %shift_right_logical3A_484 = vector.broadcast %shift_right_logical3A_483 : i32 to vector<16xi32>
    %shift_right_logical3A_485 = arith.shrui %get3A_482, %shift_right_logical3A_484 : vector<16xi32>
    %and3A_486 = arith.constant 15 : i32
    %and3A_487 = vector.broadcast %and3A_486 : i32 to vector<16xi32>
    %and3A_488 = arith.andi %get3A_482, %and3A_487 : vector<16xi32>
    tpu.vector_store_idx %arg18[%shift_right_logical3A_485, %and3A_488], %broadcast_in_dim3A_327 {add = true} : memref<640x16xf32, #tpu.memory_space<vmem>>[vector<16xi32>, vector<16xi32>], vector<16xf32>,
    %get3A_489 = arith.constant 157 : i32
    %get3A_490 = arith.index_cast %get3A_489 : i32 to index
    %get3A_491 = arith.constant 32 : index
    %get3A_492 = tpu.vector_load %arg8[%get3A_490, %get3A_491] {strides = array<i32>} : memref<160x128xi32, #tpu.memory_space<vmem>>, vector<16xi32>,
    %shift_right_logical3A_493 = arith.constant 4 : i32
    %shift_right_logical3A_494 = vector.broadcast %shift_right_logical3A_493 : i32 to vector<16xi32>
    %shift_right_logical3A_495 = arith.shrui %get3A_492, %shift_right_logical3A_494 : vector<16xi32>
    %and3A_496 = arith.constant 15 : i32
    %and3A_497 = vector.broadcast %and3A_496 : i32 to vector<16xi32>
    %and3A_498 = arith.andi %get3A_492, %and3A_497 : vector<16xi32>
    tpu.vector_store_idx %arg18[%shift_right_logical3A_495, %and3A_498], %broadcast_in_dim3A_327 {add = true} : memref<640x16xf32, #tpu.memory_space<vmem>>[vector<16xi32>, vector<16xi32>], vector<16xf32>,
    %get3A_499 = arith.constant 157 : i32
    %get3A_500 = arith.index_cast %get3A_499 : i32 to index
    %get3A_501 = arith.constant 48 : index
    %get3A_502 = tpu.vector_load %arg8[%get3A_500, %get3A_501] {strides = array<i32>} : memref<160x128xi32, #tpu.memory_space<vmem>>, vector<16xi32>,
    %shift_right_logical3A_503 = arith.constant 4 : i32
    %shift_right_logical3A_504 = vector.broadcast %shift_right_logical3A_503 : i32 to vector<16xi32>
    %shift_right_logical3A_505 = arith.shrui %get3A_502, %shift_right_logical3A_504 : vector<16xi32>
    %and3A_506 = arith.constant 15 : i32
    %and3A_507 = vector.broadcast %and3A_506 : i32 to vector<16xi32>
    %and3A_508 = arith.andi %get3A_502, %and3A_507 : vector<16xi32>
    tpu.vector_store_idx %arg18[%shift_right_logical3A_505, %and3A_508], %broadcast_in_dim3A_327 {add = true} : memref<640x16xf32, #tpu.memory_space<vmem>>[vector<16xi32>, vector<16xi32>], vector<16xf32>,
    %get3A_509 = arith.constant 157 : i32
    %get3A_510 = arith.index_cast %get3A_509 : i32 to index
    %get3A_511 = arith.constant 64 : index
    %get3A_512 = tpu.vector_load %arg8[%get3A_510, %get3A_511] {strides = array<i32>} : memref<160x128xi32, #tpu.memory_space<vmem>>, vector<16xi32>,
    %shift_right_logical3A_513 = arith.constant 4 : i32
    %shift_right_logical3A_514 = vector.broadcast %shift_right_logical3A_513 : i32 to vector<16xi32>
    %shift_right_logical3A_515 = arith.shrui %get3A_512, %shift_right_logical3A_514 : vector<16xi32>
    %and3A_516 = arith.constant 15 : i32
    %and3A_517 = vector.broadcast %and3A_516 : i32 to vector<16xi32>
    %and3A_518 = arith.andi %get3A_512, %and3A_517 : vector<16xi32>
    tpu.vector_store_idx %arg18[%shift_right_logical3A_515, %and3A_518], %broadcast_in_dim3A_327 {add = true} : memref<640x16xf32, #tpu.memory_space<vmem>>[vector<16xi32>, vector<16xi32>], vector<16xf32>,
    %get3A_519 = arith.constant 157 : i32
    %get3A_520 = arith.index_cast %get3A_519 : i32 to index
    %get3A_521 = arith.constant 80 : index
    %get3A_522 = tpu.vector_load %arg8[%get3A_520, %get3A_521] {strides = array<i32>} : memref<160x128xi32, #tpu.memory_space<vmem>>, vector<16xi32>,
    %shift_right_logical3A_523 = arith.constant 4 : i32
    %shift_right_logical3A_524 = vector.broadcast %shift_right_logical3A_523 : i32 to vector<16xi32>
    %shift_right_logical3A_525 = arith.shrui %get3A_522, %shift_right_logical3A_524 : vector<16xi32>
    %and3A_526 = arith.constant 15 : i32
    %and3A_527 = vector.broadcast %and3A_526 : i32 to vector<16xi32>
    %and3A_528 = arith.andi %get3A_522, %and3A_527 : vector<16xi32>
    tpu.vector_store_idx %arg18[%shift_right_logical3A_525, %and3A_528], %broadcast_in_dim3A_327 {add = true} : memref<640x16xf32, #tpu.memory_space<vmem>>[vector<16xi32>, vector<16xi32>], vector<16xf32>,
    %get3A_529 = arith.constant 157 : i32
    %get3A_530 = arith.index_cast %get3A_529 : i32 to index
    %get3A_531 = arith.constant 96 : index
    %get3A_532 = tpu.vector_load %arg8[%get3A_530, %get3A_531] {strides = array<i32>} : memref<160x128xi32, #tpu.memory_space<vmem>>, vector<16xi32>,
    %shift_right_logical3A_533 = arith.constant 4 : i32
    %shift_right_logical3A_534 = vector.broadcast %shift_right_logical3A_533 : i32 to vector<16xi32>
    %shift_right_logical3A_535 = arith.shrui %get3A_532, %shift_right_logical3A_534 : vector<16xi32>
    %and3A_536 = arith.constant 15 : i32
    %and3A_537 = vector.broadcast %and3A_536 : i32 to vector<16xi32>
    %and3A_538 = arith.andi %get3A_532, %and3A_537 : vector<16xi32>
    tpu.vector_store_idx %arg18[%shift_right_logical3A_535, %and3A_538], %broadcast_in_dim3A_327 {add = true} : memref<640x16xf32, #tpu.memory_space<vmem>>[vector<16xi32>, vector<16xi32>], vector<16xf32>,
    %get3A_539 = arith.constant 157 : i32
    %get3A_540 = arith.index_cast %get3A_539 : i32 to index
    %get3A_541 = arith.constant 112 : index
    %get3A_542 = tpu.vector_load %arg8[%get3A_540, %get3A_541] {strides = array<i32>} : memref<160x128xi32, #tpu.memory_space<vmem>>, vector<16xi32>,
    %shift_right_logical3A_543 = arith.constant 4 : i32
    %shift_right_logical3A_544 = vector.broadcast %shift_right_logical3A_543 : i32 to vector<16xi32>
    %shift_right_logical3A_545 = arith.shrui %get3A_542, %shift_right_logical3A_544 : vector<16xi32>
    %and3A_546 = arith.constant 15 : i32
    %and3A_547 = vector.broadcast %and3A_546 : i32 to vector<16xi32>
    %and3A_548 = arith.andi %get3A_542, %and3A_547 : vector<16xi32>
    tpu.vector_store_idx %arg18[%shift_right_logical3A_545, %and3A_548], %broadcast_in_dim3A_327 {add = true} : memref<640x16xf32, #tpu.memory_space<vmem>>[vector<16xi32>, vector<16xi32>], vector<16xf32>,
    %dma_wait3A_549 = arith.constant 0 : i32
    %dma_wait3A_550 = arith.constant 156 : i32
    %dma_wait3A_551 = arith.constant 0 : i32
    %dma_wait3A_552 = arith.constant 0 : i32
    %dma_wait3A_553 = tpu.memref_slice %arg9[%dma_wait3A_549, %dma_wait3A_551, %dma_wait3A_552] : memref<3x128x64xbf16, #tpu.memory_space<vmem>> -> memref<1x128x64xbf16, #tpu.memory_space<vmem>>
    %dma_wait3A_554 = tpu.memref_squeeze %dma_wait3A_553 : memref<1x128x64xbf16, #tpu.memory_space<vmem>> -> memref<128x64xbf16, #tpu.memory_space<vmem>>
    %dma_wait3A_555 = arith.constant 0 : i32
    %dma_wait3A_556 = tpu.memref_slice %arg8[%dma_wait3A_550, %dma_wait3A_555] : memref<160x128xi32, #tpu.memory_space<vmem>> -> memref<1x128xi32, #tpu.memory_space<vmem>>
    %dma_wait3A_557 = tpu.memref_squeeze %dma_wait3A_556 : memref<1x128xi32, #tpu.memory_space<vmem>> -> memref<128xi32, #tpu.memory_space<vmem>>
    %dma_wait3A_558 = arith.constant 0 : i32
    %dma_wait3A_559 = arith.constant 0 : i32
    %dma_wait3A_560 = tpu.memref_slice %arg10[%dma_wait3A_558, %dma_wait3A_559] : memref<10016x64xbf16, #tpu.memory_space<vmem_shared>> -> memref<10016x64xbf16, #tpu.memory_space<vmem_shared>>
    tpu.wait_indirect_dma semaphore(%arg15 : memref<!tpu.dma_semaphore, #tpu.memory_space<semaphore_mem>>) src(%dma_wait3A_554 : memref<128x64xbf16, #tpu.memory_space<vmem>>) dst(%dma_wait3A_560 : memref<10016x64xbf16, #tpu.memory_space<vmem_shared>>)
    %dma_wait3A_561 = arith.constant 157 : i32
    %dma_wait3A_562 = arith.constant 1 : i32
    %dma_wait3A_563 = arith.constant 0 : i32
    %dma_wait3A_564 = arith.constant 0 : i32
    %dma_wait3A_565 = tpu.memref_slice %arg9[%dma_wait3A_562, %dma_wait3A_563, %dma_wait3A_564] : memref<3x128x64xbf16, #tpu.memory_space<vmem>> -> memref<1x128x64xbf16, #tpu.memory_space<vmem>>
    %dma_wait3A_566 = tpu.memref_squeeze %dma_wait3A_565 : memref<1x128x64xbf16, #tpu.memory_space<vmem>> -> memref<128x64xbf16, #tpu.memory_space<vmem>>
    %dma_wait3A_567 = arith.constant 0 : i32
    %dma_wait3A_568 = tpu.memref_slice %arg7[%dma_wait3A_561, %dma_wait3A_567] : memref<160x128xi32, #tpu.memory_space<vmem>> -> memref<1x128xi32, #tpu.memory_space<vmem>>
    %dma_wait3A_569 = tpu.memref_squeeze %dma_wait3A_568 : memref<1x128xi32, #tpu.memory_space<vmem>> -> memref<128xi32, #tpu.memory_space<vmem>>
    %dma_wait3A_570 = arith.constant 0 : i32
    %dma_wait3A_571 = arith.constant 0 : i32
    %dma_wait3A_572 = tpu.memref_slice %arg11[%dma_wait3A_570, %dma_wait3A_571] : memref<10000x64xbf16, #tpu.memory_space<vmem_shared>> -> memref<10000x64xbf16, #tpu.memory_space<vmem_shared>>
    tpu.wait_indirect_dma semaphore(%arg13 : memref<!tpu.dma_semaphore, #tpu.memory_space<semaphore_mem>>) src(%dma_wait3A_572 : memref<10000x64xbf16, #tpu.memory_space<vmem_shared>>) dst(%dma_wait3A_566 : memref<128x64xbf16, #tpu.memory_space<vmem>>)
    %dma_start3A_573 = arith.constant 1 : i32
    %dma_start3A_574 = arith.constant 157 : i32
    %dma_start3A_575 = arith.constant 0 : i32
    %dma_start3A_576 = arith.constant 0 : i32
    %dma_start3A_577 = tpu.memref_slice %arg9[%dma_start3A_573, %dma_start3A_575, %dma_start3A_576] : memref<3x128x64xbf16, #tpu.memory_space<vmem>> -> memref<1x128x64xbf16, #tpu.memory_space<vmem>>
    %dma_start3A_578 = tpu.memref_squeeze %dma_start3A_577 : memref<1x128x64xbf16, #tpu.memory_space<vmem>> -> memref<128x64xbf16, #tpu.memory_space<vmem>>
    %dma_start3A_579 = arith.constant 0 : i32
    %dma_start3A_580 = tpu.memref_slice %arg8[%dma_start3A_574, %dma_start3A_579] : memref<160x128xi32, #tpu.memory_space<vmem>> -> memref<1x128xi32, #tpu.memory_space<vmem>>
    %dma_start3A_581 = tpu.memref_squeeze %dma_start3A_580 : memref<1x128xi32, #tpu.memory_space<vmem>> -> memref<128xi32, #tpu.memory_space<vmem>>
    %dma_start3A_582 = arith.constant 0 : i32
    %dma_start3A_583 = arith.constant 0 : i32
    %dma_start3A_584 = tpu.memref_slice %arg10[%dma_start3A_582, %dma_start3A_583] : memref<10016x64xbf16, #tpu.memory_space<vmem_shared>> -> memref<10016x64xbf16, #tpu.memory_space<vmem_shared>>
    tpu.enqueue_indirect_dma source(%dma_start3A_578 : memref<128x64xbf16, #tpu.memory_space<vmem>>) target(%dma_start3A_584 : memref<10016x64xbf16, #tpu.memory_space<vmem_shared>>) offsets(%dma_start3A_581 : memref<128xi32, #tpu.memory_space<vmem>>) semaphore(%arg16 : memref<!tpu.dma_semaphore, #tpu.memory_space<semaphore_mem>>) {add = true}
    %dma_start3A_585 = arith.constant 159 : i32
    %dma_start3A_586 = arith.constant 0 : i32
    %dma_start3A_587 = arith.constant 0 : i32
    %dma_start3A_588 = arith.constant 0 : i32
    %dma_start3A_589 = tpu.memref_slice %arg9[%dma_start3A_586, %dma_start3A_587, %dma_start3A_588] : memref<3x128x64xbf16, #tpu.memory_space<vmem>> -> memref<1x128x64xbf16, #tpu.memory_space<vmem>>
    %dma_start3A_590 = tpu.memref_squeeze %dma_start3A_589 : memref<1x128x64xbf16, #tpu.memory_space<vmem>> -> memref<128x64xbf16, #tpu.memory_space<vmem>>
    %dma_start3A_591 = arith.constant 0 : i32
    %dma_start3A_592 = tpu.memref_slice %arg7[%dma_start3A_585, %dma_start3A_591] : memref<160x128xi32, #tpu.memory_space<vmem>> -> memref<1x128xi32, #tpu.memory_space<vmem>>
    %dma_start3A_593 = tpu.memref_squeeze %dma_start3A_592 : memref<1x128xi32, #tpu.memory_space<vmem>> -> memref<128xi32, #tpu.memory_space<vmem>>
    %dma_start3A_594 = arith.constant 0 : i32
    %dma_start3A_595 = arith.constant 0 : i32
    %dma_start3A_596 = tpu.memref_slice %arg11[%dma_start3A_594, %dma_start3A_595] : memref<10000x64xbf16, #tpu.memory_space<vmem_shared>> -> memref<10000x64xbf16, #tpu.memory_space<vmem_shared>>
    tpu.enqueue_indirect_dma source(%dma_start3A_596 : memref<10000x64xbf16, #tpu.memory_space<vmem_shared>>) target(%dma_start3A_590 : memref<128x64xbf16, #tpu.memory_space<vmem>>) offsets(%dma_start3A_593 : memref<128xi32, #tpu.memory_space<vmem>>) semaphore(%arg12 : memref<!tpu.dma_semaphore, #tpu.memory_space<semaphore_mem>>)
    %get3A_597 = arith.constant 158 : i32
    %get3A_598 = arith.index_cast %get3A_597 : i32 to index
    %get3A_599 = arith.constant 0 : index
    %get3A_600 = tpu.vector_load %arg8[%get3A_598, %get3A_599] {strides = array<i32>} : memref<160x128xi32, #tpu.memory_space<vmem>>, vector<16xi32>,
    %shift_right_logical3A_601 = arith.constant 4 : i32
    %shift_right_logical3A_602 = vector.broadcast %shift_right_logical3A_601 : i32 to vector<16xi32>
    %shift_right_logical3A_603 = arith.shrui %get3A_600, %shift_right_logical3A_602 : vector<16xi32>
    %and3A_604 = arith.constant 15 : i32
    %and3A_605 = vector.broadcast %and3A_604 : i32 to vector<16xi32>
    %and3A_606 = arith.andi %get3A_600, %and3A_605 : vector<16xi32>
    tpu.vector_store_idx %arg18[%shift_right_logical3A_603, %and3A_606], %broadcast_in_dim3A_327 {add = true} : memref<640x16xf32, #tpu.memory_space<vmem>>[vector<16xi32>, vector<16xi32>], vector<16xf32>,
    %get3A_607 = arith.constant 158 : i32
    %get3A_608 = arith.index_cast %get3A_607 : i32 to index
    %get3A_609 = arith.constant 16 : index
    %get3A_610 = tpu.vector_load %arg8[%get3A_608, %get3A_609] {strides = array<i32>} : memref<160x128xi32, #tpu.memory_space<vmem>>, vector<16xi32>,
    %shift_right_logical3A_611 = arith.constant 4 : i32
    %shift_right_logical3A_612 = vector.broadcast %shift_right_logical3A_611 : i32 to vector<16xi32>
    %shift_right_logical3A_613 = arith.shrui %get3A_610, %shift_right_logical3A_612 : vector<16xi32>
    %and3A_614 = arith.constant 15 : i32
    %and3A_615 = vector.broadcast %and3A_614 : i32 to vector<16xi32>
    %and3A_616 = arith.andi %get3A_610, %and3A_615 : vector<16xi32>
    tpu.vector_store_idx %arg18[%shift_right_logical3A_613, %and3A_616], %broadcast_in_dim3A_327 {add = true} : memref<640x16xf32, #tpu.memory_space<vmem>>[vector<16xi32>, vector<16xi32>], vector<16xf32>,
    %get3A_617 = arith.constant 158 : i32
    %get3A_618 = arith.index_cast %get3A_617 : i32 to index
    %get3A_619 = arith.constant 32 : index
    %get3A_620 = tpu.vector_load %arg8[%get3A_618, %get3A_619] {strides = array<i32>} : memref<160x128xi32, #tpu.memory_space<vmem>>, vector<16xi32>,
    %shift_right_logical3A_621 = arith.constant 4 : i32
    %shift_right_logical3A_622 = vector.broadcast %shift_right_logical3A_621 : i32 to vector<16xi32>
    %shift_right_logical3A_623 = arith.shrui %get3A_620, %shift_right_logical3A_622 : vector<16xi32>
    %and3A_624 = arith.constant 15 : i32
    %and3A_625 = vector.broadcast %and3A_624 : i32 to vector<16xi32>
    %and3A_626 = arith.andi %get3A_620, %and3A_625 : vector<16xi32>
    tpu.vector_store_idx %arg18[%shift_right_logical3A_623, %and3A_626], %broadcast_in_dim3A_327 {add = true} : memref<640x16xf32, #tpu.memory_space<vmem>>[vector<16xi32>, vector<16xi32>], vector<16xf32>,
    %get3A_627 = arith.constant 158 : i32
    %get3A_628 = arith.index_cast %get3A_627 : i32 to index
    %get3A_629 = arith.constant 48 : index
    %get3A_630 = tpu.vector_load %arg8[%get3A_628, %get3A_629] {strides = array<i32>} : memref<160x128xi32, #tpu.memory_space<vmem>>, vector<16xi32>,
    %shift_right_logical3A_631 = arith.constant 4 : i32
    %shift_right_logical3A_632 = vector.broadcast %shift_right_logical3A_631 : i32 to vector<16xi32>
    %shift_right_logical3A_633 = arith.shrui %get3A_630, %shift_right_logical3A_632 : vector<16xi32>
    %and3A_634 = arith.constant 15 : i32
    %and3A_635 = vector.broadcast %and3A_634 : i32 to vector<16xi32>
    %and3A_636 = arith.andi %get3A_630, %and3A_635 : vector<16xi32>
    tpu.vector_store_idx %arg18[%shift_right_logical3A_633, %and3A_636], %broadcast_in_dim3A_327 {add = true} : memref<640x16xf32, #tpu.memory_space<vmem>>[vector<16xi32>, vector<16xi32>], vector<16xf32>,
    %get3A_637 = arith.constant 158 : i32
    %get3A_638 = arith.index_cast %get3A_637 : i32 to index
    %get3A_639 = arith.constant 64 : index
    %get3A_640 = tpu.vector_load %arg8[%get3A_638, %get3A_639] {strides = array<i32>} : memref<160x128xi32, #tpu.memory_space<vmem>>, vector<16xi32>,
    %shift_right_logical3A_641 = arith.constant 4 : i32
    %shift_right_logical3A_642 = vector.broadcast %shift_right_logical3A_641 : i32 to vector<16xi32>
    %shift_right_logical3A_643 = arith.shrui %get3A_640, %shift_right_logical3A_642 : vector<16xi32>
    %and3A_644 = arith.constant 15 : i32
    %and3A_645 = vector.broadcast %and3A_644 : i32 to vector<16xi32>
    %and3A_646 = arith.andi %get3A_640, %and3A_645 : vector<16xi32>
    tpu.vector_store_idx %arg18[%shift_right_logical3A_643, %and3A_646], %broadcast_in_dim3A_327 {add = true} : memref<640x16xf32, #tpu.memory_space<vmem>>[vector<16xi32>, vector<16xi32>], vector<16xf32>,
    %get3A_647 = arith.constant 158 : i32
    %get3A_648 = arith.index_cast %get3A_647 : i32 to index
    %get3A_649 = arith.constant 80 : index
    %get3A_650 = tpu.vector_load %arg8[%get3A_648, %get3A_649] {strides = array<i32>} : memref<160x128xi32, #tpu.memory_space<vmem>>, vector<16xi32>,
    %shift_right_logical3A_651 = arith.constant 4 : i32
    %shift_right_logical3A_652 = vector.broadcast %shift_right_logical3A_651 : i32 to vector<16xi32>
    %shift_right_logical3A_653 = arith.shrui %get3A_650, %shift_right_logical3A_652 : vector<16xi32>
    %and3A_654 = arith.constant 15 : i32
    %and3A_655 = vector.broadcast %and3A_654 : i32 to vector<16xi32>
    %and3A_656 = arith.andi %get3A_650, %and3A_655 : vector<16xi32>
    tpu.vector_store_idx %arg18[%shift_right_logical3A_653, %and3A_656], %broadcast_in_dim3A_327 {add = true} : memref<640x16xf32, #tpu.memory_space<vmem>>[vector<16xi32>, vector<16xi32>], vector<16xf32>,
    %get3A_657 = arith.constant 158 : i32
    %get3A_658 = arith.index_cast %get3A_657 : i32 to index
    %get3A_659 = arith.constant 96 : index
    %get3A_660 = tpu.vector_load %arg8[%get3A_658, %get3A_659] {strides = array<i32>} : memref<160x128xi32, #tpu.memory_space<vmem>>, vector<16xi32>,
    %shift_right_logical3A_661 = arith.constant 4 : i32
    %shift_right_logical3A_662 = vector.broadcast %shift_right_logical3A_661 : i32 to vector<16xi32>
    %shift_right_logical3A_663 = arith.shrui %get3A_660, %shift_right_logical3A_662 : vector<16xi32>
    %and3A_664 = arith.constant 15 : i32
    %and3A_665 = vector.broadcast %and3A_664 : i32 to vector<16xi32>
    %and3A_666 = arith.andi %get3A_660, %and3A_665 : vector<16xi32>
    tpu.vector_store_idx %arg18[%shift_right_logical3A_663, %and3A_666], %broadcast_in_dim3A_327 {add = true} : memref<640x16xf32, #tpu.memory_space<vmem>>[vector<16xi32>, vector<16xi32>], vector<16xf32>,
    %get3A_667 = arith.constant 158 : i32
    %get3A_668 = arith.index_cast %get3A_667 : i32 to index
    %get3A_669 = arith.constant 112 : index
    %get3A_670 = tpu.vector_load %arg8[%get3A_668, %get3A_669] {strides = array<i32>} : memref<160x128xi32, #tpu.memory_space<vmem>>, vector<16xi32>,
    %shift_right_logical3A_671 = arith.constant 4 : i32
    %shift_right_logical3A_672 = vector.broadcast %shift_right_logical3A_671 : i32 to vector<16xi32>
    %shift_right_logical3A_673 = arith.shrui %get3A_670, %shift_right_logical3A_672 : vector<16xi32>
    %and3A_674 = arith.constant 15 : i32
    %and3A_675 = vector.broadcast %and3A_674 : i32 to vector<16xi32>
    %and3A_676 = arith.andi %get3A_670, %and3A_675 : vector<16xi32>
    tpu.vector_store_idx %arg18[%shift_right_logical3A_673, %and3A_676], %broadcast_in_dim3A_327 {add = true} : memref<640x16xf32, #tpu.memory_space<vmem>>[vector<16xi32>, vector<16xi32>], vector<16xf32>,
    %dma_wait3A_677 = arith.constant 1 : i32
    %dma_wait3A_678 = arith.constant 157 : i32
    %dma_wait3A_679 = arith.constant 0 : i32
    %dma_wait3A_680 = arith.constant 0 : i32
    %dma_wait3A_681 = tpu.memref_slice %arg9[%dma_wait3A_677, %dma_wait3A_679, %dma_wait3A_680] : memref<3x128x64xbf16, #tpu.memory_space<vmem>> -> memref<1x128x64xbf16, #tpu.memory_space<vmem>>
    %dma_wait3A_682 = tpu.memref_squeeze %dma_wait3A_681 : memref<1x128x64xbf16, #tpu.memory_space<vmem>> -> memref<128x64xbf16, #tpu.memory_space<vmem>>
    %dma_wait3A_683 = arith.constant 0 : i32
    %dma_wait3A_684 = tpu.memref_slice %arg8[%dma_wait3A_678, %dma_wait3A_683] : memref<160x128xi32, #tpu.memory_space<vmem>> -> memref<1x128xi32, #tpu.memory_space<vmem>>
    %dma_wait3A_685 = tpu.memref_squeeze %dma_wait3A_684 : memref<1x128xi32, #tpu.memory_space<vmem>> -> memref<128xi32, #tpu.memory_space<vmem>>
    %dma_wait3A_686 = arith.constant 0 : i32
    %dma_wait3A_687 = arith.constant 0 : i32
    %dma_wait3A_688 = tpu.memref_slice %arg10[%dma_wait3A_686, %dma_wait3A_687] : memref<10016x64xbf16, #tpu.memory_space<vmem_shared>> -> memref<10016x64xbf16, #tpu.memory_space<vmem_shared>>
    tpu.wait_indirect_dma semaphore(%arg16 : memref<!tpu.dma_semaphore, #tpu.memory_space<semaphore_mem>>) src(%dma_wait3A_682 : memref<128x64xbf16, #tpu.memory_space<vmem>>) dst(%dma_wait3A_688 : memref<10016x64xbf16, #tpu.memory_space<vmem_shared>>)
    %dma_wait3A_689 = arith.constant 158 : i32
    %dma_wait3A_690 = arith.constant 2 : i32
    %dma_wait3A_691 = arith.constant 0 : i32
    %dma_wait3A_692 = arith.constant 0 : i32
    %dma_wait3A_693 = tpu.memref_slice %arg9[%dma_wait3A_690, %dma_wait3A_691, %dma_wait3A_692] : memref<3x128x64xbf16, #tpu.memory_space<vmem>> -> memref<1x128x64xbf16, #tpu.memory_space<vmem>>
    %dma_wait3A_694 = tpu.memref_squeeze %dma_wait3A_693 : memref<1x128x64xbf16, #tpu.memory_space<vmem>> -> memref<128x64xbf16, #tpu.memory_space<vmem>>
    %dma_wait3A_695 = arith.constant 0 : i32
    %dma_wait3A_696 = tpu.memref_slice %arg7[%dma_wait3A_689, %dma_wait3A_695] : memref<160x128xi32, #tpu.memory_space<vmem>> -> memref<1x128xi32, #tpu.memory_space<vmem>>
    %dma_wait3A_697 = tpu.memref_squeeze %dma_wait3A_696 : memref<1x128xi32, #tpu.memory_space<vmem>> -> memref<128xi32, #tpu.memory_space<vmem>>
    %dma_wait3A_698 = arith.constant 0 : i32
    %dma_wait3A_699 = arith.constant 0 : i32
    %dma_wait3A_700 = tpu.memref_slice %arg11[%dma_wait3A_698, %dma_wait3A_699] : memref<10000x64xbf16, #tpu.memory_space<vmem_shared>> -> memref<10000x64xbf16, #tpu.memory_space<vmem_shared>>
    tpu.wait_indirect_dma semaphore(%arg14 : memref<!tpu.dma_semaphore, #tpu.memory_space<semaphore_mem>>) src(%dma_wait3A_700 : memref<10000x64xbf16, #tpu.memory_space<vmem_shared>>) dst(%dma_wait3A_694 : memref<128x64xbf16, #tpu.memory_space<vmem>>)
    %dma_start3A_701 = arith.constant 2 : i32
    %dma_start3A_702 = arith.constant 158 : i32
    %dma_start3A_703 = arith.constant 0 : i32
    %dma_start3A_704 = arith.constant 0 : i32
    %dma_start3A_705 = tpu.memref_slice %arg9[%dma_start3A_701, %dma_start3A_703, %dma_start3A_704] : memref<3x128x64xbf16, #tpu.memory_space<vmem>> -> memref<1x128x64xbf16, #tpu.memory_space<vmem>>
    %dma_start3A_706 = tpu.memref_squeeze %dma_start3A_705 : memref<1x128x64xbf16, #tpu.memory_space<vmem>> -> memref<128x64xbf16, #tpu.memory_space<vmem>>
    %dma_start3A_707 = arith.constant 0 : i32
    %dma_start3A_708 = tpu.memref_slice %arg8[%dma_start3A_702, %dma_start3A_707] : memref<160x128xi32, #tpu.memory_space<vmem>> -> memref<1x128xi32, #tpu.memory_space<vmem>>
    %dma_start3A_709 = tpu.memref_squeeze %dma_start3A_708 : memref<1x128xi32, #tpu.memory_space<vmem>> -> memref<128xi32, #tpu.memory_space<vmem>>
    %dma_start3A_710 = arith.constant 0 : i32
    %dma_start3A_711 = arith.constant 0 : i32
    %dma_start3A_712 = tpu.memref_slice %arg10[%dma_start3A_710, %dma_start3A_711] : memref<10016x64xbf16, #tpu.memory_space<vmem_shared>> -> memref<10016x64xbf16, #tpu.memory_space<vmem_shared>>
    tpu.enqueue_indirect_dma source(%dma_start3A_706 : memref<128x64xbf16, #tpu.memory_space<vmem>>) target(%dma_start3A_712 : memref<10016x64xbf16, #tpu.memory_space<vmem_shared>>) offsets(%dma_start3A_709 : memref<128xi32, #tpu.memory_space<vmem>>) semaphore(%arg17 : memref<!tpu.dma_semaphore, #tpu.memory_space<semaphore_mem>>) {add = true}
    %get3A_713 = arith.constant 159 : i32
    %get3A_714 = arith.index_cast %get3A_713 : i32 to index
    %get3A_715 = arith.constant 0 : index
    %get3A_716 = tpu.vector_load %arg8[%get3A_714, %get3A_715] {strides = array<i32>} : memref<160x128xi32, #tpu.memory_space<vmem>>, vector<16xi32>,
    %shift_right_logical3A_717 = arith.constant 4 : i32
    %shift_right_logical3A_718 = vector.broadcast %shift_right_logical3A_717 : i32 to vector<16xi32>
    %shift_right_logical3A_719 = arith.shrui %get3A_716, %shift_right_logical3A_718 : vector<16xi32>
    %and3A_720 = arith.constant 15 : i32
    %and3A_721 = vector.broadcast %and3A_720 : i32 to vector<16xi32>
    %and3A_722 = arith.andi %get3A_716, %and3A_721 : vector<16xi32>
    tpu.vector_store_idx %arg18[%shift_right_logical3A_719, %and3A_722], %broadcast_in_dim3A_327 {add = true} : memref<640x16xf32, #tpu.memory_space<vmem>>[vector<16xi32>, vector<16xi32>], vector<16xf32>,
    %get3A_723 = arith.constant 159 : i32
    %get3A_724 = arith.index_cast %get3A_723 : i32 to index
    %get3A_725 = arith.constant 16 : index
    %get3A_726 = tpu.vector_load %arg8[%get3A_724, %get3A_725] {strides = array<i32>} : memref<160x128xi32, #tpu.memory_space<vmem>>, vector<16xi32>,
    %shift_right_logical3A_727 = arith.constant 4 : i32
    %shift_right_logical3A_728 = vector.broadcast %shift_right_logical3A_727 : i32 to vector<16xi32>
    %shift_right_logical3A_729 = arith.shrui %get3A_726, %shift_right_logical3A_728 : vector<16xi32>
    %and3A_730 = arith.constant 15 : i32
    %and3A_731 = vector.broadcast %and3A_730 : i32 to vector<16xi32>
    %and3A_732 = arith.andi %get3A_726, %and3A_731 : vector<16xi32>
    tpu.vector_store_idx %arg18[%shift_right_logical3A_729, %and3A_732], %broadcast_in_dim3A_327 {add = true} : memref<640x16xf32, #tpu.memory_space<vmem>>[vector<16xi32>, vector<16xi32>], vector<16xf32>,
    %get3A_733 = arith.constant 159 : i32
    %get3A_734 = arith.index_cast %get3A_733 : i32 to index
    %get3A_735 = arith.constant 32 : index
    %get3A_736 = tpu.vector_load %arg8[%get3A_734, %get3A_735] {strides = array<i32>} : memref<160x128xi32, #tpu.memory_space<vmem>>, vector<16xi32>,
    %shift_right_logical3A_737 = arith.constant 4 : i32
    %shift_right_logical3A_738 = vector.broadcast %shift_right_logical3A_737 : i32 to vector<16xi32>
    %shift_right_logical3A_739 = arith.shrui %get3A_736, %shift_right_logical3A_738 : vector<16xi32>
    %and3A_740 = arith.constant 15 : i32
    %and3A_741 = vector.broadcast %and3A_740 : i32 to vector<16xi32>
    %and3A_742 = arith.andi %get3A_736, %and3A_741 : vector<16xi32>
    tpu.vector_store_idx %arg18[%shift_right_logical3A_739, %and3A_742], %broadcast_in_dim3A_327 {add = true} : memref<640x16xf32, #tpu.memory_space<vmem>>[vector<16xi32>, vector<16xi32>], vector<16xf32>,
    %get3A_743 = arith.constant 159 : i32
    %get3A_744 = arith.index_cast %get3A_743 : i32 to index
    %get3A_745 = arith.constant 48 : index
    %get3A_746 = tpu.vector_load %arg8[%get3A_744, %get3A_745] {strides = array<i32>} : memref<160x128xi32, #tpu.memory_space<vmem>>, vector<16xi32>,
    %shift_right_logical3A_747 = arith.constant 4 : i32
    %shift_right_logical3A_748 = vector.broadcast %shift_right_logical3A_747 : i32 to vector<16xi32>
    %shift_right_logical3A_749 = arith.shrui %get3A_746, %shift_right_logical3A_748 : vector<16xi32>
    %and3A_750 = arith.constant 15 : i32
    %and3A_751 = vector.broadcast %and3A_750 : i32 to vector<16xi32>
    %and3A_752 = arith.andi %get3A_746, %and3A_751 : vector<16xi32>
    tpu.vector_store_idx %arg18[%shift_right_logical3A_749, %and3A_752], %broadcast_in_dim3A_327 {add = true} : memref<640x16xf32, #tpu.memory_space<vmem>>[vector<16xi32>, vector<16xi32>], vector<16xf32>,
    %get3A_753 = arith.constant 159 : i32
    %get3A_754 = arith.index_cast %get3A_753 : i32 to index
    %get3A_755 = arith.constant 64 : index
    %get3A_756 = tpu.vector_load %arg8[%get3A_754, %get3A_755] {strides = array<i32>} : memref<160x128xi32, #tpu.memory_space<vmem>>, vector<16xi32>,
    %shift_right_logical3A_757 = arith.constant 4 : i32
    %shift_right_logical3A_758 = vector.broadcast %shift_right_logical3A_757 : i32 to vector<16xi32>
    %shift_right_logical3A_759 = arith.shrui %get3A_756, %shift_right_logical3A_758 : vector<16xi32>
    %and3A_760 = arith.constant 15 : i32
    %and3A_761 = vector.broadcast %and3A_760 : i32 to vector<16xi32>
    %and3A_762 = arith.andi %get3A_756, %and3A_761 : vector<16xi32>
    tpu.vector_store_idx %arg18[%shift_right_logical3A_759, %and3A_762], %broadcast_in_dim3A_327 {add = true} : memref<640x16xf32, #tpu.memory_space<vmem>>[vector<16xi32>, vector<16xi32>], vector<16xf32>,
    %get3A_763 = arith.constant 159 : i32
    %get3A_764 = arith.index_cast %get3A_763 : i32 to index
    %get3A_765 = arith.constant 80 : index
    %get3A_766 = tpu.vector_load %arg8[%get3A_764, %get3A_765] {strides = array<i32>} : memref<160x128xi32, #tpu.memory_space<vmem>>, vector<16xi32>,
    %shift_right_logical3A_767 = arith.constant 4 : i32
    %shift_right_logical3A_768 = vector.broadcast %shift_right_logical3A_767 : i32 to vector<16xi32>
    %shift_right_logical3A_769 = arith.shrui %get3A_766, %shift_right_logical3A_768 : vector<16xi32>
    %and3A_770 = arith.constant 15 : i32
    %and3A_771 = vector.broadcast %and3A_770 : i32 to vector<16xi32>
    %and3A_772 = arith.andi %get3A_766, %and3A_771 : vector<16xi32>
    tpu.vector_store_idx %arg18[%shift_right_logical3A_769, %and3A_772], %broadcast_in_dim3A_327 {add = true} : memref<640x16xf32, #tpu.memory_space<vmem>>[vector<16xi32>, vector<16xi32>], vector<16xf32>,
    %get3A_773 = arith.constant 159 : i32
    %get3A_774 = arith.index_cast %get3A_773 : i32 to index
    %get3A_775 = arith.constant 96 : index
    %get3A_776 = tpu.vector_load %arg8[%get3A_774, %get3A_775] {strides = array<i32>} : memref<160x128xi32, #tpu.memory_space<vmem>>, vector<16xi32>,
    %shift_right_logical3A_777 = arith.constant 4 : i32
    %shift_right_logical3A_778 = vector.broadcast %shift_right_logical3A_777 : i32 to vector<16xi32>
    %shift_right_logical3A_779 = arith.shrui %get3A_776, %shift_right_logical3A_778 : vector<16xi32>
    %and3A_780 = arith.constant 15 : i32
    %and3A_781 = vector.broadcast %and3A_780 : i32 to vector<16xi32>
    %and3A_782 = arith.andi %get3A_776, %and3A_781 : vector<16xi32>
    tpu.vector_store_idx %arg18[%shift_right_logical3A_779, %and3A_782], %broadcast_in_dim3A_327 {add = true} : memref<640x16xf32, #tpu.memory_space<vmem>>[vector<16xi32>, vector<16xi32>], vector<16xf32>,
    %get3A_783 = arith.constant 159 : i32
    %get3A_784 = arith.index_cast %get3A_783 : i32 to index
    %get3A_785 = arith.constant 112 : index
    %get3A_786 = tpu.vector_load %arg8[%get3A_784, %get3A_785] {strides = array<i32>} : memref<160x128xi32, #tpu.memory_space<vmem>>, vector<16xi32>,
    %shift_right_logical3A_787 = arith.constant 4 : i32
    %shift_right_logical3A_788 = vector.broadcast %shift_right_logical3A_787 : i32 to vector<16xi32>
    %shift_right_logical3A_789 = arith.shrui %get3A_786, %shift_right_logical3A_788 : vector<16xi32>
    %and3A_790 = arith.constant 15 : i32
    %and3A_791 = vector.broadcast %and3A_790 : i32 to vector<16xi32>
    %and3A_792 = arith.andi %get3A_786, %and3A_791 : vector<16xi32>
    tpu.vector_store_idx %arg18[%shift_right_logical3A_789, %and3A_792], %broadcast_in_dim3A_327 {add = true} : memref<640x16xf32, #tpu.memory_space<vmem>>[vector<16xi32>, vector<16xi32>], vector<16xf32>,
    %dma_wait3A_793 = arith.constant 2 : i32
    %dma_wait3A_794 = arith.constant 158 : i32
    %dma_wait3A_795 = arith.constant 0 : i32
    %dma_wait3A_796 = arith.constant 0 : i32
    %dma_wait3A_797 = tpu.memref_slice %arg9[%dma_wait3A_793, %dma_wait3A_795, %dma_wait3A_796] : memref<3x128x64xbf16, #tpu.memory_space<vmem>> -> memref<1x128x64xbf16, #tpu.memory_space<vmem>>
    %dma_wait3A_798 = tpu.memref_squeeze %dma_wait3A_797 : memref<1x128x64xbf16, #tpu.memory_space<vmem>> -> memref<128x64xbf16, #tpu.memory_space<vmem>>
    %dma_wait3A_799 = arith.constant 0 : i32
    %dma_wait3A_800 = tpu.memref_slice %arg8[%dma_wait3A_794, %dma_wait3A_799] : memref<160x128xi32, #tpu.memory_space<vmem>> -> memref<1x128xi32, #tpu.memory_space<vmem>>
    %dma_wait3A_801 = tpu.memref_squeeze %dma_wait3A_800 : memref<1x128xi32, #tpu.memory_space<vmem>> -> memref<128xi32, #tpu.memory_space<vmem>>
    %dma_wait3A_802 = arith.constant 0 : i32
    %dma_wait3A_803 = arith.constant 0 : i32
    %dma_wait3A_804 = tpu.memref_slice %arg10[%dma_wait3A_802, %dma_wait3A_803] : memref<10016x64xbf16, #tpu.memory_space<vmem_shared>> -> memref<10016x64xbf16, #tpu.memory_space<vmem_shared>>
    tpu.wait_indirect_dma semaphore(%arg17 : memref<!tpu.dma_semaphore, #tpu.memory_space<semaphore_mem>>) src(%dma_wait3A_798 : memref<128x64xbf16, #tpu.memory_space<vmem>>) dst(%dma_wait3A_804 : memref<10016x64xbf16, #tpu.memory_space<vmem_shared>>)
    %dma_wait3A_805 = arith.constant 159 : i32
    %dma_wait3A_806 = arith.constant 0 : i32
    %dma_wait3A_807 = arith.constant 0 : i32
    %dma_wait3A_808 = arith.constant 0 : i32
    %dma_wait3A_809 = tpu.memref_slice %arg9[%dma_wait3A_806, %dma_wait3A_807, %dma_wait3A_808] : memref<3x128x64xbf16, #tpu.memory_space<vmem>> -> memref<1x128x64xbf16, #tpu.memory_space<vmem>>
    %dma_wait3A_810 = tpu.memref_squeeze %dma_wait3A_809 : memref<1x128x64xbf16, #tpu.memory_space<vmem>> -> memref<128x64xbf16, #tpu.memory_space<vmem>>
    %dma_wait3A_811 = arith.constant 0 : i32
    %dma_wait3A_812 = tpu.memref_slice %arg7[%dma_wait3A_805, %dma_wait3A_811] : memref<160x128xi32, #tpu.memory_space<vmem>> -> memref<1x128xi32, #tpu.memory_space<vmem>>
    %dma_wait3A_813 = tpu.memref_squeeze %dma_wait3A_812 : memref<1x128xi32, #tpu.memory_space<vmem>> -> memref<128xi32, #tpu.memory_space<vmem>>
    %dma_wait3A_814 = arith.constant 0 : i32
    %dma_wait3A_815 = arith.constant 0 : i32
    %dma_wait3A_816 = tpu.memref_slice %arg11[%dma_wait3A_814, %dma_wait3A_815] : memref<10000x64xbf16, #tpu.memory_space<vmem_shared>> -> memref<10000x64xbf16, #tpu.memory_space<vmem_shared>>
    tpu.wait_indirect_dma semaphore(%arg12 : memref<!tpu.dma_semaphore, #tpu.memory_space<semaphore_mem>>) src(%dma_wait3A_816 : memref<10000x64xbf16, #tpu.memory_space<vmem_shared>>) dst(%dma_wait3A_810 : memref<128x64xbf16, #tpu.memory_space<vmem>>)
    %dma_start3A_817 = arith.constant 0 : i32
    %dma_start3A_818 = arith.constant 159 : i32
    %dma_start3A_819 = arith.constant 0 : i32
    %dma_start3A_820 = arith.constant 0 : i32
    %dma_start3A_821 = tpu.memref_slice %arg9[%dma_start3A_817, %dma_start3A_819, %dma_start3A_820] : memref<3x128x64xbf16, #tpu.memory_space<vmem>> -> memref<1x128x64xbf16, #tpu.memory_space<vmem>>
    %dma_start3A_822 = tpu.memref_squeeze %dma_start3A_821 : memref<1x128x64xbf16, #tpu.memory_space<vmem>> -> memref<128x64xbf16, #tpu.memory_space<vmem>>
    %dma_start3A_823 = arith.constant 0 : i32
    %dma_start3A_824 = tpu.memref_slice %arg8[%dma_start3A_818, %dma_start3A_823] : memref<160x128xi32, #tpu.memory_space<vmem>> -> memref<1x128xi32, #tpu.memory_space<vmem>>
    %dma_start3A_825 = tpu.memref_squeeze %dma_start3A_824 : memref<1x128xi32, #tpu.memory_space<vmem>> -> memref<128xi32, #tpu.memory_space<vmem>>
    %dma_start3A_826 = arith.constant 0 : i32
    %dma_start3A_827 = arith.constant 0 : i32
    %dma_start3A_828 = tpu.memref_slice %arg10[%dma_start3A_826, %dma_start3A_827] : memref<10016x64xbf16, #tpu.memory_space<vmem_shared>> -> memref<10016x64xbf16, #tpu.memory_space<vmem_shared>>
    tpu.enqueue_indirect_dma source(%dma_start3A_822 : memref<128x64xbf16, #tpu.memory_space<vmem>>) target(%dma_start3A_828 : memref<10016x64xbf16, #tpu.memory_space<vmem_shared>>) offsets(%dma_start3A_825 : memref<128xi32, #tpu.memory_space<vmem>>) semaphore(%arg15 : memref<!tpu.dma_semaphore, #tpu.memory_space<semaphore_mem>>) {add = true}
    %dma_wait3A_829 = arith.constant 0 : i32
    %dma_wait3A_830 = arith.constant 159 : i32
    %dma_wait3A_831 = arith.constant 0 : i32
    %dma_wait3A_832 = arith.constant 0 : i32
    %dma_wait3A_833 = tpu.memref_slice %arg9[%dma_wait3A_829, %dma_wait3A_831, %dma_wait3A_832] : memref<3x128x64xbf16, #tpu.memory_space<vmem>> -> memref<1x128x64xbf16, #tpu.memory_space<vmem>>
    %dma_wait3A_834 = tpu.memref_squeeze %dma_wait3A_833 : memref<1x128x64xbf16, #tpu.memory_space<vmem>> -> memref<128x64xbf16, #tpu.memory_space<vmem>>
    %dma_wait3A_835 = arith.constant 0 : i32
    %dma_wait3A_836 = tpu.memref_slice %arg8[%dma_wait3A_830, %dma_wait3A_835] : memref<160x128xi32, #tpu.memory_space<vmem>> -> memref<1x128xi32, #tpu.memory_space<vmem>>
    %dma_wait3A_837 = tpu.memref_squeeze %dma_wait3A_836 : memref<1x128xi32, #tpu.memory_space<vmem>> -> memref<128xi32, #tpu.memory_space<vmem>>
    %dma_wait3A_838 = arith.constant 0 : i32
    %dma_wait3A_839 = arith.constant 0 : i32
    %dma_wait3A_840 = tpu.memref_slice %arg10[%dma_wait3A_838, %dma_wait3A_839] : memref<10016x64xbf16, #tpu.memory_space<vmem_shared>> -> memref<10016x64xbf16, #tpu.memory_space<vmem_shared>>
    tpu.wait_indirect_dma semaphore(%arg15 : memref<!tpu.dma_semaphore, #tpu.memory_space<semaphore_mem>>) src(%dma_wait3A_834 : memref<128x64xbf16, #tpu.memory_space<vmem>>) dst(%dma_wait3A_840 : memref<10016x64xbf16, #tpu.memory_space<vmem_shared>>)
    %barrier3A_841 = arith.constant 0 : index
    tpu.barrier barrier_id(%barrier3A_841)
    %run_scoped3A_842 = arith.constant 0 : i32
    "tpu.region"() ({
      %run_scoped3A_856 = tpu.sem_alloc : memref<!tpu.dma_semaphore, #tpu.memory_space<semaphore_mem>>
      %dma_start3A_857 = arith.constant 0 : i32
      %dma_start3A_858 = arith.constant 0 : i32
      %dma_start3A_859 = tpu.memref_slice %arg18[%dma_start3A_857, %dma_start3A_858] : memref<640x16xf32, #tpu.memory_space<vmem>> -> memref<128x16xf32, #tpu.memory_space<vmem>>
      %dma_start3A_860 = arith.constant 0 : i32
      %dma_start3A_861 = tpu.memref_slice %arg19[%run_scoped3A_842, %dma_start3A_860] : memref<5x128xi32, #tpu.memory_space<vmem>> -> memref<1x128xi32, #tpu.memory_space<vmem>>
      %dma_start3A_862 = tpu.memref_squeeze %dma_start3A_861 : memref<1x128xi32, #tpu.memory_space<vmem>> -> memref<128xi32, #tpu.memory_space<vmem>>
      %dma_start3A_863 = arith.constant 0 : i32
      %dma_start3A_864 = arith.constant 0 : i32
      %dma_start3A_865 = tpu.memref_slice %arg20[%dma_start3A_863, %dma_start3A_864] : memref<640x16xf32, #tpu.memory_space<vmem_shared>> -> memref<640x16xf32, #tpu.memory_space<vmem_shared>>
      tpu.enqueue_indirect_dma source(%dma_start3A_859 : memref<128x16xf32, #tpu.memory_space<vmem>>) target(%dma_start3A_865 : memref<640x16xf32, #tpu.memory_space<vmem_shared>>) offsets(%dma_start3A_862 : memref<128xi32, #tpu.memory_space<vmem>>) semaphore(%run_scoped3A_856 : memref<!tpu.dma_semaphore, #tpu.memory_space<semaphore_mem>>) {add = true}
      %dma_wait3A_866 = arith.constant 0 : i32
      %dma_wait3A_867 = arith.constant 0 : i32
      %dma_wait3A_868 = tpu.memref_slice %arg18[%dma_wait3A_866, %dma_wait3A_867] : memref<640x16xf32, #tpu.memory_space<vmem>> -> memref<128x16xf32, #tpu.memory_space<vmem>>
      %dma_wait3A_869 = arith.constant 0 : i32
      %dma_wait3A_870 = tpu.memref_slice %arg19[%run_scoped3A_842, %dma_wait3A_869] : memref<5x128xi32, #tpu.memory_space<vmem>> -> memref<1x128xi32, #tpu.memory_space<vmem>>
      %dma_wait3A_871 = tpu.memref_squeeze %dma_wait3A_870 : memref<1x128xi32, #tpu.memory_space<vmem>> -> memref<128xi32, #tpu.memory_space<vmem>>
      %dma_wait3A_872 = arith.constant 0 : i32
      %dma_wait3A_873 = arith.constant 0 : i32
      %dma_wait3A_874 = tpu.memref_slice %arg20[%dma_wait3A_872, %dma_wait3A_873] : memref<640x16xf32, #tpu.memory_space<vmem_shared>> -> memref<640x16xf32, #tpu.memory_space<vmem_shared>>
      tpu.wait_indirect_dma semaphore(%run_scoped3A_856 : memref<!tpu.dma_semaphore, #tpu.memory_space<semaphore_mem>>) src(%dma_wait3A_868 : memref<128x16xf32, #tpu.memory_space<vmem>>) dst(%dma_wait3A_874 : memref<640x16xf32, #tpu.memory_space<vmem_shared>>)
      tpu.yield
    }) : () -> ()
    %run_scoped3A_843 = arith.constant 1 : i32
    "tpu.region"() ({
      %run_scoped3A_856 = tpu.sem_alloc : memref<!tpu.dma_semaphore, #tpu.memory_space<semaphore_mem>>
      %dma_start3A_857 = arith.constant 128 : i32
      %dma_start3A_858 = arith.constant 0 : i32
      %dma_start3A_859 = tpu.memref_slice %arg18[%dma_start3A_857, %dma_start3A_858] : memref<640x16xf32, #tpu.memory_space<vmem>> -> memref<128x16xf32, #tpu.memory_space<vmem>>
      %dma_start3A_860 = arith.constant 0 : i32
      %dma_start3A_861 = tpu.memref_slice %arg19[%run_scoped3A_843, %dma_start3A_860] : memref<5x128xi32, #tpu.memory_space<vmem>> -> memref<1x128xi32, #tpu.memory_space<vmem>>
      %dma_start3A_862 = tpu.memref_squeeze %dma_start3A_861 : memref<1x128xi32, #tpu.memory_space<vmem>> -> memref<128xi32, #tpu.memory_space<vmem>>
      %dma_start3A_863 = arith.constant 0 : i32
      %dma_start3A_864 = arith.constant 0 : i32
      %dma_start3A_865 = tpu.memref_slice %arg20[%dma_start3A_863, %dma_start3A_864] : memref<640x16xf32, #tpu.memory_space<vmem_shared>> -> memref<640x16xf32, #tpu.memory_space<vmem_shared>>
      tpu.enqueue_indirect_dma source(%dma_start3A_859 : memref<128x16xf32, #tpu.memory_space<vmem>>) target(%dma_start3A_865 : memref<640x16xf32, #tpu.memory_space<vmem_shared>>) offsets(%dma_start3A_862 : memref<128xi32, #tpu.memory_space<vmem>>) semaphore(%run_scoped3A_856 : memref<!tpu.dma_semaphore, #tpu.memory_space<semaphore_mem>>) {add = true}
      %dma_wait3A_866 = arith.constant 128 : i32
      %dma_wait3A_867 = arith.constant 0 : i32
      %dma_wait3A_868 = tpu.memref_slice %arg18[%dma_wait3A_866, %dma_wait3A_867] : memref<640x16xf32, #tpu.memory_space<vmem>> -> memref<128x16xf32, #tpu.memory_space<vmem>>
      %dma_wait3A_869 = arith.constant 0 : i32
      %dma_wait3A_870 = tpu.memref_slice %arg19[%run_scoped3A_843, %dma_wait3A_869] : memref<5x128xi32, #tpu.memory_space<vmem>> -> memref<1x128xi32, #tpu.memory_space<vmem>>
      %dma_wait3A_871 = tpu.memref_squeeze %dma_wait3A_870 : memref<1x128xi32, #tpu.memory_space<vmem>> -> memref<128xi32, #tpu.memory_space<vmem>>
      %dma_wait3A_872 = arith.constant 0 : i32
      %dma_wait3A_873 = arith.constant 0 : i32
      %dma_wait3A_874 = tpu.memref_slice %arg20[%dma_wait3A_872, %dma_wait3A_873] : memref<640x16xf32, #tpu.memory_space<vmem_shared>> -> memref<640x16xf32, #tpu.memory_space<vmem_shared>>
      tpu.wait_indirect_dma semaphore(%run_scoped3A_856 : memref<!tpu.dma_semaphore, #tpu.memory_space<semaphore_mem>>) src(%dma_wait3A_868 : memref<128x16xf32, #tpu.memory_space<vmem>>) dst(%dma_wait3A_874 : memref<640x16xf32, #tpu.memory_space<vmem_shared>>)
      tpu.yield
    }) : () -> ()
    %run_scoped3A_844 = arith.constant 2 : i32
    "tpu.region"() ({
      %run_scoped3A_856 = tpu.sem_alloc : memref<!tpu.dma_semaphore, #tpu.memory_space<semaphore_mem>>
      %dma_start3A_857 = arith.constant 256 : i32
      %dma_start3A_858 = arith.constant 0 : i32
      %dma_start3A_859 = tpu.memref_slice %arg18[%dma_start3A_857, %dma_start3A_858] : memref<640x16xf32, #tpu.memory_space<vmem>> -> memref<128x16xf32, #tpu.memory_space<vmem>>
      %dma_start3A_860 = arith.constant 0 : i32
      %dma_start3A_861 = tpu.memref_slice %arg19[%run_scoped3A_844, %dma_start3A_860] : memref<5x128xi32, #tpu.memory_space<vmem>> -> memref<1x128xi32, #tpu.memory_space<vmem>>
      %dma_start3A_862 = tpu.memref_squeeze %dma_start3A_861 : memref<1x128xi32, #tpu.memory_space<vmem>> -> memref<128xi32, #tpu.memory_space<vmem>>
      %dma_start3A_863 = arith.constant 0 : i32
      %dma_start3A_864 = arith.constant 0 : i32
      %dma_start3A_865 = tpu.memref_slice %arg20[%dma_start3A_863, %dma_start3A_864] : memref<640x16xf32, #tpu.memory_space<vmem_shared>> -> memref<640x16xf32, #tpu.memory_space<vmem_shared>>
      tpu.enqueue_indirect_dma source(%dma_start3A_859 : memref<128x16xf32, #tpu.memory_space<vmem>>) target(%dma_start3A_865 : memref<640x16xf32, #tpu.memory_space<vmem_shared>>) offsets(%dma_start3A_862 : memref<128xi32, #tpu.memory_space<vmem>>) semaphore(%run_scoped3A_856 : memref<!tpu.dma_semaphore, #tpu.memory_space<semaphore_mem>>) {add = true}
      %dma_wait3A_866 = arith.constant 256 : i32
      %dma_wait3A_867 = arith.constant 0 : i32
      %dma_wait3A_868 = tpu.memref_slice %arg18[%dma_wait3A_866, %dma_wait3A_867] : memref<640x16xf32, #tpu.memory_space<vmem>> -> memref<128x16xf32, #tpu.memory_space<vmem>>
      %dma_wait3A_869 = arith.constant 0 : i32
      %dma_wait3A_870 = tpu.memref_slice %arg19[%run_scoped3A_844, %dma_wait3A_869] : memref<5x128xi32, #tpu.memory_space<vmem>> -> memref<1x128xi32, #tpu.memory_space<vmem>>
      %dma_wait3A_871 = tpu.memref_squeeze %dma_wait3A_870 : memref<1x128xi32, #tpu.memory_space<vmem>> -> memref<128xi32, #tpu.memory_space<vmem>>
      %dma_wait3A_872 = arith.constant 0 : i32
      %dma_wait3A_873 = arith.constant 0 : i32
      %dma_wait3A_874 = tpu.memref_slice %arg20[%dma_wait3A_872, %dma_wait3A_873] : memref<640x16xf32, #tpu.memory_space<vmem_shared>> -> memref<640x16xf32, #tpu.memory_space<vmem_shared>>
      tpu.wait_indirect_dma semaphore(%run_scoped3A_856 : memref<!tpu.dma_semaphore, #tpu.memory_space<semaphore_mem>>) src(%dma_wait3A_868 : memref<128x16xf32, #tpu.memory_space<vmem>>) dst(%dma_wait3A_874 : memref<640x16xf32, #tpu.memory_space<vmem_shared>>)
      tpu.yield
    }) : () -> ()
    %run_scoped3A_845 = arith.constant 3 : i32
    "tpu.region"() ({
      %run_scoped3A_856 = tpu.sem_alloc : memref<!tpu.dma_semaphore, #tpu.memory_space<semaphore_mem>>
      %dma_start3A_857 = arith.constant 384 : i32
      %dma_start3A_858 = arith.constant 0 : i32
      %dma_start3A_859 = tpu.memref_slice %arg18[%dma_start3A_857, %dma_start3A_858] : memref<640x16xf32, #tpu.memory_space<vmem>> -> memref<128x16xf32, #tpu.memory_space<vmem>>
      %dma_start3A_860 = arith.constant 0 : i32
      %dma_start3A_861 = tpu.memref_slice %arg19[%run_scoped3A_845, %dma_start3A_860] : memref<5x128xi32, #tpu.memory_space<vmem>> -> memref<1x128xi32, #tpu.memory_space<vmem>>
      %dma_start3A_862 = tpu.memref_squeeze %dma_start3A_861 : memref<1x128xi32, #tpu.memory_space<vmem>> -> memref<128xi32, #tpu.memory_space<vmem>>
      %dma_start3A_863 = arith.constant 0 : i32
      %dma_start3A_864 = arith.constant 0 : i32
      %dma_start3A_865 = tpu.memref_slice %arg20[%dma_start3A_863, %dma_start3A_864] : memref<640x16xf32, #tpu.memory_space<vmem_shared>> -> memref<640x16xf32, #tpu.memory_space<vmem_shared>>
      tpu.enqueue_indirect_dma source(%dma_start3A_859 : memref<128x16xf32, #tpu.memory_space<vmem>>) target(%dma_start3A_865 : memref<640x16xf32, #tpu.memory_space<vmem_shared>>) offsets(%dma_start3A_862 : memref<128xi32, #tpu.memory_space<vmem>>) semaphore(%run_scoped3A_856 : memref<!tpu.dma_semaphore, #tpu.memory_space<semaphore_mem>>) {add = true}
      %dma_wait3A_866 = arith.constant 384 : i32
      %dma_wait3A_867 = arith.constant 0 : i32
      %dma_wait3A_868 = tpu.memref_slice %arg18[%dma_wait3A_866, %dma_wait3A_867] : memref<640x16xf32, #tpu.memory_space<vmem>> -> memref<128x16xf32, #tpu.memory_space<vmem>>
      %dma_wait3A_869 = arith.constant 0 : i32
      %dma_wait3A_870 = tpu.memref_slice %arg19[%run_scoped3A_845, %dma_wait3A_869] : memref<5x128xi32, #tpu.memory_space<vmem>> -> memref<1x128xi32, #tpu.memory_space<vmem>>
      %dma_wait3A_871 = tpu.memref_squeeze %dma_wait3A_870 : memref<1x128xi32, #tpu.memory_space<vmem>> -> memref<128xi32, #tpu.memory_space<vmem>>
      %dma_wait3A_872 = arith.constant 0 : i32
      %dma_wait3A_873 = arith.constant 0 : i32
      %dma_wait3A_874 = tpu.memref_slice %arg20[%dma_wait3A_872, %dma_wait3A_873] : memref<640x16xf32, #tpu.memory_space<vmem_shared>> -> memref<640x16xf32, #tpu.memory_space<vmem_shared>>
      tpu.wait_indirect_dma semaphore(%run_scoped3A_856 : memref<!tpu.dma_semaphore, #tpu.memory_space<semaphore_mem>>) src(%dma_wait3A_868 : memref<128x16xf32, #tpu.memory_space<vmem>>) dst(%dma_wait3A_874 : memref<640x16xf32, #tpu.memory_space<vmem_shared>>)
      tpu.yield
    }) : () -> ()
    %run_scoped3A_846 = arith.constant 4 : i32
    "tpu.region"() ({
      %run_scoped3A_856 = tpu.sem_alloc : memref<!tpu.dma_semaphore, #tpu.memory_space<semaphore_mem>>
      %dma_start3A_857 = arith.constant 512 : i32
      %dma_start3A_858 = arith.constant 0 : i32
      %dma_start3A_859 = tpu.memref_slice %arg18[%dma_start3A_857, %dma_start3A_858] : memref<640x16xf32, #tpu.memory_space<vmem>> -> memref<128x16xf32, #tpu.memory_space<vmem>>
      %dma_start3A_860 = arith.constant 0 : i32
      %dma_start3A_861 = tpu.memref_slice %arg19[%run_scoped3A_846, %dma_start3A_860] : memref<5x128xi32, #tpu.memory_space<vmem>> -> memref<1x128xi32, #tpu.memory_space<vmem>>
      %dma_start3A_862 = tpu.memref_squeeze %dma_start3A_861 : memref<1x128xi32, #tpu.memory_space<vmem>> -> memref<128xi32, #tpu.memory_space<vmem>>
      %dma_start3A_863 = arith.constant 0 : i32
      %dma_start3A_864 = arith.constant 0 : i32
      %dma_start3A_865 = tpu.memref_slice %arg20[%dma_start3A_863, %dma_start3A_864] : memref<640x16xf32, #tpu.memory_space<vmem_shared>> -> memref<640x16xf32, #tpu.memory_space<vmem_shared>>
      tpu.enqueue_indirect_dma source(%dma_start3A_859 : memref<128x16xf32, #tpu.memory_space<vmem>>) target(%dma_start3A_865 : memref<640x16xf32, #tpu.memory_space<vmem_shared>>) offsets(%dma_start3A_862 : memref<128xi32, #tpu.memory_space<vmem>>) semaphore(%run_scoped3A_856 : memref<!tpu.dma_semaphore, #tpu.memory_space<semaphore_mem>>) {add = true}
      %dma_wait3A_866 = arith.constant 512 : i32
      %dma_wait3A_867 = arith.constant 0 : i32
      %dma_wait3A_868 = tpu.memref_slice %arg18[%dma_wait3A_866, %dma_wait3A_867] : memref<640x16xf32, #tpu.memory_space<vmem>> -> memref<128x16xf32, #tpu.memory_space<vmem>>
      %dma_wait3A_869 = arith.constant 0 : i32
      %dma_wait3A_870 = tpu.memref_slice %arg19[%run_scoped3A_846, %dma_wait3A_869] : memref<5x128xi32, #tpu.memory_space<vmem>> -> memref<1x128xi32, #tpu.memory_space<vmem>>
      %dma_wait3A_871 = tpu.memref_squeeze %dma_wait3A_870 : memref<1x128xi32, #tpu.memory_space<vmem>> -> memref<128xi32, #tpu.memory_space<vmem>>
      %dma_wait3A_872 = arith.constant 0 : i32
      %dma_wait3A_873 = arith.constant 0 : i32
      %dma_wait3A_874 = tpu.memref_slice %arg20[%dma_wait3A_872, %dma_wait3A_873] : memref<640x16xf32, #tpu.memory_space<vmem_shared>> -> memref<640x16xf32, #tpu.memory_space<vmem_shared>>
      tpu.wait_indirect_dma semaphore(%run_scoped3A_856 : memref<!tpu.dma_semaphore, #tpu.memory_space<semaphore_mem>>) src(%dma_wait3A_868 : memref<128x16xf32, #tpu.memory_space<vmem>>) dst(%dma_wait3A_874 : memref<640x16xf32, #tpu.memory_space<vmem_shared>>)
      tpu.yield
    }) : () -> ()
    %barrier3A_847 = arith.constant 0 : index
    tpu.barrier barrier_id(%barrier3A_847)
    %eq3A_848 = arith.constant 0 : i32
    %eq3A_849 = arith.cmpi eq, %arg0, %eq3A_848 : i32
    %convert_element_type3A_850 = arith.extui %eq3A_849 : i1 to i32
    %cond3A_851 = arith.constant 0 : i32
    %cond3A_852 = arith.cmpi ne, %convert_element_type3A_850, %cond3A_851 : i32
    scf.if %cond3A_852 {
      %mul3A_856 = arith.constant 40 : i32
      %mul3A_857 = arith.muli %arg1, %mul3A_856 : i32
      "tpu.region"() ({
        %run_scoped3A_858 = tpu.sem_alloc : memref<!tpu.dma_semaphore, #tpu.memory_space<semaphore_mem>>
        %dma_start3A_859 = arith.constant 0 : i32
        %dma_start3A_860 = arith.constant 0 : i32
        %dma_start3A_861 = tpu.memref_slice %arg6[%arg1, %dma_start3A_859, %dma_start3A_860] : memref<16x40x16xf32, #tpu.memory_space<hbm>> -> memref<1x40x16xf32, #tpu.memory_space<hbm>>
        %dma_start3A_862 = tpu.memref_squeeze %dma_start3A_861 : memref<1x40x16xf32, #tpu.memory_space<hbm>> -> memref<40x16xf32, #tpu.memory_space<hbm>>
        %dma_start3A_863 = arith.constant 0 : i32
        %dma_start3A_864 = tpu.memref_slice %arg20[%mul3A_857, %dma_start3A_863] : memref<640x16xf32, #tpu.memory_space<vmem_shared>> -> memref<40x16xf32, #tpu.memory_space<vmem_shared>>
        tpu.enqueue_dma source(%dma_start3A_864 : memref<40x16xf32, #tpu.memory_space<vmem_shared>>) target(%dma_start3A_862 : memref<40x16xf32, #tpu.memory_space<hbm>>) target_semaphore(%run_scoped3A_858 : memref<!tpu.dma_semaphore, #tpu.memory_space<semaphore_mem>>)
        %dma_wait3A_865 = arith.constant 0 : i32
        %dma_wait3A_866 = arith.constant 0 : i32
        %dma_wait3A_867 = tpu.memref_slice %arg6[%arg1, %dma_wait3A_865, %dma_wait3A_866] : memref<16x40x16xf32, #tpu.memory_space<hbm>> -> memref<1x40x16xf32, #tpu.memory_space<hbm>>
        %dma_wait3A_868 = tpu.memref_squeeze %dma_wait3A_867 : memref<1x40x16xf32, #tpu.memory_space<hbm>> -> memref<40x16xf32, #tpu.memory_space<hbm>>
        %dma_wait3A_869 = arith.constant 0 : i32
        %dma_wait3A_870 = tpu.memref_slice %arg20[%mul3A_857, %dma_wait3A_869] : memref<640x16xf32, #tpu.memory_space<vmem_shared>> -> memref<40x16xf32, #tpu.memory_space<vmem_shared>>
        tpu.wait_dma2 semaphore(%run_scoped3A_858 : memref<!tpu.dma_semaphore, #tpu.memory_space<semaphore_mem>>) src(%dma_wait3A_870 : memref<40x16xf32, #tpu.memory_space<vmem_shared>>) dst(%dma_wait3A_868 : memref<40x16xf32, #tpu.memory_space<hbm>>)
        tpu.yield
      }) : () -> ()
    } else {
    }
    %barrier3A_853 = arith.constant 0 : index
    tpu.barrier barrier_id(%barrier3A_853)
    %mul3A_854 = arith.constant 625 : i32
    %mul3A_855 = arith.muli %arg1, %mul3A_854 : i32
    "tpu.region"() ({
      %run_scoped3A_856 = tpu.sem_alloc : memref<!tpu.dma_semaphore, #tpu.memory_space<semaphore_mem>>
      %dma_start3A_857 = arith.constant 0 : i32
      %dma_start3A_858 = arith.constant 0 : i32
      %dma_start3A_859 = tpu.memref_slice %arg5[%arg0, %arg1, %dma_start3A_857, %dma_start3A_858] : memref<2x16x625x64xbf16, #tpu.memory_space<hbm>> -> memref<1x1x625x64xbf16, #tpu.memory_space<hbm>>
      %dma_start3A_860 = tpu.memref_squeeze %dma_start3A_859 : memref<1x1x625x64xbf16, #tpu.memory_space<hbm>> -> memref<625x64xbf16, #tpu.memory_space<hbm>>
      %dma_start3A_861 = arith.constant 0 : i32
      %dma_start3A_862 = tpu.memref_slice %arg10[%mul3A_855, %dma_start3A_861] : memref<10016x64xbf16, #tpu.memory_space<vmem_shared>> -> memref<625x64xbf16, #tpu.memory_space<vmem_shared>>
      tpu.enqueue_dma source(%dma_start3A_862 : memref<625x64xbf16, #tpu.memory_space<vmem_shared>>) target(%dma_start3A_860 : memref<625x64xbf16, #tpu.memory_space<hbm>>) target_semaphore(%run_scoped3A_856 : memref<!tpu.dma_semaphore, #tpu.memory_space<semaphore_mem>>)
      %dma_wait3A_863 = arith.constant 0 : i32
      %dma_wait3A_864 = arith.constant 0 : i32
      %dma_wait3A_865 = tpu.memref_slice %arg5[%arg0, %arg1, %dma_wait3A_863, %dma_wait3A_864] : memref<2x16x625x64xbf16, #tpu.memory_space<hbm>> -> memref<1x1x625x64xbf16, #tpu.memory_space<hbm>>
      %dma_wait3A_866 = tpu.memref_squeeze %dma_wait3A_865 : memref<1x1x625x64xbf16, #tpu.memory_space<hbm>> -> memref<625x64xbf16, #tpu.memory_space<hbm>>
      %dma_wait3A_867 = arith.constant 0 : i32
      %dma_wait3A_868 = tpu.memref_slice %arg10[%mul3A_855, %dma_wait3A_867] : memref<10016x64xbf16, #tpu.memory_space<vmem_shared>> -> memref<625x64xbf16, #tpu.memory_space<vmem_shared>>
      tpu.wait_dma2 semaphore(%run_scoped3A_856 : memref<!tpu.dma_semaphore, #tpu.memory_space<semaphore_mem>>) src(%dma_wait3A_868 : memref<625x64xbf16, #tpu.memory_space<vmem_shared>>) dst(%dma_wait3A_866 : memref<625x64xbf16, #tpu.memory_space<hbm>>)
      tpu.yield
    }) : () -> ()
    return
  }
}

#map = affine_map<(d0, d1) -> (0, 0)>
#map1 = affine_map<(d0, d1) -> (0, 0, 0)>
#map2 = affine_map<(d0, d1) -> (0, 0, 0, 0)>
module attributes {stable_mosaic.version = 14 : i64} {
  func.func @lap(%arg0: i32, %arg1: i32, %arg2: memref<20000x64xbf16, #tpu.memory_space<hbm>>, %arg3: memref<16x160x128xi32, #tpu.memory_space<hbm>>, %arg4: memref<16x160x128xi32, #tpu.memory_space<hbm>>, %arg5: memref<2x16x625x64xbf16, #tpu.memory_space<hbm>>, %arg6: memref<160x128xi32, #tpu.memory_space<vmem>>, %arg7: memref<160x128xi32, #tpu.memory_space<vmem>>, %arg8: memref<3x128x64xbf16, #tpu.memory_space<vmem>>, %arg9: memref<10016x64xbf16, #tpu.memory_space<vmem_shared>>, %arg10: memref<10000x64xbf16, #tpu.memory_space<vmem_shared>>, %arg11: memref<!tpu.dma_semaphore, #tpu.memory_space<semaphore_mem>>, %arg12: memref<!tpu.dma_semaphore, #tpu.memory_space<semaphore_mem>>, %arg13: memref<!tpu.dma_semaphore, #tpu.memory_space<semaphore_mem>>, %arg14: memref<!tpu.dma_semaphore, #tpu.memory_space<semaphore_mem>>, %arg15: memref<!tpu.dma_semaphore, #tpu.memory_space<semaphore_mem>>, %arg16: memref<!tpu.dma_semaphore, #tpu.memory_space<semaphore_mem>>) attributes {dimension_semantics = [#tpu.dimension_semantics<core_parallel>, #tpu.dimension_semantics<subcore_parallel>], iteration_bounds = array<i64: 2, 16>, scalar_prefetch = 0 : i64, scratch_operands = 11 : i64, tpu.core_type = #tpu.core_type<sc_vector_subcore>, window_params = [{transform_indices = #map}, {transform_indices = #map1}, {transform_indices = #map1}, {transform_indices = #map2}]} {
    "tpu.region"() ({
      %run_scoped3A_240 = tpu.sem_alloc : memref<!tpu.dma_semaphore, #tpu.memory_space<semaphore_mem>>
      %dma_start3A_241 = arith.constant 0 : i32
      %dma_start3A_242 = arith.constant 0 : i32
      %dma_start3A_243 = tpu.memref_slice %arg3[%arg1, %dma_start3A_241, %dma_start3A_242] : memref<16x160x128xi32, #tpu.memory_space<hbm>> -> memref<1x160x128xi32, #tpu.memory_space<hbm>>
      %dma_start3A_244 = tpu.memref_squeeze %dma_start3A_243 : memref<1x160x128xi32, #tpu.memory_space<hbm>> -> memref<160x128xi32, #tpu.memory_space<hbm>>
      %dma_start3A_245 = arith.constant 0 : i32
      %dma_start3A_246 = arith.constant 0 : i32
      %dma_start3A_247 = tpu.memref_slice %arg3[%arg1, %dma_start3A_245, %dma_start3A_246] : memref<16x160x128xi32, #tpu.memory_space<hbm>> -> memref<1x160x128xi32, #tpu.memory_space<hbm>>
      %dma_start3A_248 = tpu.memref_squeeze %dma_start3A_247 : memref<1x160x128xi32, #tpu.memory_space<hbm>> -> memref<160x128xi32, #tpu.memory_space<hbm>>
      tpu.enqueue_dma source(%dma_start3A_248 : memref<160x128xi32, #tpu.memory_space<hbm>>) target(%arg6 : memref<160x128xi32, #tpu.memory_space<vmem>>) target_semaphore(%run_scoped3A_240 : memref<!tpu.dma_semaphore, #tpu.memory_space<semaphore_mem>>)
      %dma_wait3A_249 = arith.constant 0 : i32
      %dma_wait3A_250 = arith.constant 0 : i32
      %dma_wait3A_251 = tpu.memref_slice %arg3[%arg1, %dma_wait3A_249, %dma_wait3A_250] : memref<16x160x128xi32, #tpu.memory_space<hbm>> -> memref<1x160x128xi32, #tpu.memory_space<hbm>>
      %dma_wait3A_252 = tpu.memref_squeeze %dma_wait3A_251 : memref<1x160x128xi32, #tpu.memory_space<hbm>> -> memref<160x128xi32, #tpu.memory_space<hbm>>
      %dma_wait3A_253 = arith.constant 0 : i32
      %dma_wait3A_254 = arith.constant 0 : i32
      %dma_wait3A_255 = tpu.memref_slice %arg3[%arg1, %dma_wait3A_253, %dma_wait3A_254] : memref<16x160x128xi32, #tpu.memory_space<hbm>> -> memref<1x160x128xi32, #tpu.memory_space<hbm>>
      %dma_wait3A_256 = tpu.memref_squeeze %dma_wait3A_255 : memref<1x160x128xi32, #tpu.memory_space<hbm>> -> memref<160x128xi32, #tpu.memory_space<hbm>>
      tpu.wait_dma2 semaphore(%run_scoped3A_240 : memref<!tpu.dma_semaphore, #tpu.memory_space<semaphore_mem>>) src(%dma_wait3A_256 : memref<160x128xi32, #tpu.memory_space<hbm>>) dst(%arg6 : memref<160x128xi32, #tpu.memory_space<vmem>>)
      tpu.yield
    }) : () -> ()
    "tpu.region"() ({
      %run_scoped3A_240 = tpu.sem_alloc : memref<!tpu.dma_semaphore, #tpu.memory_space<semaphore_mem>>
      %dma_start3A_241 = arith.constant 0 : i32
      %dma_start3A_242 = arith.constant 0 : i32
      %dma_start3A_243 = tpu.memref_slice %arg4[%arg1, %dma_start3A_241, %dma_start3A_242] : memref<16x160x128xi32, #tpu.memory_space<hbm>> -> memref<1x160x128xi32, #tpu.memory_space<hbm>>
      %dma_start3A_244 = tpu.memref_squeeze %dma_start3A_243 : memref<1x160x128xi32, #tpu.memory_space<hbm>> -> memref<160x128xi32, #tpu.memory_space<hbm>>
      %dma_start3A_245 = arith.constant 0 : i32
      %dma_start3A_246 = arith.constant 0 : i32
      %dma_start3A_247 = tpu.memref_slice %arg4[%arg1, %dma_start3A_245, %dma_start3A_246] : memref<16x160x128xi32, #tpu.memory_space<hbm>> -> memref<1x160x128xi32, #tpu.memory_space<hbm>>
      %dma_start3A_248 = tpu.memref_squeeze %dma_start3A_247 : memref<1x160x128xi32, #tpu.memory_space<hbm>> -> memref<160x128xi32, #tpu.memory_space<hbm>>
      tpu.enqueue_dma source(%dma_start3A_248 : memref<160x128xi32, #tpu.memory_space<hbm>>) target(%arg7 : memref<160x128xi32, #tpu.memory_space<vmem>>) target_semaphore(%run_scoped3A_240 : memref<!tpu.dma_semaphore, #tpu.memory_space<semaphore_mem>>)
      %dma_wait3A_249 = arith.constant 0 : i32
      %dma_wait3A_250 = arith.constant 0 : i32
      %dma_wait3A_251 = tpu.memref_slice %arg4[%arg1, %dma_wait3A_249, %dma_wait3A_250] : memref<16x160x128xi32, #tpu.memory_space<hbm>> -> memref<1x160x128xi32, #tpu.memory_space<hbm>>
      %dma_wait3A_252 = tpu.memref_squeeze %dma_wait3A_251 : memref<1x160x128xi32, #tpu.memory_space<hbm>> -> memref<160x128xi32, #tpu.memory_space<hbm>>
      %dma_wait3A_253 = arith.constant 0 : i32
      %dma_wait3A_254 = arith.constant 0 : i32
      %dma_wait3A_255 = tpu.memref_slice %arg4[%arg1, %dma_wait3A_253, %dma_wait3A_254] : memref<16x160x128xi32, #tpu.memory_space<hbm>> -> memref<1x160x128xi32, #tpu.memory_space<hbm>>
      %dma_wait3A_256 = tpu.memref_squeeze %dma_wait3A_255 : memref<1x160x128xi32, #tpu.memory_space<hbm>> -> memref<160x128xi32, #tpu.memory_space<hbm>>
      tpu.wait_dma2 semaphore(%run_scoped3A_240 : memref<!tpu.dma_semaphore, #tpu.memory_space<semaphore_mem>>) src(%dma_wait3A_256 : memref<160x128xi32, #tpu.memory_space<hbm>>) dst(%arg7 : memref<160x128xi32, #tpu.memory_space<vmem>>)
      tpu.yield
    }) : () -> ()
    %mul3A = arith.constant 10000 : i32
    %mul3A_0 = arith.muli %arg0, %mul3A : i32
    %mul3A_1 = arith.constant 625 : i32
    %mul3A_2 = arith.muli %arg1, %mul3A_1 : i32
    %add3A = arith.addi %mul3A_0, %mul3A_2 : i32
    %mul3A_3 = arith.constant 625 : i32
    %mul3A_4 = arith.muli %arg1, %mul3A_3 : i32
    "tpu.region"() ({
      %run_scoped3A_240 = tpu.sem_alloc : memref<!tpu.dma_semaphore, #tpu.memory_space<semaphore_mem>>
      %dma_start3A_241 = arith.constant 0 : i32
      %dma_start3A_242 = tpu.memref_slice %arg10[%mul3A_4, %dma_start3A_241] : memref<10000x64xbf16, #tpu.memory_space<vmem_shared>> -> memref<625x64xbf16, #tpu.memory_space<vmem_shared>>
      %dma_start3A_243 = arith.constant 0 : i32
      %dma_start3A_244 = tpu.memref_slice %arg2[%add3A, %dma_start3A_243] : memref<20000x64xbf16, #tpu.memory_space<hbm>> -> memref<625x64xbf16, #tpu.memory_space<hbm>>
      tpu.enqueue_dma source(%dma_start3A_244 : memref<625x64xbf16, #tpu.memory_space<hbm>>) target(%dma_start3A_242 : memref<625x64xbf16, #tpu.memory_space<vmem_shared>>) target_semaphore(%run_scoped3A_240 : memref<!tpu.dma_semaphore, #tpu.memory_space<semaphore_mem>>)
      %dma_wait3A_245 = arith.constant 0 : i32
      %dma_wait3A_246 = tpu.memref_slice %arg10[%mul3A_4, %dma_wait3A_245] : memref<10000x64xbf16, #tpu.memory_space<vmem_shared>> -> memref<625x64xbf16, #tpu.memory_space<vmem_shared>>
      %dma_wait3A_247 = arith.constant 0 : i32
      %dma_wait3A_248 = tpu.memref_slice %arg2[%add3A, %dma_wait3A_247] : memref<20000x64xbf16, #tpu.memory_space<hbm>> -> memref<625x64xbf16, #tpu.memory_space<hbm>>
      tpu.wait_dma2 semaphore(%run_scoped3A_240 : memref<!tpu.dma_semaphore, #tpu.memory_space<semaphore_mem>>) src(%dma_wait3A_248 : memref<625x64xbf16, #tpu.memory_space<hbm>>) dst(%dma_wait3A_246 : memref<625x64xbf16, #tpu.memory_space<vmem_shared>>)
      tpu.yield
    }) : () -> ()
    %broadcast_in_dim3A = arith.constant 0.000000e+00 : f32
    %broadcast_in_dim3A_5 = vector.broadcast %broadcast_in_dim3A : f32 to vector<16xf32>
    %broadcast_in_dim3A_6 = arith.constant 0.000000e+00 : bf16
    %broadcast_in_dim3A_7 = vector.broadcast %broadcast_in_dim3A_6 : bf16 to vector<32xbf16>
    %scan3A = arith.constant 0 : i32
    %scan3A_8 = arith.constant 0 : i32
    %scan3A_9 = arith.constant 128 : i32
    %scan3A_10 = arith.addi %scan3A_8, %scan3A_9 : i32
    %scan3A_11 = arith.constant 1 : i32
    scf.for %scan3A_240 = %scan3A_8 to %scan3A_10 step %scan3A_11  : i32 {
      %swap3A = arith.constant 0 : i32
      %swap3A_241 = arith.index_cast %swap3A : i32 to index
      %swap3A_242 = arith.index_cast %scan3A_240 : i32 to index
      %swap3A_243 = arith.constant 0 : index
      %swap3A_244 = tpu.vector_load %arg8[%swap3A_241, %swap3A_242, %swap3A_243] {strides = array<i32>} : memref<3x128x64xbf16, #tpu.memory_space<vmem>>, vector<32xbf16>,
      tpu.vector_store %arg8[%swap3A_241, %swap3A_242, %swap3A_243], %broadcast_in_dim3A_7 {strides = array<i32>} : memref<3x128x64xbf16, #tpu.memory_space<vmem>>, vector<32xbf16>,
      %swap3A_245 = arith.constant 0 : i32
      %swap3A_246 = arith.index_cast %swap3A_245 : i32 to index
      %swap3A_247 = arith.index_cast %scan3A_240 : i32 to index
      %swap3A_248 = arith.constant 32 : index
      %swap3A_249 = tpu.vector_load %arg8[%swap3A_246, %swap3A_247, %swap3A_248] {strides = array<i32>} : memref<3x128x64xbf16, #tpu.memory_space<vmem>>, vector<32xbf16>,
      tpu.vector_store %arg8[%swap3A_246, %swap3A_247, %swap3A_248], %broadcast_in_dim3A_7 {strides = array<i32>} : memref<3x128x64xbf16, #tpu.memory_space<vmem>>, vector<32xbf16>,
    }
    %scan3A_12 = arith.constant 128 : i32
    %mul3A_13 = arith.constant 625 : i32
    %mul3A_14 = arith.muli %arg1, %mul3A_13 : i32
    %add3A_15 = arith.constant 0 : i32
    %add3A_16 = arith.addi %mul3A_14, %add3A_15 : i32
    %run_scoped3A = arith.constant 0 : i32
    "tpu.region"() ({
      %run_scoped3A_240 = tpu.sem_alloc : memref<!tpu.dma_semaphore, #tpu.memory_space<semaphore_mem>>
      %dma_start3A_241 = arith.constant 0 : i32
      %dma_start3A_242 = arith.constant 0 : i32
      %dma_start3A_243 = tpu.memref_slice %arg8[%run_scoped3A, %dma_start3A_241, %dma_start3A_242] : memref<3x128x64xbf16, #tpu.memory_space<vmem>> -> memref<1x128x64xbf16, #tpu.memory_space<vmem>>
      %dma_start3A_244 = tpu.memref_squeeze %dma_start3A_243 : memref<1x128x64xbf16, #tpu.memory_space<vmem>> -> memref<128x64xbf16, #tpu.memory_space<vmem>>
      %dma_start3A_245 = arith.constant 0 : i32
      %dma_start3A_246 = tpu.memref_slice %arg9[%add3A_16, %dma_start3A_245] : memref<10016x64xbf16, #tpu.memory_space<vmem_shared>> -> memref<128x64xbf16, #tpu.memory_space<vmem_shared>>
      %dma_start3A_247 = arith.constant 0 : i32
      %dma_start3A_248 = tpu.memref_slice %arg9[%add3A_16, %dma_start3A_247] : memref<10016x64xbf16, #tpu.memory_space<vmem_shared>> -> memref<128x64xbf16, #tpu.memory_space<vmem_shared>>
      %dma_start3A_249 = arith.constant 0 : i32
      %dma_start3A_250 = arith.constant 0 : i32
      %dma_start3A_251 = tpu.memref_slice %arg8[%run_scoped3A, %dma_start3A_249, %dma_start3A_250] : memref<3x128x64xbf16, #tpu.memory_space<vmem>> -> memref<1x128x64xbf16, #tpu.memory_space<vmem>>
      %dma_start3A_252 = tpu.memref_squeeze %dma_start3A_251 : memref<1x128x64xbf16, #tpu.memory_space<vmem>> -> memref<128x64xbf16, #tpu.memory_space<vmem>>
      tpu.enqueue_dma source(%dma_start3A_252 : memref<128x64xbf16, #tpu.memory_space<vmem>>) target(%dma_start3A_248 : memref<128x64xbf16, #tpu.memory_space<vmem_shared>>) target_semaphore(%run_scoped3A_240 : memref<!tpu.dma_semaphore, #tpu.memory_space<semaphore_mem>>)
      %dma_wait3A_253 = arith.constant 0 : i32
      %dma_wait3A_254 = arith.constant 0 : i32
      %dma_wait3A_255 = tpu.memref_slice %arg8[%run_scoped3A, %dma_wait3A_253, %dma_wait3A_254] : memref<3x128x64xbf16, #tpu.memory_space<vmem>> -> memref<1x128x64xbf16, #tpu.memory_space<vmem>>
      %dma_wait3A_256 = tpu.memref_squeeze %dma_wait3A_255 : memref<1x128x64xbf16, #tpu.memory_space<vmem>> -> memref<128x64xbf16, #tpu.memory_space<vmem>>
      %dma_wait3A_257 = arith.constant 0 : i32
      %dma_wait3A_258 = tpu.memref_slice %arg9[%add3A_16, %dma_wait3A_257] : memref<10016x64xbf16, #tpu.memory_space<vmem_shared>> -> memref<128x64xbf16, #tpu.memory_space<vmem_shared>>
      %dma_wait3A_259 = arith.constant 0 : i32
      %dma_wait3A_260 = tpu.memref_slice %arg9[%add3A_16, %dma_wait3A_259] : memref<10016x64xbf16, #tpu.memory_space<vmem_shared>> -> memref<128x64xbf16, #tpu.memory_space<vmem_shared>>
      %dma_wait3A_261 = arith.constant 0 : i32
      %dma_wait3A_262 = arith.constant 0 : i32
      %dma_wait3A_263 = tpu.memref_slice %arg8[%run_scoped3A, %dma_wait3A_261, %dma_wait3A_262] : memref<3x128x64xbf16, #tpu.memory_space<vmem>> -> memref<1x128x64xbf16, #tpu.memory_space<vmem>>
      %dma_wait3A_264 = tpu.memref_squeeze %dma_wait3A_263 : memref<1x128x64xbf16, #tpu.memory_space<vmem>> -> memref<128x64xbf16, #tpu.memory_space<vmem>>
      tpu.wait_dma2 semaphore(%run_scoped3A_240 : memref<!tpu.dma_semaphore, #tpu.memory_space<semaphore_mem>>) src(%dma_wait3A_264 : memref<128x64xbf16, #tpu.memory_space<vmem>>) dst(%dma_wait3A_260 : memref<128x64xbf16, #tpu.memory_space<vmem_shared>>)
      tpu.yield
    }) : () -> ()
    %mul3A_17 = arith.constant 625 : i32
    %mul3A_18 = arith.muli %arg1, %mul3A_17 : i32
    %add3A_19 = arith.constant 128 : i32
    %add3A_20 = arith.addi %mul3A_18, %add3A_19 : i32
    %run_scoped3A_21 = arith.constant 0 : i32
    "tpu.region"() ({
      %run_scoped3A_240 = tpu.sem_alloc : memref<!tpu.dma_semaphore, #tpu.memory_space<semaphore_mem>>
      %dma_start3A_241 = arith.constant 0 : i32
      %dma_start3A_242 = arith.constant 0 : i32
      %dma_start3A_243 = tpu.memref_slice %arg8[%run_scoped3A_21, %dma_start3A_241, %dma_start3A_242] : memref<3x128x64xbf16, #tpu.memory_space<vmem>> -> memref<1x128x64xbf16, #tpu.memory_space<vmem>>
      %dma_start3A_244 = tpu.memref_squeeze %dma_start3A_243 : memref<1x128x64xbf16, #tpu.memory_space<vmem>> -> memref<128x64xbf16, #tpu.memory_space<vmem>>
      %dma_start3A_245 = arith.constant 0 : i32
      %dma_start3A_246 = tpu.memref_slice %arg9[%add3A_20, %dma_start3A_245] : memref<10016x64xbf16, #tpu.memory_space<vmem_shared>> -> memref<128x64xbf16, #tpu.memory_space<vmem_shared>>
      %dma_start3A_247 = arith.constant 0 : i32
      %dma_start3A_248 = tpu.memref_slice %arg9[%add3A_20, %dma_start3A_247] : memref<10016x64xbf16, #tpu.memory_space<vmem_shared>> -> memref<128x64xbf16, #tpu.memory_space<vmem_shared>>
      %dma_start3A_249 = arith.constant 0 : i32
      %dma_start3A_250 = arith.constant 0 : i32
      %dma_start3A_251 = tpu.memref_slice %arg8[%run_scoped3A_21, %dma_start3A_249, %dma_start3A_250] : memref<3x128x64xbf16, #tpu.memory_space<vmem>> -> memref<1x128x64xbf16, #tpu.memory_space<vmem>>
      %dma_start3A_252 = tpu.memref_squeeze %dma_start3A_251 : memref<1x128x64xbf16, #tpu.memory_space<vmem>> -> memref<128x64xbf16, #tpu.memory_space<vmem>>
      tpu.enqueue_dma source(%dma_start3A_252 : memref<128x64xbf16, #tpu.memory_space<vmem>>) target(%dma_start3A_248 : memref<128x64xbf16, #tpu.memory_space<vmem_shared>>) target_semaphore(%run_scoped3A_240 : memref<!tpu.dma_semaphore, #tpu.memory_space<semaphore_mem>>)
      %dma_wait3A_253 = arith.constant 0 : i32
      %dma_wait3A_254 = arith.constant 0 : i32
      %dma_wait3A_255 = tpu.memref_slice %arg8[%run_scoped3A_21, %dma_wait3A_253, %dma_wait3A_254] : memref<3x128x64xbf16, #tpu.memory_space<vmem>> -> memref<1x128x64xbf16, #tpu.memory_space<vmem>>
      %dma_wait3A_256 = tpu.memref_squeeze %dma_wait3A_255 : memref<1x128x64xbf16, #tpu.memory_space<vmem>> -> memref<128x64xbf16, #tpu.memory_space<vmem>>
      %dma_wait3A_257 = arith.constant 0 : i32
      %dma_wait3A_258 = tpu.memref_slice %arg9[%add3A_20, %dma_wait3A_257] : memref<10016x64xbf16, #tpu.memory_space<vmem_shared>> -> memref<128x64xbf16, #tpu.memory_space<vmem_shared>>
      %dma_wait3A_259 = arith.constant 0 : i32
      %dma_wait3A_260 = tpu.memref_slice %arg9[%add3A_20, %dma_wait3A_259] : memref<10016x64xbf16, #tpu.memory_space<vmem_shared>> -> memref<128x64xbf16, #tpu.memory_space<vmem_shared>>
      %dma_wait3A_261 = arith.constant 0 : i32
      %dma_wait3A_262 = arith.constant 0 : i32
      %dma_wait3A_263 = tpu.memref_slice %arg8[%run_scoped3A_21, %dma_wait3A_261, %dma_wait3A_262] : memref<3x128x64xbf16, #tpu.memory_space<vmem>> -> memref<1x128x64xbf16, #tpu.memory_space<vmem>>
      %dma_wait3A_264 = tpu.memref_squeeze %dma_wait3A_263 : memref<1x128x64xbf16, #tpu.memory_space<vmem>> -> memref<128x64xbf16, #tpu.memory_space<vmem>>
      tpu.wait_dma2 semaphore(%run_scoped3A_240 : memref<!tpu.dma_semaphore, #tpu.memory_space<semaphore_mem>>) src(%dma_wait3A_264 : memref<128x64xbf16, #tpu.memory_space<vmem>>) dst(%dma_wait3A_260 : memref<128x64xbf16, #tpu.memory_space<vmem_shared>>)
      tpu.yield
    }) : () -> ()
    %mul3A_22 = arith.constant 625 : i32
    %mul3A_23 = arith.muli %arg1, %mul3A_22 : i32
    %add3A_24 = arith.constant 256 : i32
    %add3A_25 = arith.addi %mul3A_23, %add3A_24 : i32
    %run_scoped3A_26 = arith.constant 0 : i32
    "tpu.region"() ({
      %run_scoped3A_240 = tpu.sem_alloc : memref<!tpu.dma_semaphore, #tpu.memory_space<semaphore_mem>>
      %dma_start3A_241 = arith.constant 0 : i32
      %dma_start3A_242 = arith.constant 0 : i32
      %dma_start3A_243 = tpu.memref_slice %arg8[%run_scoped3A_26, %dma_start3A_241, %dma_start3A_242] : memref<3x128x64xbf16, #tpu.memory_space<vmem>> -> memref<1x128x64xbf16, #tpu.memory_space<vmem>>
      %dma_start3A_244 = tpu.memref_squeeze %dma_start3A_243 : memref<1x128x64xbf16, #tpu.memory_space<vmem>> -> memref<128x64xbf16, #tpu.memory_space<vmem>>
      %dma_start3A_245 = arith.constant 0 : i32
      %dma_start3A_246 = tpu.memref_slice %arg9[%add3A_25, %dma_start3A_245] : memref<10016x64xbf16, #tpu.memory_space<vmem_shared>> -> memref<128x64xbf16, #tpu.memory_space<vmem_shared>>
      %dma_start3A_247 = arith.constant 0 : i32
      %dma_start3A_248 = tpu.memref_slice %arg9[%add3A_25, %dma_start3A_247] : memref<10016x64xbf16, #tpu.memory_space<vmem_shared>> -> memref<128x64xbf16, #tpu.memory_space<vmem_shared>>
      %dma_start3A_249 = arith.constant 0 : i32
      %dma_start3A_250 = arith.constant 0 : i32
      %dma_start3A_251 = tpu.memref_slice %arg8[%run_scoped3A_26, %dma_start3A_249, %dma_start3A_250] : memref<3x128x64xbf16, #tpu.memory_space<vmem>> -> memref<1x128x64xbf16, #tpu.memory_space<vmem>>
      %dma_start3A_252 = tpu.memref_squeeze %dma_start3A_251 : memref<1x128x64xbf16, #tpu.memory_space<vmem>> -> memref<128x64xbf16, #tpu.memory_space<vmem>>
      tpu.enqueue_dma source(%dma_start3A_252 : memref<128x64xbf16, #tpu.memory_space<vmem>>) target(%dma_start3A_248 : memref<128x64xbf16, #tpu.memory_space<vmem_shared>>) target_semaphore(%run_scoped3A_240 : memref<!tpu.dma_semaphore, #tpu.memory_space<semaphore_mem>>)
      %dma_wait3A_253 = arith.constant 0 : i32
      %dma_wait3A_254 = arith.constant 0 : i32
      %dma_wait3A_255 = tpu.memref_slice %arg8[%run_scoped3A_26, %dma_wait3A_253, %dma_wait3A_254] : memref<3x128x64xbf16, #tpu.memory_space<vmem>> -> memref<1x128x64xbf16, #tpu.memory_space<vmem>>
      %dma_wait3A_256 = tpu.memref_squeeze %dma_wait3A_255 : memref<1x128x64xbf16, #tpu.memory_space<vmem>> -> memref<128x64xbf16, #tpu.memory_space<vmem>>
      %dma_wait3A_257 = arith.constant 0 : i32
      %dma_wait3A_258 = tpu.memref_slice %arg9[%add3A_25, %dma_wait3A_257] : memref<10016x64xbf16, #tpu.memory_space<vmem_shared>> -> memref<128x64xbf16, #tpu.memory_space<vmem_shared>>
      %dma_wait3A_259 = arith.constant 0 : i32
      %dma_wait3A_260 = tpu.memref_slice %arg9[%add3A_25, %dma_wait3A_259] : memref<10016x64xbf16, #tpu.memory_space<vmem_shared>> -> memref<128x64xbf16, #tpu.memory_space<vmem_shared>>
      %dma_wait3A_261 = arith.constant 0 : i32
      %dma_wait3A_262 = arith.constant 0 : i32
      %dma_wait3A_263 = tpu.memref_slice %arg8[%run_scoped3A_26, %dma_wait3A_261, %dma_wait3A_262] : memref<3x128x64xbf16, #tpu.memory_space<vmem>> -> memref<1x128x64xbf16, #tpu.memory_space<vmem>>
      %dma_wait3A_264 = tpu.memref_squeeze %dma_wait3A_263 : memref<1x128x64xbf16, #tpu.memory_space<vmem>> -> memref<128x64xbf16, #tpu.memory_space<vmem>>
      tpu.wait_dma2 semaphore(%run_scoped3A_240 : memref<!tpu.dma_semaphore, #tpu.memory_space<semaphore_mem>>) src(%dma_wait3A_264 : memref<128x64xbf16, #tpu.memory_space<vmem>>) dst(%dma_wait3A_260 : memref<128x64xbf16, #tpu.memory_space<vmem_shared>>)
      tpu.yield
    }) : () -> ()
    %mul3A_27 = arith.constant 625 : i32
    %mul3A_28 = arith.muli %arg1, %mul3A_27 : i32
    %add3A_29 = arith.constant 384 : i32
    %add3A_30 = arith.addi %mul3A_28, %add3A_29 : i32
    %run_scoped3A_31 = arith.constant 0 : i32
    "tpu.region"() ({
      %run_scoped3A_240 = tpu.sem_alloc : memref<!tpu.dma_semaphore, #tpu.memory_space<semaphore_mem>>
      %dma_start3A_241 = arith.constant 0 : i32
      %dma_start3A_242 = arith.constant 0 : i32
      %dma_start3A_243 = tpu.memref_slice %arg8[%run_scoped3A_31, %dma_start3A_241, %dma_start3A_242] : memref<3x128x64xbf16, #tpu.memory_space<vmem>> -> memref<1x128x64xbf16, #tpu.memory_space<vmem>>
      %dma_start3A_244 = tpu.memref_squeeze %dma_start3A_243 : memref<1x128x64xbf16, #tpu.memory_space<vmem>> -> memref<128x64xbf16, #tpu.memory_space<vmem>>
      %dma_start3A_245 = arith.constant 0 : i32
      %dma_start3A_246 = tpu.memref_slice %arg9[%add3A_30, %dma_start3A_245] : memref<10016x64xbf16, #tpu.memory_space<vmem_shared>> -> memref<128x64xbf16, #tpu.memory_space<vmem_shared>>
      %dma_start3A_247 = arith.constant 0 : i32
      %dma_start3A_248 = tpu.memref_slice %arg9[%add3A_30, %dma_start3A_247] : memref<10016x64xbf16, #tpu.memory_space<vmem_shared>> -> memref<128x64xbf16, #tpu.memory_space<vmem_shared>>
      %dma_start3A_249 = arith.constant 0 : i32
      %dma_start3A_250 = arith.constant 0 : i32
      %dma_start3A_251 = tpu.memref_slice %arg8[%run_scoped3A_31, %dma_start3A_249, %dma_start3A_250] : memref<3x128x64xbf16, #tpu.memory_space<vmem>> -> memref<1x128x64xbf16, #tpu.memory_space<vmem>>
      %dma_start3A_252 = tpu.memref_squeeze %dma_start3A_251 : memref<1x128x64xbf16, #tpu.memory_space<vmem>> -> memref<128x64xbf16, #tpu.memory_space<vmem>>
      tpu.enqueue_dma source(%dma_start3A_252 : memref<128x64xbf16, #tpu.memory_space<vmem>>) target(%dma_start3A_248 : memref<128x64xbf16, #tpu.memory_space<vmem_shared>>) target_semaphore(%run_scoped3A_240 : memref<!tpu.dma_semaphore, #tpu.memory_space<semaphore_mem>>)
      %dma_wait3A_253 = arith.constant 0 : i32
      %dma_wait3A_254 = arith.constant 0 : i32
      %dma_wait3A_255 = tpu.memref_slice %arg8[%run_scoped3A_31, %dma_wait3A_253, %dma_wait3A_254] : memref<3x128x64xbf16, #tpu.memory_space<vmem>> -> memref<1x128x64xbf16, #tpu.memory_space<vmem>>
      %dma_wait3A_256 = tpu.memref_squeeze %dma_wait3A_255 : memref<1x128x64xbf16, #tpu.memory_space<vmem>> -> memref<128x64xbf16, #tpu.memory_space<vmem>>
      %dma_wait3A_257 = arith.constant 0 : i32
      %dma_wait3A_258 = tpu.memref_slice %arg9[%add3A_30, %dma_wait3A_257] : memref<10016x64xbf16, #tpu.memory_space<vmem_shared>> -> memref<128x64xbf16, #tpu.memory_space<vmem_shared>>
      %dma_wait3A_259 = arith.constant 0 : i32
      %dma_wait3A_260 = tpu.memref_slice %arg9[%add3A_30, %dma_wait3A_259] : memref<10016x64xbf16, #tpu.memory_space<vmem_shared>> -> memref<128x64xbf16, #tpu.memory_space<vmem_shared>>
      %dma_wait3A_261 = arith.constant 0 : i32
      %dma_wait3A_262 = arith.constant 0 : i32
      %dma_wait3A_263 = tpu.memref_slice %arg8[%run_scoped3A_31, %dma_wait3A_261, %dma_wait3A_262] : memref<3x128x64xbf16, #tpu.memory_space<vmem>> -> memref<1x128x64xbf16, #tpu.memory_space<vmem>>
      %dma_wait3A_264 = tpu.memref_squeeze %dma_wait3A_263 : memref<1x128x64xbf16, #tpu.memory_space<vmem>> -> memref<128x64xbf16, #tpu.memory_space<vmem>>
      tpu.wait_dma2 semaphore(%run_scoped3A_240 : memref<!tpu.dma_semaphore, #tpu.memory_space<semaphore_mem>>) src(%dma_wait3A_264 : memref<128x64xbf16, #tpu.memory_space<vmem>>) dst(%dma_wait3A_260 : memref<128x64xbf16, #tpu.memory_space<vmem_shared>>)
      tpu.yield
    }) : () -> ()
    %mul3A_32 = arith.constant 625 : i32
    %mul3A_33 = arith.muli %arg1, %mul3A_32 : i32
    %add3A_34 = arith.constant 512 : i32
    %add3A_35 = arith.addi %mul3A_33, %add3A_34 : i32
    %run_scoped3A_36 = arith.constant 0 : i32
    "tpu.region"() ({
      %run_scoped3A_240 = tpu.sem_alloc : memref<!tpu.dma_semaphore, #tpu.memory_space<semaphore_mem>>
      %dma_start3A_241 = arith.constant 0 : i32
      %dma_start3A_242 = arith.constant 0 : i32
      %dma_start3A_243 = tpu.memref_slice %arg8[%run_scoped3A_36, %dma_start3A_241, %dma_start3A_242] : memref<3x128x64xbf16, #tpu.memory_space<vmem>> -> memref<1x113x64xbf16, #tpu.memory_space<vmem>>
      %dma_start3A_244 = tpu.memref_squeeze %dma_start3A_243 : memref<1x113x64xbf16, #tpu.memory_space<vmem>> -> memref<113x64xbf16, #tpu.memory_space<vmem>>
      %dma_start3A_245 = arith.constant 0 : i32
      %dma_start3A_246 = tpu.memref_slice %arg9[%add3A_35, %dma_start3A_245] : memref<10016x64xbf16, #tpu.memory_space<vmem_shared>> -> memref<113x64xbf16, #tpu.memory_space<vmem_shared>>
      %dma_start3A_247 = arith.constant 0 : i32
      %dma_start3A_248 = tpu.memref_slice %arg9[%add3A_35, %dma_start3A_247] : memref<10016x64xbf16, #tpu.memory_space<vmem_shared>> -> memref<113x64xbf16, #tpu.memory_space<vmem_shared>>
      %dma_start3A_249 = arith.constant 0 : i32
      %dma_start3A_250 = arith.constant 0 : i32
      %dma_start3A_251 = tpu.memref_slice %arg8[%run_scoped3A_36, %dma_start3A_249, %dma_start3A_250] : memref<3x128x64xbf16, #tpu.memory_space<vmem>> -> memref<1x113x64xbf16, #tpu.memory_space<vmem>>
      %dma_start3A_252 = tpu.memref_squeeze %dma_start3A_251 : memref<1x113x64xbf16, #tpu.memory_space<vmem>> -> memref<113x64xbf16, #tpu.memory_space<vmem>>
      tpu.enqueue_dma source(%dma_start3A_252 : memref<113x64xbf16, #tpu.memory_space<vmem>>) target(%dma_start3A_248 : memref<113x64xbf16, #tpu.memory_space<vmem_shared>>) target_semaphore(%run_scoped3A_240 : memref<!tpu.dma_semaphore, #tpu.memory_space<semaphore_mem>>)
      %dma_wait3A_253 = arith.constant 0 : i32
      %dma_wait3A_254 = arith.constant 0 : i32
      %dma_wait3A_255 = tpu.memref_slice %arg8[%run_scoped3A_36, %dma_wait3A_253, %dma_wait3A_254] : memref<3x128x64xbf16, #tpu.memory_space<vmem>> -> memref<1x113x64xbf16, #tpu.memory_space<vmem>>
      %dma_wait3A_256 = tpu.memref_squeeze %dma_wait3A_255 : memref<1x113x64xbf16, #tpu.memory_space<vmem>> -> memref<113x64xbf16, #tpu.memory_space<vmem>>
      %dma_wait3A_257 = arith.constant 0 : i32
      %dma_wait3A_258 = tpu.memref_slice %arg9[%add3A_35, %dma_wait3A_257] : memref<10016x64xbf16, #tpu.memory_space<vmem_shared>> -> memref<113x64xbf16, #tpu.memory_space<vmem_shared>>
      %dma_wait3A_259 = arith.constant 0 : i32
      %dma_wait3A_260 = tpu.memref_slice %arg9[%add3A_35, %dma_wait3A_259] : memref<10016x64xbf16, #tpu.memory_space<vmem_shared>> -> memref<113x64xbf16, #tpu.memory_space<vmem_shared>>
      %dma_wait3A_261 = arith.constant 0 : i32
      %dma_wait3A_262 = arith.constant 0 : i32
      %dma_wait3A_263 = tpu.memref_slice %arg8[%run_scoped3A_36, %dma_wait3A_261, %dma_wait3A_262] : memref<3x128x64xbf16, #tpu.memory_space<vmem>> -> memref<1x113x64xbf16, #tpu.memory_space<vmem>>
      %dma_wait3A_264 = tpu.memref_squeeze %dma_wait3A_263 : memref<1x113x64xbf16, #tpu.memory_space<vmem>> -> memref<113x64xbf16, #tpu.memory_space<vmem>>
      tpu.wait_dma2 semaphore(%run_scoped3A_240 : memref<!tpu.dma_semaphore, #tpu.memory_space<semaphore_mem>>) src(%dma_wait3A_264 : memref<113x64xbf16, #tpu.memory_space<vmem>>) dst(%dma_wait3A_260 : memref<113x64xbf16, #tpu.memory_space<vmem_shared>>)
      tpu.yield
    }) : () -> ()
    %eq3A = arith.constant 0 : i32
    %eq3A_37 = arith.cmpi eq, %arg1, %eq3A : i32
    %convert_element_type3A = arith.extui %eq3A_37 : i1 to i32
    %cond3A = arith.constant 0 : i32
    %cond3A_38 = arith.cmpi ne, %convert_element_type3A, %cond3A : i32
    scf.if %cond3A_38 {
      %run_scoped3A_240 = arith.constant 0 : i32
      "tpu.region"() ({
        %run_scoped3A_241 = tpu.sem_alloc : memref<!tpu.dma_semaphore, #tpu.memory_space<semaphore_mem>>
        %dma_start3A_242 = arith.constant 0 : i32
        %dma_start3A_243 = arith.constant 0 : i32
        %dma_start3A_244 = tpu.memref_slice %arg8[%run_scoped3A_240, %dma_start3A_242, %dma_start3A_243] : memref<3x128x64xbf16, #tpu.memory_space<vmem>> -> memref<1x16x64xbf16, #tpu.memory_space<vmem>>
        %dma_start3A_245 = tpu.memref_squeeze %dma_start3A_244 : memref<1x16x64xbf16, #tpu.memory_space<vmem>> -> memref<16x64xbf16, #tpu.memory_space<vmem>>
        %dma_start3A_246 = arith.constant 10000 : i32
        %dma_start3A_247 = arith.constant 0 : i32
        %dma_start3A_248 = tpu.memref_slice %arg9[%dma_start3A_246, %dma_start3A_247] : memref<10016x64xbf16, #tpu.memory_space<vmem_shared>> -> memref<16x64xbf16, #tpu.memory_space<vmem_shared>>
        %dma_start3A_249 = arith.constant 10000 : i32
        %dma_start3A_250 = arith.constant 0 : i32
        %dma_start3A_251 = tpu.memref_slice %arg9[%dma_start3A_249, %dma_start3A_250] : memref<10016x64xbf16, #tpu.memory_space<vmem_shared>> -> memref<16x64xbf16, #tpu.memory_space<vmem_shared>>
        %dma_start3A_252 = arith.constant 0 : i32
        %dma_start3A_253 = arith.constant 0 : i32
        %dma_start3A_254 = tpu.memref_slice %arg8[%run_scoped3A_240, %dma_start3A_252, %dma_start3A_253] : memref<3x128x64xbf16, #tpu.memory_space<vmem>> -> memref<1x16x64xbf16, #tpu.memory_space<vmem>>
        %dma_start3A_255 = tpu.memref_squeeze %dma_start3A_254 : memref<1x16x64xbf16, #tpu.memory_space<vmem>> -> memref<16x64xbf16, #tpu.memory_space<vmem>>
        tpu.enqueue_dma source(%dma_start3A_255 : memref<16x64xbf16, #tpu.memory_space<vmem>>) target(%dma_start3A_251 : memref<16x64xbf16, #tpu.memory_space<vmem_shared>>) target_semaphore(%run_scoped3A_241 : memref<!tpu.dma_semaphore, #tpu.memory_space<semaphore_mem>>)
        %dma_wait3A_256 = arith.constant 0 : i32
        %dma_wait3A_257 = arith.constant 0 : i32
        %dma_wait3A_258 = tpu.memref_slice %arg8[%run_scoped3A_240, %dma_wait3A_256, %dma_wait3A_257] : memref<3x128x64xbf16, #tpu.memory_space<vmem>> -> memref<1x16x64xbf16, #tpu.memory_space<vmem>>
        %dma_wait3A_259 = tpu.memref_squeeze %dma_wait3A_258 : memref<1x16x64xbf16, #tpu.memory_space<vmem>> -> memref<16x64xbf16, #tpu.memory_space<vmem>>
        %dma_wait3A_260 = arith.constant 10000 : i32
        %dma_wait3A_261 = arith.constant 0 : i32
        %dma_wait3A_262 = tpu.memref_slice %arg9[%dma_wait3A_260, %dma_wait3A_261] : memref<10016x64xbf16, #tpu.memory_space<vmem_shared>> -> memref<16x64xbf16, #tpu.memory_space<vmem_shared>>
        %dma_wait3A_263 = arith.constant 10000 : i32
        %dma_wait3A_264 = arith.constant 0 : i32
        %dma_wait3A_265 = tpu.memref_slice %arg9[%dma_wait3A_263, %dma_wait3A_264] : memref<10016x64xbf16, #tpu.memory_space<vmem_shared>> -> memref<16x64xbf16, #tpu.memory_space<vmem_shared>>
        %dma_wait3A_266 = arith.constant 0 : i32
        %dma_wait3A_267 = arith.constant 0 : i32
        %dma_wait3A_268 = tpu.memref_slice %arg8[%run_scoped3A_240, %dma_wait3A_266, %dma_wait3A_267] : memref<3x128x64xbf16, #tpu.memory_space<vmem>> -> memref<1x16x64xbf16, #tpu.memory_space<vmem>>
        %dma_wait3A_269 = tpu.memref_squeeze %dma_wait3A_268 : memref<1x16x64xbf16, #tpu.memory_space<vmem>> -> memref<16x64xbf16, #tpu.memory_space<vmem>>
        tpu.wait_dma2 semaphore(%run_scoped3A_241 : memref<!tpu.dma_semaphore, #tpu.memory_space<semaphore_mem>>) src(%dma_wait3A_269 : memref<16x64xbf16, #tpu.memory_space<vmem>>) dst(%dma_wait3A_265 : memref<16x64xbf16, #tpu.memory_space<vmem_shared>>)
        tpu.yield
      }) : () -> ()
    } else {
    }
    %barrier3A = arith.constant 0 : index
    tpu.barrier barrier_id(%barrier3A)
    %broadcast_in_dim3A_39 = arith.constant 1.000000e+00 : f32
    %broadcast_in_dim3A_40 = vector.broadcast %broadcast_in_dim3A_39 : f32 to vector<16xf32>
    %dma_start3A = arith.constant 0 : i32
    %dma_start3A_41 = arith.constant 0 : i32
    %dma_start3A_42 = arith.constant 0 : i32
    %dma_start3A_43 = arith.constant 0 : i32
    %dma_start3A_44 = tpu.memref_slice %arg8[%dma_start3A_41, %dma_start3A_42, %dma_start3A_43] : memref<3x128x64xbf16, #tpu.memory_space<vmem>> -> memref<1x128x64xbf16, #tpu.memory_space<vmem>>
    %dma_start3A_45 = tpu.memref_squeeze %dma_start3A_44 : memref<1x128x64xbf16, #tpu.memory_space<vmem>> -> memref<128x64xbf16, #tpu.memory_space<vmem>>
    %dma_start3A_46 = arith.constant 0 : i32
    %dma_start3A_47 = tpu.memref_slice %arg6[%dma_start3A, %dma_start3A_46] : memref<160x128xi32, #tpu.memory_space<vmem>> -> memref<1x128xi32, #tpu.memory_space<vmem>>
    %dma_start3A_48 = tpu.memref_squeeze %dma_start3A_47 : memref<1x128xi32, #tpu.memory_space<vmem>> -> memref<128xi32, #tpu.memory_space<vmem>>
    %dma_start3A_49 = arith.constant 0 : i32
    %dma_start3A_50 = arith.constant 0 : i32
    %dma_start3A_51 = tpu.memref_slice %arg10[%dma_start3A_49, %dma_start3A_50] : memref<10000x64xbf16, #tpu.memory_space<vmem_shared>> -> memref<10000x64xbf16, #tpu.memory_space<vmem_shared>>
    tpu.enqueue_indirect_dma source(%dma_start3A_51 : memref<10000x64xbf16, #tpu.memory_space<vmem_shared>>) target(%dma_start3A_45 : memref<128x64xbf16, #tpu.memory_space<vmem>>) offsets(%dma_start3A_48 : memref<128xi32, #tpu.memory_space<vmem>>) semaphore(%arg11 : memref<!tpu.dma_semaphore, #tpu.memory_space<semaphore_mem>>)
    %dma_start3A_52 = arith.constant 1 : i32
    %dma_start3A_53 = arith.constant 1 : i32
    %dma_start3A_54 = arith.constant 0 : i32
    %dma_start3A_55 = arith.constant 0 : i32
    %dma_start3A_56 = tpu.memref_slice %arg8[%dma_start3A_53, %dma_start3A_54, %dma_start3A_55] : memref<3x128x64xbf16, #tpu.memory_space<vmem>> -> memref<1x128x64xbf16, #tpu.memory_space<vmem>>
    %dma_start3A_57 = tpu.memref_squeeze %dma_start3A_56 : memref<1x128x64xbf16, #tpu.memory_space<vmem>> -> memref<128x64xbf16, #tpu.memory_space<vmem>>
    %dma_start3A_58 = arith.constant 0 : i32
    %dma_start3A_59 = tpu.memref_slice %arg6[%dma_start3A_52, %dma_start3A_58] : memref<160x128xi32, #tpu.memory_space<vmem>> -> memref<1x128xi32, #tpu.memory_space<vmem>>
    %dma_start3A_60 = tpu.memref_squeeze %dma_start3A_59 : memref<1x128xi32, #tpu.memory_space<vmem>> -> memref<128xi32, #tpu.memory_space<vmem>>
    %dma_start3A_61 = arith.constant 0 : i32
    %dma_start3A_62 = arith.constant 0 : i32
    %dma_start3A_63 = tpu.memref_slice %arg10[%dma_start3A_61, %dma_start3A_62] : memref<10000x64xbf16, #tpu.memory_space<vmem_shared>> -> memref<10000x64xbf16, #tpu.memory_space<vmem_shared>>
    tpu.enqueue_indirect_dma source(%dma_start3A_63 : memref<10000x64xbf16, #tpu.memory_space<vmem_shared>>) target(%dma_start3A_57 : memref<128x64xbf16, #tpu.memory_space<vmem>>) offsets(%dma_start3A_60 : memref<128xi32, #tpu.memory_space<vmem>>) semaphore(%arg12 : memref<!tpu.dma_semaphore, #tpu.memory_space<semaphore_mem>>)
    %dma_wait3A = arith.constant 0 : i32
    %dma_wait3A_64 = arith.constant 0 : i32
    %dma_wait3A_65 = arith.constant 0 : i32
    %dma_wait3A_66 = arith.constant 0 : i32
    %dma_wait3A_67 = tpu.memref_slice %arg8[%dma_wait3A_64, %dma_wait3A_65, %dma_wait3A_66] : memref<3x128x64xbf16, #tpu.memory_space<vmem>> -> memref<1x128x64xbf16, #tpu.memory_space<vmem>>
    %dma_wait3A_68 = tpu.memref_squeeze %dma_wait3A_67 : memref<1x128x64xbf16, #tpu.memory_space<vmem>> -> memref<128x64xbf16, #tpu.memory_space<vmem>>
    %dma_wait3A_69 = arith.constant 0 : i32
    %dma_wait3A_70 = tpu.memref_slice %arg6[%dma_wait3A, %dma_wait3A_69] : memref<160x128xi32, #tpu.memory_space<vmem>> -> memref<1x128xi32, #tpu.memory_space<vmem>>
    %dma_wait3A_71 = tpu.memref_squeeze %dma_wait3A_70 : memref<1x128xi32, #tpu.memory_space<vmem>> -> memref<128xi32, #tpu.memory_space<vmem>>
    %dma_wait3A_72 = arith.constant 0 : i32
    %dma_wait3A_73 = arith.constant 0 : i32
    %dma_wait3A_74 = tpu.memref_slice %arg10[%dma_wait3A_72, %dma_wait3A_73] : memref<10000x64xbf16, #tpu.memory_space<vmem_shared>> -> memref<10000x64xbf16, #tpu.memory_space<vmem_shared>>
    tpu.wait_indirect_dma semaphore(%arg11 : memref<!tpu.dma_semaphore, #tpu.memory_space<semaphore_mem>>) src(%dma_wait3A_74 : memref<10000x64xbf16, #tpu.memory_space<vmem_shared>>) dst(%dma_wait3A_68 : memref<128x64xbf16, #tpu.memory_space<vmem>>)
    %dma_start3A_75 = arith.constant 0 : i32
    %dma_start3A_76 = arith.constant 0 : i32
    %dma_start3A_77 = arith.constant 0 : i32
    %dma_start3A_78 = arith.constant 0 : i32
    %dma_start3A_79 = tpu.memref_slice %arg8[%dma_start3A_75, %dma_start3A_77, %dma_start3A_78] : memref<3x128x64xbf16, #tpu.memory_space<vmem>> -> memref<1x128x64xbf16, #tpu.memory_space<vmem>>
    %dma_start3A_80 = tpu.memref_squeeze %dma_start3A_79 : memref<1x128x64xbf16, #tpu.memory_space<vmem>> -> memref<128x64xbf16, #tpu.memory_space<vmem>>
    %dma_start3A_81 = arith.constant 0 : i32
    %dma_start3A_82 = tpu.memref_slice %arg7[%dma_start3A_76, %dma_start3A_81] : memref<160x128xi32, #tpu.memory_space<vmem>> -> memref<1x128xi32, #tpu.memory_space<vmem>>
    %dma_start3A_83 = tpu.memref_squeeze %dma_start3A_82 : memref<1x128xi32, #tpu.memory_space<vmem>> -> memref<128xi32, #tpu.memory_space<vmem>>
    %dma_start3A_84 = arith.constant 0 : i32
    %dma_start3A_85 = arith.constant 0 : i32
    %dma_start3A_86 = tpu.memref_slice %arg9[%dma_start3A_84, %dma_start3A_85] : memref<10016x64xbf16, #tpu.memory_space<vmem_shared>> -> memref<10016x64xbf16, #tpu.memory_space<vmem_shared>>
    tpu.enqueue_indirect_dma source(%dma_start3A_80 : memref<128x64xbf16, #tpu.memory_space<vmem>>) target(%dma_start3A_86 : memref<10016x64xbf16, #tpu.memory_space<vmem_shared>>) offsets(%dma_start3A_83 : memref<128xi32, #tpu.memory_space<vmem>>) semaphore(%arg14 : memref<!tpu.dma_semaphore, #tpu.memory_space<semaphore_mem>>) {add = true}
    %dma_start3A_87 = arith.constant 2 : i32
    %dma_start3A_88 = arith.constant 2 : i32
    %dma_start3A_89 = arith.constant 0 : i32
    %dma_start3A_90 = arith.constant 0 : i32
    %dma_start3A_91 = tpu.memref_slice %arg8[%dma_start3A_88, %dma_start3A_89, %dma_start3A_90] : memref<3x128x64xbf16, #tpu.memory_space<vmem>> -> memref<1x128x64xbf16, #tpu.memory_space<vmem>>
    %dma_start3A_92 = tpu.memref_squeeze %dma_start3A_91 : memref<1x128x64xbf16, #tpu.memory_space<vmem>> -> memref<128x64xbf16, #tpu.memory_space<vmem>>
    %dma_start3A_93 = arith.constant 0 : i32
    %dma_start3A_94 = tpu.memref_slice %arg6[%dma_start3A_87, %dma_start3A_93] : memref<160x128xi32, #tpu.memory_space<vmem>> -> memref<1x128xi32, #tpu.memory_space<vmem>>
    %dma_start3A_95 = tpu.memref_squeeze %dma_start3A_94 : memref<1x128xi32, #tpu.memory_space<vmem>> -> memref<128xi32, #tpu.memory_space<vmem>>
    %dma_start3A_96 = arith.constant 0 : i32
    %dma_start3A_97 = arith.constant 0 : i32
    %dma_start3A_98 = tpu.memref_slice %arg10[%dma_start3A_96, %dma_start3A_97] : memref<10000x64xbf16, #tpu.memory_space<vmem_shared>> -> memref<10000x64xbf16, #tpu.memory_space<vmem_shared>>
    tpu.enqueue_indirect_dma source(%dma_start3A_98 : memref<10000x64xbf16, #tpu.memory_space<vmem_shared>>) target(%dma_start3A_92 : memref<128x64xbf16, #tpu.memory_space<vmem>>) offsets(%dma_start3A_95 : memref<128xi32, #tpu.memory_space<vmem>>) semaphore(%arg13 : memref<!tpu.dma_semaphore, #tpu.memory_space<semaphore_mem>>)
    %scan3A_99 = arith.constant 0 : i32
    %scan3A_100 = arith.constant 0 : i32
    %scan3A_101 = arith.constant 52 : i32
    %scan3A_102 = arith.addi %scan3A_100, %scan3A_101 : i32
    %scan3A_103 = arith.constant 1 : i32
    scf.for %scan3A_240 = %scan3A_100 to %scan3A_102 step %scan3A_103  : i32 {
      %mul3A_241 = arith.constant 3 : i32
      %mul3A_242 = arith.muli %mul3A_241, %scan3A_240 : i32
      %add3A_243 = arith.constant 1 : i32
      %add3A_244 = arith.addi %add3A_243, %mul3A_242 : i32
      %add3A_245 = arith.constant 0 : i32
      %add3A_246 = arith.addi %add3A_244, %add3A_245 : i32
      %sub3A = arith.constant 1 : i32
      %sub3A_247 = arith.subi %add3A_246, %sub3A : i32
      %dma_wait3A_248 = arith.constant 0 : i32
      %dma_wait3A_249 = arith.constant 0 : i32
      %dma_wait3A_250 = arith.constant 0 : i32
      %dma_wait3A_251 = tpu.memref_slice %arg8[%dma_wait3A_248, %dma_wait3A_249, %dma_wait3A_250] : memref<3x128x64xbf16, #tpu.memory_space<vmem>> -> memref<1x128x64xbf16, #tpu.memory_space<vmem>>
      %dma_wait3A_252 = tpu.memref_squeeze %dma_wait3A_251 : memref<1x128x64xbf16, #tpu.memory_space<vmem>> -> memref<128x64xbf16, #tpu.memory_space<vmem>>
      %dma_wait3A_253 = arith.constant 0 : i32
      %dma_wait3A_254 = tpu.memref_slice %arg7[%sub3A_247, %dma_wait3A_253] : memref<160x128xi32, #tpu.memory_space<vmem>> -> memref<1x128xi32, #tpu.memory_space<vmem>>
      %dma_wait3A_255 = tpu.memref_squeeze %dma_wait3A_254 : memref<1x128xi32, #tpu.memory_space<vmem>> -> memref<128xi32, #tpu.memory_space<vmem>>
      %dma_wait3A_256 = arith.constant 0 : i32
      %dma_wait3A_257 = arith.constant 0 : i32
      %dma_wait3A_258 = tpu.memref_slice %arg9[%dma_wait3A_256, %dma_wait3A_257] : memref<10016x64xbf16, #tpu.memory_space<vmem_shared>> -> memref<10016x64xbf16, #tpu.memory_space<vmem_shared>>
      tpu.wait_indirect_dma semaphore(%arg14 : memref<!tpu.dma_semaphore, #tpu.memory_space<semaphore_mem>>) src(%dma_wait3A_252 : memref<128x64xbf16, #tpu.memory_space<vmem>>) dst(%dma_wait3A_258 : memref<10016x64xbf16, #tpu.memory_space<vmem_shared>>)
      %dma_wait3A_259 = arith.constant 1 : i32
      %dma_wait3A_260 = arith.constant 0 : i32
      %dma_wait3A_261 = arith.constant 0 : i32
      %dma_wait3A_262 = tpu.memref_slice %arg8[%dma_wait3A_259, %dma_wait3A_260, %dma_wait3A_261] : memref<3x128x64xbf16, #tpu.memory_space<vmem>> -> memref<1x128x64xbf16, #tpu.memory_space<vmem>>
      %dma_wait3A_263 = tpu.memref_squeeze %dma_wait3A_262 : memref<1x128x64xbf16, #tpu.memory_space<vmem>> -> memref<128x64xbf16, #tpu.memory_space<vmem>>
      %dma_wait3A_264 = arith.constant 0 : i32
      %dma_wait3A_265 = tpu.memref_slice %arg6[%add3A_246, %dma_wait3A_264] : memref<160x128xi32, #tpu.memory_space<vmem>> -> memref<1x128xi32, #tpu.memory_space<vmem>>
      %dma_wait3A_266 = tpu.memref_squeeze %dma_wait3A_265 : memref<1x128xi32, #tpu.memory_space<vmem>> -> memref<128xi32, #tpu.memory_space<vmem>>
      %dma_wait3A_267 = arith.constant 0 : i32
      %dma_wait3A_268 = arith.constant 0 : i32
      %dma_wait3A_269 = tpu.memref_slice %arg10[%dma_wait3A_267, %dma_wait3A_268] : memref<10000x64xbf16, #tpu.memory_space<vmem_shared>> -> memref<10000x64xbf16, #tpu.memory_space<vmem_shared>>
      tpu.wait_indirect_dma semaphore(%arg12 : memref<!tpu.dma_semaphore, #tpu.memory_space<semaphore_mem>>) src(%dma_wait3A_269 : memref<10000x64xbf16, #tpu.memory_space<vmem_shared>>) dst(%dma_wait3A_263 : memref<128x64xbf16, #tpu.memory_space<vmem>>)
      %dma_start3A_270 = arith.constant 1 : i32
      %dma_start3A_271 = arith.constant 0 : i32
      %dma_start3A_272 = arith.constant 0 : i32
      %dma_start3A_273 = tpu.memref_slice %arg8[%dma_start3A_270, %dma_start3A_271, %dma_start3A_272] : memref<3x128x64xbf16, #tpu.memory_space<vmem>> -> memref<1x128x64xbf16, #tpu.memory_space<vmem>>
      %dma_start3A_274 = tpu.memref_squeeze %dma_start3A_273 : memref<1x128x64xbf16, #tpu.memory_space<vmem>> -> memref<128x64xbf16, #tpu.memory_space<vmem>>
      %dma_start3A_275 = arith.constant 0 : i32
      %dma_start3A_276 = tpu.memref_slice %arg7[%add3A_246, %dma_start3A_275] : memref<160x128xi32, #tpu.memory_space<vmem>> -> memref<1x128xi32, #tpu.memory_space<vmem>>
      %dma_start3A_277 = tpu.memref_squeeze %dma_start3A_276 : memref<1x128xi32, #tpu.memory_space<vmem>> -> memref<128xi32, #tpu.memory_space<vmem>>
      %dma_start3A_278 = arith.constant 0 : i32
      %dma_start3A_279 = arith.constant 0 : i32
      %dma_start3A_280 = tpu.memref_slice %arg9[%dma_start3A_278, %dma_start3A_279] : memref<10016x64xbf16, #tpu.memory_space<vmem_shared>> -> memref<10016x64xbf16, #tpu.memory_space<vmem_shared>>
      tpu.enqueue_indirect_dma source(%dma_start3A_274 : memref<128x64xbf16, #tpu.memory_space<vmem>>) target(%dma_start3A_280 : memref<10016x64xbf16, #tpu.memory_space<vmem_shared>>) offsets(%dma_start3A_277 : memref<128xi32, #tpu.memory_space<vmem>>) semaphore(%arg15 : memref<!tpu.dma_semaphore, #tpu.memory_space<semaphore_mem>>) {add = true}
      %add3A_281 = arith.constant 2 : i32
      %add3A_282 = arith.addi %add3A_246, %add3A_281 : i32
      %dma_start3A_283 = arith.constant 0 : i32
      %dma_start3A_284 = arith.constant 0 : i32
      %dma_start3A_285 = arith.constant 0 : i32
      %dma_start3A_286 = tpu.memref_slice %arg8[%dma_start3A_283, %dma_start3A_284, %dma_start3A_285] : memref<3x128x64xbf16, #tpu.memory_space<vmem>> -> memref<1x128x64xbf16, #tpu.memory_space<vmem>>
      %dma_start3A_287 = tpu.memref_squeeze %dma_start3A_286 : memref<1x128x64xbf16, #tpu.memory_space<vmem>> -> memref<128x64xbf16, #tpu.memory_space<vmem>>
      %dma_start3A_288 = arith.constant 0 : i32
      %dma_start3A_289 = tpu.memref_slice %arg6[%add3A_282, %dma_start3A_288] : memref<160x128xi32, #tpu.memory_space<vmem>> -> memref<1x128xi32, #tpu.memory_space<vmem>>
      %dma_start3A_290 = tpu.memref_squeeze %dma_start3A_289 : memref<1x128xi32, #tpu.memory_space<vmem>> -> memref<128xi32, #tpu.memory_space<vmem>>
      %dma_start3A_291 = arith.constant 0 : i32
      %dma_start3A_292 = arith.constant 0 : i32
      %dma_start3A_293 = tpu.memref_slice %arg10[%dma_start3A_291, %dma_start3A_292] : memref<10000x64xbf16, #tpu.memory_space<vmem_shared>> -> memref<10000x64xbf16, #tpu.memory_space<vmem_shared>>
      tpu.enqueue_indirect_dma source(%dma_start3A_293 : memref<10000x64xbf16, #tpu.memory_space<vmem_shared>>) target(%dma_start3A_287 : memref<128x64xbf16, #tpu.memory_space<vmem>>) offsets(%dma_start3A_290 : memref<128xi32, #tpu.memory_space<vmem>>) semaphore(%arg11 : memref<!tpu.dma_semaphore, #tpu.memory_space<semaphore_mem>>)
      %mul3A_294 = arith.constant 3 : i32
      %mul3A_295 = arith.muli %mul3A_294, %scan3A_240 : i32
      %add3A_296 = arith.constant 1 : i32
      %add3A_297 = arith.addi %add3A_296, %mul3A_295 : i32
      %add3A_298 = arith.constant 1 : i32
      %add3A_299 = arith.addi %add3A_297, %add3A_298 : i32
      %sub3A_300 = arith.constant 1 : i32
      %sub3A_301 = arith.subi %add3A_299, %sub3A_300 : i32
      %dma_wait3A_302 = arith.constant 1 : i32
      %dma_wait3A_303 = arith.constant 0 : i32
      %dma_wait3A_304 = arith.constant 0 : i32
      %dma_wait3A_305 = tpu.memref_slice %arg8[%dma_wait3A_302, %dma_wait3A_303, %dma_wait3A_304] : memref<3x128x64xbf16, #tpu.memory_space<vmem>> -> memref<1x128x64xbf16, #tpu.memory_space<vmem>>
      %dma_wait3A_306 = tpu.memref_squeeze %dma_wait3A_305 : memref<1x128x64xbf16, #tpu.memory_space<vmem>> -> memref<128x64xbf16, #tpu.memory_space<vmem>>
      %dma_wait3A_307 = arith.constant 0 : i32
      %dma_wait3A_308 = tpu.memref_slice %arg7[%sub3A_301, %dma_wait3A_307] : memref<160x128xi32, #tpu.memory_space<vmem>> -> memref<1x128xi32, #tpu.memory_space<vmem>>
      %dma_wait3A_309 = tpu.memref_squeeze %dma_wait3A_308 : memref<1x128xi32, #tpu.memory_space<vmem>> -> memref<128xi32, #tpu.memory_space<vmem>>
      %dma_wait3A_310 = arith.constant 0 : i32
      %dma_wait3A_311 = arith.constant 0 : i32
      %dma_wait3A_312 = tpu.memref_slice %arg9[%dma_wait3A_310, %dma_wait3A_311] : memref<10016x64xbf16, #tpu.memory_space<vmem_shared>> -> memref<10016x64xbf16, #tpu.memory_space<vmem_shared>>
      tpu.wait_indirect_dma semaphore(%arg15 : memref<!tpu.dma_semaphore, #tpu.memory_space<semaphore_mem>>) src(%dma_wait3A_306 : memref<128x64xbf16, #tpu.memory_space<vmem>>) dst(%dma_wait3A_312 : memref<10016x64xbf16, #tpu.memory_space<vmem_shared>>)
      %dma_wait3A_313 = arith.constant 2 : i32
      %dma_wait3A_314 = arith.constant 0 : i32
      %dma_wait3A_315 = arith.constant 0 : i32
      %dma_wait3A_316 = tpu.memref_slice %arg8[%dma_wait3A_313, %dma_wait3A_314, %dma_wait3A_315] : memref<3x128x64xbf16, #tpu.memory_space<vmem>> -> memref<1x128x64xbf16, #tpu.memory_space<vmem>>
      %dma_wait3A_317 = tpu.memref_squeeze %dma_wait3A_316 : memref<1x128x64xbf16, #tpu.memory_space<vmem>> -> memref<128x64xbf16, #tpu.memory_space<vmem>>
      %dma_wait3A_318 = arith.constant 0 : i32
      %dma_wait3A_319 = tpu.memref_slice %arg6[%add3A_299, %dma_wait3A_318] : memref<160x128xi32, #tpu.memory_space<vmem>> -> memref<1x128xi32, #tpu.memory_space<vmem>>
      %dma_wait3A_320 = tpu.memref_squeeze %dma_wait3A_319 : memref<1x128xi32, #tpu.memory_space<vmem>> -> memref<128xi32, #tpu.memory_space<vmem>>
      %dma_wait3A_321 = arith.constant 0 : i32
      %dma_wait3A_322 = arith.constant 0 : i32
      %dma_wait3A_323 = tpu.memref_slice %arg10[%dma_wait3A_321, %dma_wait3A_322] : memref<10000x64xbf16, #tpu.memory_space<vmem_shared>> -> memref<10000x64xbf16, #tpu.memory_space<vmem_shared>>
      tpu.wait_indirect_dma semaphore(%arg13 : memref<!tpu.dma_semaphore, #tpu.memory_space<semaphore_mem>>) src(%dma_wait3A_323 : memref<10000x64xbf16, #tpu.memory_space<vmem_shared>>) dst(%dma_wait3A_317 : memref<128x64xbf16, #tpu.memory_space<vmem>>)
      %dma_start3A_324 = arith.constant 2 : i32
      %dma_start3A_325 = arith.constant 0 : i32
      %dma_start3A_326 = arith.constant 0 : i32
      %dma_start3A_327 = tpu.memref_slice %arg8[%dma_start3A_324, %dma_start3A_325, %dma_start3A_326] : memref<3x128x64xbf16, #tpu.memory_space<vmem>> -> memref<1x128x64xbf16, #tpu.memory_space<vmem>>
      %dma_start3A_328 = tpu.memref_squeeze %dma_start3A_327 : memref<1x128x64xbf16, #tpu.memory_space<vmem>> -> memref<128x64xbf16, #tpu.memory_space<vmem>>
      %dma_start3A_329 = arith.constant 0 : i32
      %dma_start3A_330 = tpu.memref_slice %arg7[%add3A_299, %dma_start3A_329] : memref<160x128xi32, #tpu.memory_space<vmem>> -> memref<1x128xi32, #tpu.memory_space<vmem>>
      %dma_start3A_331 = tpu.memref_squeeze %dma_start3A_330 : memref<1x128xi32, #tpu.memory_space<vmem>> -> memref<128xi32, #tpu.memory_space<vmem>>
      %dma_start3A_332 = arith.constant 0 : i32
      %dma_start3A_333 = arith.constant 0 : i32
      %dma_start3A_334 = tpu.memref_slice %arg9[%dma_start3A_332, %dma_start3A_333] : memref<10016x64xbf16, #tpu.memory_space<vmem_shared>> -> memref<10016x64xbf16, #tpu.memory_space<vmem_shared>>
      tpu.enqueue_indirect_dma source(%dma_start3A_328 : memref<128x64xbf16, #tpu.memory_space<vmem>>) target(%dma_start3A_334 : memref<10016x64xbf16, #tpu.memory_space<vmem_shared>>) offsets(%dma_start3A_331 : memref<128xi32, #tpu.memory_space<vmem>>) semaphore(%arg16 : memref<!tpu.dma_semaphore, #tpu.memory_space<semaphore_mem>>) {add = true}
      %add3A_335 = arith.constant 2 : i32
      %add3A_336 = arith.addi %add3A_299, %add3A_335 : i32
      %dma_start3A_337 = arith.constant 1 : i32
      %dma_start3A_338 = arith.constant 0 : i32
      %dma_start3A_339 = arith.constant 0 : i32
      %dma_start3A_340 = tpu.memref_slice %arg8[%dma_start3A_337, %dma_start3A_338, %dma_start3A_339] : memref<3x128x64xbf16, #tpu.memory_space<vmem>> -> memref<1x128x64xbf16, #tpu.memory_space<vmem>>
      %dma_start3A_341 = tpu.memref_squeeze %dma_start3A_340 : memref<1x128x64xbf16, #tpu.memory_space<vmem>> -> memref<128x64xbf16, #tpu.memory_space<vmem>>
      %dma_start3A_342 = arith.constant 0 : i32
      %dma_start3A_343 = tpu.memref_slice %arg6[%add3A_336, %dma_start3A_342] : memref<160x128xi32, #tpu.memory_space<vmem>> -> memref<1x128xi32, #tpu.memory_space<vmem>>
      %dma_start3A_344 = tpu.memref_squeeze %dma_start3A_343 : memref<1x128xi32, #tpu.memory_space<vmem>> -> memref<128xi32, #tpu.memory_space<vmem>>
      %dma_start3A_345 = arith.constant 0 : i32
      %dma_start3A_346 = arith.constant 0 : i32
      %dma_start3A_347 = tpu.memref_slice %arg10[%dma_start3A_345, %dma_start3A_346] : memref<10000x64xbf16, #tpu.memory_space<vmem_shared>> -> memref<10000x64xbf16, #tpu.memory_space<vmem_shared>>
      tpu.enqueue_indirect_dma source(%dma_start3A_347 : memref<10000x64xbf16, #tpu.memory_space<vmem_shared>>) target(%dma_start3A_341 : memref<128x64xbf16, #tpu.memory_space<vmem>>) offsets(%dma_start3A_344 : memref<128xi32, #tpu.memory_space<vmem>>) semaphore(%arg12 : memref<!tpu.dma_semaphore, #tpu.memory_space<semaphore_mem>>)
      %mul3A_348 = arith.constant 3 : i32
      %mul3A_349 = arith.muli %mul3A_348, %scan3A_240 : i32
      %add3A_350 = arith.constant 1 : i32
      %add3A_351 = arith.addi %add3A_350, %mul3A_349 : i32
      %add3A_352 = arith.constant 2 : i32
      %add3A_353 = arith.addi %add3A_351, %add3A_352 : i32
      %sub3A_354 = arith.constant 1 : i32
      %sub3A_355 = arith.subi %add3A_353, %sub3A_354 : i32
      %dma_wait3A_356 = arith.constant 2 : i32
      %dma_wait3A_357 = arith.constant 0 : i32
      %dma_wait3A_358 = arith.constant 0 : i32
      %dma_wait3A_359 = tpu.memref_slice %arg8[%dma_wait3A_356, %dma_wait3A_357, %dma_wait3A_358] : memref<3x128x64xbf16, #tpu.memory_space<vmem>> -> memref<1x128x64xbf16, #tpu.memory_space<vmem>>
      %dma_wait3A_360 = tpu.memref_squeeze %dma_wait3A_359 : memref<1x128x64xbf16, #tpu.memory_space<vmem>> -> memref<128x64xbf16, #tpu.memory_space<vmem>>
      %dma_wait3A_361 = arith.constant 0 : i32
      %dma_wait3A_362 = tpu.memref_slice %arg7[%sub3A_355, %dma_wait3A_361] : memref<160x128xi32, #tpu.memory_space<vmem>> -> memref<1x128xi32, #tpu.memory_space<vmem>>
      %dma_wait3A_363 = tpu.memref_squeeze %dma_wait3A_362 : memref<1x128xi32, #tpu.memory_space<vmem>> -> memref<128xi32, #tpu.memory_space<vmem>>
      %dma_wait3A_364 = arith.constant 0 : i32
      %dma_wait3A_365 = arith.constant 0 : i32
      %dma_wait3A_366 = tpu.memref_slice %arg9[%dma_wait3A_364, %dma_wait3A_365] : memref<10016x64xbf16, #tpu.memory_space<vmem_shared>> -> memref<10016x64xbf16, #tpu.memory_space<vmem_shared>>
      tpu.wait_indirect_dma semaphore(%arg16 : memref<!tpu.dma_semaphore, #tpu.memory_space<semaphore_mem>>) src(%dma_wait3A_360 : memref<128x64xbf16, #tpu.memory_space<vmem>>) dst(%dma_wait3A_366 : memref<10016x64xbf16, #tpu.memory_space<vmem_shared>>)
      %dma_wait3A_367 = arith.constant 0 : i32
      %dma_wait3A_368 = arith.constant 0 : i32
      %dma_wait3A_369 = arith.constant 0 : i32
      %dma_wait3A_370 = tpu.memref_slice %arg8[%dma_wait3A_367, %dma_wait3A_368, %dma_wait3A_369] : memref<3x128x64xbf16, #tpu.memory_space<vmem>> -> memref<1x128x64xbf16, #tpu.memory_space<vmem>>
      %dma_wait3A_371 = tpu.memref_squeeze %dma_wait3A_370 : memref<1x128x64xbf16, #tpu.memory_space<vmem>> -> memref<128x64xbf16, #tpu.memory_space<vmem>>
      %dma_wait3A_372 = arith.constant 0 : i32
      %dma_wait3A_373 = tpu.memref_slice %arg6[%add3A_353, %dma_wait3A_372] : memref<160x128xi32, #tpu.memory_space<vmem>> -> memref<1x128xi32, #tpu.memory_space<vmem>>
      %dma_wait3A_374 = tpu.memref_squeeze %dma_wait3A_373 : memref<1x128xi32, #tpu.memory_space<vmem>> -> memref<128xi32, #tpu.memory_space<vmem>>
      %dma_wait3A_375 = arith.constant 0 : i32
      %dma_wait3A_376 = arith.constant 0 : i32
      %dma_wait3A_377 = tpu.memref_slice %arg10[%dma_wait3A_375, %dma_wait3A_376] : memref<10000x64xbf16, #tpu.memory_space<vmem_shared>> -> memref<10000x64xbf16, #tpu.memory_space<vmem_shared>>
      tpu.wait_indirect_dma semaphore(%arg11 : memref<!tpu.dma_semaphore, #tpu.memory_space<semaphore_mem>>) src(%dma_wait3A_377 : memref<10000x64xbf16, #tpu.memory_space<vmem_shared>>) dst(%dma_wait3A_371 : memref<128x64xbf16, #tpu.memory_space<vmem>>)
      %dma_start3A_378 = arith.constant 0 : i32
      %dma_start3A_379 = arith.constant 0 : i32
      %dma_start3A_380 = arith.constant 0 : i32
      %dma_start3A_381 = tpu.memref_slice %arg8[%dma_start3A_378, %dma_start3A_379, %dma_start3A_380] : memref<3x128x64xbf16, #tpu.memory_space<vmem>> -> memref<1x128x64xbf16, #tpu.memory_space<vmem>>
      %dma_start3A_382 = tpu.memref_squeeze %dma_start3A_381 : memref<1x128x64xbf16, #tpu.memory_space<vmem>> -> memref<128x64xbf16, #tpu.memory_space<vmem>>
      %dma_start3A_383 = arith.constant 0 : i32
      %dma_start3A_384 = tpu.memref_slice %arg7[%add3A_353, %dma_start3A_383] : memref<160x128xi32, #tpu.memory_space<vmem>> -> memref<1x128xi32, #tpu.memory_space<vmem>>
      %dma_start3A_385 = tpu.memref_squeeze %dma_start3A_384 : memref<1x128xi32, #tpu.memory_space<vmem>> -> memref<128xi32, #tpu.memory_space<vmem>>
      %dma_start3A_386 = arith.constant 0 : i32
      %dma_start3A_387 = arith.constant 0 : i32
      %dma_start3A_388 = tpu.memref_slice %arg9[%dma_start3A_386, %dma_start3A_387] : memref<10016x64xbf16, #tpu.memory_space<vmem_shared>> -> memref<10016x64xbf16, #tpu.memory_space<vmem_shared>>
      tpu.enqueue_indirect_dma source(%dma_start3A_382 : memref<128x64xbf16, #tpu.memory_space<vmem>>) target(%dma_start3A_388 : memref<10016x64xbf16, #tpu.memory_space<vmem_shared>>) offsets(%dma_start3A_385 : memref<128xi32, #tpu.memory_space<vmem>>) semaphore(%arg14 : memref<!tpu.dma_semaphore, #tpu.memory_space<semaphore_mem>>) {add = true}
      %add3A_389 = arith.constant 2 : i32
      %add3A_390 = arith.addi %add3A_353, %add3A_389 : i32
      %dma_start3A_391 = arith.constant 2 : i32
      %dma_start3A_392 = arith.constant 0 : i32
      %dma_start3A_393 = arith.constant 0 : i32
      %dma_start3A_394 = tpu.memref_slice %arg8[%dma_start3A_391, %dma_start3A_392, %dma_start3A_393] : memref<3x128x64xbf16, #tpu.memory_space<vmem>> -> memref<1x128x64xbf16, #tpu.memory_space<vmem>>
      %dma_start3A_395 = tpu.memref_squeeze %dma_start3A_394 : memref<1x128x64xbf16, #tpu.memory_space<vmem>> -> memref<128x64xbf16, #tpu.memory_space<vmem>>
      %dma_start3A_396 = arith.constant 0 : i32
      %dma_start3A_397 = tpu.memref_slice %arg6[%add3A_390, %dma_start3A_396] : memref<160x128xi32, #tpu.memory_space<vmem>> -> memref<1x128xi32, #tpu.memory_space<vmem>>
      %dma_start3A_398 = tpu.memref_squeeze %dma_start3A_397 : memref<1x128xi32, #tpu.memory_space<vmem>> -> memref<128xi32, #tpu.memory_space<vmem>>
      %dma_start3A_399 = arith.constant 0 : i32
      %dma_start3A_400 = arith.constant 0 : i32
      %dma_start3A_401 = tpu.memref_slice %arg10[%dma_start3A_399, %dma_start3A_400] : memref<10000x64xbf16, #tpu.memory_space<vmem_shared>> -> memref<10000x64xbf16, #tpu.memory_space<vmem_shared>>
      tpu.enqueue_indirect_dma source(%dma_start3A_401 : memref<10000x64xbf16, #tpu.memory_space<vmem_shared>>) target(%dma_start3A_395 : memref<128x64xbf16, #tpu.memory_space<vmem>>) offsets(%dma_start3A_398 : memref<128xi32, #tpu.memory_space<vmem>>) semaphore(%arg13 : memref<!tpu.dma_semaphore, #tpu.memory_space<semaphore_mem>>)
    }
    %scan3A_104 = arith.constant 52 : i32
    %dma_wait3A_105 = arith.constant 0 : i32
    %dma_wait3A_106 = arith.constant 156 : i32
    %dma_wait3A_107 = arith.constant 0 : i32
    %dma_wait3A_108 = arith.constant 0 : i32
    %dma_wait3A_109 = tpu.memref_slice %arg8[%dma_wait3A_105, %dma_wait3A_107, %dma_wait3A_108] : memref<3x128x64xbf16, #tpu.memory_space<vmem>> -> memref<1x128x64xbf16, #tpu.memory_space<vmem>>
    %dma_wait3A_110 = tpu.memref_squeeze %dma_wait3A_109 : memref<1x128x64xbf16, #tpu.memory_space<vmem>> -> memref<128x64xbf16, #tpu.memory_space<vmem>>
    %dma_wait3A_111 = arith.constant 0 : i32
    %dma_wait3A_112 = tpu.memref_slice %arg7[%dma_wait3A_106, %dma_wait3A_111] : memref<160x128xi32, #tpu.memory_space<vmem>> -> memref<1x128xi32, #tpu.memory_space<vmem>>
    %dma_wait3A_113 = tpu.memref_squeeze %dma_wait3A_112 : memref<1x128xi32, #tpu.memory_space<vmem>> -> memref<128xi32, #tpu.memory_space<vmem>>
    %dma_wait3A_114 = arith.constant 0 : i32
    %dma_wait3A_115 = arith.constant 0 : i32
    %dma_wait3A_116 = tpu.memref_slice %arg9[%dma_wait3A_114, %dma_wait3A_115] : memref<10016x64xbf16, #tpu.memory_space<vmem_shared>> -> memref<10016x64xbf16, #tpu.memory_space<vmem_shared>>
    tpu.wait_indirect_dma semaphore(%arg14 : memref<!tpu.dma_semaphore, #tpu.memory_space<semaphore_mem>>) src(%dma_wait3A_110 : memref<128x64xbf16, #tpu.memory_space<vmem>>) dst(%dma_wait3A_116 : memref<10016x64xbf16, #tpu.memory_space<vmem_shared>>)
    %dma_wait3A_117 = arith.constant 157 : i32
    %dma_wait3A_118 = arith.constant 1 : i32
    %dma_wait3A_119 = arith.constant 0 : i32
    %dma_wait3A_120 = arith.constant 0 : i32
    %dma_wait3A_121 = tpu.memref_slice %arg8[%dma_wait3A_118, %dma_wait3A_119, %dma_wait3A_120] : memref<3x128x64xbf16, #tpu.memory_space<vmem>> -> memref<1x128x64xbf16, #tpu.memory_space<vmem>>
    %dma_wait3A_122 = tpu.memref_squeeze %dma_wait3A_121 : memref<1x128x64xbf16, #tpu.memory_space<vmem>> -> memref<128x64xbf16, #tpu.memory_space<vmem>>
    %dma_wait3A_123 = arith.constant 0 : i32
    %dma_wait3A_124 = tpu.memref_slice %arg6[%dma_wait3A_117, %dma_wait3A_123] : memref<160x128xi32, #tpu.memory_space<vmem>> -> memref<1x128xi32, #tpu.memory_space<vmem>>
    %dma_wait3A_125 = tpu.memref_squeeze %dma_wait3A_124 : memref<1x128xi32, #tpu.memory_space<vmem>> -> memref<128xi32, #tpu.memory_space<vmem>>
    %dma_wait3A_126 = arith.constant 0 : i32
    %dma_wait3A_127 = arith.constant 0 : i32
    %dma_wait3A_128 = tpu.memref_slice %arg10[%dma_wait3A_126, %dma_wait3A_127] : memref<10000x64xbf16, #tpu.memory_space<vmem_shared>> -> memref<10000x64xbf16, #tpu.memory_space<vmem_shared>>
    tpu.wait_indirect_dma semaphore(%arg12 : memref<!tpu.dma_semaphore, #tpu.memory_space<semaphore_mem>>) src(%dma_wait3A_128 : memref<10000x64xbf16, #tpu.memory_space<vmem_shared>>) dst(%dma_wait3A_122 : memref<128x64xbf16, #tpu.memory_space<vmem>>)
    %dma_start3A_129 = arith.constant 1 : i32
    %dma_start3A_130 = arith.constant 157 : i32
    %dma_start3A_131 = arith.constant 0 : i32
    %dma_start3A_132 = arith.constant 0 : i32
    %dma_start3A_133 = tpu.memref_slice %arg8[%dma_start3A_129, %dma_start3A_131, %dma_start3A_132] : memref<3x128x64xbf16, #tpu.memory_space<vmem>> -> memref<1x128x64xbf16, #tpu.memory_space<vmem>>
    %dma_start3A_134 = tpu.memref_squeeze %dma_start3A_133 : memref<1x128x64xbf16, #tpu.memory_space<vmem>> -> memref<128x64xbf16, #tpu.memory_space<vmem>>
    %dma_start3A_135 = arith.constant 0 : i32
    %dma_start3A_136 = tpu.memref_slice %arg7[%dma_start3A_130, %dma_start3A_135] : memref<160x128xi32, #tpu.memory_space<vmem>> -> memref<1x128xi32, #tpu.memory_space<vmem>>
    %dma_start3A_137 = tpu.memref_squeeze %dma_start3A_136 : memref<1x128xi32, #tpu.memory_space<vmem>> -> memref<128xi32, #tpu.memory_space<vmem>>
    %dma_start3A_138 = arith.constant 0 : i32
    %dma_start3A_139 = arith.constant 0 : i32
    %dma_start3A_140 = tpu.memref_slice %arg9[%dma_start3A_138, %dma_start3A_139] : memref<10016x64xbf16, #tpu.memory_space<vmem_shared>> -> memref<10016x64xbf16, #tpu.memory_space<vmem_shared>>
    tpu.enqueue_indirect_dma source(%dma_start3A_134 : memref<128x64xbf16, #tpu.memory_space<vmem>>) target(%dma_start3A_140 : memref<10016x64xbf16, #tpu.memory_space<vmem_shared>>) offsets(%dma_start3A_137 : memref<128xi32, #tpu.memory_space<vmem>>) semaphore(%arg15 : memref<!tpu.dma_semaphore, #tpu.memory_space<semaphore_mem>>) {add = true}
    %dma_start3A_141 = arith.constant 159 : i32
    %dma_start3A_142 = arith.constant 0 : i32
    %dma_start3A_143 = arith.constant 0 : i32
    %dma_start3A_144 = arith.constant 0 : i32
    %dma_start3A_145 = tpu.memref_slice %arg8[%dma_start3A_142, %dma_start3A_143, %dma_start3A_144] : memref<3x128x64xbf16, #tpu.memory_space<vmem>> -> memref<1x128x64xbf16, #tpu.memory_space<vmem>>
    %dma_start3A_146 = tpu.memref_squeeze %dma_start3A_145 : memref<1x128x64xbf16, #tpu.memory_space<vmem>> -> memref<128x64xbf16, #tpu.memory_space<vmem>>
    %dma_start3A_147 = arith.constant 0 : i32
    %dma_start3A_148 = tpu.memref_slice %arg6[%dma_start3A_141, %dma_start3A_147] : memref<160x128xi32, #tpu.memory_space<vmem>> -> memref<1x128xi32, #tpu.memory_space<vmem>>
    %dma_start3A_149 = tpu.memref_squeeze %dma_start3A_148 : memref<1x128xi32, #tpu.memory_space<vmem>> -> memref<128xi32, #tpu.memory_space<vmem>>
    %dma_start3A_150 = arith.constant 0 : i32
    %dma_start3A_151 = arith.constant 0 : i32
    %dma_start3A_152 = tpu.memref_slice %arg10[%dma_start3A_150, %dma_start3A_151] : memref<10000x64xbf16, #tpu.memory_space<vmem_shared>> -> memref<10000x64xbf16, #tpu.memory_space<vmem_shared>>
    tpu.enqueue_indirect_dma source(%dma_start3A_152 : memref<10000x64xbf16, #tpu.memory_space<vmem_shared>>) target(%dma_start3A_146 : memref<128x64xbf16, #tpu.memory_space<vmem>>) offsets(%dma_start3A_149 : memref<128xi32, #tpu.memory_space<vmem>>) semaphore(%arg11 : memref<!tpu.dma_semaphore, #tpu.memory_space<semaphore_mem>>)
    %dma_wait3A_153 = arith.constant 1 : i32
    %dma_wait3A_154 = arith.constant 157 : i32
    %dma_wait3A_155 = arith.constant 0 : i32
    %dma_wait3A_156 = arith.constant 0 : i32
    %dma_wait3A_157 = tpu.memref_slice %arg8[%dma_wait3A_153, %dma_wait3A_155, %dma_wait3A_156] : memref<3x128x64xbf16, #tpu.memory_space<vmem>> -> memref<1x128x64xbf16, #tpu.memory_space<vmem>>
    %dma_wait3A_158 = tpu.memref_squeeze %dma_wait3A_157 : memref<1x128x64xbf16, #tpu.memory_space<vmem>> -> memref<128x64xbf16, #tpu.memory_space<vmem>>
    %dma_wait3A_159 = arith.constant 0 : i32
    %dma_wait3A_160 = tpu.memref_slice %arg7[%dma_wait3A_154, %dma_wait3A_159] : memref<160x128xi32, #tpu.memory_space<vmem>> -> memref<1x128xi32, #tpu.memory_space<vmem>>
    %dma_wait3A_161 = tpu.memref_squeeze %dma_wait3A_160 : memref<1x128xi32, #tpu.memory_space<vmem>> -> memref<128xi32, #tpu.memory_space<vmem>>
    %dma_wait3A_162 = arith.constant 0 : i32
    %dma_wait3A_163 = arith.constant 0 : i32
    %dma_wait3A_164 = tpu.memref_slice %arg9[%dma_wait3A_162, %dma_wait3A_163] : memref<10016x64xbf16, #tpu.memory_space<vmem_shared>> -> memref<10016x64xbf16, #tpu.memory_space<vmem_shared>>
    tpu.wait_indirect_dma semaphore(%arg15 : memref<!tpu.dma_semaphore, #tpu.memory_space<semaphore_mem>>) src(%dma_wait3A_158 : memref<128x64xbf16, #tpu.memory_space<vmem>>) dst(%dma_wait3A_164 : memref<10016x64xbf16, #tpu.memory_space<vmem_shared>>)
    %dma_wait3A_165 = arith.constant 158 : i32
    %dma_wait3A_166 = arith.constant 2 : i32
    %dma_wait3A_167 = arith.constant 0 : i32
    %dma_wait3A_168 = arith.constant 0 : i32
    %dma_wait3A_169 = tpu.memref_slice %arg8[%dma_wait3A_166, %dma_wait3A_167, %dma_wait3A_168] : memref<3x128x64xbf16, #tpu.memory_space<vmem>> -> memref<1x128x64xbf16, #tpu.memory_space<vmem>>
    %dma_wait3A_170 = tpu.memref_squeeze %dma_wait3A_169 : memref<1x128x64xbf16, #tpu.memory_space<vmem>> -> memref<128x64xbf16, #tpu.memory_space<vmem>>
    %dma_wait3A_171 = arith.constant 0 : i32
    %dma_wait3A_172 = tpu.memref_slice %arg6[%dma_wait3A_165, %dma_wait3A_171] : memref<160x128xi32, #tpu.memory_space<vmem>> -> memref<1x128xi32, #tpu.memory_space<vmem>>
    %dma_wait3A_173 = tpu.memref_squeeze %dma_wait3A_172 : memref<1x128xi32, #tpu.memory_space<vmem>> -> memref<128xi32, #tpu.memory_space<vmem>>
    %dma_wait3A_174 = arith.constant 0 : i32
    %dma_wait3A_175 = arith.constant 0 : i32
    %dma_wait3A_176 = tpu.memref_slice %arg10[%dma_wait3A_174, %dma_wait3A_175] : memref<10000x64xbf16, #tpu.memory_space<vmem_shared>> -> memref<10000x64xbf16, #tpu.memory_space<vmem_shared>>
    tpu.wait_indirect_dma semaphore(%arg13 : memref<!tpu.dma_semaphore, #tpu.memory_space<semaphore_mem>>) src(%dma_wait3A_176 : memref<10000x64xbf16, #tpu.memory_space<vmem_shared>>) dst(%dma_wait3A_170 : memref<128x64xbf16, #tpu.memory_space<vmem>>)
    %dma_start3A_177 = arith.constant 2 : i32
    %dma_start3A_178 = arith.constant 158 : i32
    %dma_start3A_179 = arith.constant 0 : i32
    %dma_start3A_180 = arith.constant 0 : i32
    %dma_start3A_181 = tpu.memref_slice %arg8[%dma_start3A_177, %dma_start3A_179, %dma_start3A_180] : memref<3x128x64xbf16, #tpu.memory_space<vmem>> -> memref<1x128x64xbf16, #tpu.memory_space<vmem>>
    %dma_start3A_182 = tpu.memref_squeeze %dma_start3A_181 : memref<1x128x64xbf16, #tpu.memory_space<vmem>> -> memref<128x64xbf16, #tpu.memory_space<vmem>>
    %dma_start3A_183 = arith.constant 0 : i32
    %dma_start3A_184 = tpu.memref_slice %arg7[%dma_start3A_178, %dma_start3A_183] : memref<160x128xi32, #tpu.memory_space<vmem>> -> memref<1x128xi32, #tpu.memory_space<vmem>>
    %dma_start3A_185 = tpu.memref_squeeze %dma_start3A_184 : memref<1x128xi32, #tpu.memory_space<vmem>> -> memref<128xi32, #tpu.memory_space<vmem>>
    %dma_start3A_186 = arith.constant 0 : i32
    %dma_start3A_187 = arith.constant 0 : i32
    %dma_start3A_188 = tpu.memref_slice %arg9[%dma_start3A_186, %dma_start3A_187] : memref<10016x64xbf16, #tpu.memory_space<vmem_shared>> -> memref<10016x64xbf16, #tpu.memory_space<vmem_shared>>
    tpu.enqueue_indirect_dma source(%dma_start3A_182 : memref<128x64xbf16, #tpu.memory_space<vmem>>) target(%dma_start3A_188 : memref<10016x64xbf16, #tpu.memory_space<vmem_shared>>) offsets(%dma_start3A_185 : memref<128xi32, #tpu.memory_space<vmem>>) semaphore(%arg16 : memref<!tpu.dma_semaphore, #tpu.memory_space<semaphore_mem>>) {add = true}
    %dma_wait3A_189 = arith.constant 2 : i32
    %dma_wait3A_190 = arith.constant 158 : i32
    %dma_wait3A_191 = arith.constant 0 : i32
    %dma_wait3A_192 = arith.constant 0 : i32
    %dma_wait3A_193 = tpu.memref_slice %arg8[%dma_wait3A_189, %dma_wait3A_191, %dma_wait3A_192] : memref<3x128x64xbf16, #tpu.memory_space<vmem>> -> memref<1x128x64xbf16, #tpu.memory_space<vmem>>
    %dma_wait3A_194 = tpu.memref_squeeze %dma_wait3A_193 : memref<1x128x64xbf16, #tpu.memory_space<vmem>> -> memref<128x64xbf16, #tpu.memory_space<vmem>>
    %dma_wait3A_195 = arith.constant 0 : i32
    %dma_wait3A_196 = tpu.memref_slice %arg7[%dma_wait3A_190, %dma_wait3A_195] : memref<160x128xi32, #tpu.memory_space<vmem>> -> memref<1x128xi32, #tpu.memory_space<vmem>>
    %dma_wait3A_197 = tpu.memref_squeeze %dma_wait3A_196 : memref<1x128xi32, #tpu.memory_space<vmem>> -> memref<128xi32, #tpu.memory_space<vmem>>
    %dma_wait3A_198 = arith.constant 0 : i32
    %dma_wait3A_199 = arith.constant 0 : i32
    %dma_wait3A_200 = tpu.memref_slice %arg9[%dma_wait3A_198, %dma_wait3A_199] : memref<10016x64xbf16, #tpu.memory_space<vmem_shared>> -> memref<10016x64xbf16, #tpu.memory_space<vmem_shared>>
    tpu.wait_indirect_dma semaphore(%arg16 : memref<!tpu.dma_semaphore, #tpu.memory_space<semaphore_mem>>) src(%dma_wait3A_194 : memref<128x64xbf16, #tpu.memory_space<vmem>>) dst(%dma_wait3A_200 : memref<10016x64xbf16, #tpu.memory_space<vmem_shared>>)
    %dma_wait3A_201 = arith.constant 159 : i32
    %dma_wait3A_202 = arith.constant 0 : i32
    %dma_wait3A_203 = arith.constant 0 : i32
    %dma_wait3A_204 = arith.constant 0 : i32
    %dma_wait3A_205 = tpu.memref_slice %arg8[%dma_wait3A_202, %dma_wait3A_203, %dma_wait3A_204] : memref<3x128x64xbf16, #tpu.memory_space<vmem>> -> memref<1x128x64xbf16, #tpu.memory_space<vmem>>
    %dma_wait3A_206 = tpu.memref_squeeze %dma_wait3A_205 : memref<1x128x64xbf16, #tpu.memory_space<vmem>> -> memref<128x64xbf16, #tpu.memory_space<vmem>>
    %dma_wait3A_207 = arith.constant 0 : i32
    %dma_wait3A_208 = tpu.memref_slice %arg6[%dma_wait3A_201, %dma_wait3A_207] : memref<160x128xi32, #tpu.memory_space<vmem>> -> memref<1x128xi32, #tpu.memory_space<vmem>>
    %dma_wait3A_209 = tpu.memref_squeeze %dma_wait3A_208 : memref<1x128xi32, #tpu.memory_space<vmem>> -> memref<128xi32, #tpu.memory_space<vmem>>
    %dma_wait3A_210 = arith.constant 0 : i32
    %dma_wait3A_211 = arith.constant 0 : i32
    %dma_wait3A_212 = tpu.memref_slice %arg10[%dma_wait3A_210, %dma_wait3A_211] : memref<10000x64xbf16, #tpu.memory_space<vmem_shared>> -> memref<10000x64xbf16, #tpu.memory_space<vmem_shared>>
    tpu.wait_indirect_dma semaphore(%arg11 : memref<!tpu.dma_semaphore, #tpu.memory_space<semaphore_mem>>) src(%dma_wait3A_212 : memref<10000x64xbf16, #tpu.memory_space<vmem_shared>>) dst(%dma_wait3A_206 : memref<128x64xbf16, #tpu.memory_space<vmem>>)
    %dma_start3A_213 = arith.constant 0 : i32
    %dma_start3A_214 = arith.constant 159 : i32
    %dma_start3A_215 = arith.constant 0 : i32
    %dma_start3A_216 = arith.constant 0 : i32
    %dma_start3A_217 = tpu.memref_slice %arg8[%dma_start3A_213, %dma_start3A_215, %dma_start3A_216] : memref<3x128x64xbf16, #tpu.memory_space<vmem>> -> memref<1x128x64xbf16, #tpu.memory_space<vmem>>
    %dma_start3A_218 = tpu.memref_squeeze %dma_start3A_217 : memref<1x128x64xbf16, #tpu.memory_space<vmem>> -> memref<128x64xbf16, #tpu.memory_space<vmem>>
    %dma_start3A_219 = arith.constant 0 : i32
    %dma_start3A_220 = tpu.memref_slice %arg7[%dma_start3A_214, %dma_start3A_219] : memref<160x128xi32, #tpu.memory_space<vmem>> -> memref<1x128xi32, #tpu.memory_space<vmem>>
    %dma_start3A_221 = tpu.memref_squeeze %dma_start3A_220 : memref<1x128xi32, #tpu.memory_space<vmem>> -> memref<128xi32, #tpu.memory_space<vmem>>
    %dma_start3A_222 = arith.constant 0 : i32
    %dma_start3A_223 = arith.constant 0 : i32
    %dma_start3A_224 = tpu.memref_slice %arg9[%dma_start3A_222, %dma_start3A_223] : memref<10016x64xbf16, #tpu.memory_space<vmem_shared>> -> memref<10016x64xbf16, #tpu.memory_space<vmem_shared>>
    tpu.enqueue_indirect_dma source(%dma_start3A_218 : memref<128x64xbf16, #tpu.memory_space<vmem>>) target(%dma_start3A_224 : memref<10016x64xbf16, #tpu.memory_space<vmem_shared>>) offsets(%dma_start3A_221 : memref<128xi32, #tpu.memory_space<vmem>>) semaphore(%arg14 : memref<!tpu.dma_semaphore, #tpu.memory_space<semaphore_mem>>) {add = true}
    %dma_wait3A_225 = arith.constant 0 : i32
    %dma_wait3A_226 = arith.constant 159 : i32
    %dma_wait3A_227 = arith.constant 0 : i32
    %dma_wait3A_228 = arith.constant 0 : i32
    %dma_wait3A_229 = tpu.memref_slice %arg8[%dma_wait3A_225, %dma_wait3A_227, %dma_wait3A_228] : memref<3x128x64xbf16, #tpu.memory_space<vmem>> -> memref<1x128x64xbf16, #tpu.memory_space<vmem>>
    %dma_wait3A_230 = tpu.memref_squeeze %dma_wait3A_229 : memref<1x128x64xbf16, #tpu.memory_space<vmem>> -> memref<128x64xbf16, #tpu.memory_space<vmem>>
    %dma_wait3A_231 = arith.constant 0 : i32
    %dma_wait3A_232 = tpu.memref_slice %arg7[%dma_wait3A_226, %dma_wait3A_231] : memref<160x128xi32, #tpu.memory_space<vmem>> -> memref<1x128xi32, #tpu.memory_space<vmem>>
    %dma_wait3A_233 = tpu.memref_squeeze %dma_wait3A_232 : memref<1x128xi32, #tpu.memory_space<vmem>> -> memref<128xi32, #tpu.memory_space<vmem>>
    %dma_wait3A_234 = arith.constant 0 : i32
    %dma_wait3A_235 = arith.constant 0 : i32
    %dma_wait3A_236 = tpu.memref_slice %arg9[%dma_wait3A_234, %dma_wait3A_235] : memref<10016x64xbf16, #tpu.memory_space<vmem_shared>> -> memref<10016x64xbf16, #tpu.memory_space<vmem_shared>>
    tpu.wait_indirect_dma semaphore(%arg14 : memref<!tpu.dma_semaphore, #tpu.memory_space<semaphore_mem>>) src(%dma_wait3A_230 : memref<128x64xbf16, #tpu.memory_space<vmem>>) dst(%dma_wait3A_236 : memref<10016x64xbf16, #tpu.memory_space<vmem_shared>>)
    %barrier3A_237 = arith.constant 0 : index
    tpu.barrier barrier_id(%barrier3A_237)
    %mul3A_238 = arith.constant 625 : i32
    %mul3A_239 = arith.muli %arg1, %mul3A_238 : i32
    "tpu.region"() ({
      %run_scoped3A_240 = tpu.sem_alloc : memref<!tpu.dma_semaphore, #tpu.memory_space<semaphore_mem>>
      %dma_start3A_241 = arith.constant 0 : i32
      %dma_start3A_242 = arith.constant 0 : i32
      %dma_start3A_243 = tpu.memref_slice %arg5[%arg0, %arg1, %dma_start3A_241, %dma_start3A_242] : memref<2x16x625x64xbf16, #tpu.memory_space<hbm>> -> memref<1x1x625x64xbf16, #tpu.memory_space<hbm>>
      %dma_start3A_244 = tpu.memref_squeeze %dma_start3A_243 : memref<1x1x625x64xbf16, #tpu.memory_space<hbm>> -> memref<625x64xbf16, #tpu.memory_space<hbm>>
      %dma_start3A_245 = arith.constant 0 : i32
      %dma_start3A_246 = tpu.memref_slice %arg9[%mul3A_239, %dma_start3A_245] : memref<10016x64xbf16, #tpu.memory_space<vmem_shared>> -> memref<625x64xbf16, #tpu.memory_space<vmem_shared>>
      tpu.enqueue_dma source(%dma_start3A_246 : memref<625x64xbf16, #tpu.memory_space<vmem_shared>>) target(%dma_start3A_244 : memref<625x64xbf16, #tpu.memory_space<hbm>>) target_semaphore(%run_scoped3A_240 : memref<!tpu.dma_semaphore, #tpu.memory_space<semaphore_mem>>)
      %dma_wait3A_247 = arith.constant 0 : i32
      %dma_wait3A_248 = arith.constant 0 : i32
      %dma_wait3A_249 = tpu.memref_slice %arg5[%arg0, %arg1, %dma_wait3A_247, %dma_wait3A_248] : memref<2x16x625x64xbf16, #tpu.memory_space<hbm>> -> memref<1x1x625x64xbf16, #tpu.memory_space<hbm>>
      %dma_wait3A_250 = tpu.memref_squeeze %dma_wait3A_249 : memref<1x1x625x64xbf16, #tpu.memory_space<hbm>> -> memref<625x64xbf16, #tpu.memory_space<hbm>>
      %dma_wait3A_251 = arith.constant 0 : i32
      %dma_wait3A_252 = tpu.memref_slice %arg9[%mul3A_239, %dma_wait3A_251] : memref<10016x64xbf16, #tpu.memory_space<vmem_shared>> -> memref<625x64xbf16, #tpu.memory_space<vmem_shared>>
      tpu.wait_dma2 semaphore(%run_scoped3A_240 : memref<!tpu.dma_semaphore, #tpu.memory_space<semaphore_mem>>) src(%dma_wait3A_252 : memref<625x64xbf16, #tpu.memory_space<vmem_shared>>) dst(%dma_wait3A_250 : memref<625x64xbf16, #tpu.memory_space<hbm>>)
      tpu.yield
    }) : () -> ()
    return
  }
}

module attributes {stable_mosaic.version = 14 : i64} {
  func.func @body(%arg0: i32, %arg1: memref<1000x128xf32, #tpu.memory_space<vmem>>, %arg2: memref<128x128xf32, #tpu.memory_space<vmem>>, %arg3: memref<1000x128xf32, #tpu.memory_space<vmem>>, %arg4: memref<2x1000x64xbf16, #tpu.memory_space<vmem>>) attributes {dimension_semantics = [#tpu.dimension_semantics<arbitrary>], iteration_bounds = array<i64: 10>, scalar_prefetch = 0 : i64, scratch_operands = 0 : i64, tpu.core_type = #tpu.core_type<tc>, window_params = [{transform_indices = @transform_0, window_bounds = array<i64: 1000, 128>}, {pipeline_mode = #tpu.pipeline_mode<synchronous>, transform_indices = @transform_1, window_bounds = array<i64: 128, 128>}, {transform_indices = @transform_2, window_bounds = array<i64: 1000, 128>}, {transform_indices = @transform_3, window_bounds = array<i64: 2, 1000, 64>}]} {
    %get3A = arith.constant 0 : index
    %get3A_0 = arith.constant 0 : index
    %get3A_1 = vector.load %arg1[%get3A, %get3A_0] : memref<1000x128xf32, #tpu.memory_space<vmem>>, vector<1000x128xf32>
    %get3A_2 = arith.constant 0 : index
    %get3A_3 = arith.constant 0 : index
    %get3A_4 = vector.load %arg2[%get3A_2, %get3A_3] : memref<128x128xf32, #tpu.memory_space<vmem>>, vector<128x128xf32>
    %dot_general3A = arith.constant dense<0.000000e+00> : vector<1000x128xf32>
    %dot_general3A_5 = tpu.matmul %get3A_1, %get3A_4, %dot_general3A {dimension_numbers = #tpu.dot_dimension_numbers<[1], [0], [0], [1], [0, 0, 1, 1], [], []>, transpose_lhs_hint = false} : vector<1000x128xf32>, vector<128x128xf32>, vector<1000x128xf32> -> vector<1000x128xf32>
    %swap3A = arith.constant 0 : index
    %swap3A_6 = arith.constant 0 : index
    %swap3A_7 = vector.load %arg3[%swap3A, %swap3A_6] : memref<1000x128xf32, #tpu.memory_space<vmem>>, vector<1000x128xf32>
    tpu.vector_store %arg3[%swap3A, %swap3A_6], %dot_general3A_5 {strides = array<i32>} : memref<1000x128xf32, #tpu.memory_space<vmem>>, vector<1000x128xf32>,
    %convert_element_type3A = arith.truncf %dot_general3A_5 : vector<1000x128xf32> to vector<1000x128xbf16>
    %slice3A = vector.extract_strided_slice %convert_element_type3A {offsets = [0, 0], sizes = [1000, 64], strides = [1, 1]} : vector<1000x128xbf16> to vector<1000x64xbf16>
    %swap3A_8 = arith.constant 0 : index
    %swap3A_9 = arith.constant 0 : index
    %swap3A_10 = arith.constant 0 : index
    %swap3A_11 = vector.load %arg4[%swap3A_8, %swap3A_9, %swap3A_10] : memref<2x1000x64xbf16, #tpu.memory_space<vmem>>, vector<1x1000x64xbf16>
    %swap3A_12 = vector.shape_cast %swap3A_11 : vector<1x1000x64xbf16> to vector<1000x64xbf16>
    %swap3A_13 = vector.shape_cast %slice3A : vector<1000x64xbf16> to vector<1x1000x64xbf16>
    tpu.vector_store %arg4[%swap3A_8, %swap3A_9, %swap3A_10], %swap3A_13 {strides = array<i32>} : memref<2x1000x64xbf16, #tpu.memory_space<vmem>>, vector<1x1000x64xbf16>,
    %slice3A_14 = vector.extract_strided_slice %convert_element_type3A {offsets = [0, 64], sizes = [1000, 64], strides = [1, 1]} : vector<1000x128xbf16> to vector<1000x64xbf16>
    %swap3A_15 = arith.constant 1 : index
    %swap3A_16 = arith.constant 0 : index
    %swap3A_17 = arith.constant 0 : index
    %swap3A_18 = vector.load %arg4[%swap3A_15, %swap3A_16, %swap3A_17] : memref<2x1000x64xbf16, #tpu.memory_space<vmem>>, vector<1x1000x64xbf16>
    %swap3A_19 = vector.shape_cast %swap3A_18 : vector<1x1000x64xbf16> to vector<1000x64xbf16>
    %swap3A_20 = vector.shape_cast %slice3A_14 : vector<1000x64xbf16> to vector<1x1000x64xbf16>
    tpu.vector_store %arg4[%swap3A_15, %swap3A_16, %swap3A_17], %swap3A_20 {strides = array<i32>} : memref<2x1000x64xbf16, #tpu.memory_space<vmem>>, vector<1x1000x64xbf16>,
    return
  }
  func.func @transform_0(%arg0: i32) -> (i32, i32) {
    %c0_i32 = arith.constant 0 : i32
    %c0_i32_0 = arith.constant 0 : i32
    return %arg0, %c0_i32 : i32, i32
  }
  func.func @transform_1(%arg0: i32) -> (i32, i32) {
    %c0_i32 = arith.constant 0 : i32
    %c0_i32_0 = arith.constant 0 : i32
    %c0_i32_1 = arith.constant 0 : i32
    return %c0_i32, %c0_i32_0 : i32, i32
  }
  func.func @transform_2(%arg0: i32) -> (i32, i32) {
    %c0_i32 = arith.constant 0 : i32
    %c0_i32_0 = arith.constant 0 : i32
    return %arg0, %c0_i32 : i32, i32
  }
  func.func @transform_3(%arg0: i32) -> (i32, i32, i32) {
    %c0_i32 = arith.constant 0 : i32
    %c0_i32_0 = arith.constant 0 : i32
    %c0_i32_1 = arith.constant 0 : i32
    return %c0_i32, %arg0, %c0_i32_0 : i32, i32, i32
  }
}

module attributes {stable_mosaic.version = 14 : i64} {
  func.func @body(%arg0: i32, %arg1: memref<1000x128xf32, #tpu.memory_space<vmem>>, %arg2: memref<2x1000x64xbf16, #tpu.memory_space<vmem>>, %arg3: memref<1000x1xf32, #tpu.memory_space<vmem>>, %arg4: memref<1000x128xf32, #tpu.memory_space<vmem>>, %arg5: memref<2x1000x64xbf16, #tpu.memory_space<vmem>>, %arg6: memref<1000x1xf32, #tpu.memory_space<vmem>>) attributes {dimension_semantics = [#tpu.dimension_semantics<arbitrary>], iteration_bounds = array<i64: 10>, scalar_prefetch = 0 : i64, scratch_operands = 0 : i64, tpu.core_type = #tpu.core_type<tc>, window_params = [{transform_indices = @transform_0, window_bounds = array<i64: 1000, 128>}, {transform_indices = @transform_1, window_bounds = array<i64: 2, 1000, 64>}, {transform_indices = @transform_2, window_bounds = array<i64: 1000, 1>}, {transform_indices = @transform_3, window_bounds = array<i64: 1000, 128>}, {transform_indices = @transform_4, window_bounds = array<i64: 2, 1000, 64>}, {transform_indices = @transform_5, window_bounds = array<i64: 1000, 1>}]} {
    %get3A = arith.constant 0 : index
    %get3A_0 = arith.constant 0 : index
    %get3A_1 = vector.load %arg1[%get3A, %get3A_0] : memref<1000x128xf32, #tpu.memory_space<vmem>>, vector<1000x128xf32>
    %get3A_2 = arith.constant 0 : index
    %get3A_3 = arith.constant 0 : index
    %get3A_4 = arith.constant 0 : index
    %get3A_5 = vector.load %arg2[%get3A_2, %get3A_3, %get3A_4] : memref<2x1000x64xbf16, #tpu.memory_space<vmem>>, vector<1x1000x64xbf16>
    %get3A_6 = vector.shape_cast %get3A_5 : vector<1x1000x64xbf16> to vector<1000x64xbf16>
    %get3A_7 = arith.constant 1 : index
    %get3A_8 = arith.constant 0 : index
    %get3A_9 = arith.constant 0 : index
    %get3A_10 = vector.load %arg2[%get3A_7, %get3A_8, %get3A_9] : memref<2x1000x64xbf16, #tpu.memory_space<vmem>>, vector<1x1000x64xbf16>
    %get3A_11 = vector.shape_cast %get3A_10 : vector<1x1000x64xbf16> to vector<1000x64xbf16>
    %concatenate3A = tpu.concatenate %get3A_6, %get3A_11 in 1 : vector<1000x64xbf16>, vector<1000x64xbf16> -> vector<1000x128xbf16>
    %convert_element_type3A = arith.extf %concatenate3A : vector<1000x128xbf16> to vector<1000x128xf32>
    %get3A_12 = arith.constant 0 : index
    %get3A_13 = arith.constant 0 : index
    %get3A_14 = vector.load %arg3[%get3A_12, %get3A_13] : memref<1000x1xf32, #tpu.memory_space<vmem>>, vector<1000x1xf32>
    %mul3A = vector.broadcast %get3A_14 : vector<1000x1xf32> to vector<1000x128xf32>
    %mul3A_15 = arith.mulf %mul3A, %get3A_1 : vector<1000x128xf32>
    %sub3A = arith.subf %mul3A_15, %convert_element_type3A : vector<1000x128xf32>
    %gt3A = arith.constant 0.000000e+00 : f32
    %gt3A_16 = vector.broadcast %gt3A : f32 to vector<1000x1xf32>
    %gt3A_17 = arith.cmpf ogt, %get3A_14, %gt3A_16 : vector<1000x1xf32>
    %max3A = arith.constant 1.000000e+00 : f32
    %max3A_18 = vector.broadcast %max3A : f32 to vector<1000x1xf32>
    %max3A_19 = arith.maximumf %get3A_14, %max3A_18 : vector<1000x1xf32>
    %sqrt3A = math.sqrt %max3A_19 : vector<1000x1xf32>
    %div3A = arith.constant 1.000000e+00 : f32
    %div3A_20 = vector.broadcast %div3A : f32 to vector<1000x1xf32>
    %div3A_21 = arith.divf %div3A_20, %sqrt3A : vector<1000x1xf32>
    %jit3A = arith.constant 0.000000e+00 : f32
    %broadcast_in_dim3A = vector.broadcast %jit3A : f32 to vector<1000x1xf32>
    %select_n3A = arith.select %gt3A_17, %div3A_21, %broadcast_in_dim3A : vector<1000x1xi1>, vector<1000x1xf32>
    %mul3A_22 = vector.broadcast %select_n3A : vector<1000x1xf32> to vector<1000x128xf32>
    %mul3A_23 = arith.mulf %sub3A, %mul3A_22 : vector<1000x128xf32>
    %convert_element_type3A_24 = arith.truncf %mul3A_23 : vector<1000x128xf32> to vector<1000x128xbf16>
    %swap3A = arith.constant 0 : index
    %swap3A_25 = arith.constant 0 : index
    %swap3A_26 = vector.load %arg4[%swap3A, %swap3A_25] : memref<1000x128xf32, #tpu.memory_space<vmem>>, vector<1000x128xf32>
    tpu.vector_store %arg4[%swap3A, %swap3A_25], %sub3A {strides = array<i32>} : memref<1000x128xf32, #tpu.memory_space<vmem>>, vector<1000x128xf32>,
    %slice3A = vector.extract_strided_slice %convert_element_type3A_24 {offsets = [0, 0], sizes = [1000, 64], strides = [1, 1]} : vector<1000x128xbf16> to vector<1000x64xbf16>
    %swap3A_27 = arith.constant 0 : index
    %swap3A_28 = arith.constant 0 : index
    %swap3A_29 = arith.constant 0 : index
    %swap3A_30 = vector.load %arg5[%swap3A_27, %swap3A_28, %swap3A_29] : memref<2x1000x64xbf16, #tpu.memory_space<vmem>>, vector<1x1000x64xbf16>
    %swap3A_31 = vector.shape_cast %swap3A_30 : vector<1x1000x64xbf16> to vector<1000x64xbf16>
    %swap3A_32 = vector.shape_cast %slice3A : vector<1000x64xbf16> to vector<1x1000x64xbf16>
    tpu.vector_store %arg5[%swap3A_27, %swap3A_28, %swap3A_29], %swap3A_32 {strides = array<i32>} : memref<2x1000x64xbf16, #tpu.memory_space<vmem>>, vector<1x1000x64xbf16>,
    %slice3A_33 = vector.extract_strided_slice %convert_element_type3A_24 {offsets = [0, 64], sizes = [1000, 64], strides = [1, 1]} : vector<1000x128xbf16> to vector<1000x64xbf16>
    %swap3A_34 = arith.constant 1 : index
    %swap3A_35 = arith.constant 0 : index
    %swap3A_36 = arith.constant 0 : index
    %swap3A_37 = vector.load %arg5[%swap3A_34, %swap3A_35, %swap3A_36] : memref<2x1000x64xbf16, #tpu.memory_space<vmem>>, vector<1x1000x64xbf16>
    %swap3A_38 = vector.shape_cast %swap3A_37 : vector<1x1000x64xbf16> to vector<1000x64xbf16>
    %swap3A_39 = vector.shape_cast %slice3A_33 : vector<1000x64xbf16> to vector<1x1000x64xbf16>
    tpu.vector_store %arg5[%swap3A_34, %swap3A_35, %swap3A_36], %swap3A_39 {strides = array<i32>} : memref<2x1000x64xbf16, #tpu.memory_space<vmem>>, vector<1x1000x64xbf16>,
    %swap3A_40 = arith.constant 0 : index
    %swap3A_41 = arith.constant 0 : index
    %swap3A_42 = vector.load %arg6[%swap3A_40, %swap3A_41] : memref<1000x1xf32, #tpu.memory_space<vmem>>, vector<1000x1xf32>
    tpu.vector_store %arg6[%swap3A_40, %swap3A_41], %select_n3A {strides = array<i32>} : memref<1000x1xf32, #tpu.memory_space<vmem>>, vector<1000x1xf32>,
    return
  }
  func.func @transform_0(%arg0: i32) -> (i32, i32) {
    %c0_i32 = arith.constant 0 : i32
    %c0_i32_0 = arith.constant 0 : i32
    return %arg0, %c0_i32 : i32, i32
  }
  func.func @transform_1(%arg0: i32) -> (i32, i32, i32) {
    %c0_i32 = arith.constant 0 : i32
    %c0_i32_0 = arith.constant 0 : i32
    %c0_i32_1 = arith.constant 0 : i32
    return %c0_i32, %arg0, %c0_i32_0 : i32, i32, i32
  }
  func.func @transform_2(%arg0: i32) -> (i32, i32) {
    %c0_i32 = arith.constant 0 : i32
    %c0_i32_0 = arith.constant 0 : i32
    return %arg0, %c0_i32 : i32, i32
  }
  func.func @transform_3(%arg0: i32) -> (i32, i32) {
    %c0_i32 = arith.constant 0 : i32
    %c0_i32_0 = arith.constant 0 : i32
    return %arg0, %c0_i32 : i32, i32
  }
  func.func @transform_4(%arg0: i32) -> (i32, i32, i32) {
    %c0_i32 = arith.constant 0 : i32
    %c0_i32_0 = arith.constant 0 : i32
    %c0_i32_1 = arith.constant 0 : i32
    return %c0_i32, %arg0, %c0_i32_0 : i32, i32, i32
  }
  func.func @transform_5(%arg0: i32) -> (i32, i32) {
    %c0_i32 = arith.constant 0 : i32
    %c0_i32_0 = arith.constant 0 : i32
    return %arg0, %c0_i32 : i32, i32
  }
}

module attributes {stable_mosaic.version = 14 : i64} {
  func.func @body(%arg0: i32, %arg1: memref<1000x128xf32, #tpu.memory_space<vmem>>, %arg2: memref<1000x128xf32, #tpu.memory_space<vmem>>, %arg3: memref<1000x1xf32, #tpu.memory_space<vmem>>, %arg4: memref<2x1000x64xbf16, #tpu.memory_space<vmem>>, %arg5: memref<1000x128xf32, #tpu.memory_space<vmem>>) attributes {dimension_semantics = [#tpu.dimension_semantics<arbitrary>], iteration_bounds = array<i64: 10>, scalar_prefetch = 0 : i64, scratch_operands = 0 : i64, tpu.core_type = #tpu.core_type<tc>, window_params = [{transform_indices = @transform_0, window_bounds = array<i64: 1000, 128>}, {transform_indices = @transform_1, window_bounds = array<i64: 1000, 128>}, {transform_indices = @transform_2, window_bounds = array<i64: 1000, 1>}, {transform_indices = @transform_3, window_bounds = array<i64: 2, 1000, 64>}, {transform_indices = @transform_4, window_bounds = array<i64: 1000, 128>}]} {
    %get3A = arith.constant 0 : index
    %get3A_0 = arith.constant 0 : index
    %get3A_1 = arith.constant 0 : index
    %get3A_2 = vector.load %arg4[%get3A, %get3A_0, %get3A_1] : memref<2x1000x64xbf16, #tpu.memory_space<vmem>>, vector<1x1000x64xbf16>
    %get3A_3 = vector.shape_cast %get3A_2 : vector<1x1000x64xbf16> to vector<1000x64xbf16>
    %get3A_4 = arith.constant 1 : index
    %get3A_5 = arith.constant 0 : index
    %get3A_6 = arith.constant 0 : index
    %get3A_7 = vector.load %arg4[%get3A_4, %get3A_5, %get3A_6] : memref<2x1000x64xbf16, #tpu.memory_space<vmem>>, vector<1x1000x64xbf16>
    %get3A_8 = vector.shape_cast %get3A_7 : vector<1x1000x64xbf16> to vector<1000x64xbf16>
    %concatenate3A = tpu.concatenate %get3A_3, %get3A_8 in 1 : vector<1000x64xbf16>, vector<1000x64xbf16> -> vector<1000x128xbf16>
    %convert_element_type3A = arith.extf %concatenate3A : vector<1000x128xbf16> to vector<1000x128xf32>
    %get3A_9 = arith.constant 0 : index
    %get3A_10 = arith.constant 0 : index
    %get3A_11 = vector.load %arg1[%get3A_9, %get3A_10] : memref<1000x128xf32, #tpu.memory_space<vmem>>, vector<1000x128xf32>
    %get3A_12 = arith.constant 0 : index
    %get3A_13 = arith.constant 0 : index
    %get3A_14 = vector.load %arg2[%get3A_12, %get3A_13] : memref<1000x128xf32, #tpu.memory_space<vmem>>, vector<1000x128xf32>
    %mul3A = arith.constant 3.000000e+00 : f32
    %mul3A_15 = vector.broadcast %mul3A : f32 to vector<1000x128xf32>
    %mul3A_16 = arith.mulf %mul3A_15, %get3A_14 : vector<1000x128xf32>
    %add3A = arith.addf %get3A_11, %mul3A_16 : vector<1000x128xf32>
    %get3A_17 = arith.constant 0 : index
    %get3A_18 = arith.constant 0 : index
    %get3A_19 = vector.load %arg3[%get3A_17, %get3A_18] : memref<1000x1xf32, #tpu.memory_space<vmem>>, vector<1000x1xf32>
    %mul3A_20 = arith.constant 2.000000e+00 : f32
    %mul3A_21 = vector.broadcast %mul3A_20 : f32 to vector<1000x1xf32>
    %mul3A_22 = arith.mulf %mul3A_21, %get3A_19 : vector<1000x1xf32>
    %mul3A_23 = vector.broadcast %mul3A_22 : vector<1000x1xf32> to vector<1000x128xf32>
    %mul3A_24 = arith.mulf %mul3A_23, %convert_element_type3A : vector<1000x128xf32>
    %sub3A = arith.subf %add3A, %mul3A_24 : vector<1000x128xf32>
    %max3A = arith.constant 0.000000e+00 : f32
    %max3A_25 = vector.broadcast %max3A : f32 to vector<1000x128xf32>
    %max3A_26 = arith.maximumf %sub3A, %max3A_25 : vector<1000x128xf32>
    %swap3A = arith.constant 0 : index
    %swap3A_27 = arith.constant 0 : index
    %swap3A_28 = vector.load %arg5[%swap3A, %swap3A_27] : memref<1000x128xf32, #tpu.memory_space<vmem>>, vector<1000x128xf32>
    tpu.vector_store %arg5[%swap3A, %swap3A_27], %max3A_26 {strides = array<i32>} : memref<1000x128xf32, #tpu.memory_space<vmem>>, vector<1000x128xf32>,
    return
  }
  func.func @transform_0(%arg0: i32) -> (i32, i32) {
    %c0_i32 = arith.constant 0 : i32
    %c0_i32_0 = arith.constant 0 : i32
    return %arg0, %c0_i32 : i32, i32
  }
  func.func @transform_1(%arg0: i32) -> (i32, i32) {
    %c0_i32 = arith.constant 0 : i32
    %c0_i32_0 = arith.constant 0 : i32
    return %arg0, %c0_i32 : i32, i32
  }
  func.func @transform_2(%arg0: i32) -> (i32, i32) {
    %c0_i32 = arith.constant 0 : i32
    %c0_i32_0 = arith.constant 0 : i32
    return %arg0, %c0_i32 : i32, i32
  }
  func.func @transform_3(%arg0: i32) -> (i32, i32, i32) {
    %c0_i32 = arith.constant 0 : i32
    %c0_i32_0 = arith.constant 0 : i32
    %c0_i32_1 = arith.constant 0 : i32
    return %c0_i32, %arg0, %c0_i32_0 : i32, i32, i32
  }
  func.func @transform_4(%arg0: i32) -> (i32, i32) {
    %c0_i32 = arith.constant 0 : i32
    %c0_i32_0 = arith.constant 0 : i32
    return %arg0, %c0_i32 : i32, i32
  }
}

</mosaic_0001>

<sc_bundles>
// kernel: kernel.10.cloned.1.call-start
scs
__scs_entry_jumppad:
0x0: {  	(pc) =	sbr.rel $0x88, $3  }
0x1: {  	(tag) =	ssettag $0x0;
	lr =	simm.s32 $0x1  }
0x2: {  	[smem:$0x3F9E] =	sst lr;
	_ =	strace $0xD0000000  }
0x3: {  	_ = 	snop  }
0x4: {  	_ = 	snop  }
0x5: {  	_ = 	snop  }
0x6: {  	_ = 	snop  }
0x7: {  	_ = 	snop  }
__scs_overlays_trampoline_lowered:
0x8: {  	[smem:$0x3FAD] =	sst s0  }
0x9: {  	[smem:$0x3FAE] =	sst s1  }
0xa: {  	[smem:$0x3FAF] =	sst s2  }
0xb: {  	[smem:$0x3FB0] =	sst s3  }
0xc: {  	[smem:$0x3FB1] =	sst s4  }
0xd: {  	[smem:$0x3FB2] =	sst s5  }
0xe: {  	[smem:$0x3FB3] =	sst s6  }
0xf: {  	[smem:$0x3FB4] =	sst s7  }
0x10: {  	[smem:$0x3FB5] =	sst s8  }
0x11: {  	[smem:$0x3FB6] =	sst s9;
	s0 =	simm.s32 @!p0 $0x0  }
0x12: {  	s1 =	sld [smem:$0x3F9C];
	s0 =	simm.s32 @p0 $0x1  }
0x13: {  	[smem:$0x3FB7] =	sst s0;
	s0 =	simm.s32 @!p1 $0x0  }
0x14: {  	s2 =	sld [smem:$0x3F9B];
	s0 =	simm.s32 @p1 $0x1  }
0x15: {  	[smem:$0x3FB8] =	sst s0;
	s0 =	simm.s32 @!p2 $0x0  }
0x16: {  	s3 =	sld [smem:$0x3FDB];
	s0 =	simm.s32 @p2 $0x1  }
0x17: {  	s4 =	simm.s32 $0x1BF5;
	[smem:$0x3FBA] =	sst s0  }
0x18: {  	s0 =	sld [smem:$0x3F9D];
	_ =	swait.ge [sflag:s4], $0x0  }
0x19: {  	s7 =	sld [smem:$0x3F9E]  }
0x1a: {  	s8 =	sadd.s32 $0xFFFFE003, lr  }
0x1b: {  	s9 =	sadd.s32 $0xFFFFFEF7, lr;
	s5 =	simm.s32 $0xFFFFFFFF;
	p2 =	slt.u32 s8, $0xFFFFF086  }
0x1c: {  	p1 =	slt.u32 s9, $0xF7A;
	s5 =	simm.s32 @!p2 $0x0  }
0x1d: {  	s5 =	simm.s32 @p1 $0x1;
	p0 =	seq.s32 s7, s2  }
0x1e: {  	s7 =	smul.u32 @!p0 $0xF7A, s2;
	p2 =	seq.s32 @!p0 s5, $0x0  }
0x1f: {  	s9 =	smul.u32 $0xF7A, s1;
	s8 =	simm.s32 @!p0 $0x1BF5;
	p2 =	por !p2, p0  }
0x20: {  	[sflag:s8] =	ssyncset.s32 @!p0 $0xFFFFF086;
	s6 =	sadd.s32 @!p0 s3, s7;
	s7 =	simm.s32 @!p0 $0x108  }
0x21: {  	s3 =	sadd.s32 s3, s9;
	s6 =	sadd.s32 @!p0 $0x88, s6;
	s7 =	simm.s32 @p2 $0x1082  }
0x22: {  	[simem:s7], [sflag:s8] =	dma.local @!p0 [hbm:s6], $0xF7A  }
0x23: {  	s9 =	sor.u32 $0xD0000000, s2;
	s6 =	simm.s32 $0x108;
	_ =	swait.ge @!p0 [sflag:s8], $0x0  }
0x24: {  	s3 =	sadd.s32 $0x88, s3;
	s6 =	simm.s32 @!p1 $0x1082;
	[sflag:s4] =	ssyncset.s32 $0xFFFFF086  }
0x25: {  	[simem:s6], [sflag:s4] =	dma.local [hbm:s3], $0xF7A  }
0x26: {  	[smem:$0x3F9E] =	sst s1;
	(tag) =	ssettag s2;
	_ =	strace s9  }
0x27: {  	s1 =	sld [smem:$0x3FAE]  }
0x28: {  	s2 =	sld [smem:$0x3FAF]  }
0x29: {  	s4 =	sld [smem:$0x3FB1]  }
0x2a: {  	p0 =	seq.s32 s5, $0x0;
	s5 =	sld [smem:$0x3FB2]  }
0x2b: {  	s6 =	sld [smem:$0x3FB3]  }
0x2c: {  	s7 =	sld [smem:$0x3FB4]  }
0x2d: {  	s3 =	simm.s32 $0x108;
	s8 =	sld [smem:$0x3FB5]  }
0x2e: {  	s3 =	simm.s32 @!p0 $0x1082;
	s9 =	sld [smem:$0x3FB6]  }
0x2f: {  	lr =	sadd.s32 s0, s3;
	s0 =	sld [smem:$0x3FAD]  }
0x30: {  	s3 =	sld [smem:$0x3FB0]  }
0x31: {  	[smem:$0x3FB9] =	sst s10  }
0x32: {  	s10 =	sld [smem:$0x3FB7];
	_ =	sdelay $0x3  }
0x33: {  	p0 =	seq.s32 s10, $0x1;
	s10 =	sld [smem:$0x3FB9];
	_ =	sdelay $0x3  }
0x34: {  	[smem:$0x3FB9] =	sst s10  }
0x35: {  	s10 =	sld [smem:$0x3FB8];
	_ =	sdelay $0x3  }
0x36: {  	p1 =	seq.s32 s10, $0x1;
	s10 =	sld [smem:$0x3FB9];
	_ =	sdelay $0x3  }
0x37: {  	[smem:$0x3FB9] =	sst s10  }
0x38: {  	s10 =	sld [smem:$0x3FBA]  }
0x39: {  	_ = 	snop;
	(pc) =	sbr.ind lr, $3  }
0x3a: {  	_ = 	snop  }
0x3b: {  	_ = 	snop  }
0x3c: {  	p2 =	seq.s32 s10, $0x1;
	s10 =	sld [smem:$0x3FB9]  }
0x3d: {  	_ =	shalt  }
0x3e: {  	_ =	shalt  }
0x3f: {  	_ =	shalt  }
0x40: {  	_ =	shalt  }
0x41: {  	_ =	shalt  }
0x42: {  	_ =	shalt  }
0x43: {  	_ =	shalt  }
0x44: {  	_ =	shalt  }
0x45: {  	_ =	shalt  }
0x46: {  	_ =	shalt  }
0x47: {  	_ =	shalt  }
0x48: {  	_ =	shalt  }
0x49: {  	_ =	shalt  }
0x4a: {  	_ =	shalt  }
0x4b: {  	_ =	shalt  }
0x4c: {  	_ =	shalt  }
0x4d: {  	_ =	shalt  }
0x4e: {  	_ =	shalt  }
0x4f: {  	_ =	shalt  }
0x50: {  	_ =	shalt  }
0x51: {  	_ =	shalt  }
0x52: {  	_ =	shalt  }
0x53: {  	_ =	shalt  }
0x54: {  	_ =	shalt  }
0x55: {  	_ =	shalt  }
0x56: {  	_ =	shalt  }
0x57: {  	_ =	shalt  }
0x58: {  	_ =	shalt  }
0x59: {  	_ =	shalt  }
0x5a: {  	_ =	shalt  }
0x5b: {  	_ =	shalt  }
0x5c: {  	_ =	shalt  }
0x5d: {  	_ =	shalt  }
0x5e: {  	_ =	shalt  }
0x5f: {  	_ =	shalt  }
0x60: {  	_ =	shalt  }
0x61: {  	_ =	shalt  }
0x62: {  	_ =	shalt  }
0x63: {  	_ =	shalt  }
0x64: {  	_ =	shalt  }
0x65: {  	_ =	shalt  }
0x66: {  	_ =	shalt  }
0x67: {  	_ =	shalt  }
0x68: {  	_ =	shalt  }
0x69: {  	_ =	shalt  }
0x6a: {  	_ =	shalt  }
0x6b: {  	_ =	shalt  }
0x6c: {  	_ =	shalt  }
0x6d: {  	_ =	shalt  }
0x6e: {  	_ =	shalt  }
0x6f: {  	_ =	shalt  }
0x70: {  	_ =	shalt  }
0x71: {  	_ =	shalt  }
0x72: {  	_ =	shalt  }
0x73: {  	_ =	shalt  }
0x74: {  	_ =	shalt  }
0x75: {  	_ =	shalt  }
0x76: {  	_ =	shalt  }
0x77: {  	_ =	shalt  }
0x78: {  	_ =	shalt  }
0x79: {  	_ =	shalt  }
0x7a: {  	_ =	shalt  }
0x7b: {  	_ =	shalt  }
0x7c: {  	_ =	shalt  }
0x7d: {  	_ =	shalt  }
0x7e: {  	_ =	shalt  }
0x7f: {  	_ =	shalt  }
0x80: {  	_ =	shalt  }
0x81: {  	_ =	shalt  }
0x82: {  	_ =	shalt  }
0x83: {  	_ =	shalt  }
0x84: {  	_ =	shalt  }
0x85: {  	_ =	shalt  }
0x86: {  	_ =	shalt  }
0x87: {  	_ =	shalt  }
.Lfunc_end0:
.L_simem_size_0:
called_computation.1_lowered:
.L_overlay_start_0:
0x88: {  	s2 =	sld [smem:$0x3FD9]  }
0x89: {  	s3 =	sld [smem:$0x3FFE];
	_ =	sdelay $0x1  }
0x8a: {  	s1 =	srdreg.scid  }
0x8b: {  	s0 =	sand.u32 $0x1, s1  }
0x8c: {  	s17 =	sshll.u32 s0, $0xA;
	s2 =	sadd.s32 s3, s2  }
0x8d: {  	s2 =	sadd.s32 s2, s17  }
0x8e: {  	[smem:$0x3FC5] =	sst s2  }
0x8f: {  	_ = 	snop  }
0x90: {  	s2 =	sld [smem:$0x3FD0];
	(tm) =	ssettm $0x1  }
0x91: {  	s18 =	sld [smem:$0x3FFB];
	_ =	sdelay $0x3  }
0x92: {  	_ =	strace s18  }
0x93: {  	s3 =	sld [smem:$0x3FFC];
	_ =	sdelay $0x3  }
0x94: {  	_ =	strace s3  }
0x95: {  	s3 =	sld [smem:$0x3FFD];
	_ =	sdelay $0x3  }
0x96: {  	_ =	strace s3  }
0x97: {  	_ =	strace $0x8FFFFFFF  }
0x98: {  	s19 =	sld [smem:$0x3FDB];
	_ =	sdelay $0x1  }
0x99: {  	s4 =	simm.s32 $_scs_section_size  }
0x9a: {  	s5 =	simm.s32 $_size__tile_overlayer_lowered;
	s6 =	simm.s32 $_tile_overlayer_lowered  }
0x9b: {  	s22 =	simm.s32 $0x1BFF;
	s21 =	sshll.u32 s6, $0x1;
	s3 =	sadd.s32 s4, s19  }
0x9c: {  	s7 =	simm.s32 $0x0;
	s20 =	sshll.u32 s5, $0x1;
	s5 =	sadd.s32 s21, s3  }
0x9d: {  	[timem:s7], [sflag:s22] =	dma.local [hbm:s5], s20  }
0x9e: {  	_ =	swait.ge [sflag:s22], s20  }
0x9f: {  	s4 =	ssub.s32 $0x0, s20;
	[sflag:s22] =	ssyncset.done $0x0  }
0xa0: {  	[sflag:s22] =	ssyncadd.s32 s4;
	_ =	sdelay $0x1  }
0xa1: {  	s23 =	simm.s32 $0x1B8B  }
0xa2: {  	_ =	swait.ge [sflag:s23], $0x1  }
0xa3: {  	[sflag:s23] =	ssyncset.done $0x0  }
0xa4: {  	s25 =	simm.s32 $0x1B8E;
	s24 =	sld [smem:$0x3FFE];
	[sflag:s23] =	ssyncadd.s32 $0xFFFFFFFF  }
0xa5: {  	s26 =	simm.s32 $execute0_lowered;
	[smem:$0x3FD2] =	sst s25  }
0xa6: {  	s5 =	sshll.u32 s26, $0x1;
	_ =	strace $0x80000049;
	[dreg:$0x1] =	wrdreg $0xFFFFFFFF  }
0xa7: {  	s28 =	simm.s32 $_size_execute0_lowered;
	s3 =	sadd.s32 s3, s5;
	[dreg:$0x0] =	wrdreg $0x0  }
0xa8: {  	s5 =	sshll.u32 s28, $0x1;
	[dreg:$0x2] =	wrdreg s3  }
0xa9: {  	[dreg:$0x3] =	wrdreg s5  }
0xaa: {  	[dreg:$0x4] =	wrdreg $0xC0  }
0xab: {  	_ =	task [dreg:s7], $0x5FFFF  }
0xac: {  	[dreg:$0x1] =	wrdreg $0xFFFFFFFF  }
0xad: {  	[dreg:$0x0] =	wrdreg $0x60  }
0xae: {  	[dreg:$0x2] =	wrdreg s2  }
0xaf: {  	[dreg:$0x3] =	wrdreg s24  }
0xb0: {  	[dreg:$0x4] =	wrdreg $0x11E400  }
0xb1: {  	[dreg:$0x5] =	wrdreg $0xD0000  }
0xb2: {  	[dreg:$0x6] =	wrdreg $0x9  }
0xb3: {  	_ =	task.clear_ibuf [dreg:s7], $0x7FFFF;
	_ =	strace $0x90000049  }
0xb4: {  	s29 =	simm.s32 $0x9;
	_ =	strace $0x8000004B  }
0xb5: {  	_ =	swait.ge [sflag:s29], $0x1  }
0xb6: {  	[sflag:s29] =	ssyncadd.s32 $0xFFFFFFFF  }
0xb7: {  	_ =	strace $0x9000004B  }
0xb8: {  	_ =	sfence  }
0xb9: {  	s30 =	sld [smem:$0x0];
	_ =	sdelay $0x2  }
0xba: {  	s31 =	sshll.u32 s1, $0xD;
	s1 =	sshrl.u32 s1, $0x2  }
0xbb: {  	s3 =	sand.u32 $0x4000, s31;
	s1 =	sadd.s32 s1, s30  }
0xbc: {  	s0 =	sor.u32 s3, s0;
	s1 =	sshll.u32 s1, $0x11  }
0xbd: {  	s0 =	sor.u32 s1, s0  }
0xbe: {  	s0 =	sadd.s32 $0x8F2B, s0  }
0xbf: {  	[sflag:s0] =	ssyncadd.remote.s32 $0x1  }
0xc0: {  	_ =	sfence.sel $0xFFFF  }
0xc1: {  	[dreg:$0x0] =	wrdreg $0xFFFFFFFF;
	(pc) =	sbr.abs _section_cstart, $3  }
0xc2: {  	[dreg:$0x1] =	wrdreg $0xFFFFFFFF  }
0xc3: {  	_ =	task.clear_ibuf [dreg:s7], $0x2FFFF;
	_ =	strace $0x9FFFFFFF  }
0xc4: {  	(tm) =	ssettm $0x7FFFFFFF  }
0xc5: {  	_ =	shalt  }
tec
execute0_lowered:
.L_overlay_start_1:
0x0: {  	(tag) =	ssettag $0x1  }
0x1: {  	s0 =	rddreg [dreg:$0x0]  }
0x2: {  	s4 =	rddreg [dreg:$0x1]  }
0x3: {  	s1 =	rddreg [dreg:$0x2]  }
0x4: {  	s2 =	rddreg [dreg:$0x3];
	s19 =	stileid.u32  }
0x5: {  	s6 =	srdreg.scid;
	s3 =	simm.s32 $0x0;
	s15 =	simm.s32 $0x7  }
0x6: {  	s16 =	simm.s32 $0x5000;
	s20 =	simm.s32 $0x80;
	s21 =	simm.s32 $0xB000  }
0x7: {  	s22 =	simm.s32 $0x1;
	s28 =	simm.s32 $0x5;
	s5 =	smul.u32 $0xA00, s19  }
0x8: {  	s29 =	simm.s32 $0x3;
	s30 =	simm.s32 $0x6;
	s7 =	smul.u32 $0x9C40, s19  }
0x9: {  	s6 =	sand.u32 $0x1, s6;
	[smem:$0x7FF] =	sst s3;
	s10 =	smul.u32 $0x9C4, s19  }
0xa: {  	s24 =	smul.u32 $0x13880, s19;
	s12 =	sadd.s32 $0x4E200, s2;
	s31 =	sshll.u32 s19, $0x6  }
0xb: {  	p0 =	sne.s32 s19, $0x0;
	s19 =	simm.s32 $0xA000;
	s8 =	smul.u32 $0x9C400, s6  }
0xc: {  	_ =	strace $0x8000004A;
	s9 =	smul.u32 $0x9C40, s6;
	s6 =	ssub.s32 $0x2, s6  }
0xd: {  	s17 =	sor.u32 $0x1C07, s31;
	s5 =	sadd.s32 s5, s4;
	s23 =	sshrl.u32 s6, $0x1  }
0xe: {  	s8 =	sadd.s32 s7, s8;
	s14 =	ssub.s32 s6, s23;
	s7 =	sshrl.u32 s7, $0x1  }
0xf: {  	s25 =	sadd.s32 s10, s9;
	s8 =	sshrl.u32 s8, $0x4;
	s18 =	sadd.s32 s7, s1  }
0x10: {  	s6 =	sadd.s32 s0, s25;
	s7 =	sadd.s32 s7, s2;
	s14 =	smax.u32 s14, $0x1  }
0x11: {  	s25 =	simm.s32 $0x4;
	s0 =	simm.s32 $0x0;
	s13 =	sadd.s32 s8, s4  }
0x12: {  	s4 =	sadd.s32 $0xB400, s5;
	s5 =	sadd.s32 $0x1400, s5;
	s8 =	sshrl.u32 s24, $0x2  }
0x13: {  	s18 =	sshrl.u32 s18, $0x3;
	s24 =	simm.s32 $0xC000;
	s26 =	sadd.s32 s8, s2  }
0x14: {  	s13 =	sadd.s32 $0x15400, s13;
	s8 =	sadd.s32 $0x1000, s26;
	s9 =	sadd.s32 $0x2000, s26  }
0x15: {  	v0 =	vimm.bf16 $0.0e+00;
	s10 =	sadd.s32 $0x3000, s26;
	s11 =	sadd.s32 $0x4000, s26;
	s26 =	simm.s32 $0x2  }
.LBB2_1:
0x16: {  	s3 =	simm.s32 $0x0  }
0x17: {  	[tilespmem:s3], [sflag:$0x7] =	stream.linear.gather [hbm4b:s4+s3], $0x5000, $0x38;
	[tilespmem:$0x16C60] =	vst v63  }
0x18: {  	_ =	swait.ge [sflag:s15], $0x5000  }
0x19: {  	[sflag:s15] =	ssyncset.done $0x0  }
0x1a: {  	[sflag:s15] =	ssyncadd.s32 $0xFFFFB000  }
0x1b: {  	[tilespmem:s16], [sflag:$0x7] =	stream.linear.gather [hbm4b:s5+s3], $0x5000, $0x38;
	[tilespmem:$0x16C60] =	vst v63  }
0x1c: {  	_ =	swait.ge [sflag:s15], $0x5000  }
0x1d: {  	[sflag:s15] =	ssyncset.done $0x0  }
0x1e: {  	[sflag:s15] =	ssyncadd.s32 $0xFFFFB000  }
0x1f: {  	[spmem:s18], [sflag:s17] =	dma.local [hbm:s6], $0x9C4  }
0x20: {  	_ =	swait.ge [sflag:s15], $0x9C4  }
0x21: {  	[sflag:s15] =	ssyncset.done $0x0  }
0x22: {  	s23 =	simm.s32 $0x80;
	s31 =	simm.s32 $0x0;
	[sflag:s15] =	ssyncadd.s32 $0xFFFFF63C  }
.LBB2_2:
0x23: {  	p1 =	sne.s32 s23, $0x3F80;
	[tilespmem:s31+$0xA000] =	vst v0;
	s3 =	smov.u32 s23;
	s23 =	sadd.s32 $0x80, s23  }
.Ltmp0:
0x24: {  	[tilespmem:s31+$0xA010] =	vst v0;
	(pc) =	sbr.rel @p1 .LBB2_2-.Ltmp0, $2  }
0x25: {  	_ =	sdelay $0x2  }
0x26: {  	s31 =	sshra.s32 s3, $0x2  }
0x27: {  	[tilespmem:s31+$0xA000] =	vst v0  }
0x28: {  	[tilespmem:s31+$0xA010] =	vst v0  }
0x29: {  	[spmem:s7] =	stream.linear.scatter [tilespmem:s19], [sflag:$0x7], $0x1000, $0x38;
	[tilespmem:$0x16C60] =	vst v63  }
0x2a: {  	_ =	swait.ge [sflag:s15], $0x1000  }
0x2b: {  	[sflag:s15] =	ssyncset.done $0x0  }
0x2c: {  	[sflag:s15] =	ssyncadd.s32 $0xFFFFF000  }
0x2d: {  	[spmem:s8] =	stream.linear.scatter [tilespmem:s19], [sflag:$0x7], $0x1000, $0x38;
	[tilespmem:$0x16C60] =	vst v63  }
0x2e: {  	_ =	swait.ge [sflag:s15], $0x1000  }
0x2f: {  	[sflag:s15] =	ssyncset.done $0x0  }
0x30: {  	[sflag:s15] =	ssyncadd.s32 $0xFFFFF000  }
0x31: {  	[spmem:s9] =	stream.linear.scatter [tilespmem:s19], [sflag:$0x7], $0x1000, $0x38;
	[tilespmem:$0x16C60] =	vst v63  }
0x32: {  	_ =	swait.ge [sflag:s15], $0x1000  }
0x33: {  	[sflag:s15] =	ssyncset.done $0x0  }
0x34: {  	[sflag:s15] =	ssyncadd.s32 $0xFFFFF000  }
0x35: {  	[spmem:s10] =	stream.linear.scatter [tilespmem:s19], [sflag:$0x7], $0x1000, $0x38;
	[tilespmem:$0x16C60] =	vst v63  }
0x36: {  	_ =	swait.ge [sflag:s15], $0x1000  }
0x37: {  	[sflag:s15] =	ssyncset.done $0x0  }
0x38: {  	[sflag:s15] =	ssyncadd.s32 $0xFFFFF000  }
0x39: {  	[spmem:s11] =	stream.linear.scatter [tilespmem:s19], [sflag:$0x7], $0xE20, $0x38;
	[tilespmem:$0x16C60] =	vst v63  }
0x3a: {  	_ =	swait.ge [sflag:s15], $0xE20  }
0x3b: {  	[sflag:s15] =	ssyncset.done $0x0  }
0x3c: {  	s3 =	simm.s32 @!p0 $0xA000;
	[sflag:s15] =	ssyncadd.s32 $0xFFFFF1E0  }
0x3d: {  	[spmem:s12] =	stream.linear.scatter @!p0 [tilespmem:s3], [sflag:$0x7], $0x200, $0x38;
	[tilespmem:$0x16C60] =	vst v63  }
0x3e: {  	s3 =	simm.s32 @!p0 $0x7  }
0x3f: {  	_ =	swait.ge @!p0 [sflag:s3], $0x200  }
0x40: {  	[sflag:s3] =	ssyncset.done @!p0 $0x0  }
0x41: {  	[sflag:s3] =	ssyncadd.s32 @!p0 $0xFFFFFE00  }
0x42: {  	s23 =	simm.s32 $0x0;
	[bflag:$0x0] =	sbarrier.arrive $0xFFFF  }
0x43: {  	[tilespmem:s19], [sflag:$0x1] =	stream.indirect.gather [spmem:s1], $0x20, s23, s20, $0xb8;
	[tilespmem:$0x16C60] =	vst v63  }
0x44: {  	_ = 	snop  }
0x45: {  	[tilespmem:s21], [sflag:$0x2] =	stream.indirect.gather [spmem:s1], $0x20, s20, s20, $0xb8;
	[tilespmem:$0x16C60] =	vst v63  }
0x46: {  	_ =	swait.ge [sflag:s22], $0x1000  }
0x47: {  	[sflag:s22] =	ssyncset.done $0x0  }
0x48: {  	[sflag:s22] =	ssyncadd.s32 $0xFFFFF000  }
0x49: {  	[spmem:s2] =	stream.indirect.scatter.add.bf16 [tilespmem:s19], [sflag:$0x4], $0x20, s16, s20, $0xb8;
	[tilespmem:$0x16C60] =	vst v63  }
0x4a: {  	s23 =	simm.s32 $0x100  }
0x4b: {  	[tilespmem:s24], [sflag:$0x3] =	stream.indirect.gather [spmem:s1], $0x20, s23, s20, $0xb8;
	[tilespmem:$0x16C60] =	vst v63  }
0x4c: {  	_ =	swait.ge [sflag:s25], $0x1000  }
0x4d: {  	[sflag:s25] =	ssyncset.done $0x0  }
0x4e: {  	[sflag:s25] =	ssyncadd.s32 $0xFFFFF000  }
0x4f: {  	_ =	swait.ge [sflag:s26], $0x1000  }
0x50: {  	[sflag:s26] =	ssyncset.done $0x0  }
0x51: {  	s23 =	simm.s32 $0x5080;
	[sflag:s26] =	ssyncadd.s32 $0xFFFFF000  }
0x52: {  	[spmem:s2] =	stream.indirect.scatter.add.bf16 [tilespmem:s21], [sflag:$0x5], $0x20, s23, s20, $0xb8;
	[tilespmem:$0x16C60] =	vst v63  }
0x53: {  	s23 =	simm.s32 $0x180  }
0x54: {  	[tilespmem:s19], [sflag:$0x1] =	stream.indirect.gather [spmem:s1], $0x20, s23, s20, $0xb8;
	[tilespmem:$0x16C60] =	vst v63  }
0x55: {  	_ =	swait.ge [sflag:s28], $0x1000  }
0x56: {  	[sflag:s28] =	ssyncset.done $0x0  }
0x57: {  	[sflag:s28] =	ssyncadd.s32 $0xFFFFF000  }
0x58: {  	_ =	swait.ge [sflag:s29], $0x1000  }
0x59: {  	[sflag:s29] =	ssyncset.done $0x0  }
0x5a: {  	s23 =	simm.s32 $0x5100;
	[sflag:s29] =	ssyncadd.s32 $0xFFFFF000  }
0x5b: {  	[spmem:s2] =	stream.indirect.scatter.add.bf16 [tilespmem:s24], [sflag:$0x6], $0x20, s23, s20, $0xb8;
	[tilespmem:$0x16C60] =	vst v63  }
0x5c: {  	s23 =	simm.s32 $0x200  }
0x5d: {  	[tilespmem:s21], [sflag:$0x2] =	stream.indirect.gather [spmem:s1], $0x20, s23, s20, $0xb8;
	[tilespmem:$0x16C60] =	vst v63  }
0x5e: {  	_ =	swait.ge [sflag:s30], $0x1000  }
0x5f: {  	[sflag:s30] =	ssyncset.done $0x0  }
0x60: {  	[sflag:s30] =	ssyncadd.s32 $0xFFFFF000  }
0x61: {  	_ =	swait.ge [sflag:s22], $0x1000  }
0x62: {  	[sflag:s22] =	ssyncset.done $0x0  }
0x63: {  	s23 =	simm.s32 $0x5180;
	[sflag:s22] =	ssyncadd.s32 $0xFFFFF000  }
0x64: {  	[spmem:s2] =	stream.indirect.scatter.add.bf16 [tilespmem:s19], [sflag:$0x4], $0x20, s23, s20, $0xb8;
	[tilespmem:$0x16C60] =	vst v63  }
0x65: {  	s31 =	simm.s32 $0x280;
	s23 =	simm.s32 $0x600  }
.LBB2_4:
0x66: {  	[tilespmem:s24], [sflag:$0x3] =	stream.indirect.gather [spmem:s1], $0x20, s31, s20, $0xb8;
	[tilespmem:$0x16C60] =	vst v63  }
0x67: {  	s3 =	smov.u32 s23  }
0x68: {  	p1 =	sne.s32 s23, $0x13200;
	s23 =	sadd.s32 $0x600, s23;
	_ =	swait.ge [sflag:s25], $0x1000  }
0x69: {  	[sflag:s25] =	ssyncset.done $0x0  }
0x6a: {  	[sflag:s25] =	ssyncadd.s32 $0xFFFFF000  }
0x6b: {  	_ =	swait.ge [sflag:s26], $0x1000  }
0x6c: {  	s3 =	sshra.s32 s3, $0x2;
	[sflag:s26] =	ssyncset.done $0x0  }
0x6d: {  	s31 =	sadd.s32 $0x5080, s3;
	[sflag:s26] =	ssyncadd.s32 $0xFFFFF000  }
0x6e: {  	[spmem:s2] =	stream.indirect.scatter.add.bf16 [tilespmem:s21], [sflag:$0x5], $0x20, s31, s20, $0xb8;
	[tilespmem:$0x16C60] =	vst v63  }
0x6f: {  	s31 =	sadd.s32 $0x180, s3  }
0x70: {  	[tilespmem:s19], [sflag:$0x1] =	stream.indirect.gather [spmem:s1], $0x20, s31, s20, $0xb8;
	[tilespmem:$0x16C60] =	vst v63  }
0x71: {  	_ =	swait.ge [sflag:s28], $0x1000  }
0x72: {  	[sflag:s28] =	ssyncset.done $0x0  }
0x73: {  	[sflag:s28] =	ssyncadd.s32 $0xFFFFF000  }
0x74: {  	_ =	swait.ge [sflag:s29], $0x1000  }
0x75: {  	[sflag:s29] =	ssyncset.done $0x0  }
0x76: {  	s31 =	sadd.s32 $0x5100, s3;
	[sflag:s29] =	ssyncadd.s32 $0xFFFFF000  }
0x77: {  	[spmem:s2] =	stream.indirect.scatter.add.bf16 [tilespmem:s24], [sflag:$0x6], $0x20, s31, s20, $0xb8;
	[tilespmem:$0x16C60] =	vst v63  }
0x78: {  	s31 =	sadd.s32 $0x200, s3  }
0x79: {  	[tilespmem:s21], [sflag:$0x2] =	stream.indirect.gather [spmem:s1], $0x20, s31, s20, $0xb8;
	[tilespmem:$0x16C60] =	vst v63  }
0x7a: {  	_ =	swait.ge [sflag:s30], $0x1000  }
0x7b: {  	[sflag:s30] =	ssyncset.done $0x0  }
0x7c: {  	[sflag:s30] =	ssyncadd.s32 $0xFFFFF000  }
.Ltmp1:
0x7d: {  	_ =	swait.ge [sflag:s22], $0x1000;
	(pc) =	sbr.rel @p1 .LBB2_4-.Ltmp1, $4  }
0x7e: {  	[sflag:s22] =	ssyncset.done $0x0  }
0x7f: {  	s31 =	sadd.s32 $0x5180, s3;
	[sflag:s22] =	ssyncadd.s32 $0xFFFFF000  }
0x80: {  	[spmem:s2] =	stream.indirect.scatter.add.bf16 [tilespmem:s19], [sflag:$0x4], $0x20, s31, s20, $0xb8;
	[tilespmem:$0x16C60] =	vst v63  }
0x81: {  	s31 =	sadd.s32 $0x280, s3  }
0x82: {  	[tilespmem:s24], [sflag:$0x3] =	stream.indirect.gather [spmem:s1], $0x20, s31, s20, $0xb8;
	[tilespmem:$0x16C60] =	vst v63  }
0x83: {  	_ =	swait.ge [sflag:s25], $0x1000  }
0x84: {  	[sflag:s25] =	ssyncset.done $0x0  }
0x85: {  	[sflag:s25] =	ssyncadd.s32 $0xFFFFF000  }
0x86: {  	_ =	swait.ge [sflag:s26], $0x1000  }
0x87: {  	[sflag:s26] =	ssyncset.done $0x0  }
0x88: {  	s3 =	simm.s32 $0x9E80;
	[sflag:s26] =	ssyncadd.s32 $0xFFFFF000  }
0x89: {  	[spmem:s2] =	stream.indirect.scatter.add.bf16 [tilespmem:s21], [sflag:$0x5], $0x20, s3, s20, $0xb8;
	[tilespmem:$0x16C60] =	vst v63  }
0x8a: {  	s23 =	simm.s32 $0x4F80  }
0x8b: {  	[tilespmem:s19], [sflag:$0x1] =	stream.indirect.gather [spmem:s1], $0x20, s23, s20, $0xb8;
	[tilespmem:$0x16C60] =	vst v63  }
0x8c: {  	_ =	swait.ge [sflag:s28], $0x1000  }
0x8d: {  	[sflag:s28] =	ssyncset.done $0x0  }
0x8e: {  	[sflag:s28] =	ssyncadd.s32 $0xFFFFF000  }
0x8f: {  	_ =	swait.ge [sflag:s29], $0x1000  }
0x90: {  	[sflag:s29] =	ssyncset.done $0x0  }
0x91: {  	s31 =	simm.s32 $0x9F00;
	[sflag:s29] =	ssyncadd.s32 $0xFFFFF000  }
0x92: {  	[spmem:s2] =	stream.indirect.scatter.add.bf16 [tilespmem:s24], [sflag:$0x6], $0x20, s31, s20, $0xb8;
	[tilespmem:$0x16C60] =	vst v63  }
0x93: {  	_ =	swait.ge [sflag:s30], $0x1000  }
0x94: {  	[sflag:s30] =	ssyncset.done $0x0  }
0x95: {  	[sflag:s30] =	ssyncadd.s32 $0xFFFFF000  }
0x96: {  	_ =	swait.ge [sflag:s22], $0x1000  }
0x97: {  	[sflag:s22] =	ssyncset.done $0x0  }
0x98: {  	s23 =	simm.s32 $0x9F80;
	[sflag:s22] =	ssyncadd.s32 $0xFFFFF000  }
0x99: {  	[spmem:s2] =	stream.indirect.scatter.add.bf16 [tilespmem:s19], [sflag:$0x4], $0x20, s23, s20, $0xb8;
	[tilespmem:$0x16C60] =	vst v63  }
0x9a: {  	_ =	swait.ge [sflag:s25], $0x1000  }
0x9b: {  	s0 =	sadd.s32 $0x1, s0;
	[sflag:s25] =	ssyncset.done $0x0  }
0x9c: {  	p1 =	sne.s32 s0, s14;
	[sflag:s25] =	ssyncadd.s32 $0xFFFFF000  }
.Ltmp2:
0x9d: {  	s31 =	sshrl.u32 s7, $0x3;
	[bflag:$0x0] =	sbarrier.arrive $0xFFFF;
	(pc) =	sbr.rel @p1 .LBB2_1-.Ltmp2, $4  }
0x9e: {  	[hbm:s13], [sflag:s17] =	dma.local [spmem:s31], $0x9C4  }
0x9f: {  	_ =	swait.ge [sflag:s15], $0x9C4  }
0xa0: {  	[sflag:s15] =	ssyncset.done $0x0  }
0xa1: {  	[sflag:s15] =	ssyncadd.s32 $0xFFFFF63C  }
0xa2: {  	_ =	sfence.sel $0x180000  }
0xa3: {  	[bflag:$0x0] =	sbarrier.arrive $0xFFFF  }
0xa4: {  	_ =	strace $0x9000004A  }
0xa5: {  	[bflag:$0x2] =	sbarrier.arrive $0xFFFF  }
0xa6: {  	s0 =	rddreg [dreg:$0x4]  }
0xa7: {  	s0 =	sadd.s32 @!p0 $0x100000, s0  }
0xa8: {  	[sflag:s0] =	ssyncadd.tile.s32 @!p0 $0x1;
	_ =	shalt  }
.Lfunc_end2:
_tile_overlayer_lowered:
.L_overlay_start_2:
0xa9: {  	(tag) =	ssettag $0x2  }
0xaa: {  	s0 =	rddreg [dreg:$0x0];
	s2 =	stileid.u32  }
0xab: {  	s1 =	rddreg [dreg:$0x1];
	p0 =	sne.s32 s2, $0x0  }
0xac: {  	s3 =	rddreg [dreg:$0x2];
	[bflag:$0x3] =	sbarrier.arrive $0xFFFF;
	s2 =	simm.s32 @!p0 $0x1C07  }
0xad: {  	[timem:s3], [sflag:s2] =	dma.local @!p0 [hbm:s0], s1  }
0xae: {  	s0 =	simm.s32 @!p0 $0x7  }
0xaf: {  	_ =	swait.ge @!p0 [sflag:s0], s1  }
0xb0: {  	s1 =	ssub.s32 @!p0 $0x0, s1;
	[sflag:s0] =	ssyncset.done @!p0 $0x0  }
0xb1: {  	[sflag:s0] =	ssyncadd.s32 @!p0 s1  }
0xb2: {  	[bflag:$0x3] =	sbarrier.arrive $0xFFFF  }
0xb3: {  	_ =	shalt  }

// kernel: kernel.7.cloned.1.call-start
scs
__scs_entry_jumppad:
0x0: {  	(pc) =	sbr.rel $0x88, $3  }
0x1: {  	(tag) =	ssettag $0x0;
	lr =	simm.s32 $0x1  }
0x2: {  	[smem:$0x3F9E] =	sst lr;
	_ =	strace $0xD0000000  }
0x3: {  	_ = 	snop  }
0x4: {  	_ = 	snop  }
0x5: {  	_ = 	snop  }
0x6: {  	_ = 	snop  }
0x7: {  	_ = 	snop  }
__scs_overlays_trampoline_lowered:
0x8: {  	[smem:$0x3FAD] =	sst s0  }
0x9: {  	[smem:$0x3FAE] =	sst s1  }
0xa: {  	[smem:$0x3FAF] =	sst s2  }
0xb: {  	[smem:$0x3FB0] =	sst s3  }
0xc: {  	[smem:$0x3FB1] =	sst s4  }
0xd: {  	[smem:$0x3FB2] =	sst s5  }
0xe: {  	[smem:$0x3FB3] =	sst s6  }
0xf: {  	[smem:$0x3FB4] =	sst s7  }
0x10: {  	[smem:$0x3FB5] =	sst s8  }
0x11: {  	[smem:$0x3FB6] =	sst s9;
	s0 =	simm.s32 @!p0 $0x0  }
0x12: {  	s1 =	sld [smem:$0x3F9C];
	s0 =	simm.s32 @p0 $0x1  }
0x13: {  	[smem:$0x3FB7] =	sst s0;
	s0 =	simm.s32 @!p1 $0x0  }
0x14: {  	s2 =	sld [smem:$0x3F9B];
	s0 =	simm.s32 @p1 $0x1  }
0x15: {  	[smem:$0x3FB8] =	sst s0;
	s0 =	simm.s32 @!p2 $0x0  }
0x16: {  	s3 =	sld [smem:$0x3FDB];
	s0 =	simm.s32 @p2 $0x1  }
0x17: {  	s4 =	simm.s32 $0x1BF5;
	[smem:$0x3FBA] =	sst s0  }
0x18: {  	s0 =	sld [smem:$0x3F9D];
	_ =	swait.ge [sflag:s4], $0x0  }
0x19: {  	s7 =	sld [smem:$0x3F9E]  }
0x1a: {  	s8 =	sadd.s32 $0xFFFFE003, lr  }
0x1b: {  	s9 =	sadd.s32 $0xFFFFFEF7, lr;
	s5 =	simm.s32 $0xFFFFFFFF;
	p2 =	slt.u32 s8, $0xFFFFF086  }
0x1c: {  	p1 =	slt.u32 s9, $0xF7A;
	s5 =	simm.s32 @!p2 $0x0  }
0x1d: {  	s5 =	simm.s32 @p1 $0x1;
	p0 =	seq.s32 s7, s2  }
0x1e: {  	s7 =	smul.u32 @!p0 $0xF7A, s2;
	p2 =	seq.s32 @!p0 s5, $0x0  }
0x1f: {  	s9 =	smul.u32 $0xF7A, s1;
	s8 =	simm.s32 @!p0 $0x1BF5;
	p2 =	por !p2, p0  }
0x20: {  	[sflag:s8] =	ssyncset.s32 @!p0 $0xFFFFF086;
	s6 =	sadd.s32 @!p0 s3, s7;
	s7 =	simm.s32 @!p0 $0x108  }
0x21: {  	s3 =	sadd.s32 s3, s9;
	s6 =	sadd.s32 @!p0 $0x88, s6;
	s7 =	simm.s32 @p2 $0x1082  }
0x22: {  	[simem:s7], [sflag:s8] =	dma.local @!p0 [hbm:s6], $0xF7A  }
0x23: {  	s9 =	sor.u32 $0xD0000000, s2;
	s6 =	simm.s32 $0x108;
	_ =	swait.ge @!p0 [sflag:s8], $0x0  }
0x24: {  	s3 =	sadd.s32 $0x88, s3;
	s6 =	simm.s32 @!p1 $0x1082;
	[sflag:s4] =	ssyncset.s32 $0xFFFFF086  }
0x25: {  	[simem:s6], [sflag:s4] =	dma.local [hbm:s3], $0xF7A  }
0x26: {  	[smem:$0x3F9E] =	sst s1;
	(tag) =	ssettag s2;
	_ =	strace s9  }
0x27: {  	s1 =	sld [smem:$0x3FAE]  }
0x28: {  	s2 =	sld [smem:$0x3FAF]  }
0x29: {  	s4 =	sld [smem:$0x3FB1]  }
0x2a: {  	p0 =	seq.s32 s5, $0x0;
	s5 =	sld [smem:$0x3FB2]  }
0x2b: {  	s6 =	sld [smem:$0x3FB3]  }
0x2c: {  	s7 =	sld [smem:$0x3FB4]  }
0x2d: {  	s3 =	simm.s32 $0x108;
	s8 =	sld [smem:$0x3FB5]  }
0x2e: {  	s3 =	simm.s32 @!p0 $0x1082;
	s9 =	sld [smem:$0x3FB6]  }
0x2f: {  	lr =	sadd.s32 s0, s3;
	s0 =	sld [smem:$0x3FAD]  }
0x30: {  	s3 =	sld [smem:$0x3FB0]  }
0x31: {  	[smem:$0x3FB9] =	sst s10  }
0x32: {  	s10 =	sld [smem:$0x3FB7];
	_ =	sdelay $0x3  }
0x33: {  	p0 =	seq.s32 s10, $0x1;
	s10 =	sld [smem:$0x3FB9];
	_ =	sdelay $0x3  }
0x34: {  	[smem:$0x3FB9] =	sst s10  }
0x35: {  	s10 =	sld [smem:$0x3FB8];
	_ =	sdelay $0x3  }
0x36: {  	p1 =	seq.s32 s10, $0x1;
	s10 =	sld [smem:$0x3FB9];
	_ =	sdelay $0x3  }
0x37: {  	[smem:$0x3FB9] =	sst s10  }
0x38: {  	s10 =	sld [smem:$0x3FBA]  }
0x39: {  	_ = 	snop;
	(pc) =	sbr.ind lr, $3  }
0x3a: {  	_ = 	snop  }
0x3b: {  	_ = 	snop  }
0x3c: {  	p2 =	seq.s32 s10, $0x1;
	s10 =	sld [smem:$0x3FB9]  }
0x3d: {  	_ =	shalt  }
0x3e: {  	_ =	shalt  }
0x3f: {  	_ =	shalt  }
0x40: {  	_ =	shalt  }
0x41: {  	_ =	shalt  }
0x42: {  	_ =	shalt  }
0x43: {  	_ =	shalt  }
0x44: {  	_ =	shalt  }
0x45: {  	_ =	shalt  }
0x46: {  	_ =	shalt  }
0x47: {  	_ =	shalt  }
0x48: {  	_ =	shalt  }
0x49: {  	_ =	shalt  }
0x4a: {  	_ =	shalt  }
0x4b: {  	_ =	shalt  }
0x4c: {  	_ =	shalt  }
0x4d: {  	_ =	shalt  }
0x4e: {  	_ =	shalt  }
0x4f: {  	_ =	shalt  }
0x50: {  	_ =	shalt  }
0x51: {  	_ =	shalt  }
0x52: {  	_ =	shalt  }
0x53: {  	_ =	shalt  }
0x54: {  	_ =	shalt  }
0x55: {  	_ =	shalt  }
0x56: {  	_ =	shalt  }
0x57: {  	_ =	shalt  }
0x58: {  	_ =	shalt  }
0x59: {  	_ =	shalt  }
0x5a: {  	_ =	shalt  }
0x5b: {  	_ =	shalt  }
0x5c: {  	_ =	shalt  }
0x5d: {  	_ =	shalt  }
0x5e: {  	_ =	shalt  }
0x5f: {  	_ =	shalt  }
0x60: {  	_ =	shalt  }
0x61: {  	_ =	shalt  }
0x62: {  	_ =	shalt  }
0x63: {  	_ =	shalt  }
0x64: {  	_ =	shalt  }
0x65: {  	_ =	shalt  }
0x66: {  	_ =	shalt  }
0x67: {  	_ =	shalt  }
0x68: {  	_ =	shalt  }
0x69: {  	_ =	shalt  }
0x6a: {  	_ =	shalt  }
0x6b: {  	_ =	shalt  }
0x6c: {  	_ =	shalt  }
0x6d: {  	_ =	shalt  }
0x6e: {  	_ =	shalt  }
0x6f: {  	_ =	shalt  }
0x70: {  	_ =	shalt  }
0x71: {  	_ =	shalt  }
0x72: {  	_ =	shalt  }
0x73: {  	_ =	shalt  }
0x74: {  	_ =	shalt  }
0x75: {  	_ =	shalt  }
0x76: {  	_ =	shalt  }
0x77: {  	_ =	shalt  }
0x78: {  	_ =	shalt  }
0x79: {  	_ =	shalt  }
0x7a: {  	_ =	shalt  }
0x7b: {  	_ =	shalt  }
0x7c: {  	_ =	shalt  }
0x7d: {  	_ =	shalt  }
0x7e: {  	_ =	shalt  }
0x7f: {  	_ =	shalt  }
0x80: {  	_ =	shalt  }
0x81: {  	_ =	shalt  }
0x82: {  	_ =	shalt  }
0x83: {  	_ =	shalt  }
0x84: {  	_ =	shalt  }
0x85: {  	_ =	shalt  }
0x86: {  	_ =	shalt  }
0x87: {  	_ =	shalt  }
.Lfunc_end0:
.L_simem_size_0:
called_computation_lowered:
.L_overlay_start_0:
0x88: {  	s2 =	sld [smem:$0x3FD9]  }
0x89: {  	s3 =	sld [smem:$0x3FFE];
	_ =	sdelay $0x1  }
0x8a: {  	s1 =	srdreg.scid  }
0x8b: {  	s0 =	sand.u32 $0x1, s1  }
0x8c: {  	s17 =	sshll.u32 s0, $0xA;
	s2 =	sadd.s32 s3, s2  }
0x8d: {  	s2 =	sadd.s32 s2, s17  }
0x8e: {  	[smem:$0x3FC5] =	sst s2  }
0x8f: {  	_ = 	snop  }
0x90: {  	s2 =	sld [smem:$0x3FD0];
	(tm) =	ssettm $0x1  }
0x91: {  	s18 =	sld [smem:$0x3FFB];
	_ =	sdelay $0x3  }
0x92: {  	_ =	strace s18  }
0x93: {  	s3 =	sld [smem:$0x3FFC];
	_ =	sdelay $0x3  }
0x94: {  	_ =	strace s3  }
0x95: {  	s3 =	sld [smem:$0x3FFD];
	_ =	sdelay $0x3  }
0x96: {  	_ =	strace s3  }
0x97: {  	_ =	strace $0x8FFFFFFF  }
0x98: {  	s19 =	sld [smem:$0x3FDB];
	_ =	sdelay $0x1  }
0x99: {  	s4 =	simm.s32 $_scs_section_size  }
0x9a: {  	s5 =	simm.s32 $_size__tile_overlayer_lowered;
	s6 =	simm.s32 $_tile_overlayer_lowered  }
0x9b: {  	s22 =	simm.s32 $0x1BFF;
	s21 =	sshll.u32 s6, $0x1;
	s3 =	sadd.s32 s4, s19  }
0x9c: {  	s7 =	simm.s32 $0x0;
	s20 =	sshll.u32 s5, $0x1;
	s5 =	sadd.s32 s21, s3  }
0x9d: {  	[timem:s7], [sflag:s22] =	dma.local [hbm:s5], s20  }
0x9e: {  	_ =	swait.ge [sflag:s22], s20  }
0x9f: {  	s4 =	ssub.s32 $0x0, s20;
	[sflag:s22] =	ssyncset.done $0x0  }
0xa0: {  	[sflag:s22] =	ssyncadd.s32 s4;
	_ =	sdelay $0x1  }
0xa1: {  	s23 =	simm.s32 $0x1B8B  }
0xa2: {  	_ =	swait.ge [sflag:s23], $0x1  }
0xa3: {  	[sflag:s23] =	ssyncset.done $0x0  }
0xa4: {  	s25 =	simm.s32 $0x1B8E;
	s24 =	sld [smem:$0x3FFE];
	[sflag:s23] =	ssyncadd.s32 $0xFFFFFFFF  }
0xa5: {  	s26 =	simm.s32 $execute0_lowered;
	[smem:$0x3FD2] =	sst s25  }
0xa6: {  	s5 =	sshll.u32 s26, $0x1;
	_ =	strace $0x80000046;
	[dreg:$0x1] =	wrdreg $0xFFFFFFFF  }
0xa7: {  	s28 =	simm.s32 $_size_execute0_lowered;
	s3 =	sadd.s32 s3, s5;
	[dreg:$0x0] =	wrdreg $0x0  }
0xa8: {  	s5 =	sshll.u32 s28, $0x1;
	[dreg:$0x2] =	wrdreg s3  }
0xa9: {  	[dreg:$0x3] =	wrdreg s5  }
0xaa: {  	[dreg:$0x4] =	wrdreg $0xC0  }
0xab: {  	_ =	task [dreg:s7], $0x5FFFF  }
0xac: {  	[dreg:$0x1] =	wrdreg $0xFFFFFFFF  }
0xad: {  	[dreg:$0x0] =	wrdreg $0x60  }
0xae: {  	[dreg:$0x2] =	wrdreg s2  }
0xaf: {  	[dreg:$0x3] =	wrdreg s24  }
0xb0: {  	[dreg:$0x4] =	wrdreg $0x11E400  }
0xb1: {  	[dreg:$0x5] =	wrdreg $0xD0000  }
0xb2: {  	[dreg:$0x6] =	wrdreg $0x196E00  }
0xb3: {  	[dreg:$0x7] =	wrdreg $0x9  }
0xb4: {  	_ =	task.clear_ibuf [dreg:s7], $0x8FFFF;
	_ =	strace $0x90000046  }
0xb5: {  	s29 =	simm.s32 $0x9;
	_ =	strace $0x80000048  }
0xb6: {  	_ =	swait.ge [sflag:s29], $0x1  }
0xb7: {  	[sflag:s29] =	ssyncadd.s32 $0xFFFFFFFF  }
0xb8: {  	_ =	strace $0x90000048  }
0xb9: {  	_ =	sfence  }
0xba: {  	s30 =	sld [smem:$0x0];
	_ =	sdelay $0x2  }
0xbb: {  	s31 =	sshll.u32 s1, $0xD;
	s1 =	sshrl.u32 s1, $0x2  }
0xbc: {  	s3 =	sand.u32 $0x4000, s31;
	s1 =	sadd.s32 s1, s30  }
0xbd: {  	s0 =	sor.u32 s3, s0;
	s1 =	sshll.u32 s1, $0x11  }
0xbe: {  	s0 =	sor.u32 s1, s0  }
0xbf: {  	s0 =	sadd.s32 $0x8F2B, s0  }
0xc0: {  	[sflag:s0] =	ssyncadd.remote.s32 $0x1  }
0xc1: {  	_ =	sfence.sel $0xFFFF  }
0xc2: {  	[dreg:$0x0] =	wrdreg $0xFFFFFFFF;
	(pc) =	sbr.abs _section_cstart, $3  }
0xc3: {  	[dreg:$0x1] =	wrdreg $0xFFFFFFFF  }
0xc4: {  	_ =	task.clear_ibuf [dreg:s7], $0x2FFFF;
	_ =	strace $0x9FFFFFFF  }
0xc5: {  	(tm) =	ssettm $0x7FFFFFFF  }
tec
execute0_lowered:
.L_overlay_start_1:
0x0: {  	(tag) =	ssettag $0x1  }
0x1: {  	s4 =	rddreg [dreg:$0x0]  }
0x2: {  	s5 =	rddreg [dreg:$0x1]  }
0x3: {  	s0 =	rddreg [dreg:$0x2]  }
0x4: {  	s1 =	rddreg [dreg:$0x3]  }
0x5: {  	s6 =	stileid.u32;
	s2 =	srdreg.scid  }
0x6: {  	s3 =	rddreg [dreg:$0x4];
	s7 =	smul.u32 $0x9C40, s6  }
0x7: {  	s9 =	simm.s32 $0x0;
	s29 =	simm.s32 $0xC000;
	s12 =	smul.u32 $0xA00, s6  }
0x8: {  	s30 =	simm.s32 $0x4;
	s31 =	simm.s32 $0x2;
	s10 =	smul.u32 $0x50, s6  }
0x9: {  	s28 =	simm.s32 $0x3;
	s2 =	sand.u32 $0x1, s2;
	s13 =	smul.u32 $0x13880, s6  }
0xa: {  	[smem:$0x7FF] =	sst s9;
	s22 =	smul.u32 $0x9C4, s6;
	s26 =	sshll.u32 s6, $0x6  }
0xb: {  	p0 =	sne.s32 s6, $0x0;
	s8 =	smul.u32 $0x9C400, s2;
	_ =	strace $0x80000047  }
0xc: {  	v0 =	vlaneseq.u32;
	s19 =	ssub.s32 $0x2, s2;
	s11 =	smul.u32 $0x9C40, s2;
	p1 =	sne.s32 s2, $0x0  }
0xd: {  	v1 =	vimm.bf16 $0.0e+00;
	v2 =	vimm.f32 $0.0e+00;
	v42 =	vimm.f32 $1.000000000e+00;
	s2 =	simm.s32 $0x5;
	s18 =	sadd.s32 s12, s5;
	s20 =	sshrl.u32 s19, $0x1  }
0xe: {  	v3 =	vor.u32 $0x10, v0;
	v4 =	vor.u32 $0x20, v0;
	v5 =	vor.u32 $0x30, v0;
	s23 =	sshrl.u32 s13, $0x2;
	s25 =	sshrl.u32 s12, $0x2;
	s8 =	sadd.s32 s7, s8  }
0xf: {  	v6 =	vor.u32 $0x40, v0;
	v7 =	vor.u32 $0x50, v0;
	v8 =	vor.u32 $0x60, v0;
	s17 =	ssub.s32 s19, s20;
	s21 =	sadd.s32 $0xB400, s18;
	s9 =	sadd.s32 $0x1400, s18  }
0x10: {  	v9 =	vor.u32 $0x70, v0;
	v10 =	vor.u32 $0x80, v0;
	v11 =	vor.u32 $0x90, v0;
	s7 =	sshrl.u32 s7, $0x1;
	s13 =	sadd.s32 s23, s1;
	s14 =	sadd.s32 s25, s3  }
0x11: {  	v12 =	vor.u32 $0xA0, v0;
	v13 =	vor.u32 $0xB0, v0;
	v14 =	vor.u32 $0xC0, v0;
	s18 =	simm.s32 $0x7;
	s19 =	simm.s32 $0x5000;
	s20 =	sor.u32 $0x1C07, s26  }
0x12: {  	v15 =	vor.u32 $0xD0, v0;
	v16 =	vor.u32 $0xE0, v0;
	v17 =	vor.u32 $0xF0, v0;
	s23 =	simm.s32 $0x16C60;
	s25 =	simm.s32 $0xB000;
	[dreg:$0x6] =	wrdreg s21  }
0x13: {  	v18 =	vor.u32 $0x100, v0;
	v19 =	vor.u32 $0x110, v0;
	v20 =	vor.u32 $0x120, v0;
	s26 =	simm.s32 $0x1;
	s8 =	sshrl.u32 s8, $0x4;
	[dreg:$0x7] =	wrdreg s9  }
0x14: {  	v21 =	vor.u32 $0x130, v0;
	v22 =	vor.u32 $0x140, v0;
	v23 =	vor.u32 $0x150, v0;
	s21 =	sadd.s32 s7, s0;
	s24 =	sadd.s32 $0x1000, s13;
	s12 =	sadd.s32 $0x4000, s13  }
0x15: {  	v24 =	vor.u32 $0x160, v0;
	v25 =	vor.u32 $0x170, v0;
	v26 =	vor.u32 $0x180, v0;
	s17 =	smax.u32 s17, $0x1;
	s16 =	sadd.s32 s8, s5;
	s5 =	sadd.s32 s10, s5  }
0x16: {  	v27 =	vor.u32 $0x190, v0;
	v28 =	vor.u32 $0x1A0, v0;
	v29 =	vor.u32 $0x1B0, v0;
	s8 =	sadd.s32 s22, s11;
	[dreg:$0x9] =	wrdreg s24;
	s10 =	sadd.s32 $0x2000, s13  }
0x17: {  	v30 =	vor.u32 $0x1C0, v0;
	v31 =	vor.u32 $0x1D0, v0;
	v32 =	vor.u32 $0x1E0, v0;
	s11 =	sadd.s32 $0x3000, s13;
	s13 =	sadd.s32 $0x4E200, s1;
	s21 =	sshrl.u32 s21, $0x3  }
0x18: {  	v33 =	vor.u32 $0x1F0, v0;
	v34 =	vor.u32 $0x200, v0;
	v35 =	vor.u32 $0x210, v0;
	s22 =	simm.s32 $0xA000;
	s24 =	simm.s32 $0x80;
	s4 =	sadd.s32 s4, s8  }
0x19: {  	v36 =	vor.u32 $0x220, v0;
	v37 =	vor.u32 $0x230, v0;
	v38 =	vor.u32 $0x240, v0;
	s8 =	sadd.s32 s7, s1;
	s15 =	sadd.s32 $0x28E00, s5;
	s16 =	sadd.s32 $0x15400, s16  }
0x1a: {  	v39 =	vor.u32 $0x250, v0;
	v40 =	vor.u32 $0x260, v0;
	v41 =	vor.u32 $0x270, v0;
	s5 =	simm.s32 $0x0;
	[dreg:$0x8] =	wrdreg s4;
	s4 =	simm.s32 $0x6  }
.LBB2_1:
0x1b: {  	s6 =	simm.s32 $0x0;
	s7 =	rddreg [dreg:$0x6]  }
0x1c: {  	[tilespmem:s6], [sflag:$0x7] =	stream.linear.gather [hbm4b:s7+s6], $0x5000, $0x38;
	[tilespmem:$0x19960] =	vst v63  }
0x1d: {  	_ =	swait.ge [sflag:s18], $0x5000  }
0x1e: {  	[sflag:s18] =	ssyncset.done $0x0  }
0x1f: {  	s9 =	rddreg [dreg:$0x7];
	[sflag:s18] =	ssyncadd.s32 $0xFFFFB000  }
0x20: {  	[tilespmem:s19], [sflag:$0x7] =	stream.linear.gather [hbm4b:s9+s6], $0x5000, $0x38;
	[tilespmem:$0x19960] =	vst v63  }
0x21: {  	_ =	swait.ge [sflag:s18], $0x5000  }
0x22: {  	[sflag:s18] =	ssyncset.done $0x0  }
0x23: {  	s9 =	rddreg [dreg:$0x8];
	[sflag:s18] =	ssyncadd.s32 $0xFFFFB000  }
0x24: {  	[spmem:s21], [sflag:s20] =	dma.local [hbm:s9], $0x9C4  }
0x25: {  	_ =	swait.ge [sflag:s18], $0x9C4  }
0x26: {  	[sflag:s18] =	ssyncset.done $0x0  }
0x27: {  	s7 =	simm.s32 $0x0;
	s6 =	simm.s32 $0x80;
	[sflag:s18] =	ssyncadd.s32 $0xFFFFF63C  }
.LBB2_2:
0x28: {  	p2 =	sne.s32 s6, $0x3F80;
	[tilespmem:s7+$0xA000] =	vst v1;
	s9 =	smov.u32 s6;
	s6 =	sadd.s32 $0x80, s6  }
.Ltmp0:
0x29: {  	[tilespmem:s7+$0xA010] =	vst v1;
	(pc) =	sbr.rel @p2 .LBB2_2-.Ltmp0, $2  }
0x2a: {  	_ =	sdelay $0x2  }
0x2b: {  	s7 =	sshra.s32 s9, $0x2  }
0x2c: {  	[tilespmem:s7+$0xA000] =	vst v1  }
0x2d: {  	[tilespmem:s7+$0xA010] =	vst v1  }
0x2e: {  	[spmem:s8] =	stream.linear.scatter [tilespmem:s22], [sflag:$0x7], $0x1000, $0x38;
	[tilespmem:$0x19960] =	vst v63  }
0x2f: {  	_ =	swait.ge [sflag:s18], $0x1000  }
0x30: {  	[sflag:s18] =	ssyncset.done $0x0  }
0x31: {  	s6 =	rddreg [dreg:$0x9];
	[sflag:s18] =	ssyncadd.s32 $0xFFFFF000  }
0x32: {  	[spmem:s6] =	stream.linear.scatter [tilespmem:s22], [sflag:$0x7], $0x1000, $0x38;
	[tilespmem:$0x19960] =	vst v63  }
0x33: {  	_ =	swait.ge [sflag:s18], $0x1000  }
0x34: {  	[sflag:s18] =	ssyncset.done $0x0  }
0x35: {  	[sflag:s18] =	ssyncadd.s32 $0xFFFFF000  }
0x36: {  	[spmem:s10] =	stream.linear.scatter [tilespmem:s22], [sflag:$0x7], $0x1000, $0x38;
	[tilespmem:$0x19960] =	vst v63  }
0x37: {  	_ =	swait.ge [sflag:s18], $0x1000  }
0x38: {  	[sflag:s18] =	ssyncset.done $0x0  }
0x39: {  	[sflag:s18] =	ssyncadd.s32 $0xFFFFF000  }
0x3a: {  	[spmem:s11] =	stream.linear.scatter [tilespmem:s22], [sflag:$0x7], $0x1000, $0x38;
	[tilespmem:$0x19960] =	vst v63  }
0x3b: {  	_ =	swait.ge [sflag:s18], $0x1000  }
0x3c: {  	[sflag:s18] =	ssyncset.done $0x0  }
0x3d: {  	[sflag:s18] =	ssyncadd.s32 $0xFFFFF000  }
0x3e: {  	[spmem:s12] =	stream.linear.scatter [tilespmem:s22], [sflag:$0x7], $0xE20, $0x38;
	[tilespmem:$0x19960] =	vst v63  }
0x3f: {  	_ =	swait.ge [sflag:s18], $0xE20  }
0x40: {  	[sflag:s18] =	ssyncset.done $0x0  }
0x41: {  	s6 =	simm.s32 @!p0 $0xA000;
	[sflag:s18] =	ssyncadd.s32 $0xFFFFF1E0  }
0x42: {  	[spmem:s13] =	stream.linear.scatter @!p0 [tilespmem:s6], [sflag:$0x7], $0x200, $0x38;
	[tilespmem:$0x19960] =	vst v63  }
0x43: {  	s6 =	simm.s32 @!p0 $0x7  }
0x44: {  	_ =	swait.ge @!p0 [sflag:s6], $0x200  }
0x45: {  	[sflag:s6] =	ssyncset.done @!p0 $0x0  }
0x46: {  	s7 =	simm.s32 $0x0;
	[sflag:s6] =	ssyncadd.s32 @!p0 $0xFFFFFE00;
	s6 =	simm.s32 $0x40  }
.LBB2_4:
0x47: {  	p2 =	sne.s32 s6, $0x9FC0;
	[tilespmem:s7+$0x16C60] =	vst v2;
	s7 =	smov.u32 s6;
	s6 =	sadd.s32 $0x40, s6  }
.Ltmp1:
0x48: {  	(pc) =	sbr.rel @p2 .LBB2_4-.Ltmp1, $2  }
0x49: {  	_ =	sdelay $0x2  }
0x4a: {  	s7 =	sshra.s32 s7, $0x2  }
0x4b: {  	[tilespmem:s7+$0x16C60] =	vst v2  }
0x4c: {  	[spmem:s14] =	stream.linear.scatter [tilespmem:s23], [sflag:$0x7], $0x280, $0x38;
	[tilespmem:$0x19960] =	vst v63  }
0x4d: {  	_ =	swait.ge [sflag:s18], $0x280  }
0x4e: {  	[sflag:s18] =	ssyncset.done $0x0  }
0x4f: {  	[sflag:s18] =	ssyncadd.s32 $0xFFFFFD80  }
0x50: {  	[tilespmem:$0x19460] =	vst v0  }
0x51: {  	[tilespmem:$0x19470] =	vst v3  }
0x52: {  	[tilespmem:$0x19480] =	vst v4  }
0x53: {  	[tilespmem:$0x19490] =	vst v5  }
0x54: {  	[tilespmem:$0x194A0] =	vst v6  }
0x55: {  	[tilespmem:$0x194B0] =	vst v7  }
0x56: {  	[tilespmem:$0x194C0] =	vst v8  }
0x57: {  	[tilespmem:$0x194D0] =	vst v9  }
0x58: {  	[tilespmem:$0x194E0] =	vst v10  }
0x59: {  	[tilespmem:$0x194F0] =	vst v11  }
0x5a: {  	[tilespmem:$0x19500] =	vst v12  }
0x5b: {  	[tilespmem:$0x19510] =	vst v13  }
0x5c: {  	[tilespmem:$0x19520] =	vst v14  }
0x5d: {  	[tilespmem:$0x19530] =	vst v15  }
0x5e: {  	[tilespmem:$0x19540] =	vst v16  }
0x5f: {  	[tilespmem:$0x19550] =	vst v17  }
0x60: {  	[tilespmem:$0x19560] =	vst v18  }
0x61: {  	[tilespmem:$0x19570] =	vst v19  }
0x62: {  	[tilespmem:$0x19580] =	vst v20  }
0x63: {  	[tilespmem:$0x19590] =	vst v21  }
0x64: {  	[tilespmem:$0x195A0] =	vst v22  }
0x65: {  	[tilespmem:$0x195B0] =	vst v23  }
0x66: {  	[tilespmem:$0x195C0] =	vst v24  }
0x67: {  	[tilespmem:$0x195D0] =	vst v25  }
0x68: {  	[tilespmem:$0x195E0] =	vst v26  }
0x69: {  	[tilespmem:$0x195F0] =	vst v27  }
0x6a: {  	[tilespmem:$0x19600] =	vst v28  }
0x6b: {  	[tilespmem:$0x19610] =	vst v29  }
0x6c: {  	[tilespmem:$0x19620] =	vst v30  }
0x6d: {  	[tilespmem:$0x19630] =	vst v31  }
0x6e: {  	[tilespmem:$0x19640] =	vst v32  }
0x6f: {  	[tilespmem:$0x19650] =	vst v33  }
0x70: {  	[tilespmem:$0x19660] =	vst v34  }
0x71: {  	[tilespmem:$0x19670] =	vst v35  }
0x72: {  	[tilespmem:$0x19680] =	vst v36  }
0x73: {  	[tilespmem:$0x19690] =	vst v37  }
0x74: {  	[tilespmem:$0x196A0] =	vst v38  }
0x75: {  	[tilespmem:$0x196B0] =	vst v39  }
0x76: {  	[tilespmem:$0x196C0] =	vst v40  }
0x77: {  	[tilespmem:$0x196D0] =	vst v41  }
0x78: {  	s6 =	simm.s32 $0x0;
	[bflag:$0x0] =	sbarrier.arrive $0xFFFF  }
0x79: {  	[tilespmem:s22], [sflag:$0x1] =	stream.indirect.gather [spmem:s0], $0x20, s6, s24, $0xb8;
	[tilespmem:$0x19960] =	vst v63  }
0x7a: {  	_ = 	snop  }
0x7b: {  	[tilespmem:s25], [sflag:$0x2] =	stream.indirect.gather [spmem:s0], $0x20, s24, s24, $0xb8;
	[tilespmem:$0x19960] =	vst v63  }
0x7c: {  	v43 =	vld [tilespmem:$0x5000];
	_ =	sdelay $0x7  }
0x7d: {  	[tilespmem:v43+s23+$0x0] =	vst.idx.add.f32.msk $0xffff, v42  }
0x7e: {  	v43 =	vld [tilespmem:$0x5010];
	_ =	sdelay $0x7  }
0x7f: {  	[tilespmem:v43+s23+$0x0] =	vst.idx.add.f32.msk $0xffff, v42  }
0x80: {  	v43 =	vld [tilespmem:$0x5020];
	_ =	sdelay $0x7  }
0x81: {  	[tilespmem:v43+s23+$0x0] =	vst.idx.add.f32.msk $0xffff, v42  }
0x82: {  	v43 =	vld [tilespmem:$0x5030];
	_ =	sdelay $0x7  }
0x83: {  	[tilespmem:v43+s23+$0x0] =	vst.idx.add.f32.msk $0xffff, v42  }
0x84: {  	v43 =	vld [tilespmem:$0x5040];
	_ =	sdelay $0x7  }
0x85: {  	[tilespmem:v43+s23+$0x0] =	vst.idx.add.f32.msk $0xffff, v42  }
0x86: {  	v43 =	vld [tilespmem:$0x5050];
	_ =	sdelay $0x7  }
0x87: {  	[tilespmem:v43+s23+$0x0] =	vst.idx.add.f32.msk $0xffff, v42  }
0x88: {  	v43 =	vld [tilespmem:$0x5060];
	_ =	sdelay $0x7  }
0x89: {  	[tilespmem:v43+s23+$0x0] =	vst.idx.add.f32.msk $0xffff, v42  }
0x8a: {  	v43 =	vld [tilespmem:$0x5070];
	_ =	sdelay $0x7  }
0x8b: {  	[tilespmem:v43+s23+$0x0] =	vst.idx.add.f32.msk $0xffff, v42  }
0x8c: {  	_ =	swait.ge [sflag:s26], $0x1000  }
0x8d: {  	[sflag:s26] =	ssyncset.done $0x0  }
0x8e: {  	[sflag:s26] =	ssyncadd.s32 $0xFFFFF000  }
0x8f: {  	[spmem:s1] =	stream.indirect.scatter.add.bf16 [tilespmem:s22], [sflag:$0x4], $0x20, s19, s24, $0xb8;
	[tilespmem:$0x19960] =	vst v63  }
0x90: {  	s9 =	simm.s32 $0x100  }
0x91: {  	[tilespmem:s29], [sflag:$0x3] =	stream.indirect.gather [spmem:s0], $0x20, s9, s24, $0xb8;
	[tilespmem:$0x19960] =	vst v63  }
.LBB2_6:
0x92: {  	s7 =	sshra.s32 s6, $0x2  }
0x93: {  	v43 =	vld [tilespmem:s7+$0x5080];
	_ =	sdelay $0x7  }
0x94: {  	[tilespmem:v43+s23+$0x0] =	vst.idx.add.f32.msk $0xffff, v42  }
0x95: {  	v43 =	vld [tilespmem:s7+$0x5090];
	_ =	sdelay $0x7  }
0x96: {  	[tilespmem:v43+s23+$0x0] =	vst.idx.add.f32.msk $0xffff, v42  }
0x97: {  	v43 =	vld [tilespmem:s7+$0x50A0];
	_ =	sdelay $0x7  }
0x98: {  	[tilespmem:v43+s23+$0x0] =	vst.idx.add.f32.msk $0xffff, v42  }
0x99: {  	v43 =	vld [tilespmem:s7+$0x50B0];
	_ =	sdelay $0x7  }
0x9a: {  	[tilespmem:v43+s23+$0x0] =	vst.idx.add.f32.msk $0xffff, v42  }
0x9b: {  	v43 =	vld [tilespmem:s7+$0x50C0];
	_ =	sdelay $0x7  }
0x9c: {  	[tilespmem:v43+s23+$0x0] =	vst.idx.add.f32.msk $0xffff, v42  }
0x9d: {  	v43 =	vld [tilespmem:s7+$0x50D0];
	_ =	sdelay $0x7  }
0x9e: {  	[tilespmem:v43+s23+$0x0] =	vst.idx.add.f32.msk $0xffff, v42  }
0x9f: {  	v43 =	vld [tilespmem:s7+$0x50E0];
	_ =	sdelay $0x7  }
0xa0: {  	[tilespmem:v43+s23+$0x0] =	vst.idx.add.f32.msk $0xffff, v42  }
0xa1: {  	v43 =	vld [tilespmem:s7+$0x50F0];
	_ =	sdelay $0x7  }
0xa2: {  	[tilespmem:v43+s23+$0x0] =	vst.idx.add.f32.msk $0xffff, v42  }
0xa3: {  	_ =	swait.ge [sflag:s30], $0x1000  }
0xa4: {  	[sflag:s30] =	ssyncset.done $0x0  }
0xa5: {  	[sflag:s30] =	ssyncadd.s32 $0xFFFFF000  }
0xa6: {  	_ =	swait.ge [sflag:s31], $0x1000  }
0xa7: {  	[sflag:s31] =	ssyncset.done $0x0  }
0xa8: {  	s9 =	sadd.s32 $0x5080, s7;
	[sflag:s31] =	ssyncadd.s32 $0xFFFFF000  }
0xa9: {  	[spmem:s1] =	stream.indirect.scatter.add.bf16 [tilespmem:s25], [sflag:$0x5], $0x20, s9, s24, $0xb8;
	[tilespmem:$0x19960] =	vst v63  }
0xaa: {  	s9 =	sadd.s32 $0x180, s7  }
0xab: {  	[tilespmem:s22], [sflag:$0x1] =	stream.indirect.gather [spmem:s0], $0x20, s9, s24, $0xb8;
	[tilespmem:$0x19960] =	vst v63  }
0xac: {  	v62 =	vld [tilespmem:s7+$0x5100];
	_ =	sdelay $0x7  }
0xad: {  	[tilespmem:v62+s23+$0x0] =	vst.idx.add.f32.msk $0xffff, v42  }
0xae: {  	v43 =	vld [tilespmem:s7+$0x5110];
	_ =	sdelay $0x7  }
0xaf: {  	[tilespmem:v43+s23+$0x0] =	vst.idx.add.f32.msk $0xffff, v42  }
0xb0: {  	v43 =	vld [tilespmem:s7+$0x5120];
	_ =	sdelay $0x7  }
0xb1: {  	[tilespmem:v43+s23+$0x0] =	vst.idx.add.f32.msk $0xffff, v42  }
0xb2: {  	v43 =	vld [tilespmem:s7+$0x5130];
	_ =	sdelay $0x7  }
0xb3: {  	[tilespmem:v43+s23+$0x0] =	vst.idx.add.f32.msk $0xffff, v42  }
0xb4: {  	v43 =	vld [tilespmem:s7+$0x5140];
	_ =	sdelay $0x7  }
0xb5: {  	[tilespmem:v43+s23+$0x0] =	vst.idx.add.f32.msk $0xffff, v42  }
0xb6: {  	v43 =	vld [tilespmem:s7+$0x5150];
	_ =	sdelay $0x7  }
0xb7: {  	[tilespmem:v43+s23+$0x0] =	vst.idx.add.f32.msk $0xffff, v42  }
0xb8: {  	v43 =	vld [tilespmem:s7+$0x5160];
	_ =	sdelay $0x7  }
0xb9: {  	[tilespmem:v43+s23+$0x0] =	vst.idx.add.f32.msk $0xffff, v42  }
0xba: {  	v43 =	vld [tilespmem:s7+$0x5170];
	_ =	sdelay $0x7  }
0xbb: {  	[tilespmem:v43+s23+$0x0] =	vst.idx.add.f32.msk $0xffff, v42  }
0xbc: {  	_ =	swait.ge [sflag:s2], $0x1000  }
0xbd: {  	[sflag:s2] =	ssyncset.done $0x0  }
0xbe: {  	[sflag:s2] =	ssyncadd.s32 $0xFFFFF000  }
0xbf: {  	_ =	swait.ge [sflag:s28], $0x1000  }
0xc0: {  	[sflag:s28] =	ssyncset.done $0x0  }
0xc1: {  	s9 =	sadd.s32 $0x5100, s7;
	[sflag:s28] =	ssyncadd.s32 $0xFFFFF000  }
0xc2: {  	[spmem:s1] =	stream.indirect.scatter.add.bf16 [tilespmem:s29], [sflag:$0x6], $0x20, s9, s24, $0xb8;
	[tilespmem:$0x19960] =	vst v63  }
0xc3: {  	s9 =	sadd.s32 $0x200, s7  }
0xc4: {  	[tilespmem:s25], [sflag:$0x2] =	stream.indirect.gather [spmem:s0], $0x20, s9, s24, $0xb8;
	[tilespmem:$0x19960] =	vst v63  }
0xc5: {  	v63 =	vld [tilespmem:s7+$0x5180];
	_ =	sdelay $0x7  }
0xc6: {  	[tilespmem:v63+s23+$0x0] =	vst.idx.add.f32.msk $0xffff, v42  }
0xc7: {  	v43 =	vld [tilespmem:s7+$0x5190];
	_ =	sdelay $0x7  }
0xc8: {  	[tilespmem:v43+s23+$0x0] =	vst.idx.add.f32.msk $0xffff, v42  }
0xc9: {  	v43 =	vld [tilespmem:s7+$0x51A0];
	_ =	sdelay $0x7  }
0xca: {  	[tilespmem:v43+s23+$0x0] =	vst.idx.add.f32.msk $0xffff, v42  }
0xcb: {  	v43 =	vld [tilespmem:s7+$0x51B0];
	_ =	sdelay $0x7  }
0xcc: {  	[tilespmem:v43+s23+$0x0] =	vst.idx.add.f32.msk $0xffff, v42  }
0xcd: {  	v43 =	vld [tilespmem:s7+$0x51C0];
	_ =	sdelay $0x7  }
0xce: {  	[tilespmem:v43+s23+$0x0] =	vst.idx.add.f32.msk $0xffff, v42  }
0xcf: {  	v43 =	vld [tilespmem:s7+$0x51D0];
	_ =	sdelay $0x7  }
0xd0: {  	[tilespmem:v43+s23+$0x0] =	vst.idx.add.f32.msk $0xffff, v42  }
0xd1: {  	v43 =	vld [tilespmem:s7+$0x51E0];
	_ =	sdelay $0x7  }
0xd2: {  	[tilespmem:v43+s23+$0x0] =	vst.idx.add.f32.msk $0xffff, v42  }
0xd3: {  	v43 =	vld [tilespmem:s7+$0x51F0];
	_ =	sdelay $0x7  }
0xd4: {  	[tilespmem:v43+s23+$0x0] =	vst.idx.add.f32.msk $0xffff, v42  }
0xd5: {  	_ =	swait.ge [sflag:s4], $0x1000  }
0xd6: {  	[sflag:s4] =	ssyncset.done $0x0  }
0xd7: {  	[sflag:s4] =	ssyncadd.s32 $0xFFFFF000  }
0xd8: {  	p2 =	sne.s32 s6, $0x13200;
	_ =	swait.ge [sflag:s26], $0x1000  }
.Ltmp2:
0xd9: {  	[sflag:s26] =	ssyncset.done $0x0;
	(pc) =	sbr.rel @p2 .LBB2_6-.Ltmp2, $4  }
0xda: {  	s9 =	sadd.s32 $0x5180, s7;
	[sflag:s26] =	ssyncadd.s32 $0xFFFFF000  }
0xdb: {  	[spmem:s1] =	stream.indirect.scatter.add.bf16 [tilespmem:s22], [sflag:$0x4], $0x20, s9, s24, $0xb8;
	[tilespmem:$0x19960] =	vst v63  }
0xdc: {  	s6 =	sadd.s32 $0x600, s6;
	s7 =	sadd.s32 $0x280, s7  }
0xdd: {  	[tilespmem:s29], [sflag:$0x3] =	stream.indirect.gather [spmem:s0], $0x20, s7, s24, $0xb8;
	[tilespmem:$0x19960] =	vst v63  }
0xde: {  	v43 =	vld [tilespmem:$0x9E80];
	_ =	sdelay $0x7  }
0xdf: {  	[tilespmem:v43+s23+$0x0] =	vst.idx.add.f32.msk $0xffff, v42  }
0xe0: {  	v43 =	vld [tilespmem:$0x9E90];
	_ =	sdelay $0x7  }
0xe1: {  	[tilespmem:v43+s23+$0x0] =	vst.idx.add.f32.msk $0xffff, v42  }
0xe2: {  	v43 =	vld [tilespmem:$0x9EA0];
	_ =	sdelay $0x7  }
0xe3: {  	[tilespmem:v43+s23+$0x0] =	vst.idx.add.f32.msk $0xffff, v42  }
0xe4: {  	v43 =	vld [tilespmem:$0x9EB0];
	_ =	sdelay $0x7  }
0xe5: {  	[tilespmem:v43+s23+$0x0] =	vst.idx.add.f32.msk $0xffff, v42  }
0xe6: {  	v43 =	vld [tilespmem:$0x9EC0];
	_ =	sdelay $0x7  }
0xe7: {  	[tilespmem:v43+s23+$0x0] =	vst.idx.add.f32.msk $0xffff, v42  }
0xe8: {  	v43 =	vld [tilespmem:$0x9ED0];
	_ =	sdelay $0x7  }
0xe9: {  	[tilespmem:v43+s23+$0x0] =	vst.idx.add.f32.msk $0xffff, v42  }
0xea: {  	v43 =	vld [tilespmem:$0x9EE0];
	_ =	sdelay $0x7  }
0xeb: {  	[tilespmem:v43+s23+$0x0] =	vst.idx.add.f32.msk $0xffff, v42  }
0xec: {  	v43 =	vld [tilespmem:$0x9EF0];
	_ =	sdelay $0x7  }
0xed: {  	[tilespmem:v43+s23+$0x0] =	vst.idx.add.f32.msk $0xffff, v42  }
0xee: {  	_ =	swait.ge [sflag:s30], $0x1000  }
0xef: {  	[sflag:s30] =	ssyncset.done $0x0  }
0xf0: {  	[sflag:s30] =	ssyncadd.s32 $0xFFFFF000  }
0xf1: {  	_ =	swait.ge [sflag:s31], $0x1000  }
0xf2: {  	[sflag:s31] =	ssyncset.done $0x0  }
0xf3: {  	s6 =	simm.s32 $0x9E80;
	[sflag:s31] =	ssyncadd.s32 $0xFFFFF000  }
0xf4: {  	[spmem:s1] =	stream.indirect.scatter.add.bf16 [tilespmem:s25], [sflag:$0x5], $0x20, s6, s24, $0xb8;
	[tilespmem:$0x19960] =	vst v63  }
0xf5: {  	s9 =	simm.s32 $0x4F80  }
0xf6: {  	[tilespmem:s22], [sflag:$0x1] =	stream.indirect.gather [spmem:s0], $0x20, s9, s24, $0xb8;
	[tilespmem:$0x19960] =	vst v63  }
0xf7: {  	v62 =	vld [tilespmem:$0x9F00];
	_ =	sdelay $0x7  }
0xf8: {  	[tilespmem:v62+s23+$0x0] =	vst.idx.add.f32.msk $0xffff, v42  }
0xf9: {  	v43 =	vld [tilespmem:$0x9F10];
	_ =	sdelay $0x7  }
0xfa: {  	[tilespmem:v43+s23+$0x0] =	vst.idx.add.f32.msk $0xffff, v42  }
0xfb: {  	v43 =	vld [tilespmem:$0x9F20];
	_ =	sdelay $0x7  }
0xfc: {  	[tilespmem:v43+s23+$0x0] =	vst.idx.add.f32.msk $0xffff, v42  }
0xfd: {  	v43 =	vld [tilespmem:$0x9F30];
	_ =	sdelay $0x7  }
0xfe: {  	[tilespmem:v43+s23+$0x0] =	vst.idx.add.f32.msk $0xffff, v42  }
0xff: {  	v43 =	vld [tilespmem:$0x9F40];
	_ =	sdelay $0x7  }
0x100: {  	[tilespmem:v43+s23+$0x0] =	vst.idx.add.f32.msk $0xffff, v42  }
0x101: {  	v43 =	vld [tilespmem:$0x9F50];
	_ =	sdelay $0x7  }
0x102: {  	[tilespmem:v43+s23+$0x0] =	vst.idx.add.f32.msk $0xffff, v42  }
0x103: {  	v43 =	vld [tilespmem:$0x9F60];
	_ =	sdelay $0x7  }
0x104: {  	[tilespmem:v43+s23+$0x0] =	vst.idx.add.f32.msk $0xffff, v42  }
0x105: {  	v43 =	vld [tilespmem:$0x9F70];
	_ =	sdelay $0x7  }
0x106: {  	[tilespmem:v43+s23+$0x0] =	vst.idx.add.f32.msk $0xffff, v42  }
0x107: {  	_ =	swait.ge [sflag:s2], $0x1000  }
0x108: {  	[sflag:s2] =	ssyncset.done $0x0  }
0x109: {  	[sflag:s2] =	ssyncadd.s32 $0xFFFFF000  }
0x10a: {  	_ =	swait.ge [sflag:s28], $0x1000  }
0x10b: {  	[sflag:s28] =	ssyncset.done $0x0  }
0x10c: {  	s7 =	simm.s32 $0x9F00;
	[sflag:s28] =	ssyncadd.s32 $0xFFFFF000  }
0x10d: {  	[spmem:s1] =	stream.indirect.scatter.add.bf16 [tilespmem:s29], [sflag:$0x6], $0x20, s7, s24, $0xb8;
	[tilespmem:$0x19960] =	vst v63  }
0x10e: {  	v63 =	vld [tilespmem:$0x9F80];
	_ =	sdelay $0x7  }
0x10f: {  	[tilespmem:v63+s23+$0x0] =	vst.idx.add.f32.msk $0xffff, v42  }
0x110: {  	v43 =	vld [tilespmem:$0x9F90];
	_ =	sdelay $0x7  }
0x111: {  	[tilespmem:v43+s23+$0x0] =	vst.idx.add.f32.msk $0xffff, v42  }
0x112: {  	v43 =	vld [tilespmem:$0x9FA0];
	_ =	sdelay $0x7  }
0x113: {  	[tilespmem:v43+s23+$0x0] =	vst.idx.add.f32.msk $0xffff, v42  }
0x114: {  	v43 =	vld [tilespmem:$0x9FB0];
	_ =	sdelay $0x7  }
0x115: {  	[tilespmem:v43+s23+$0x0] =	vst.idx.add.f32.msk $0xffff, v42  }
0x116: {  	v43 =	vld [tilespmem:$0x9FC0];
	_ =	sdelay $0x7  }
0x117: {  	[tilespmem:v43+s23+$0x0] =	vst.idx.add.f32.msk $0xffff, v42  }
0x118: {  	v43 =	vld [tilespmem:$0x9FD0];
	_ =	sdelay $0x7  }
0x119: {  	[tilespmem:v43+s23+$0x0] =	vst.idx.add.f32.msk $0xffff, v42  }
0x11a: {  	v43 =	vld [tilespmem:$0x9FE0];
	_ =	sdelay $0x7  }
0x11b: {  	[tilespmem:v43+s23+$0x0] =	vst.idx.add.f32.msk $0xffff, v42  }
0x11c: {  	v43 =	vld [tilespmem:$0x9FF0];
	_ =	sdelay $0x7  }
0x11d: {  	[tilespmem:v43+s23+$0x0] =	vst.idx.add.f32.msk $0xffff, v42  }
0x11e: {  	_ =	swait.ge [sflag:s4], $0x1000  }
0x11f: {  	[sflag:s4] =	ssyncset.done $0x0  }
0x120: {  	[sflag:s4] =	ssyncadd.s32 $0xFFFFF000  }
0x121: {  	_ =	swait.ge [sflag:s26], $0x1000  }
0x122: {  	[sflag:s26] =	ssyncset.done $0x0  }
0x123: {  	s9 =	simm.s32 $0x9F80;
	[sflag:s26] =	ssyncadd.s32 $0xFFFFF000  }
0x124: {  	[spmem:s1] =	stream.indirect.scatter.add.bf16 [tilespmem:s22], [sflag:$0x4], $0x20, s9, s24, $0xb8;
	[tilespmem:$0x19960] =	vst v63  }
0x125: {  	_ =	swait.ge [sflag:s30], $0x1000  }
0x126: {  	[sflag:s30] =	ssyncset.done $0x0  }
0x127: {  	[sflag:s30] =	ssyncadd.s32 $0xFFFFF000  }
0x128: {  	s7 =	simm.s32 $0x19460;
	[bflag:$0x0] =	sbarrier.arrive $0xFFFF  }
0x129: {  	[spmem:s3] =	stream.indirect.scatter.add.f32 [tilespmem:s23], [sflag:$0x7], $0x10, s7, s24, $0xb8;
	[tilespmem:$0x19960] =	vst v63  }
0x12a: {  	_ =	swait.ge [sflag:s18], $0x800  }
0x12b: {  	[sflag:s18] =	ssyncset.done $0x0  }
0x12c: {  	s9 =	simm.s32 $0x194E0;
	s7 =	simm.s32 $0x17460;
	[sflag:s18] =	ssyncadd.s32 $0xFFFFF800  }
0x12d: {  	[spmem:s3] =	stream.indirect.scatter.add.f32 [tilespmem:s7], [sflag:$0x7], $0x10, s9, s24, $0xb8;
	[tilespmem:$0x19960] =	vst v63  }
0x12e: {  	_ =	swait.ge [sflag:s18], $0x800  }
0x12f: {  	[sflag:s18] =	ssyncset.done $0x0  }
0x130: {  	s7 =	simm.s32 $0x19560;
	s9 =	simm.s32 $0x17C60;
	[sflag:s18] =	ssyncadd.s32 $0xFFFFF800  }
0x131: {  	[spmem:s3] =	stream.indirect.scatter.add.f32 [tilespmem:s9], [sflag:$0x7], $0x10, s7, s24, $0xb8;
	[tilespmem:$0x19960] =	vst v63  }
0x132: {  	_ =	swait.ge [sflag:s18], $0x800  }
0x133: {  	[sflag:s18] =	ssyncset.done $0x0  }
0x134: {  	s7 =	simm.s32 $0x195E0;
	s9 =	simm.s32 $0x18460;
	[sflag:s18] =	ssyncadd.s32 $0xFFFFF800  }
0x135: {  	[spmem:s3] =	stream.indirect.scatter.add.f32 [tilespmem:s9], [sflag:$0x7], $0x10, s7, s24, $0xb8;
	[tilespmem:$0x19960] =	vst v63  }
0x136: {  	_ =	swait.ge [sflag:s18], $0x800  }
0x137: {  	[sflag:s18] =	ssyncset.done $0x0  }
0x138: {  	s7 =	simm.s32 $0x19660;
	s9 =	simm.s32 $0x18C60;
	[sflag:s18] =	ssyncadd.s32 $0xFFFFF800  }
0x139: {  	[spmem:s3] =	stream.indirect.scatter.add.f32 [tilespmem:s9], [sflag:$0x7], $0x10, s7, s24, $0xb8;
	[tilespmem:$0x19960] =	vst v63  }
0x13a: {  	_ =	swait.ge [sflag:s18], $0x800  }
0x13b: {  	[sflag:s18] =	ssyncset.done $0x0  }
0x13c: {  	[sflag:s18] =	ssyncadd.s32 $0xFFFFF800  }
0x13d: {  	s6 =	sshrl.u32 @!p1 s14, $0x3;
	[bflag:$0x0] =	sbarrier.arrive $0xFFFF  }
0x13e: {  	[hbm:s15], [sflag:s20] =	dma.local @!p1 [spmem:s6], $0x50  }
0x13f: {  	s6 =	simm.s32 @!p1 $0x7  }
0x140: {  	_ =	swait.ge @!p1 [sflag:s6], $0x50  }
0x141: {  	s5 =	sadd.s32 $0x1, s5;
	[sflag:s6] =	ssyncset.done @!p1 $0x0  }
0x142: {  	p2 =	sne.s32 s5, s17;
	[sflag:s6] =	ssyncadd.s32 @!p1 $0xFFFFFFB0  }
.Ltmp3:
0x143: {  	s9 =	sshrl.u32 s8, $0x3;
	[bflag:$0x0] =	sbarrier.arrive $0xFFFF;
	(pc) =	sbr.rel @p2 .LBB2_1-.Ltmp3, $4  }
0x144: {  	[hbm:s16], [sflag:s20] =	dma.local [spmem:s9], $0x9C4  }
0x145: {  	_ =	swait.ge [sflag:s18], $0x9C4  }
0x146: {  	[sflag:s18] =	ssyncset.done $0x0  }
0x147: {  	[sflag:s18] =	ssyncadd.s32 $0xFFFFF63C  }
0x148: {  	_ =	sfence.sel $0x180000  }
0x149: {  	[bflag:$0x0] =	sbarrier.arrive $0xFFFF  }
0x14a: {  	_ =	strace $0x90000047  }
0x14b: {  	[bflag:$0x2] =	sbarrier.arrive $0xFFFF  }
0x14c: {  	s0 =	rddreg [dreg:$0x5]  }
0x14d: {  	s0 =	sadd.s32 @!p0 $0x100000, s0  }
0x14e: {  	[sflag:s0] =	ssyncadd.tile.s32 @!p0 $0x1;
	_ =	shalt  }
.Lfunc_end2:
_tile_overlayer_lowered:
.L_overlay_start_2:
0x14f: {  	(tag) =	ssettag $0x2  }
0x150: {  	s0 =	rddreg [dreg:$0x0];
	s2 =	stileid.u32  }
0x151: {  	s1 =	rddreg [dreg:$0x1];
	p0 =	sne.s32 s2, $0x0  }
0x152: {  	s3 =	rddreg [dreg:$0x2];
	[bflag:$0x3] =	sbarrier.arrive $0xFFFF;
	s2 =	simm.s32 @!p0 $0x1C07  }
0x153: {  	[timem:s3], [sflag:s2] =	dma.local @!p0 [hbm:s0], s1  }
0x154: {  	s0 =	simm.s32 @!p0 $0x7  }
0x155: {  	_ =	swait.ge @!p0 [sflag:s0], s1  }
0x156: {  	s1 =	ssub.s32 @!p0 $0x0, s1;
	[sflag:s0] =	ssyncset.done @!p0 $0x0  }
0x157: {  	[sflag:s0] =	ssyncadd.s32 @!p0 s1  }
0x158: {  	[bflag:$0x3] =	sbarrier.arrive $0xFFFF  }
0x159: {  	_ =	shalt  }

</sc_bundles>
